<compile_context>
chip_gen: v7x
topology: tpu7x:2x2x1
jax: 0.10.2.dev20260603
libtpu: 0.0.44.dev20260713+nightly
codegen_flags: <defaults>
</compile_context>

<pallas_src>
import jax
import jax.numpy as jnp
from jax import lax
from jax.experimental import pallas as pl
from jax.experimental.pallas import tpu as pltpu
from jax.experimental.pallas import tpu_sc as plsc

_N, _J, _K = 16384, 200, 5
_BLOCK_I = 4096


def _body(t_ref, x_ref, o_ref):
    xb = x_ref[...] != 0
    for k in range(_K):
        o_ref[k * _J:(k + 1) * _J, :] = jnp.where(xb, t_ref[1, k], t_ref[0, k])


def _kernel_tc(x, table):
    xt = x.T
    o2 = pl.pallas_call(
        _body,
        grid=(_N // _BLOCK_I,),
        in_specs=[
            pl.BlockSpec(memory_space=pltpu.SMEM),
            pl.BlockSpec((_J, _BLOCK_I), lambda i: (0, i)),
        ],
        out_specs=pl.BlockSpec((_J * _K, _BLOCK_I), lambda i: (0, i)),
        out_shape=jax.ShapeDtypeStruct((_J * _K, _N), jnp.float32),
    )(table, xt)
    return o2.reshape(_K, _J, _N).transpose(2, 1, 0)


_NW = 32
_CW = 256
_GDN = lax.GatherDimensionNumbers(
    offset_dims=(), collapsed_slice_dims=(0,), start_index_map=(0,))


def _sc_body(tflat_hbm, xt_hbm, o_hbm, tabs_v, xbuf_v, obuf_v):
    wid = lax.axis_index("s") * 2 + lax.axis_index("c")
    pltpu.sync_copy(tflat_hbm, tabs_v)
    tabs = tabs_v[...]
    for p in range(2):
        base = wid * 512 + p * _CW
        pltpu.sync_copy(xt_hbm.at[:, pl.ds(base, _CW)], xbuf_v)
        for k in range(_K):

            def jbody(j, _, k=k):
                for v in range(_CW // 16):
                    xv = xbuf_v[j, pl.ds(v * 16, 16)]
                    idx = (xv * _K + k).reshape(16, 1)
                    obuf_v[j, pl.ds(v * 16, 16)] = lax.gather(
                        tabs, idx, _GDN, (1,),
                        mode=lax.GatherScatterMode.PROMISE_IN_BOUNDS)
                return 0

            lax.fori_loop(0, _J, jbody, 0)
            pltpu.sync_copy(
                obuf_v, o_hbm.at[pl.ds(k * _J, _J), pl.ds(base, _CW)])


def _kernel_sc(x, table):
    xt = x.T
    mesh = plsc.VectorSubcoreMesh(core_axis_name="c", subcore_axis_name="s")
    tflat = jnp.pad(table.reshape(2 * _K), (0, 16 - 2 * _K))
    o2 = pl.kernel(
        _sc_body,
        out_type=jax.ShapeDtypeStruct((_J * _K, _N), jnp.float32),
        mesh=mesh,
        scratch_types=[
            pltpu.VMEM((16,), jnp.float32),
            pltpu.VMEM((_J, _CW), jnp.int32),
            pltpu.VMEM((_J, _CW), jnp.float32),
        ],
    )(tflat, xt)
    return o2.reshape(_K, _J, _N).transpose(2, 1, 0)


def kernel(x, table):
    return _kernel_sc(x, table)

# --- scband reference (transcript-rebuilt; emitter-appended) ---
"""Pipeline reference for scband-decode-59030030516432 (READ-ONLY COPY).

The authoritative reference and input builder live on the scoring server;
editing this copy changes nothing except your own understanding.
"""

import jax, jax.numpy as jnp
import numpy as np


def setup_inputs(seed: int = 0) -> dict:
    key = jax.random.key(seed)
    k1, k2 = jax.random.split(key)
    x = jax.random.randint(k1, (16384, 200), 0, 2, dtype=jnp.int64 if jax.config.read('jax_enable_x64') else jnp.int32)
    table = jax.random.normal(k2, (2, 5), dtype=jnp.float32)
    return {"x": x, "table": table}


def reference(x, table):
    # nn.Embedding lookup: gather rows of the table by index
    return jnp.take(table, x, axis=0)

if __name__ == "__main__":
    import jax
    _d = setup_inputs()
    print(jax.jit(kernel)(*tuple(_d.values())))

</pallas_src>

<mosaic_0001>
#map = affine_map<(d0, d1) -> (0)>
#map1 = affine_map<(d0, d1) -> (0, 0)>
module attributes {stable_mosaic.version = 14 : i64} {
  func.func @_sc_body(%arg0: i32, %arg1: i32, %arg2: memref<16xf32, #tpu.memory_space<hbm>>, %arg3: memref<200x16384xi32, #tpu.memory_space<hbm>>, %arg4: memref<1000x16384xf32, #tpu.memory_space<hbm>>, %arg5: memref<16xf32, #tpu.memory_space<vmem>>, %arg6: memref<200x256xi32, #tpu.memory_space<vmem>>, %arg7: memref<200x256xf32, #tpu.memory_space<vmem>>) attributes {dimension_semantics = [#tpu.dimension_semantics<core_parallel>, #tpu.dimension_semantics<subcore_parallel>], iteration_bounds = array<i64: 2, 16>, scalar_prefetch = 0 : i64, scratch_operands = 3 : i64, tpu.core_type = #tpu.core_type<sc_vector_subcore>, window_params = [{transform_indices = #map}, {transform_indices = #map1}, {transform_indices = #map1}]} {
    %mul3A = arith.constant 2 : i32
    %mul3A_0 = arith.muli %arg1, %mul3A : i32
    %add3A = arith.addi %mul3A_0, %arg0 : i32
    "tpu.region"() ({
      %run_scoped3A = tpu.sem_alloc : memref<!tpu.dma_semaphore, #tpu.memory_space<semaphore_mem>>
      tpu.enqueue_dma source(%arg2 : memref<16xf32, #tpu.memory_space<hbm>>) target(%arg5 : memref<16xf32, #tpu.memory_space<vmem>>) target_semaphore(%run_scoped3A : memref<!tpu.dma_semaphore, #tpu.memory_space<semaphore_mem>>)
      tpu.wait_dma2 semaphore(%run_scoped3A : memref<!tpu.dma_semaphore, #tpu.memory_space<semaphore_mem>>) src(%arg2 : memref<16xf32, #tpu.memory_space<hbm>>) dst(%arg5 : memref<16xf32, #tpu.memory_space<vmem>>)
      tpu.yield
    }) : () -> ()
    %get3A = arith.constant 0 : index
    %get3A_1 = tpu.vector_load %arg5[%get3A] {strides = array<i32>} : memref<16xf32, #tpu.memory_space<vmem>>, vector<16xf32>,
    %get3A_2 = vector.shape_cast %get3A_1 : vector<16xf32> to vector<16xf32>
    %mul3A_3 = arith.constant 512 : i32
    %mul3A_4 = arith.muli %add3A, %mul3A_3 : i32
    %add3A_5 = arith.constant 0 : i32
    %add3A_6 = arith.addi %mul3A_4, %add3A_5 : i32
    "tpu.region"() ({
      %run_scoped3A = tpu.sem_alloc : memref<!tpu.dma_semaphore, #tpu.memory_space<semaphore_mem>>
      %dma_start3A = arith.constant 0 : i32
      %dma_start3A_80 = tpu.memref_slice %arg3[%dma_start3A, %add3A_6] : memref<200x16384xi32, #tpu.memory_space<hbm>> -> memref<200x256xi32, #tpu.memory_space<hbm>>
      %dma_start3A_81 = arith.constant 0 : i32
      %dma_start3A_82 = tpu.memref_slice %arg3[%dma_start3A_81, %add3A_6] : memref<200x16384xi32, #tpu.memory_space<hbm>> -> memref<200x256xi32, #tpu.memory_space<hbm>>
      tpu.enqueue_dma source(%dma_start3A_82 : memref<200x256xi32, #tpu.memory_space<hbm>>) target(%arg6 : memref<200x256xi32, #tpu.memory_space<vmem>>) target_semaphore(%run_scoped3A : memref<!tpu.dma_semaphore, #tpu.memory_space<semaphore_mem>>)
      %dma_wait3A = arith.constant 0 : i32
      %dma_wait3A_83 = tpu.memref_slice %arg3[%dma_wait3A, %add3A_6] : memref<200x16384xi32, #tpu.memory_space<hbm>> -> memref<200x256xi32, #tpu.memory_space<hbm>>
      %dma_wait3A_84 = arith.constant 0 : i32
      %dma_wait3A_85 = tpu.memref_slice %arg3[%dma_wait3A_84, %add3A_6] : memref<200x16384xi32, #tpu.memory_space<hbm>> -> memref<200x256xi32, #tpu.memory_space<hbm>>
      tpu.wait_dma2 semaphore(%run_scoped3A : memref<!tpu.dma_semaphore, #tpu.memory_space<semaphore_mem>>) src(%dma_wait3A_85 : memref<200x256xi32, #tpu.memory_space<hbm>>) dst(%arg6 : memref<200x256xi32, #tpu.memory_space<vmem>>)
      tpu.yield
    }) : () -> ()
    %scan3A = arith.constant 0 : i32
    %scan3A_7 = arith.constant 0 : i32
    %scan3A_8 = arith.constant 200 : i32
    %scan3A_9 = arith.addi %scan3A_7, %scan3A_8 : i32
    %scan3A_10 = arith.constant 1 : i32
    %scan3A_11 = scf.for %scan3A_80 = %scan3A_7 to %scan3A_9 step %scan3A_10 iter_args(%scan3A_81 = %scan3A) -> (i32)  : i32 {
      %get3A_82 = arith.index_cast %scan3A_80 : i32 to index
      %get3A_83 = arith.constant 0 : index
      %get3A_84 = tpu.vector_load %arg6[%get3A_82, %get3A_83] {strides = array<i32>} : memref<200x256xi32, #tpu.memory_space<vmem>>, vector<1x16xi32>,
      %get3A_85 = vector.shape_cast %get3A_84 : vector<1x16xi32> to vector<16xi32>
      %mul3A_86 = arith.constant 5 : i32
      %mul3A_87 = vector.broadcast %mul3A_86 : i32 to vector<16xi32>
      %mul3A_88 = arith.muli %get3A_85, %mul3A_87 : vector<16xi32>
      %add3A_89 = arith.constant 0 : i32
      %add3A_90 = vector.broadcast %add3A_89 : i32 to vector<16xi32>
      %add3A_91 = arith.addi %mul3A_88, %add3A_90 : vector<16xi32>
      %reshape3A = vector.shape_cast %add3A_91 : vector<16xi32> to vector<16x1xi32>
      %gather3A = vector.shape_cast %reshape3A : vector<16x1xi32> to vector<16xi32>
      %gather3A_92 = tpu.dynamic_gather %get3A_2[%gather3A] in [0] : vector<16xf32>, vector<16xi32> -> vector<16xf32>
      %swap3A = arith.index_cast %scan3A_80 : i32 to index
      %swap3A_93 = arith.constant 0 : index
      %swap3A_94 = tpu.vector_load %arg7[%swap3A, %swap3A_93] {strides = array<i32>} : memref<200x256xf32, #tpu.memory_space<vmem>>, vector<1x16xf32>,
      %swap3A_95 = vector.shape_cast %swap3A_94 : vector<1x16xf32> to vector<16xf32>
      %swap3A_96 = vector.shape_cast %gather3A_92 : vector<16xf32> to vector<1x16xf32>
      tpu.vector_store %arg7[%swap3A, %swap3A_93], %swap3A_96 {strides = array<i32>} : memref<200x256xf32, #tpu.memory_space<vmem>>, vector<1x16xf32>,
      %get3A_97 = arith.index_cast %scan3A_80 : i32 to index
      %get3A_98 = arith.constant 16 : index
      %get3A_99 = tpu.vector_load %arg6[%get3A_97, %get3A_98] {strides = array<i32>} : memref<200x256xi32, #tpu.memory_space<vmem>>, vector<1x16xi32>,
      %get3A_100 = vector.shape_cast %get3A_99 : vector<1x16xi32> to vector<16xi32>
      %mul3A_101 = arith.constant 5 : i32
      %mul3A_102 = vector.broadcast %mul3A_101 : i32 to vector<16xi32>
      %mul3A_103 = arith.muli %get3A_100, %mul3A_102 : vector<16xi32>
      %add3A_104 = arith.constant 0 : i32
      %add3A_105 = vector.broadcast %add3A_104 : i32 to vector<16xi32>
      %add3A_106 = arith.addi %mul3A_103, %add3A_105 : vector<16xi32>
      %reshape3A_107 = vector.shape_cast %add3A_106 : vector<16xi32> to vector<16x1xi32>
      %gather3A_108 = vector.shape_cast %reshape3A_107 : vector<16x1xi32> to vector<16xi32>
      %gather3A_109 = tpu.dynamic_gather %get3A_2[%gather3A_108] in [0] : vector<16xf32>, vector<16xi32> -> vector<16xf32>
      %swap3A_110 = arith.index_cast %scan3A_80 : i32 to index
      %swap3A_111 = arith.constant 16 : index
      %swap3A_112 = tpu.vector_load %arg7[%swap3A_110, %swap3A_111] {strides = array<i32>} : memref<200x256xf32, #tpu.memory_space<vmem>>, vector<1x16xf32>,
      %swap3A_113 = vector.shape_cast %swap3A_112 : vector<1x16xf32> to vector<16xf32>
      %swap3A_114 = vector.shape_cast %gather3A_109 : vector<16xf32> to vector<1x16xf32>
      tpu.vector_store %arg7[%swap3A_110, %swap3A_111], %swap3A_114 {strides = array<i32>} : memref<200x256xf32, #tpu.memory_space<vmem>>, vector<1x16xf32>,
      %get3A_115 = arith.index_cast %scan3A_80 : i32 to index
      %get3A_116 = arith.constant 32 : index
      %get3A_117 = tpu.vector_load %arg6[%get3A_115, %get3A_116] {strides = array<i32>} : memref<200x256xi32, #tpu.memory_space<vmem>>, vector<1x16xi32>,
      %get3A_118 = vector.shape_cast %get3A_117 : vector<1x16xi32> to vector<16xi32>
      %mul3A_119 = arith.constant 5 : i32
      %mul3A_120 = vector.broadcast %mul3A_119 : i32 to vector<16xi32>
      %mul3A_121 = arith.muli %get3A_118, %mul3A_120 : vector<16xi32>
      %add3A_122 = arith.constant 0 : i32
      %add3A_123 = vector.broadcast %add3A_122 : i32 to vector<16xi32>
      %add3A_124 = arith.addi %mul3A_121, %add3A_123 : vector<16xi32>
      %reshape3A_125 = vector.shape_cast %add3A_124 : vector<16xi32> to vector<16x1xi32>
      %gather3A_126 = vector.shape_cast %reshape3A_125 : vector<16x1xi32> to vector<16xi32>
      %gather3A_127 = tpu.dynamic_gather %get3A_2[%gather3A_126] in [0] : vector<16xf32>, vector<16xi32> -> vector<16xf32>
      %swap3A_128 = arith.index_cast %scan3A_80 : i32 to index
      %swap3A_129 = arith.constant 32 : index
      %swap3A_130 = tpu.vector_load %arg7[%swap3A_128, %swap3A_129] {strides = array<i32>} : memref<200x256xf32, #tpu.memory_space<vmem>>, vector<1x16xf32>,
      %swap3A_131 = vector.shape_cast %swap3A_130 : vector<1x16xf32> to vector<16xf32>
      %swap3A_132 = vector.shape_cast %gather3A_127 : vector<16xf32> to vector<1x16xf32>
      tpu.vector_store %arg7[%swap3A_128, %swap3A_129], %swap3A_132 {strides = array<i32>} : memref<200x256xf32, #tpu.memory_space<vmem>>, vector<1x16xf32>,
      %get3A_133 = arith.index_cast %scan3A_80 : i32 to index
      %get3A_134 = arith.constant 48 : index
      %get3A_135 = tpu.vector_load %arg6[%get3A_133, %get3A_134] {strides = array<i32>} : memref<200x256xi32, #tpu.memory_space<vmem>>, vector<1x16xi32>,
      %get3A_136 = vector.shape_cast %get3A_135 : vector<1x16xi32> to vector<16xi32>
      %mul3A_137 = arith.constant 5 : i32
      %mul3A_138 = vector.broadcast %mul3A_137 : i32 to vector<16xi32>
      %mul3A_139 = arith.muli %get3A_136, %mul3A_138 : vector<16xi32>
      %add3A_140 = arith.constant 0 : i32
      %add3A_141 = vector.broadcast %add3A_140 : i32 to vector<16xi32>
      %add3A_142 = arith.addi %mul3A_139, %add3A_141 : vector<16xi32>
      %reshape3A_143 = vector.shape_cast %add3A_142 : vector<16xi32> to vector<16x1xi32>
      %gather3A_144 = vector.shape_cast %reshape3A_143 : vector<16x1xi32> to vector<16xi32>
      %gather3A_145 = tpu.dynamic_gather %get3A_2[%gather3A_144] in [0] : vector<16xf32>, vector<16xi32> -> vector<16xf32>
      %swap3A_146 = arith.index_cast %scan3A_80 : i32 to index
      %swap3A_147 = arith.constant 48 : index
      %swap3A_148 = tpu.vector_load %arg7[%swap3A_146, %swap3A_147] {strides = array<i32>} : memref<200x256xf32, #tpu.memory_space<vmem>>, vector<1x16xf32>,
      %swap3A_149 = vector.shape_cast %swap3A_148 : vector<1x16xf32> to vector<16xf32>
      %swap3A_150 = vector.shape_cast %gather3A_145 : vector<16xf32> to vector<1x16xf32>
      tpu.vector_store %arg7[%swap3A_146, %swap3A_147], %swap3A_150 {strides = array<i32>} : memref<200x256xf32, #tpu.memory_space<vmem>>, vector<1x16xf32>,
      %get3A_151 = arith.index_cast %scan3A_80 : i32 to index
      %get3A_152 = arith.constant 64 : index
      %get3A_153 = tpu.vector_load %arg6[%get3A_151, %get3A_152] {strides = array<i32>} : memref<200x256xi32, #tpu.memory_space<vmem>>, vector<1x16xi32>,
      %get3A_154 = vector.shape_cast %get3A_153 : vector<1x16xi32> to vector<16xi32>
      %mul3A_155 = arith.constant 5 : i32
      %mul3A_156 = vector.broadcast %mul3A_155 : i32 to vector<16xi32>
      %mul3A_157 = arith.muli %get3A_154, %mul3A_156 : vector<16xi32>
      %add3A_158 = arith.constant 0 : i32
      %add3A_159 = vector.broadcast %add3A_158 : i32 to vector<16xi32>
      %add3A_160 = arith.addi %mul3A_157, %add3A_159 : vector<16xi32>
      %reshape3A_161 = vector.shape_cast %add3A_160 : vector<16xi32> to vector<16x1xi32>
      %gather3A_162 = vector.shape_cast %reshape3A_161 : vector<16x1xi32> to vector<16xi32>
      %gather3A_163 = tpu.dynamic_gather %get3A_2[%gather3A_162] in [0] : vector<16xf32>, vector<16xi32> -> vector<16xf32>
      %swap3A_164 = arith.index_cast %scan3A_80 : i32 to index
      %swap3A_165 = arith.constant 64 : index
      %swap3A_166 = tpu.vector_load %arg7[%swap3A_164, %swap3A_165] {strides = array<i32>} : memref<200x256xf32, #tpu.memory_space<vmem>>, vector<1x16xf32>,
      %swap3A_167 = vector.shape_cast %swap3A_166 : vector<1x16xf32> to vector<16xf32>
      %swap3A_168 = vector.shape_cast %gather3A_163 : vector<16xf32> to vector<1x16xf32>
      tpu.vector_store %arg7[%swap3A_164, %swap3A_165], %swap3A_168 {strides = array<i32>} : memref<200x256xf32, #tpu.memory_space<vmem>>, vector<1x16xf32>,
      %get3A_169 = arith.index_cast %scan3A_80 : i32 to index
      %get3A_170 = arith.constant 80 : index
      %get3A_171 = tpu.vector_load %arg6[%get3A_169, %get3A_170] {strides = array<i32>} : memref<200x256xi32, #tpu.memory_space<vmem>>, vector<1x16xi32>,
      %get3A_172 = vector.shape_cast %get3A_171 : vector<1x16xi32> to vector<16xi32>
      %mul3A_173 = arith.constant 5 : i32
      %mul3A_174 = vector.broadcast %mul3A_173 : i32 to vector<16xi32>
      %mul3A_175 = arith.muli %get3A_172, %mul3A_174 : vector<16xi32>
      %add3A_176 = arith.constant 0 : i32
      %add3A_177 = vector.broadcast %add3A_176 : i32 to vector<16xi32>
      %add3A_178 = arith.addi %mul3A_175, %add3A_177 : vector<16xi32>
      %reshape3A_179 = vector.shape_cast %add3A_178 : vector<16xi32> to vector<16x1xi32>
      %gather3A_180 = vector.shape_cast %reshape3A_179 : vector<16x1xi32> to vector<16xi32>
      %gather3A_181 = tpu.dynamic_gather %get3A_2[%gather3A_180] in [0] : vector<16xf32>, vector<16xi32> -> vector<16xf32>
      %swap3A_182 = arith.index_cast %scan3A_80 : i32 to index
      %swap3A_183 = arith.constant 80 : index
      %swap3A_184 = tpu.vector_load %arg7[%swap3A_182, %swap3A_183] {strides = array<i32>} : memref<200x256xf32, #tpu.memory_space<vmem>>, vector<1x16xf32>,
      %swap3A_185 = vector.shape_cast %swap3A_184 : vector<1x16xf32> to vector<16xf32>
      %swap3A_186 = vector.shape_cast %gather3A_181 : vector<16xf32> to vector<1x16xf32>
      tpu.vector_store %arg7[%swap3A_182, %swap3A_183], %swap3A_186 {strides = array<i32>} : memref<200x256xf32, #tpu.memory_space<vmem>>, vector<1x16xf32>,
      %get3A_187 = arith.index_cast %scan3A_80 : i32 to index
      %get3A_188 = arith.constant 96 : index
      %get3A_189 = tpu.vector_load %arg6[%get3A_187, %get3A_188] {strides = array<i32>} : memref<200x256xi32, #tpu.memory_space<vmem>>, vector<1x16xi32>,
      %get3A_190 = vector.shape_cast %get3A_189 : vector<1x16xi32> to vector<16xi32>
      %mul3A_191 = arith.constant 5 : i32
      %mul3A_192 = vector.broadcast %mul3A_191 : i32 to vector<16xi32>
      %mul3A_193 = arith.muli %get3A_190, %mul3A_192 : vector<16xi32>
      %add3A_194 = arith.constant 0 : i32
      %add3A_195 = vector.broadcast %add3A_194 : i32 to vector<16xi32>
      %add3A_196 = arith.addi %mul3A_193, %add3A_195 : vector<16xi32>
      %reshape3A_197 = vector.shape_cast %add3A_196 : vector<16xi32> to vector<16x1xi32>
      %gather3A_198 = vector.shape_cast %reshape3A_197 : vector<16x1xi32> to vector<16xi32>
      %gather3A_199 = tpu.dynamic_gather %get3A_2[%gather3A_198] in [0] : vector<16xf32>, vector<16xi32> -> vector<16xf32>
      %swap3A_200 = arith.index_cast %scan3A_80 : i32 to index
      %swap3A_201 = arith.constant 96 : index
      %swap3A_202 = tpu.vector_load %arg7[%swap3A_200, %swap3A_201] {strides = array<i32>} : memref<200x256xf32, #tpu.memory_space<vmem>>, vector<1x16xf32>,
      %swap3A_203 = vector.shape_cast %swap3A_202 : vector<1x16xf32> to vector<16xf32>
      %swap3A_204 = vector.shape_cast %gather3A_199 : vector<16xf32> to vector<1x16xf32>
      tpu.vector_store %arg7[%swap3A_200, %swap3A_201], %swap3A_204 {strides = array<i32>} : memref<200x256xf32, #tpu.memory_space<vmem>>, vector<1x16xf32>,
      %get3A_205 = arith.index_cast %scan3A_80 : i32 to index
      %get3A_206 = arith.constant 112 : index
      %get3A_207 = tpu.vector_load %arg6[%get3A_205, %get3A_206] {strides = array<i32>} : memref<200x256xi32, #tpu.memory_space<vmem>>, vector<1x16xi32>,
      %get3A_208 = vector.shape_cast %get3A_207 : vector<1x16xi32> to vector<16xi32>
      %mul3A_209 = arith.constant 5 : i32
      %mul3A_210 = vector.broadcast %mul3A_209 : i32 to vector<16xi32>
      %mul3A_211 = arith.muli %get3A_208, %mul3A_210 : vector<16xi32>
      %add3A_212 = arith.constant 0 : i32
      %add3A_213 = vector.broadcast %add3A_212 : i32 to vector<16xi32>
      %add3A_214 = arith.addi %mul3A_211, %add3A_213 : vector<16xi32>
      %reshape3A_215 = vector.shape_cast %add3A_214 : vector<16xi32> to vector<16x1xi32>
      %gather3A_216 = vector.shape_cast %reshape3A_215 : vector<16x1xi32> to vector<16xi32>
      %gather3A_217 = tpu.dynamic_gather %get3A_2[%gather3A_216] in [0] : vector<16xf32>, vector<16xi32> -> vector<16xf32>
      %swap3A_218 = arith.index_cast %scan3A_80 : i32 to index
      %swap3A_219 = arith.constant 112 : index
      %swap3A_220 = tpu.vector_load %arg7[%swap3A_218, %swap3A_219] {strides = array<i32>} : memref<200x256xf32, #tpu.memory_space<vmem>>, vector<1x16xf32>,
      %swap3A_221 = vector.shape_cast %swap3A_220 : vector<1x16xf32> to vector<16xf32>
      %swap3A_222 = vector.shape_cast %gather3A_217 : vector<16xf32> to vector<1x16xf32>
      tpu.vector_store %arg7[%swap3A_218, %swap3A_219], %swap3A_222 {strides = array<i32>} : memref<200x256xf32, #tpu.memory_space<vmem>>, vector<1x16xf32>,
      %get3A_223 = arith.index_cast %scan3A_80 : i32 to index
      %get3A_224 = arith.constant 128 : index
      %get3A_225 = tpu.vector_load %arg6[%get3A_223, %get3A_224] {strides = array<i32>} : memref<200x256xi32, #tpu.memory_space<vmem>>, vector<1x16xi32>,
      %get3A_226 = vector.shape_cast %get3A_225 : vector<1x16xi32> to vector<16xi32>
      %mul3A_227 = arith.constant 5 : i32
      %mul3A_228 = vector.broadcast %mul3A_227 : i32 to vector<16xi32>
      %mul3A_229 = arith.muli %get3A_226, %mul3A_228 : vector<16xi32>
      %add3A_230 = arith.constant 0 : i32
      %add3A_231 = vector.broadcast %add3A_230 : i32 to vector<16xi32>
      %add3A_232 = arith.addi %mul3A_229, %add3A_231 : vector<16xi32>
      %reshape3A_233 = vector.shape_cast %add3A_232 : vector<16xi32> to vector<16x1xi32>
      %gather3A_234 = vector.shape_cast %reshape3A_233 : vector<16x1xi32> to vector<16xi32>
      %gather3A_235 = tpu.dynamic_gather %get3A_2[%gather3A_234] in [0] : vector<16xf32>, vector<16xi32> -> vector<16xf32>
      %swap3A_236 = arith.index_cast %scan3A_80 : i32 to index
      %swap3A_237 = arith.constant 128 : index
      %swap3A_238 = tpu.vector_load %arg7[%swap3A_236, %swap3A_237] {strides = array<i32>} : memref<200x256xf32, #tpu.memory_space<vmem>>, vector<1x16xf32>,
      %swap3A_239 = vector.shape_cast %swap3A_238 : vector<1x16xf32> to vector<16xf32>
      %swap3A_240 = vector.shape_cast %gather3A_235 : vector<16xf32> to vector<1x16xf32>
      tpu.vector_store %arg7[%swap3A_236, %swap3A_237], %swap3A_240 {strides = array<i32>} : memref<200x256xf32, #tpu.memory_space<vmem>>, vector<1x16xf32>,
      %get3A_241 = arith.index_cast %scan3A_80 : i32 to index
      %get3A_242 = arith.constant 144 : index
      %get3A_243 = tpu.vector_load %arg6[%get3A_241, %get3A_242] {strides = array<i32>} : memref<200x256xi32, #tpu.memory_space<vmem>>, vector<1x16xi32>,
      %get3A_244 = vector.shape_cast %get3A_243 : vector<1x16xi32> to vector<16xi32>
      %mul3A_245 = arith.constant 5 : i32
      %mul3A_246 = vector.broadcast %mul3A_245 : i32 to vector<16xi32>
      %mul3A_247 = arith.muli %get3A_244, %mul3A_246 : vector<16xi32>
      %add3A_248 = arith.constant 0 : i32
      %add3A_249 = vector.broadcast %add3A_248 : i32 to vector<16xi32>
      %add3A_250 = arith.addi %mul3A_247, %add3A_249 : vector<16xi32>
      %reshape3A_251 = vector.shape_cast %add3A_250 : vector<16xi32> to vector<16x1xi32>
      %gather3A_252 = vector.shape_cast %reshape3A_251 : vector<16x1xi32> to vector<16xi32>
      %gather3A_253 = tpu.dynamic_gather %get3A_2[%gather3A_252] in [0] : vector<16xf32>, vector<16xi32> -> vector<16xf32>
      %swap3A_254 = arith.index_cast %scan3A_80 : i32 to index
      %swap3A_255 = arith.constant 144 : index
      %swap3A_256 = tpu.vector_load %arg7[%swap3A_254, %swap3A_255] {strides = array<i32>} : memref<200x256xf32, #tpu.memory_space<vmem>>, vector<1x16xf32>,
      %swap3A_257 = vector.shape_cast %swap3A_256 : vector<1x16xf32> to vector<16xf32>
      %swap3A_258 = vector.shape_cast %gather3A_253 : vector<16xf32> to vector<1x16xf32>
      tpu.vector_store %arg7[%swap3A_254, %swap3A_255], %swap3A_258 {strides = array<i32>} : memref<200x256xf32, #tpu.memory_space<vmem>>, vector<1x16xf32>,
      %get3A_259 = arith.index_cast %scan3A_80 : i32 to index
      %get3A_260 = arith.constant 160 : index
      %get3A_261 = tpu.vector_load %arg6[%get3A_259, %get3A_260] {strides = array<i32>} : memref<200x256xi32, #tpu.memory_space<vmem>>, vector<1x16xi32>,
      %get3A_262 = vector.shape_cast %get3A_261 : vector<1x16xi32> to vector<16xi32>
      %mul3A_263 = arith.constant 5 : i32
      %mul3A_264 = vector.broadcast %mul3A_263 : i32 to vector<16xi32>
      %mul3A_265 = arith.muli %get3A_262, %mul3A_264 : vector<16xi32>
      %add3A_266 = arith.constant 0 : i32
      %add3A_267 = vector.broadcast %add3A_266 : i32 to vector<16xi32>
      %add3A_268 = arith.addi %mul3A_265, %add3A_267 : vector<16xi32>
      %reshape3A_269 = vector.shape_cast %add3A_268 : vector<16xi32> to vector<16x1xi32>
      %gather3A_270 = vector.shape_cast %reshape3A_269 : vector<16x1xi32> to vector<16xi32>
      %gather3A_271 = tpu.dynamic_gather %get3A_2[%gather3A_270] in [0] : vector<16xf32>, vector<16xi32> -> vector<16xf32>
      %swap3A_272 = arith.index_cast %scan3A_80 : i32 to index
      %swap3A_273 = arith.constant 160 : index
      %swap3A_274 = tpu.vector_load %arg7[%swap3A_272, %swap3A_273] {strides = array<i32>} : memref<200x256xf32, #tpu.memory_space<vmem>>, vector<1x16xf32>,
      %swap3A_275 = vector.shape_cast %swap3A_274 : vector<1x16xf32> to vector<16xf32>
      %swap3A_276 = vector.shape_cast %gather3A_271 : vector<16xf32> to vector<1x16xf32>
      tpu.vector_store %arg7[%swap3A_272, %swap3A_273], %swap3A_276 {strides = array<i32>} : memref<200x256xf32, #tpu.memory_space<vmem>>, vector<1x16xf32>,
      %get3A_277 = arith.index_cast %scan3A_80 : i32 to index
      %get3A_278 = arith.constant 176 : index
      %get3A_279 = tpu.vector_load %arg6[%get3A_277, %get3A_278] {strides = array<i32>} : memref<200x256xi32, #tpu.memory_space<vmem>>, vector<1x16xi32>,
      %get3A_280 = vector.shape_cast %get3A_279 : vector<1x16xi32> to vector<16xi32>
      %mul3A_281 = arith.constant 5 : i32
      %mul3A_282 = vector.broadcast %mul3A_281 : i32 to vector<16xi32>
      %mul3A_283 = arith.muli %get3A_280, %mul3A_282 : vector<16xi32>
      %add3A_284 = arith.constant 0 : i32
      %add3A_285 = vector.broadcast %add3A_284 : i32 to vector<16xi32>
      %add3A_286 = arith.addi %mul3A_283, %add3A_285 : vector<16xi32>
      %reshape3A_287 = vector.shape_cast %add3A_286 : vector<16xi32> to vector<16x1xi32>
      %gather3A_288 = vector.shape_cast %reshape3A_287 : vector<16x1xi32> to vector<16xi32>
      %gather3A_289 = tpu.dynamic_gather %get3A_2[%gather3A_288] in [0] : vector<16xf32>, vector<16xi32> -> vector<16xf32>
      %swap3A_290 = arith.index_cast %scan3A_80 : i32 to index
      %swap3A_291 = arith.constant 176 : index
      %swap3A_292 = tpu.vector_load %arg7[%swap3A_290, %swap3A_291] {strides = array<i32>} : memref<200x256xf32, #tpu.memory_space<vmem>>, vector<1x16xf32>,
      %swap3A_293 = vector.shape_cast %swap3A_292 : vector<1x16xf32> to vector<16xf32>
      %swap3A_294 = vector.shape_cast %gather3A_289 : vector<16xf32> to vector<1x16xf32>
      tpu.vector_store %arg7[%swap3A_290, %swap3A_291], %swap3A_294 {strides = array<i32>} : memref<200x256xf32, #tpu.memory_space<vmem>>, vector<1x16xf32>,
      %get3A_295 = arith.index_cast %scan3A_80 : i32 to index
      %get3A_296 = arith.constant 192 : index
      %get3A_297 = tpu.vector_load %arg6[%get3A_295, %get3A_296] {strides = array<i32>} : memref<200x256xi32, #tpu.memory_space<vmem>>, vector<1x16xi32>,
      %get3A_298 = vector.shape_cast %get3A_297 : vector<1x16xi32> to vector<16xi32>
      %mul3A_299 = arith.constant 5 : i32
      %mul3A_300 = vector.broadcast %mul3A_299 : i32 to vector<16xi32>
      %mul3A_301 = arith.muli %get3A_298, %mul3A_300 : vector<16xi32>
      %add3A_302 = arith.constant 0 : i32
      %add3A_303 = vector.broadcast %add3A_302 : i32 to vector<16xi32>
      %add3A_304 = arith.addi %mul3A_301, %add3A_303 : vector<16xi32>
      %reshape3A_305 = vector.shape_cast %add3A_304 : vector<16xi32> to vector<16x1xi32>
      %gather3A_306 = vector.shape_cast %reshape3A_305 : vector<16x1xi32> to vector<16xi32>
      %gather3A_307 = tpu.dynamic_gather %get3A_2[%gather3A_306] in [0] : vector<16xf32>, vector<16xi32> -> vector<16xf32>
      %swap3A_308 = arith.index_cast %scan3A_80 : i32 to index
      %swap3A_309 = arith.constant 192 : index
      %swap3A_310 = tpu.vector_load %arg7[%swap3A_308, %swap3A_309] {strides = array<i32>} : memref<200x256xf32, #tpu.memory_space<vmem>>, vector<1x16xf32>,
      %swap3A_311 = vector.shape_cast %swap3A_310 : vector<1x16xf32> to vector<16xf32>
      %swap3A_312 = vector.shape_cast %gather3A_307 : vector<16xf32> to vector<1x16xf32>
      tpu.vector_store %arg7[%swap3A_308, %swap3A_309], %swap3A_312 {strides = array<i32>} : memref<200x256xf32, #tpu.memory_space<vmem>>, vector<1x16xf32>,
      %get3A_313 = arith.index_cast %scan3A_80 : i32 to index
      %get3A_314 = arith.constant 208 : index
      %get3A_315 = tpu.vector_load %arg6[%get3A_313, %get3A_314] {strides = array<i32>} : memref<200x256xi32, #tpu.memory_space<vmem>>, vector<1x16xi32>,
      %get3A_316 = vector.shape_cast %get3A_315 : vector<1x16xi32> to vector<16xi32>
      %mul3A_317 = arith.constant 5 : i32
      %mul3A_318 = vector.broadcast %mul3A_317 : i32 to vector<16xi32>
      %mul3A_319 = arith.muli %get3A_316, %mul3A_318 : vector<16xi32>
      %add3A_320 = arith.constant 0 : i32
      %add3A_321 = vector.broadcast %add3A_320 : i32 to vector<16xi32>
      %add3A_322 = arith.addi %mul3A_319, %add3A_321 : vector<16xi32>
      %reshape3A_323 = vector.shape_cast %add3A_322 : vector<16xi32> to vector<16x1xi32>
      %gather3A_324 = vector.shape_cast %reshape3A_323 : vector<16x1xi32> to vector<16xi32>
      %gather3A_325 = tpu.dynamic_gather %get3A_2[%gather3A_324] in [0] : vector<16xf32>, vector<16xi32> -> vector<16xf32>
      %swap3A_326 = arith.index_cast %scan3A_80 : i32 to index
      %swap3A_327 = arith.constant 208 : index
      %swap3A_328 = tpu.vector_load %arg7[%swap3A_326, %swap3A_327] {strides = array<i32>} : memref<200x256xf32, #tpu.memory_space<vmem>>, vector<1x16xf32>,
      %swap3A_329 = vector.shape_cast %swap3A_328 : vector<1x16xf32> to vector<16xf32>
      %swap3A_330 = vector.shape_cast %gather3A_325 : vector<16xf32> to vector<1x16xf32>
      tpu.vector_store %arg7[%swap3A_326, %swap3A_327], %swap3A_330 {strides = array<i32>} : memref<200x256xf32, #tpu.memory_space<vmem>>, vector<1x16xf32>,
      %get3A_331 = arith.index_cast %scan3A_80 : i32 to index
      %get3A_332 = arith.constant 224 : index
      %get3A_333 = tpu.vector_load %arg6[%get3A_331, %get3A_332] {strides = array<i32>} : memref<200x256xi32, #tpu.memory_space<vmem>>, vector<1x16xi32>,
      %get3A_334 = vector.shape_cast %get3A_333 : vector<1x16xi32> to vector<16xi32>
      %mul3A_335 = arith.constant 5 : i32
      %mul3A_336 = vector.broadcast %mul3A_335 : i32 to vector<16xi32>
      %mul3A_337 = arith.muli %get3A_334, %mul3A_336 : vector<16xi32>
      %add3A_338 = arith.constant 0 : i32
      %add3A_339 = vector.broadcast %add3A_338 : i32 to vector<16xi32>
      %add3A_340 = arith.addi %mul3A_337, %add3A_339 : vector<16xi32>
      %reshape3A_341 = vector.shape_cast %add3A_340 : vector<16xi32> to vector<16x1xi32>
      %gather3A_342 = vector.shape_cast %reshape3A_341 : vector<16x1xi32> to vector<16xi32>
      %gather3A_343 = tpu.dynamic_gather %get3A_2[%gather3A_342] in [0] : vector<16xf32>, vector<16xi32> -> vector<16xf32>
      %swap3A_344 = arith.index_cast %scan3A_80 : i32 to index
      %swap3A_345 = arith.constant 224 : index
      %swap3A_346 = tpu.vector_load %arg7[%swap3A_344, %swap3A_345] {strides = array<i32>} : memref<200x256xf32, #tpu.memory_space<vmem>>, vector<1x16xf32>,
      %swap3A_347 = vector.shape_cast %swap3A_346 : vector<1x16xf32> to vector<16xf32>
      %swap3A_348 = vector.shape_cast %gather3A_343 : vector<16xf32> to vector<1x16xf32>
      tpu.vector_store %arg7[%swap3A_344, %swap3A_345], %swap3A_348 {strides = array<i32>} : memref<200x256xf32, #tpu.memory_space<vmem>>, vector<1x16xf32>,
      %get3A_349 = arith.index_cast %scan3A_80 : i32 to index
      %get3A_350 = arith.constant 240 : index
      %get3A_351 = tpu.vector_load %arg6[%get3A_349, %get3A_350] {strides = array<i32>} : memref<200x256xi32, #tpu.memory_space<vmem>>, vector<1x16xi32>,
      %get3A_352 = vector.shape_cast %get3A_351 : vector<1x16xi32> to vector<16xi32>
      %mul3A_353 = arith.constant 5 : i32
      %mul3A_354 = vector.broadcast %mul3A_353 : i32 to vector<16xi32>
      %mul3A_355 = arith.muli %get3A_352, %mul3A_354 : vector<16xi32>
      %add3A_356 = arith.constant 0 : i32
      %add3A_357 = vector.broadcast %add3A_356 : i32 to vector<16xi32>
      %add3A_358 = arith.addi %mul3A_355, %add3A_357 : vector<16xi32>
      %reshape3A_359 = vector.shape_cast %add3A_358 : vector<16xi32> to vector<16x1xi32>
      %gather3A_360 = vector.shape_cast %reshape3A_359 : vector<16x1xi32> to vector<16xi32>
      %gather3A_361 = tpu.dynamic_gather %get3A_2[%gather3A_360] in [0] : vector<16xf32>, vector<16xi32> -> vector<16xf32>
      %swap3A_362 = arith.index_cast %scan3A_80 : i32 to index
      %swap3A_363 = arith.constant 240 : index
      %swap3A_364 = tpu.vector_load %arg7[%swap3A_362, %swap3A_363] {strides = array<i32>} : memref<200x256xf32, #tpu.memory_space<vmem>>, vector<1x16xf32>,
      %swap3A_365 = vector.shape_cast %swap3A_364 : vector<1x16xf32> to vector<16xf32>
      %swap3A_366 = vector.shape_cast %gather3A_361 : vector<16xf32> to vector<1x16xf32>
      tpu.vector_store %arg7[%swap3A_362, %swap3A_363], %swap3A_366 {strides = array<i32>} : memref<200x256xf32, #tpu.memory_space<vmem>>, vector<1x16xf32>,
      %scan3A_367 = arith.constant 0 : i32
      scf.yield %scan3A_367 : i32
    }
    %scan3A_12 = arith.constant 200 : i32
    "tpu.region"() ({
      %run_scoped3A = tpu.sem_alloc : memref<!tpu.dma_semaphore, #tpu.memory_space<semaphore_mem>>
      %dma_start3A = arith.constant 0 : i32
      %dma_start3A_80 = tpu.memref_slice %arg4[%dma_start3A, %add3A_6] : memref<1000x16384xf32, #tpu.memory_space<hbm>> -> memref<200x256xf32, #tpu.memory_space<hbm>>
      %dma_start3A_81 = arith.constant 0 : i32
      %dma_start3A_82 = tpu.memref_slice %arg4[%dma_start3A_81, %add3A_6] : memref<1000x16384xf32, #tpu.memory_space<hbm>> -> memref<200x256xf32, #tpu.memory_space<hbm>>
      tpu.enqueue_dma source(%arg7 : memref<200x256xf32, #tpu.memory_space<vmem>>) target(%dma_start3A_82 : memref<200x256xf32, #tpu.memory_space<hbm>>) target_semaphore(%run_scoped3A : memref<!tpu.dma_semaphore, #tpu.memory_space<semaphore_mem>>)
      %dma_wait3A = arith.constant 0 : i32
      %dma_wait3A_83 = tpu.memref_slice %arg4[%dma_wait3A, %add3A_6] : memref<1000x16384xf32, #tpu.memory_space<hbm>> -> memref<200x256xf32, #tpu.memory_space<hbm>>
      %dma_wait3A_84 = arith.constant 0 : i32
      %dma_wait3A_85 = tpu.memref_slice %arg4[%dma_wait3A_84, %add3A_6] : memref<1000x16384xf32, #tpu.memory_space<hbm>> -> memref<200x256xf32, #tpu.memory_space<hbm>>
      tpu.wait_dma2 semaphore(%run_scoped3A : memref<!tpu.dma_semaphore, #tpu.memory_space<semaphore_mem>>) src(%arg7 : memref<200x256xf32, #tpu.memory_space<vmem>>) dst(%dma_wait3A_85 : memref<200x256xf32, #tpu.memory_space<hbm>>)
      tpu.yield
    }) : () -> ()
    %scan3A_13 = arith.constant 0 : i32
    %scan3A_14 = arith.constant 0 : i32
    %scan3A_15 = arith.constant 200 : i32
    %scan3A_16 = arith.addi %scan3A_14, %scan3A_15 : i32
    %scan3A_17 = arith.constant 1 : i32
    %scan3A_18 = scf.for %scan3A_80 = %scan3A_14 to %scan3A_16 step %scan3A_17 iter_args(%scan3A_81 = %scan3A_13) -> (i32)  : i32 {
      %get3A_82 = arith.index_cast %scan3A_80 : i32 to index
      %get3A_83 = arith.constant 0 : index
      %get3A_84 = tpu.vector_load %arg6[%get3A_82, %get3A_83] {strides = array<i32>} : memref<200x256xi32, #tpu.memory_space<vmem>>, vector<1x16xi32>,
      %get3A_85 = vector.shape_cast %get3A_84 : vector<1x16xi32> to vector<16xi32>
      %mul3A_86 = arith.constant 5 : i32
      %mul3A_87 = vector.broadcast %mul3A_86 : i32 to vector<16xi32>
      %mul3A_88 = arith.muli %get3A_85, %mul3A_87 : vector<16xi32>
      %add3A_89 = arith.constant 1 : i32
      %add3A_90 = vector.broadcast %add3A_89 : i32 to vector<16xi32>
      %add3A_91 = arith.addi %mul3A_88, %add3A_90 : vector<16xi32>
      %reshape3A = vector.shape_cast %add3A_91 : vector<16xi32> to vector<16x1xi32>
      %gather3A = vector.shape_cast %reshape3A : vector<16x1xi32> to vector<16xi32>
      %gather3A_92 = tpu.dynamic_gather %get3A_2[%gather3A] in [0] : vector<16xf32>, vector<16xi32> -> vector<16xf32>
      %swap3A = arith.index_cast %scan3A_80 : i32 to index
      %swap3A_93 = arith.constant 0 : index
      %swap3A_94 = tpu.vector_load %arg7[%swap3A, %swap3A_93] {strides = array<i32>} : memref<200x256xf32, #tpu.memory_space<vmem>>, vector<1x16xf32>,
      %swap3A_95 = vector.shape_cast %swap3A_94 : vector<1x16xf32> to vector<16xf32>
      %swap3A_96 = vector.shape_cast %gather3A_92 : vector<16xf32> to vector<1x16xf32>
      tpu.vector_store %arg7[%swap3A, %swap3A_93], %swap3A_96 {strides = array<i32>} : memref<200x256xf32, #tpu.memory_space<vmem>>, vector<1x16xf32>,
      %get3A_97 = arith.index_cast %scan3A_80 : i32 to index
      %get3A_98 = arith.constant 16 : index
      %get3A_99 = tpu.vector_load %arg6[%get3A_97, %get3A_98] {strides = array<i32>} : memref<200x256xi32, #tpu.memory_space<vmem>>, vector<1x16xi32>,
      %get3A_100 = vector.shape_cast %get3A_99 : vector<1x16xi32> to vector<16xi32>
      %mul3A_101 = arith.constant 5 : i32
      %mul3A_102 = vector.broadcast %mul3A_101 : i32 to vector<16xi32>
      %mul3A_103 = arith.muli %get3A_100, %mul3A_102 : vector<16xi32>
      %add3A_104 = arith.constant 1 : i32
      %add3A_105 = vector.broadcast %add3A_104 : i32 to vector<16xi32>
      %add3A_106 = arith.addi %mul3A_103, %add3A_105 : vector<16xi32>
      %reshape3A_107 = vector.shape_cast %add3A_106 : vector<16xi32> to vector<16x1xi32>
      %gather3A_108 = vector.shape_cast %reshape3A_107 : vector<16x1xi32> to vector<16xi32>
      %gather3A_109 = tpu.dynamic_gather %get3A_2[%gather3A_108] in [0] : vector<16xf32>, vector<16xi32> -> vector<16xf32>
      %swap3A_110 = arith.index_cast %scan3A_80 : i32 to index
      %swap3A_111 = arith.constant 16 : index
      %swap3A_112 = tpu.vector_load %arg7[%swap3A_110, %swap3A_111] {strides = array<i32>} : memref<200x256xf32, #tpu.memory_space<vmem>>, vector<1x16xf32>,
      %swap3A_113 = vector.shape_cast %swap3A_112 : vector<1x16xf32> to vector<16xf32>
      %swap3A_114 = vector.shape_cast %gather3A_109 : vector<16xf32> to vector<1x16xf32>
      tpu.vector_store %arg7[%swap3A_110, %swap3A_111], %swap3A_114 {strides = array<i32>} : memref<200x256xf32, #tpu.memory_space<vmem>>, vector<1x16xf32>,
      %get3A_115 = arith.index_cast %scan3A_80 : i32 to index
      %get3A_116 = arith.constant 32 : index
      %get3A_117 = tpu.vector_load %arg6[%get3A_115, %get3A_116] {strides = array<i32>} : memref<200x256xi32, #tpu.memory_space<vmem>>, vector<1x16xi32>,
      %get3A_118 = vector.shape_cast %get3A_117 : vector<1x16xi32> to vector<16xi32>
      %mul3A_119 = arith.constant 5 : i32
      %mul3A_120 = vector.broadcast %mul3A_119 : i32 to vector<16xi32>
      %mul3A_121 = arith.muli %get3A_118, %mul3A_120 : vector<16xi32>
      %add3A_122 = arith.constant 1 : i32
      %add3A_123 = vector.broadcast %add3A_122 : i32 to vector<16xi32>
      %add3A_124 = arith.addi %mul3A_121, %add3A_123 : vector<16xi32>
      %reshape3A_125 = vector.shape_cast %add3A_124 : vector<16xi32> to vector<16x1xi32>
      %gather3A_126 = vector.shape_cast %reshape3A_125 : vector<16x1xi32> to vector<16xi32>
      %gather3A_127 = tpu.dynamic_gather %get3A_2[%gather3A_126] in [0] : vector<16xf32>, vector<16xi32> -> vector<16xf32>
      %swap3A_128 = arith.index_cast %scan3A_80 : i32 to index
      %swap3A_129 = arith.constant 32 : index
      %swap3A_130 = tpu.vector_load %arg7[%swap3A_128, %swap3A_129] {strides = array<i32>} : memref<200x256xf32, #tpu.memory_space<vmem>>, vector<1x16xf32>,
      %swap3A_131 = vector.shape_cast %swap3A_130 : vector<1x16xf32> to vector<16xf32>
      %swap3A_132 = vector.shape_cast %gather3A_127 : vector<16xf32> to vector<1x16xf32>
      tpu.vector_store %arg7[%swap3A_128, %swap3A_129], %swap3A_132 {strides = array<i32>} : memref<200x256xf32, #tpu.memory_space<vmem>>, vector<1x16xf32>,
      %get3A_133 = arith.index_cast %scan3A_80 : i32 to index
      %get3A_134 = arith.constant 48 : index
      %get3A_135 = tpu.vector_load %arg6[%get3A_133, %get3A_134] {strides = array<i32>} : memref<200x256xi32, #tpu.memory_space<vmem>>, vector<1x16xi32>,
      %get3A_136 = vector.shape_cast %get3A_135 : vector<1x16xi32> to vector<16xi32>
      %mul3A_137 = arith.constant 5 : i32
      %mul3A_138 = vector.broadcast %mul3A_137 : i32 to vector<16xi32>
      %mul3A_139 = arith.muli %get3A_136, %mul3A_138 : vector<16xi32>
      %add3A_140 = arith.constant 1 : i32
      %add3A_141 = vector.broadcast %add3A_140 : i32 to vector<16xi32>
      %add3A_142 = arith.addi %mul3A_139, %add3A_141 : vector<16xi32>
      %reshape3A_143 = vector.shape_cast %add3A_142 : vector<16xi32> to vector<16x1xi32>
      %gather3A_144 = vector.shape_cast %reshape3A_143 : vector<16x1xi32> to vector<16xi32>
      %gather3A_145 = tpu.dynamic_gather %get3A_2[%gather3A_144] in [0] : vector<16xf32>, vector<16xi32> -> vector<16xf32>
      %swap3A_146 = arith.index_cast %scan3A_80 : i32 to index
      %swap3A_147 = arith.constant 48 : index
      %swap3A_148 = tpu.vector_load %arg7[%swap3A_146, %swap3A_147] {strides = array<i32>} : memref<200x256xf32, #tpu.memory_space<vmem>>, vector<1x16xf32>,
      %swap3A_149 = vector.shape_cast %swap3A_148 : vector<1x16xf32> to vector<16xf32>
      %swap3A_150 = vector.shape_cast %gather3A_145 : vector<16xf32> to vector<1x16xf32>
      tpu.vector_store %arg7[%swap3A_146, %swap3A_147], %swap3A_150 {strides = array<i32>} : memref<200x256xf32, #tpu.memory_space<vmem>>, vector<1x16xf32>,
      %get3A_151 = arith.index_cast %scan3A_80 : i32 to index
      %get3A_152 = arith.constant 64 : index
      %get3A_153 = tpu.vector_load %arg6[%get3A_151, %get3A_152] {strides = array<i32>} : memref<200x256xi32, #tpu.memory_space<vmem>>, vector<1x16xi32>,
      %get3A_154 = vector.shape_cast %get3A_153 : vector<1x16xi32> to vector<16xi32>
      %mul3A_155 = arith.constant 5 : i32
      %mul3A_156 = vector.broadcast %mul3A_155 : i32 to vector<16xi32>
      %mul3A_157 = arith.muli %get3A_154, %mul3A_156 : vector<16xi32>
      %add3A_158 = arith.constant 1 : i32
      %add3A_159 = vector.broadcast %add3A_158 : i32 to vector<16xi32>
      %add3A_160 = arith.addi %mul3A_157, %add3A_159 : vector<16xi32>
      %reshape3A_161 = vector.shape_cast %add3A_160 : vector<16xi32> to vector<16x1xi32>
      %gather3A_162 = vector.shape_cast %reshape3A_161 : vector<16x1xi32> to vector<16xi32>
      %gather3A_163 = tpu.dynamic_gather %get3A_2[%gather3A_162] in [0] : vector<16xf32>, vector<16xi32> -> vector<16xf32>
      %swap3A_164 = arith.index_cast %scan3A_80 : i32 to index
      %swap3A_165 = arith.constant 64 : index
      %swap3A_166 = tpu.vector_load %arg7[%swap3A_164, %swap3A_165] {strides = array<i32>} : memref<200x256xf32, #tpu.memory_space<vmem>>, vector<1x16xf32>,
      %swap3A_167 = vector.shape_cast %swap3A_166 : vector<1x16xf32> to vector<16xf32>
      %swap3A_168 = vector.shape_cast %gather3A_163 : vector<16xf32> to vector<1x16xf32>
      tpu.vector_store %arg7[%swap3A_164, %swap3A_165], %swap3A_168 {strides = array<i32>} : memref<200x256xf32, #tpu.memory_space<vmem>>, vector<1x16xf32>,
      %get3A_169 = arith.index_cast %scan3A_80 : i32 to index
      %get3A_170 = arith.constant 80 : index
      %get3A_171 = tpu.vector_load %arg6[%get3A_169, %get3A_170] {strides = array<i32>} : memref<200x256xi32, #tpu.memory_space<vmem>>, vector<1x16xi32>,
      %get3A_172 = vector.shape_cast %get3A_171 : vector<1x16xi32> to vector<16xi32>
      %mul3A_173 = arith.constant 5 : i32
      %mul3A_174 = vector.broadcast %mul3A_173 : i32 to vector<16xi32>
      %mul3A_175 = arith.muli %get3A_172, %mul3A_174 : vector<16xi32>
      %add3A_176 = arith.constant 1 : i32
      %add3A_177 = vector.broadcast %add3A_176 : i32 to vector<16xi32>
      %add3A_178 = arith.addi %mul3A_175, %add3A_177 : vector<16xi32>
      %reshape3A_179 = vector.shape_cast %add3A_178 : vector<16xi32> to vector<16x1xi32>
      %gather3A_180 = vector.shape_cast %reshape3A_179 : vector<16x1xi32> to vector<16xi32>
      %gather3A_181 = tpu.dynamic_gather %get3A_2[%gather3A_180] in [0] : vector<16xf32>, vector<16xi32> -> vector<16xf32>
      %swap3A_182 = arith.index_cast %scan3A_80 : i32 to index
      %swap3A_183 = arith.constant 80 : index
      %swap3A_184 = tpu.vector_load %arg7[%swap3A_182, %swap3A_183] {strides = array<i32>} : memref<200x256xf32, #tpu.memory_space<vmem>>, vector<1x16xf32>,
      %swap3A_185 = vector.shape_cast %swap3A_184 : vector<1x16xf32> to vector<16xf32>
      %swap3A_186 = vector.shape_cast %gather3A_181 : vector<16xf32> to vector<1x16xf32>
      tpu.vector_store %arg7[%swap3A_182, %swap3A_183], %swap3A_186 {strides = array<i32>} : memref<200x256xf32, #tpu.memory_space<vmem>>, vector<1x16xf32>,
      %get3A_187 = arith.index_cast %scan3A_80 : i32 to index
      %get3A_188 = arith.constant 96 : index
      %get3A_189 = tpu.vector_load %arg6[%get3A_187, %get3A_188] {strides = array<i32>} : memref<200x256xi32, #tpu.memory_space<vmem>>, vector<1x16xi32>,
      %get3A_190 = vector.shape_cast %get3A_189 : vector<1x16xi32> to vector<16xi32>
      %mul3A_191 = arith.constant 5 : i32
      %mul3A_192 = vector.broadcast %mul3A_191 : i32 to vector<16xi32>
      %mul3A_193 = arith.muli %get3A_190, %mul3A_192 : vector<16xi32>
      %add3A_194 = arith.constant 1 : i32
      %add3A_195 = vector.broadcast %add3A_194 : i32 to vector<16xi32>
      %add3A_196 = arith.addi %mul3A_193, %add3A_195 : vector<16xi32>
      %reshape3A_197 = vector.shape_cast %add3A_196 : vector<16xi32> to vector<16x1xi32>
      %gather3A_198 = vector.shape_cast %reshape3A_197 : vector<16x1xi32> to vector<16xi32>
      %gather3A_199 = tpu.dynamic_gather %get3A_2[%gather3A_198] in [0] : vector<16xf32>, vector<16xi32> -> vector<16xf32>
      %swap3A_200 = arith.index_cast %scan3A_80 : i32 to index
      %swap3A_201 = arith.constant 96 : index
      %swap3A_202 = tpu.vector_load %arg7[%swap3A_200, %swap3A_201] {strides = array<i32>} : memref<200x256xf32, #tpu.memory_space<vmem>>, vector<1x16xf32>,
      %swap3A_203 = vector.shape_cast %swap3A_202 : vector<1x16xf32> to vector<16xf32>
      %swap3A_204 = vector.shape_cast %gather3A_199 : vector<16xf32> to vector<1x16xf32>
      tpu.vector_store %arg7[%swap3A_200, %swap3A_201], %swap3A_204 {strides = array<i32>} : memref<200x256xf32, #tpu.memory_space<vmem>>, vector<1x16xf32>,
      %get3A_205 = arith.index_cast %scan3A_80 : i32 to index
      %get3A_206 = arith.constant 112 : index
      %get3A_207 = tpu.vector_load %arg6[%get3A_205, %get3A_206] {strides = array<i32>} : memref<200x256xi32, #tpu.memory_space<vmem>>, vector<1x16xi32>,
      %get3A_208 = vector.shape_cast %get3A_207 : vector<1x16xi32> to vector<16xi32>
      %mul3A_209 = arith.constant 5 : i32
      %mul3A_210 = vector.broadcast %mul3A_209 : i32 to vector<16xi32>
      %mul3A_211 = arith.muli %get3A_208, %mul3A_210 : vector<16xi32>
      %add3A_212 = arith.constant 1 : i32
      %add3A_213 = vector.broadcast %add3A_212 : i32 to vector<16xi32>
      %add3A_214 = arith.addi %mul3A_211, %add3A_213 : vector<16xi32>
      %reshape3A_215 = vector.shape_cast %add3A_214 : vector<16xi32> to vector<16x1xi32>
      %gather3A_216 = vector.shape_cast %reshape3A_215 : vector<16x1xi32> to vector<16xi32>
      %gather3A_217 = tpu.dynamic_gather %get3A_2[%gather3A_216] in [0] : vector<16xf32>, vector<16xi32> -> vector<16xf32>
      %swap3A_218 = arith.index_cast %scan3A_80 : i32 to index
      %swap3A_219 = arith.constant 112 : index
      %swap3A_220 = tpu.vector_load %arg7[%swap3A_218, %swap3A_219] {strides = array<i32>} : memref<200x256xf32, #tpu.memory_space<vmem>>, vector<1x16xf32>,
      %swap3A_221 = vector.shape_cast %swap3A_220 : vector<1x16xf32> to vector<16xf32>
      %swap3A_222 = vector.shape_cast %gather3A_217 : vector<16xf32> to vector<1x16xf32>
      tpu.vector_store %arg7[%swap3A_218, %swap3A_219], %swap3A_222 {strides = array<i32>} : memref<200x256xf32, #tpu.memory_space<vmem>>, vector<1x16xf32>,
      %get3A_223 = arith.index_cast %scan3A_80 : i32 to index
      %get3A_224 = arith.constant 128 : index
      %get3A_225 = tpu.vector_load %arg6[%get3A_223, %get3A_224] {strides = array<i32>} : memref<200x256xi32, #tpu.memory_space<vmem>>, vector<1x16xi32>,
      %get3A_226 = vector.shape_cast %get3A_225 : vector<1x16xi32> to vector<16xi32>
      %mul3A_227 = arith.constant 5 : i32
      %mul3A_228 = vector.broadcast %mul3A_227 : i32 to vector<16xi32>
      %mul3A_229 = arith.muli %get3A_226, %mul3A_228 : vector<16xi32>
      %add3A_230 = arith.constant 1 : i32
      %add3A_231 = vector.broadcast %add3A_230 : i32 to vector<16xi32>
      %add3A_232 = arith.addi %mul3A_229, %add3A_231 : vector<16xi32>
      %reshape3A_233 = vector.shape_cast %add3A_232 : vector<16xi32> to vector<16x1xi32>
      %gather3A_234 = vector.shape_cast %reshape3A_233 : vector<16x1xi32> to vector<16xi32>
      %gather3A_235 = tpu.dynamic_gather %get3A_2[%gather3A_234] in [0] : vector<16xf32>, vector<16xi32> -> vector<16xf32>
      %swap3A_236 = arith.index_cast %scan3A_80 : i32 to index
      %swap3A_237 = arith.constant 128 : index
      %swap3A_238 = tpu.vector_load %arg7[%swap3A_236, %swap3A_237] {strides = array<i32>} : memref<200x256xf32, #tpu.memory_space<vmem>>, vector<1x16xf32>,
      %swap3A_239 = vector.shape_cast %swap3A_238 : vector<1x16xf32> to vector<16xf32>
      %swap3A_240 = vector.shape_cast %gather3A_235 : vector<16xf32> to vector<1x16xf32>
      tpu.vector_store %arg7[%swap3A_236, %swap3A_237], %swap3A_240 {strides = array<i32>} : memref<200x256xf32, #tpu.memory_space<vmem>>, vector<1x16xf32>,
      %get3A_241 = arith.index_cast %scan3A_80 : i32 to index
      %get3A_242 = arith.constant 144 : index
      %get3A_243 = tpu.vector_load %arg6[%get3A_241, %get3A_242] {strides = array<i32>} : memref<200x256xi32, #tpu.memory_space<vmem>>, vector<1x16xi32>,
      %get3A_244 = vector.shape_cast %get3A_243 : vector<1x16xi32> to vector<16xi32>
      %mul3A_245 = arith.constant 5 : i32
      %mul3A_246 = vector.broadcast %mul3A_245 : i32 to vector<16xi32>
      %mul3A_247 = arith.muli %get3A_244, %mul3A_246 : vector<16xi32>
      %add3A_248 = arith.constant 1 : i32
      %add3A_249 = vector.broadcast %add3A_248 : i32 to vector<16xi32>
      %add3A_250 = arith.addi %mul3A_247, %add3A_249 : vector<16xi32>
      %reshape3A_251 = vector.shape_cast %add3A_250 : vector<16xi32> to vector<16x1xi32>
      %gather3A_252 = vector.shape_cast %reshape3A_251 : vector<16x1xi32> to vector<16xi32>
      %gather3A_253 = tpu.dynamic_gather %get3A_2[%gather3A_252] in [0] : vector<16xf32>, vector<16xi32> -> vector<16xf32>
      %swap3A_254 = arith.index_cast %scan3A_80 : i32 to index
      %swap3A_255 = arith.constant 144 : index
      %swap3A_256 = tpu.vector_load %arg7[%swap3A_254, %swap3A_255] {strides = array<i32>} : memref<200x256xf32, #tpu.memory_space<vmem>>, vector<1x16xf32>,
      %swap3A_257 = vector.shape_cast %swap3A_256 : vector<1x16xf32> to vector<16xf32>
      %swap3A_258 = vector.shape_cast %gather3A_253 : vector<16xf32> to vector<1x16xf32>
      tpu.vector_store %arg7[%swap3A_254, %swap3A_255], %swap3A_258 {strides = array<i32>} : memref<200x256xf32, #tpu.memory_space<vmem>>, vector<1x16xf32>,
      %get3A_259 = arith.index_cast %scan3A_80 : i32 to index
      %get3A_260 = arith.constant 160 : index
      %get3A_261 = tpu.vector_load %arg6[%get3A_259, %get3A_260] {strides = array<i32>} : memref<200x256xi32, #tpu.memory_space<vmem>>, vector<1x16xi32>,
      %get3A_262 = vector.shape_cast %get3A_261 : vector<1x16xi32> to vector<16xi32>
      %mul3A_263 = arith.constant 5 : i32
      %mul3A_264 = vector.broadcast %mul3A_263 : i32 to vector<16xi32>
      %mul3A_265 = arith.muli %get3A_262, %mul3A_264 : vector<16xi32>
      %add3A_266 = arith.constant 1 : i32
      %add3A_267 = vector.broadcast %add3A_266 : i32 to vector<16xi32>
      %add3A_268 = arith.addi %mul3A_265, %add3A_267 : vector<16xi32>
      %reshape3A_269 = vector.shape_cast %add3A_268 : vector<16xi32> to vector<16x1xi32>
      %gather3A_270 = vector.shape_cast %reshape3A_269 : vector<16x1xi32> to vector<16xi32>
      %gather3A_271 = tpu.dynamic_gather %get3A_2[%gather3A_270] in [0] : vector<16xf32>, vector<16xi32> -> vector<16xf32>
      %swap3A_272 = arith.index_cast %scan3A_80 : i32 to index
      %swap3A_273 = arith.constant 160 : index
      %swap3A_274 = tpu.vector_load %arg7[%swap3A_272, %swap3A_273] {strides = array<i32>} : memref<200x256xf32, #tpu.memory_space<vmem>>, vector<1x16xf32>,
      %swap3A_275 = vector.shape_cast %swap3A_274 : vector<1x16xf32> to vector<16xf32>
      %swap3A_276 = vector.shape_cast %gather3A_271 : vector<16xf32> to vector<1x16xf32>
      tpu.vector_store %arg7[%swap3A_272, %swap3A_273], %swap3A_276 {strides = array<i32>} : memref<200x256xf32, #tpu.memory_space<vmem>>, vector<1x16xf32>,
      %get3A_277 = arith.index_cast %scan3A_80 : i32 to index
      %get3A_278 = arith.constant 176 : index
      %get3A_279 = tpu.vector_load %arg6[%get3A_277, %get3A_278] {strides = array<i32>} : memref<200x256xi32, #tpu.memory_space<vmem>>, vector<1x16xi32>,
      %get3A_280 = vector.shape_cast %get3A_279 : vector<1x16xi32> to vector<16xi32>
      %mul3A_281 = arith.constant 5 : i32
      %mul3A_282 = vector.broadcast %mul3A_281 : i32 to vector<16xi32>
      %mul3A_283 = arith.muli %get3A_280, %mul3A_282 : vector<16xi32>
      %add3A_284 = arith.constant 1 : i32
      %add3A_285 = vector.broadcast %add3A_284 : i32 to vector<16xi32>
      %add3A_286 = arith.addi %mul3A_283, %add3A_285 : vector<16xi32>
      %reshape3A_287 = vector.shape_cast %add3A_286 : vector<16xi32> to vector<16x1xi32>
      %gather3A_288 = vector.shape_cast %reshape3A_287 : vector<16x1xi32> to vector<16xi32>
      %gather3A_289 = tpu.dynamic_gather %get3A_2[%gather3A_288] in [0] : vector<16xf32>, vector<16xi32> -> vector<16xf32>
      %swap3A_290 = arith.index_cast %scan3A_80 : i32 to index
      %swap3A_291 = arith.constant 176 : index
      %swap3A_292 = tpu.vector_load %arg7[%swap3A_290, %swap3A_291] {strides = array<i32>} : memref<200x256xf32, #tpu.memory_space<vmem>>, vector<1x16xf32>,
      %swap3A_293 = vector.shape_cast %swap3A_292 : vector<1x16xf32> to vector<16xf32>
      %swap3A_294 = vector.shape_cast %gather3A_289 : vector<16xf32> to vector<1x16xf32>
      tpu.vector_store %arg7[%swap3A_290, %swap3A_291], %swap3A_294 {strides = array<i32>} : memref<200x256xf32, #tpu.memory_space<vmem>>, vector<1x16xf32>,
      %get3A_295 = arith.index_cast %scan3A_80 : i32 to index
      %get3A_296 = arith.constant 192 : index
      %get3A_297 = tpu.vector_load %arg6[%get3A_295, %get3A_296] {strides = array<i32>} : memref<200x256xi32, #tpu.memory_space<vmem>>, vector<1x16xi32>,
      %get3A_298 = vector.shape_cast %get3A_297 : vector<1x16xi32> to vector<16xi32>
      %mul3A_299 = arith.constant 5 : i32
      %mul3A_300 = vector.broadcast %mul3A_299 : i32 to vector<16xi32>
      %mul3A_301 = arith.muli %get3A_298, %mul3A_300 : vector<16xi32>
      %add3A_302 = arith.constant 1 : i32
      %add3A_303 = vector.broadcast %add3A_302 : i32 to vector<16xi32>
      %add3A_304 = arith.addi %mul3A_301, %add3A_303 : vector<16xi32>
      %reshape3A_305 = vector.shape_cast %add3A_304 : vector<16xi32> to vector<16x1xi32>
      %gather3A_306 = vector.shape_cast %reshape3A_305 : vector<16x1xi32> to vector<16xi32>
      %gather3A_307 = tpu.dynamic_gather %get3A_2[%gather3A_306] in [0] : vector<16xf32>, vector<16xi32> -> vector<16xf32>
      %swap3A_308 = arith.index_cast %scan3A_80 : i32 to index
      %swap3A_309 = arith.constant 192 : index
      %swap3A_310 = tpu.vector_load %arg7[%swap3A_308, %swap3A_309] {strides = array<i32>} : memref<200x256xf32, #tpu.memory_space<vmem>>, vector<1x16xf32>,
      %swap3A_311 = vector.shape_cast %swap3A_310 : vector<1x16xf32> to vector<16xf32>
      %swap3A_312 = vector.shape_cast %gather3A_307 : vector<16xf32> to vector<1x16xf32>
      tpu.vector_store %arg7[%swap3A_308, %swap3A_309], %swap3A_312 {strides = array<i32>} : memref<200x256xf32, #tpu.memory_space<vmem>>, vector<1x16xf32>,
      %get3A_313 = arith.index_cast %scan3A_80 : i32 to index
      %get3A_314 = arith.constant 208 : index
      %get3A_315 = tpu.vector_load %arg6[%get3A_313, %get3A_314] {strides = array<i32>} : memref<200x256xi32, #tpu.memory_space<vmem>>, vector<1x16xi32>,
      %get3A_316 = vector.shape_cast %get3A_315 : vector<1x16xi32> to vector<16xi32>
      %mul3A_317 = arith.constant 5 : i32
      %mul3A_318 = vector.broadcast %mul3A_317 : i32 to vector<16xi32>
      %mul3A_319 = arith.muli %get3A_316, %mul3A_318 : vector<16xi32>
      %add3A_320 = arith.constant 1 : i32
      %add3A_321 = vector.broadcast %add3A_320 : i32 to vector<16xi32>
      %add3A_322 = arith.addi %mul3A_319, %add3A_321 : vector<16xi32>
      %reshape3A_323 = vector.shape_cast %add3A_322 : vector<16xi32> to vector<16x1xi32>
      %gather3A_324 = vector.shape_cast %reshape3A_323 : vector<16x1xi32> to vector<16xi32>
      %gather3A_325 = tpu.dynamic_gather %get3A_2[%gather3A_324] in [0] : vector<16xf32>, vector<16xi32> -> vector<16xf32>
      %swap3A_326 = arith.index_cast %scan3A_80 : i32 to index
      %swap3A_327 = arith.constant 208 : index
      %swap3A_328 = tpu.vector_load %arg7[%swap3A_326, %swap3A_327] {strides = array<i32>} : memref<200x256xf32, #tpu.memory_space<vmem>>, vector<1x16xf32>,
      %swap3A_329 = vector.shape_cast %swap3A_328 : vector<1x16xf32> to vector<16xf32>
      %swap3A_330 = vector.shape_cast %gather3A_325 : vector<16xf32> to vector<1x16xf32>
      tpu.vector_store %arg7[%swap3A_326, %swap3A_327], %swap3A_330 {strides = array<i32>} : memref<200x256xf32, #tpu.memory_space<vmem>>, vector<1x16xf32>,
      %get3A_331 = arith.index_cast %scan3A_80 : i32 to index
      %get3A_332 = arith.constant 224 : index
      %get3A_333 = tpu.vector_load %arg6[%get3A_331, %get3A_332] {strides = array<i32>} : memref<200x256xi32, #tpu.memory_space<vmem>>, vector<1x16xi32>,
      %get3A_334 = vector.shape_cast %get3A_333 : vector<1x16xi32> to vector<16xi32>
      %mul3A_335 = arith.constant 5 : i32
      %mul3A_336 = vector.broadcast %mul3A_335 : i32 to vector<16xi32>
      %mul3A_337 = arith.muli %get3A_334, %mul3A_336 : vector<16xi32>
      %add3A_338 = arith.constant 1 : i32
      %add3A_339 = vector.broadcast %add3A_338 : i32 to vector<16xi32>
      %add3A_340 = arith.addi %mul3A_337, %add3A_339 : vector<16xi32>
      %reshape3A_341 = vector.shape_cast %add3A_340 : vector<16xi32> to vector<16x1xi32>
      %gather3A_342 = vector.shape_cast %reshape3A_341 : vector<16x1xi32> to vector<16xi32>
      %gather3A_343 = tpu.dynamic_gather %get3A_2[%gather3A_342] in [0] : vector<16xf32>, vector<16xi32> -> vector<16xf32>
      %swap3A_344 = arith.index_cast %scan3A_80 : i32 to index
      %swap3A_345 = arith.constant 224 : index
      %swap3A_346 = tpu.vector_load %arg7[%swap3A_344, %swap3A_345] {strides = array<i32>} : memref<200x256xf32, #tpu.memory_space<vmem>>, vector<1x16xf32>,
      %swap3A_347 = vector.shape_cast %swap3A_346 : vector<1x16xf32> to vector<16xf32>
      %swap3A_348 = vector.shape_cast %gather3A_343 : vector<16xf32> to vector<1x16xf32>
      tpu.vector_store %arg7[%swap3A_344, %swap3A_345], %swap3A_348 {strides = array<i32>} : memref<200x256xf32, #tpu.memory_space<vmem>>, vector<1x16xf32>,
      %get3A_349 = arith.index_cast %scan3A_80 : i32 to index
      %get3A_350 = arith.constant 240 : index
      %get3A_351 = tpu.vector_load %arg6[%get3A_349, %get3A_350] {strides = array<i32>} : memref<200x256xi32, #tpu.memory_space<vmem>>, vector<1x16xi32>,
      %get3A_352 = vector.shape_cast %get3A_351 : vector<1x16xi32> to vector<16xi32>
      %mul3A_353 = arith.constant 5 : i32
      %mul3A_354 = vector.broadcast %mul3A_353 : i32 to vector<16xi32>
      %mul3A_355 = arith.muli %get3A_352, %mul3A_354 : vector<16xi32>
      %add3A_356 = arith.constant 1 : i32
      %add3A_357 = vector.broadcast %add3A_356 : i32 to vector<16xi32>
      %add3A_358 = arith.addi %mul3A_355, %add3A_357 : vector<16xi32>
      %reshape3A_359 = vector.shape_cast %add3A_358 : vector<16xi32> to vector<16x1xi32>
      %gather3A_360 = vector.shape_cast %reshape3A_359 : vector<16x1xi32> to vector<16xi32>
      %gather3A_361 = tpu.dynamic_gather %get3A_2[%gather3A_360] in [0] : vector<16xf32>, vector<16xi32> -> vector<16xf32>
      %swap3A_362 = arith.index_cast %scan3A_80 : i32 to index
      %swap3A_363 = arith.constant 240 : index
      %swap3A_364 = tpu.vector_load %arg7[%swap3A_362, %swap3A_363] {strides = array<i32>} : memref<200x256xf32, #tpu.memory_space<vmem>>, vector<1x16xf32>,
      %swap3A_365 = vector.shape_cast %swap3A_364 : vector<1x16xf32> to vector<16xf32>
      %swap3A_366 = vector.shape_cast %gather3A_361 : vector<16xf32> to vector<1x16xf32>
      tpu.vector_store %arg7[%swap3A_362, %swap3A_363], %swap3A_366 {strides = array<i32>} : memref<200x256xf32, #tpu.memory_space<vmem>>, vector<1x16xf32>,
      %scan3A_367 = arith.constant 0 : i32
      scf.yield %scan3A_367 : i32
    }
    %scan3A_19 = arith.constant 200 : i32
    "tpu.region"() ({
      %run_scoped3A = tpu.sem_alloc : memref<!tpu.dma_semaphore, #tpu.memory_space<semaphore_mem>>
      %dma_start3A = arith.constant 200 : i32
      %dma_start3A_80 = tpu.memref_slice %arg4[%dma_start3A, %add3A_6] : memref<1000x16384xf32, #tpu.memory_space<hbm>> -> memref<200x256xf32, #tpu.memory_space<hbm>>
      %dma_start3A_81 = arith.constant 200 : i32
      %dma_start3A_82 = tpu.memref_slice %arg4[%dma_start3A_81, %add3A_6] : memref<1000x16384xf32, #tpu.memory_space<hbm>> -> memref<200x256xf32, #tpu.memory_space<hbm>>
      tpu.enqueue_dma source(%arg7 : memref<200x256xf32, #tpu.memory_space<vmem>>) target(%dma_start3A_82 : memref<200x256xf32, #tpu.memory_space<hbm>>) target_semaphore(%run_scoped3A : memref<!tpu.dma_semaphore, #tpu.memory_space<semaphore_mem>>)
      %dma_wait3A = arith.constant 200 : i32
      %dma_wait3A_83 = tpu.memref_slice %arg4[%dma_wait3A, %add3A_6] : memref<1000x16384xf32, #tpu.memory_space<hbm>> -> memref<200x256xf32, #tpu.memory_space<hbm>>
      %dma_wait3A_84 = arith.constant 200 : i32
      %dma_wait3A_85 = tpu.memref_slice %arg4[%dma_wait3A_84, %add3A_6] : memref<1000x16384xf32, #tpu.memory_space<hbm>> -> memref<200x256xf32, #tpu.memory_space<hbm>>
      tpu.wait_dma2 semaphore(%run_scoped3A : memref<!tpu.dma_semaphore, #tpu.memory_space<semaphore_mem>>) src(%arg7 : memref<200x256xf32, #tpu.memory_space<vmem>>) dst(%dma_wait3A_85 : memref<200x256xf32, #tpu.memory_space<hbm>>)
      tpu.yield
    }) : () -> ()
    %scan3A_20 = arith.constant 0 : i32
    %scan3A_21 = arith.constant 0 : i32
    %scan3A_22 = arith.constant 200 : i32
    %scan3A_23 = arith.addi %scan3A_21, %scan3A_22 : i32
    %scan3A_24 = arith.constant 1 : i32
    %scan3A_25 = scf.for %scan3A_80 = %scan3A_21 to %scan3A_23 step %scan3A_24 iter_args(%scan3A_81 = %scan3A_20) -> (i32)  : i32 {
      %get3A_82 = arith.index_cast %scan3A_80 : i32 to index
      %get3A_83 = arith.constant 0 : index
      %get3A_84 = tpu.vector_load %arg6[%get3A_82, %get3A_83] {strides = array<i32>} : memref<200x256xi32, #tpu.memory_space<vmem>>, vector<1x16xi32>,
      %get3A_85 = vector.shape_cast %get3A_84 : vector<1x16xi32> to vector<16xi32>
      %mul3A_86 = arith.constant 5 : i32
      %mul3A_87 = vector.broadcast %mul3A_86 : i32 to vector<16xi32>
      %mul3A_88 = arith.muli %get3A_85, %mul3A_87 : vector<16xi32>
      %add3A_89 = arith.constant 2 : i32
      %add3A_90 = vector.broadcast %add3A_89 : i32 to vector<16xi32>
      %add3A_91 = arith.addi %mul3A_88, %add3A_90 : vector<16xi32>
      %reshape3A = vector.shape_cast %add3A_91 : vector<16xi32> to vector<16x1xi32>
      %gather3A = vector.shape_cast %reshape3A : vector<16x1xi32> to vector<16xi32>
      %gather3A_92 = tpu.dynamic_gather %get3A_2[%gather3A] in [0] : vector<16xf32>, vector<16xi32> -> vector<16xf32>
      %swap3A = arith.index_cast %scan3A_80 : i32 to index
      %swap3A_93 = arith.constant 0 : index
      %swap3A_94 = tpu.vector_load %arg7[%swap3A, %swap3A_93] {strides = array<i32>} : memref<200x256xf32, #tpu.memory_space<vmem>>, vector<1x16xf32>,
      %swap3A_95 = vector.shape_cast %swap3A_94 : vector<1x16xf32> to vector<16xf32>
      %swap3A_96 = vector.shape_cast %gather3A_92 : vector<16xf32> to vector<1x16xf32>
      tpu.vector_store %arg7[%swap3A, %swap3A_93], %swap3A_96 {strides = array<i32>} : memref<200x256xf32, #tpu.memory_space<vmem>>, vector<1x16xf32>,
      %get3A_97 = arith.index_cast %scan3A_80 : i32 to index
      %get3A_98 = arith.constant 16 : index
      %get3A_99 = tpu.vector_load %arg6[%get3A_97, %get3A_98] {strides = array<i32>} : memref<200x256xi32, #tpu.memory_space<vmem>>, vector<1x16xi32>,
      %get3A_100 = vector.shape_cast %get3A_99 : vector<1x16xi32> to vector<16xi32>
      %mul3A_101 = arith.constant 5 : i32
      %mul3A_102 = vector.broadcast %mul3A_101 : i32 to vector<16xi32>
      %mul3A_103 = arith.muli %get3A_100, %mul3A_102 : vector<16xi32>
      %add3A_104 = arith.constant 2 : i32
      %add3A_105 = vector.broadcast %add3A_104 : i32 to vector<16xi32>
      %add3A_106 = arith.addi %mul3A_103, %add3A_105 : vector<16xi32>
      %reshape3A_107 = vector.shape_cast %add3A_106 : vector<16xi32> to vector<16x1xi32>
      %gather3A_108 = vector.shape_cast %reshape3A_107 : vector<16x1xi32> to vector<16xi32>
      %gather3A_109 = tpu.dynamic_gather %get3A_2[%gather3A_108] in [0] : vector<16xf32>, vector<16xi32> -> vector<16xf32>
      %swap3A_110 = arith.index_cast %scan3A_80 : i32 to index
      %swap3A_111 = arith.constant 16 : index
      %swap3A_112 = tpu.vector_load %arg7[%swap3A_110, %swap3A_111] {strides = array<i32>} : memref<200x256xf32, #tpu.memory_space<vmem>>, vector<1x16xf32>,
      %swap3A_113 = vector.shape_cast %swap3A_112 : vector<1x16xf32> to vector<16xf32>
      %swap3A_114 = vector.shape_cast %gather3A_109 : vector<16xf32> to vector<1x16xf32>
      tpu.vector_store %arg7[%swap3A_110, %swap3A_111], %swap3A_114 {strides = array<i32>} : memref<200x256xf32, #tpu.memory_space<vmem>>, vector<1x16xf32>,
      %get3A_115 = arith.index_cast %scan3A_80 : i32 to index
      %get3A_116 = arith.constant 32 : index
      %get3A_117 = tpu.vector_load %arg6[%get3A_115, %get3A_116] {strides = array<i32>} : memref<200x256xi32, #tpu.memory_space<vmem>>, vector<1x16xi32>,
      %get3A_118 = vector.shape_cast %get3A_117 : vector<1x16xi32> to vector<16xi32>
      %mul3A_119 = arith.constant 5 : i32
      %mul3A_120 = vector.broadcast %mul3A_119 : i32 to vector<16xi32>
      %mul3A_121 = arith.muli %get3A_118, %mul3A_120 : vector<16xi32>
      %add3A_122 = arith.constant 2 : i32
      %add3A_123 = vector.broadcast %add3A_122 : i32 to vector<16xi32>
      %add3A_124 = arith.addi %mul3A_121, %add3A_123 : vector<16xi32>
      %reshape3A_125 = vector.shape_cast %add3A_124 : vector<16xi32> to vector<16x1xi32>
      %gather3A_126 = vector.shape_cast %reshape3A_125 : vector<16x1xi32> to vector<16xi32>
      %gather3A_127 = tpu.dynamic_gather %get3A_2[%gather3A_126] in [0] : vector<16xf32>, vector<16xi32> -> vector<16xf32>
      %swap3A_128 = arith.index_cast %scan3A_80 : i32 to index
      %swap3A_129 = arith.constant 32 : index
      %swap3A_130 = tpu.vector_load %arg7[%swap3A_128, %swap3A_129] {strides = array<i32>} : memref<200x256xf32, #tpu.memory_space<vmem>>, vector<1x16xf32>,
      %swap3A_131 = vector.shape_cast %swap3A_130 : vector<1x16xf32> to vector<16xf32>
      %swap3A_132 = vector.shape_cast %gather3A_127 : vector<16xf32> to vector<1x16xf32>
      tpu.vector_store %arg7[%swap3A_128, %swap3A_129], %swap3A_132 {strides = array<i32>} : memref<200x256xf32, #tpu.memory_space<vmem>>, vector<1x16xf32>,
      %get3A_133 = arith.index_cast %scan3A_80 : i32 to index
      %get3A_134 = arith.constant 48 : index
      %get3A_135 = tpu.vector_load %arg6[%get3A_133, %get3A_134] {strides = array<i32>} : memref<200x256xi32, #tpu.memory_space<vmem>>, vector<1x16xi32>,
      %get3A_136 = vector.shape_cast %get3A_135 : vector<1x16xi32> to vector<16xi32>
      %mul3A_137 = arith.constant 5 : i32
      %mul3A_138 = vector.broadcast %mul3A_137 : i32 to vector<16xi32>
      %mul3A_139 = arith.muli %get3A_136, %mul3A_138 : vector<16xi32>
      %add3A_140 = arith.constant 2 : i32
      %add3A_141 = vector.broadcast %add3A_140 : i32 to vector<16xi32>
      %add3A_142 = arith.addi %mul3A_139, %add3A_141 : vector<16xi32>
      %reshape3A_143 = vector.shape_cast %add3A_142 : vector<16xi32> to vector<16x1xi32>
      %gather3A_144 = vector.shape_cast %reshape3A_143 : vector<16x1xi32> to vector<16xi32>
      %gather3A_145 = tpu.dynamic_gather %get3A_2[%gather3A_144] in [0] : vector<16xf32>, vector<16xi32> -> vector<16xf32>
      %swap3A_146 = arith.index_cast %scan3A_80 : i32 to index
      %swap3A_147 = arith.constant 48 : index
      %swap3A_148 = tpu.vector_load %arg7[%swap3A_146, %swap3A_147] {strides = array<i32>} : memref<200x256xf32, #tpu.memory_space<vmem>>, vector<1x16xf32>,
      %swap3A_149 = vector.shape_cast %swap3A_148 : vector<1x16xf32> to vector<16xf32>
      %swap3A_150 = vector.shape_cast %gather3A_145 : vector<16xf32> to vector<1x16xf32>
      tpu.vector_store %arg7[%swap3A_146, %swap3A_147], %swap3A_150 {strides = array<i32>} : memref<200x256xf32, #tpu.memory_space<vmem>>, vector<1x16xf32>,
      %get3A_151 = arith.index_cast %scan3A_80 : i32 to index
      %get3A_152 = arith.constant 64 : index
      %get3A_153 = tpu.vector_load %arg6[%get3A_151, %get3A_152] {strides = array<i32>} : memref<200x256xi32, #tpu.memory_space<vmem>>, vector<1x16xi32>,
      %get3A_154 = vector.shape_cast %get3A_153 : vector<1x16xi32> to vector<16xi32>
      %mul3A_155 = arith.constant 5 : i32
      %mul3A_156 = vector.broadcast %mul3A_155 : i32 to vector<16xi32>
      %mul3A_157 = arith.muli %get3A_154, %mul3A_156 : vector<16xi32>
      %add3A_158 = arith.constant 2 : i32
      %add3A_159 = vector.broadcast %add3A_158 : i32 to vector<16xi32>
      %add3A_160 = arith.addi %mul3A_157, %add3A_159 : vector<16xi32>
      %reshape3A_161 = vector.shape_cast %add3A_160 : vector<16xi32> to vector<16x1xi32>
      %gather3A_162 = vector.shape_cast %reshape3A_161 : vector<16x1xi32> to vector<16xi32>
      %gather3A_163 = tpu.dynamic_gather %get3A_2[%gather3A_162] in [0] : vector<16xf32>, vector<16xi32> -> vector<16xf32>
      %swap3A_164 = arith.index_cast %scan3A_80 : i32 to index
      %swap3A_165 = arith.constant 64 : index
      %swap3A_166 = tpu.vector_load %arg7[%swap3A_164, %swap3A_165] {strides = array<i32>} : memref<200x256xf32, #tpu.memory_space<vmem>>, vector<1x16xf32>,
      %swap3A_167 = vector.shape_cast %swap3A_166 : vector<1x16xf32> to vector<16xf32>
      %swap3A_168 = vector.shape_cast %gather3A_163 : vector<16xf32> to vector<1x16xf32>
      tpu.vector_store %arg7[%swap3A_164, %swap3A_165], %swap3A_168 {strides = array<i32>} : memref<200x256xf32, #tpu.memory_space<vmem>>, vector<1x16xf32>,
      %get3A_169 = arith.index_cast %scan3A_80 : i32 to index
      %get3A_170 = arith.constant 80 : index
      %get3A_171 = tpu.vector_load %arg6[%get3A_169, %get3A_170] {strides = array<i32>} : memref<200x256xi32, #tpu.memory_space<vmem>>, vector<1x16xi32>,
      %get3A_172 = vector.shape_cast %get3A_171 : vector<1x16xi32> to vector<16xi32>
      %mul3A_173 = arith.constant 5 : i32
      %mul3A_174 = vector.broadcast %mul3A_173 : i32 to vector<16xi32>
      %mul3A_175 = arith.muli %get3A_172, %mul3A_174 : vector<16xi32>
      %add3A_176 = arith.constant 2 : i32
      %add3A_177 = vector.broadcast %add3A_176 : i32 to vector<16xi32>
      %add3A_178 = arith.addi %mul3A_175, %add3A_177 : vector<16xi32>
      %reshape3A_179 = vector.shape_cast %add3A_178 : vector<16xi32> to vector<16x1xi32>
      %gather3A_180 = vector.shape_cast %reshape3A_179 : vector<16x1xi32> to vector<16xi32>
      %gather3A_181 = tpu.dynamic_gather %get3A_2[%gather3A_180] in [0] : vector<16xf32>, vector<16xi32> -> vector<16xf32>
      %swap3A_182 = arith.index_cast %scan3A_80 : i32 to index
      %swap3A_183 = arith.constant 80 : index
      %swap3A_184 = tpu.vector_load %arg7[%swap3A_182, %swap3A_183] {strides = array<i32>} : memref<200x256xf32, #tpu.memory_space<vmem>>, vector<1x16xf32>,
      %swap3A_185 = vector.shape_cast %swap3A_184 : vector<1x16xf32> to vector<16xf32>
      %swap3A_186 = vector.shape_cast %gather3A_181 : vector<16xf32> to vector<1x16xf32>
      tpu.vector_store %arg7[%swap3A_182, %swap3A_183], %swap3A_186 {strides = array<i32>} : memref<200x256xf32, #tpu.memory_space<vmem>>, vector<1x16xf32>,
      %get3A_187 = arith.index_cast %scan3A_80 : i32 to index
      %get3A_188 = arith.constant 96 : index
      %get3A_189 = tpu.vector_load %arg6[%get3A_187, %get3A_188] {strides = array<i32>} : memref<200x256xi32, #tpu.memory_space<vmem>>, vector<1x16xi32>,
      %get3A_190 = vector.shape_cast %get3A_189 : vector<1x16xi32> to vector<16xi32>
      %mul3A_191 = arith.constant 5 : i32
      %mul3A_192 = vector.broadcast %mul3A_191 : i32 to vector<16xi32>
      %mul3A_193 = arith.muli %get3A_190, %mul3A_192 : vector<16xi32>
      %add3A_194 = arith.constant 2 : i32
      %add3A_195 = vector.broadcast %add3A_194 : i32 to vector<16xi32>
      %add3A_196 = arith.addi %mul3A_193, %add3A_195 : vector<16xi32>
      %reshape3A_197 = vector.shape_cast %add3A_196 : vector<16xi32> to vector<16x1xi32>
      %gather3A_198 = vector.shape_cast %reshape3A_197 : vector<16x1xi32> to vector<16xi32>
      %gather3A_199 = tpu.dynamic_gather %get3A_2[%gather3A_198] in [0] : vector<16xf32>, vector<16xi32> -> vector<16xf32>
      %swap3A_200 = arith.index_cast %scan3A_80 : i32 to index
      %swap3A_201 = arith.constant 96 : index
      %swap3A_202 = tpu.vector_load %arg7[%swap3A_200, %swap3A_201] {strides = array<i32>} : memref<200x256xf32, #tpu.memory_space<vmem>>, vector<1x16xf32>,
      %swap3A_203 = vector.shape_cast %swap3A_202 : vector<1x16xf32> to vector<16xf32>
      %swap3A_204 = vector.shape_cast %gather3A_199 : vector<16xf32> to vector<1x16xf32>
      tpu.vector_store %arg7[%swap3A_200, %swap3A_201], %swap3A_204 {strides = array<i32>} : memref<200x256xf32, #tpu.memory_space<vmem>>, vector<1x16xf32>,
      %get3A_205 = arith.index_cast %scan3A_80 : i32 to index
      %get3A_206 = arith.constant 112 : index
      %get3A_207 = tpu.vector_load %arg6[%get3A_205, %get3A_206] {strides = array<i32>} : memref<200x256xi32, #tpu.memory_space<vmem>>, vector<1x16xi32>,
      %get3A_208 = vector.shape_cast %get3A_207 : vector<1x16xi32> to vector<16xi32>
      %mul3A_209 = arith.constant 5 : i32
      %mul3A_210 = vector.broadcast %mul3A_209 : i32 to vector<16xi32>
      %mul3A_211 = arith.muli %get3A_208, %mul3A_210 : vector<16xi32>
      %add3A_212 = arith.constant 2 : i32
      %add3A_213 = vector.broadcast %add3A_212 : i32 to vector<16xi32>
      %add3A_214 = arith.addi %mul3A_211, %add3A_213 : vector<16xi32>
      %reshape3A_215 = vector.shape_cast %add3A_214 : vector<16xi32> to vector<16x1xi32>
      %gather3A_216 = vector.shape_cast %reshape3A_215 : vector<16x1xi32> to vector<16xi32>
      %gather3A_217 = tpu.dynamic_gather %get3A_2[%gather3A_216] in [0] : vector<16xf32>, vector<16xi32> -> vector<16xf32>
      %swap3A_218 = arith.index_cast %scan3A_80 : i32 to index
      %swap3A_219 = arith.constant 112 : index
      %swap3A_220 = tpu.vector_load %arg7[%swap3A_218, %swap3A_219] {strides = array<i32>} : memref<200x256xf32, #tpu.memory_space<vmem>>, vector<1x16xf32>,
      %swap3A_221 = vector.shape_cast %swap3A_220 : vector<1x16xf32> to vector<16xf32>
      %swap3A_222 = vector.shape_cast %gather3A_217 : vector<16xf32> to vector<1x16xf32>
      tpu.vector_store %arg7[%swap3A_218, %swap3A_219], %swap3A_222 {strides = array<i32>} : memref<200x256xf32, #tpu.memory_space<vmem>>, vector<1x16xf32>,
      %get3A_223 = arith.index_cast %scan3A_80 : i32 to index
      %get3A_224 = arith.constant 128 : index
      %get3A_225 = tpu.vector_load %arg6[%get3A_223, %get3A_224] {strides = array<i32>} : memref<200x256xi32, #tpu.memory_space<vmem>>, vector<1x16xi32>,
      %get3A_226 = vector.shape_cast %get3A_225 : vector<1x16xi32> to vector<16xi32>
      %mul3A_227 = arith.constant 5 : i32
      %mul3A_228 = vector.broadcast %mul3A_227 : i32 to vector<16xi32>
      %mul3A_229 = arith.muli %get3A_226, %mul3A_228 : vector<16xi32>
      %add3A_230 = arith.constant 2 : i32
      %add3A_231 = vector.broadcast %add3A_230 : i32 to vector<16xi32>
      %add3A_232 = arith.addi %mul3A_229, %add3A_231 : vector<16xi32>
      %reshape3A_233 = vector.shape_cast %add3A_232 : vector<16xi32> to vector<16x1xi32>
      %gather3A_234 = vector.shape_cast %reshape3A_233 : vector<16x1xi32> to vector<16xi32>
      %gather3A_235 = tpu.dynamic_gather %get3A_2[%gather3A_234] in [0] : vector<16xf32>, vector<16xi32> -> vector<16xf32>
      %swap3A_236 = arith.index_cast %scan3A_80 : i32 to index
      %swap3A_237 = arith.constant 128 : index
      %swap3A_238 = tpu.vector_load %arg7[%swap3A_236, %swap3A_237] {strides = array<i32>} : memref<200x256xf32, #tpu.memory_space<vmem>>, vector<1x16xf32>,
      %swap3A_239 = vector.shape_cast %swap3A_238 : vector<1x16xf32> to vector<16xf32>
      %swap3A_240 = vector.shape_cast %gather3A_235 : vector<16xf32> to vector<1x16xf32>
      tpu.vector_store %arg7[%swap3A_236, %swap3A_237], %swap3A_240 {strides = array<i32>} : memref<200x256xf32, #tpu.memory_space<vmem>>, vector<1x16xf32>,
      %get3A_241 = arith.index_cast %scan3A_80 : i32 to index
      %get3A_242 = arith.constant 144 : index
      %get3A_243 = tpu.vector_load %arg6[%get3A_241, %get3A_242] {strides = array<i32>} : memref<200x256xi32, #tpu.memory_space<vmem>>, vector<1x16xi32>,
      %get3A_244 = vector.shape_cast %get3A_243 : vector<1x16xi32> to vector<16xi32>
      %mul3A_245 = arith.constant 5 : i32
      %mul3A_246 = vector.broadcast %mul3A_245 : i32 to vector<16xi32>
      %mul3A_247 = arith.muli %get3A_244, %mul3A_246 : vector<16xi32>
      %add3A_248 = arith.constant 2 : i32
      %add3A_249 = vector.broadcast %add3A_248 : i32 to vector<16xi32>
      %add3A_250 = arith.addi %mul3A_247, %add3A_249 : vector<16xi32>
      %reshape3A_251 = vector.shape_cast %add3A_250 : vector<16xi32> to vector<16x1xi32>
      %gather3A_252 = vector.shape_cast %reshape3A_251 : vector<16x1xi32> to vector<16xi32>
      %gather3A_253 = tpu.dynamic_gather %get3A_2[%gather3A_252] in [0] : vector<16xf32>, vector<16xi32> -> vector<16xf32>
      %swap3A_254 = arith.index_cast %scan3A_80 : i32 to index
      %swap3A_255 = arith.constant 144 : index
      %swap3A_256 = tpu.vector_load %arg7[%swap3A_254, %swap3A_255] {strides = array<i32>} : memref<200x256xf32, #tpu.memory_space<vmem>>, vector<1x16xf32>,
      %swap3A_257 = vector.shape_cast %swap3A_256 : vector<1x16xf32> to vector<16xf32>
      %swap3A_258 = vector.shape_cast %gather3A_253 : vector<16xf32> to vector<1x16xf32>
      tpu.vector_store %arg7[%swap3A_254, %swap3A_255], %swap3A_258 {strides = array<i32>} : memref<200x256xf32, #tpu.memory_space<vmem>>, vector<1x16xf32>,
      %get3A_259 = arith.index_cast %scan3A_80 : i32 to index
      %get3A_260 = arith.constant 160 : index
      %get3A_261 = tpu.vector_load %arg6[%get3A_259, %get3A_260] {strides = array<i32>} : memref<200x256xi32, #tpu.memory_space<vmem>>, vector<1x16xi32>,
      %get3A_262 = vector.shape_cast %get3A_261 : vector<1x16xi32> to vector<16xi32>
      %mul3A_263 = arith.constant 5 : i32
      %mul3A_264 = vector.broadcast %mul3A_263 : i32 to vector<16xi32>
      %mul3A_265 = arith.muli %get3A_262, %mul3A_264 : vector<16xi32>
      %add3A_266 = arith.constant 2 : i32
      %add3A_267 = vector.broadcast %add3A_266 : i32 to vector<16xi32>
      %add3A_268 = arith.addi %mul3A_265, %add3A_267 : vector<16xi32>
      %reshape3A_269 = vector.shape_cast %add3A_268 : vector<16xi32> to vector<16x1xi32>
      %gather3A_270 = vector.shape_cast %reshape3A_269 : vector<16x1xi32> to vector<16xi32>
      %gather3A_271 = tpu.dynamic_gather %get3A_2[%gather3A_270] in [0] : vector<16xf32>, vector<16xi32> -> vector<16xf32>
      %swap3A_272 = arith.index_cast %scan3A_80 : i32 to index
      %swap3A_273 = arith.constant 160 : index
      %swap3A_274 = tpu.vector_load %arg7[%swap3A_272, %swap3A_273] {strides = array<i32>} : memref<200x256xf32, #tpu.memory_space<vmem>>, vector<1x16xf32>,
      %swap3A_275 = vector.shape_cast %swap3A_274 : vector<1x16xf32> to vector<16xf32>
      %swap3A_276 = vector.shape_cast %gather3A_271 : vector<16xf32> to vector<1x16xf32>
      tpu.vector_store %arg7[%swap3A_272, %swap3A_273], %swap3A_276 {strides = array<i32>} : memref<200x256xf32, #tpu.memory_space<vmem>>, vector<1x16xf32>,
      %get3A_277 = arith.index_cast %scan3A_80 : i32 to index
      %get3A_278 = arith.constant 176 : index
      %get3A_279 = tpu.vector_load %arg6[%get3A_277, %get3A_278] {strides = array<i32>} : memref<200x256xi32, #tpu.memory_space<vmem>>, vector<1x16xi32>,
      %get3A_280 = vector.shape_cast %get3A_279 : vector<1x16xi32> to vector<16xi32>
      %mul3A_281 = arith.constant 5 : i32
      %mul3A_282 = vector.broadcast %mul3A_281 : i32 to vector<16xi32>
      %mul3A_283 = arith.muli %get3A_280, %mul3A_282 : vector<16xi32>
      %add3A_284 = arith.constant 2 : i32
      %add3A_285 = vector.broadcast %add3A_284 : i32 to vector<16xi32>
      %add3A_286 = arith.addi %mul3A_283, %add3A_285 : vector<16xi32>
      %reshape3A_287 = vector.shape_cast %add3A_286 : vector<16xi32> to vector<16x1xi32>
      %gather3A_288 = vector.shape_cast %reshape3A_287 : vector<16x1xi32> to vector<16xi32>
      %gather3A_289 = tpu.dynamic_gather %get3A_2[%gather3A_288] in [0] : vector<16xf32>, vector<16xi32> -> vector<16xf32>
      %swap3A_290 = arith.index_cast %scan3A_80 : i32 to index
      %swap3A_291 = arith.constant 176 : index
      %swap3A_292 = tpu.vector_load %arg7[%swap3A_290, %swap3A_291] {strides = array<i32>} : memref<200x256xf32, #tpu.memory_space<vmem>>, vector<1x16xf32>,
      %swap3A_293 = vector.shape_cast %swap3A_292 : vector<1x16xf32> to vector<16xf32>
      %swap3A_294 = vector.shape_cast %gather3A_289 : vector<16xf32> to vector<1x16xf32>
      tpu.vector_store %arg7[%swap3A_290, %swap3A_291], %swap3A_294 {strides = array<i32>} : memref<200x256xf32, #tpu.memory_space<vmem>>, vector<1x16xf32>,
      %get3A_295 = arith.index_cast %scan3A_80 : i32 to index
      %get3A_296 = arith.constant 192 : index
      %get3A_297 = tpu.vector_load %arg6[%get3A_295, %get3A_296] {strides = array<i32>} : memref<200x256xi32, #tpu.memory_space<vmem>>, vector<1x16xi32>,
      %get3A_298 = vector.shape_cast %get3A_297 : vector<1x16xi32> to vector<16xi32>
      %mul3A_299 = arith.constant 5 : i32
      %mul3A_300 = vector.broadcast %mul3A_299 : i32 to vector<16xi32>
      %mul3A_301 = arith.muli %get3A_298, %mul3A_300 : vector<16xi32>
      %add3A_302 = arith.constant 2 : i32
      %add3A_303 = vector.broadcast %add3A_302 : i32 to vector<16xi32>
      %add3A_304 = arith.addi %mul3A_301, %add3A_303 : vector<16xi32>
      %reshape3A_305 = vector.shape_cast %add3A_304 : vector<16xi32> to vector<16x1xi32>
      %gather3A_306 = vector.shape_cast %reshape3A_305 : vector<16x1xi32> to vector<16xi32>
      %gather3A_307 = tpu.dynamic_gather %get3A_2[%gather3A_306] in [0] : vector<16xf32>, vector<16xi32> -> vector<16xf32>
      %swap3A_308 = arith.index_cast %scan3A_80 : i32 to index
      %swap3A_309 = arith.constant 192 : index
      %swap3A_310 = tpu.vector_load %arg7[%swap3A_308, %swap3A_309] {strides = array<i32>} : memref<200x256xf32, #tpu.memory_space<vmem>>, vector<1x16xf32>,
      %swap3A_311 = vector.shape_cast %swap3A_310 : vector<1x16xf32> to vector<16xf32>
      %swap3A_312 = vector.shape_cast %gather3A_307 : vector<16xf32> to vector<1x16xf32>
      tpu.vector_store %arg7[%swap3A_308, %swap3A_309], %swap3A_312 {strides = array<i32>} : memref<200x256xf32, #tpu.memory_space<vmem>>, vector<1x16xf32>,
      %get3A_313 = arith.index_cast %scan3A_80 : i32 to index
      %get3A_314 = arith.constant 208 : index
      %get3A_315 = tpu.vector_load %arg6[%get3A_313, %get3A_314] {strides = array<i32>} : memref<200x256xi32, #tpu.memory_space<vmem>>, vector<1x16xi32>,
      %get3A_316 = vector.shape_cast %get3A_315 : vector<1x16xi32> to vector<16xi32>
      %mul3A_317 = arith.constant 5 : i32
      %mul3A_318 = vector.broadcast %mul3A_317 : i32 to vector<16xi32>
      %mul3A_319 = arith.muli %get3A_316, %mul3A_318 : vector<16xi32>
      %add3A_320 = arith.constant 2 : i32
      %add3A_321 = vector.broadcast %add3A_320 : i32 to vector<16xi32>
      %add3A_322 = arith.addi %mul3A_319, %add3A_321 : vector<16xi32>
      %reshape3A_323 = vector.shape_cast %add3A_322 : vector<16xi32> to vector<16x1xi32>
      %gather3A_324 = vector.shape_cast %reshape3A_323 : vector<16x1xi32> to vector<16xi32>
      %gather3A_325 = tpu.dynamic_gather %get3A_2[%gather3A_324] in [0] : vector<16xf32>, vector<16xi32> -> vector<16xf32>
      %swap3A_326 = arith.index_cast %scan3A_80 : i32 to index
      %swap3A_327 = arith.constant 208 : index
      %swap3A_328 = tpu.vector_load %arg7[%swap3A_326, %swap3A_327] {strides = array<i32>} : memref<200x256xf32, #tpu.memory_space<vmem>>, vector<1x16xf32>,
      %swap3A_329 = vector.shape_cast %swap3A_328 : vector<1x16xf32> to vector<16xf32>
      %swap3A_330 = vector.shape_cast %gather3A_325 : vector<16xf32> to vector<1x16xf32>
      tpu.vector_store %arg7[%swap3A_326, %swap3A_327], %swap3A_330 {strides = array<i32>} : memref<200x256xf32, #tpu.memory_space<vmem>>, vector<1x16xf32>,
      %get3A_331 = arith.index_cast %scan3A_80 : i32 to index
      %get3A_332 = arith.constant 224 : index
      %get3A_333 = tpu.vector_load %arg6[%get3A_331, %get3A_332] {strides = array<i32>} : memref<200x256xi32, #tpu.memory_space<vmem>>, vector<1x16xi32>,
      %get3A_334 = vector.shape_cast %get3A_333 : vector<1x16xi32> to vector<16xi32>
      %mul3A_335 = arith.constant 5 : i32
      %mul3A_336 = vector.broadcast %mul3A_335 : i32 to vector<16xi32>
      %mul3A_337 = arith.muli %get3A_334, %mul3A_336 : vector<16xi32>
      %add3A_338 = arith.constant 2 : i32
      %add3A_339 = vector.broadcast %add3A_338 : i32 to vector<16xi32>
      %add3A_340 = arith.addi %mul3A_337, %add3A_339 : vector<16xi32>
      %reshape3A_341 = vector.shape_cast %add3A_340 : vector<16xi32> to vector<16x1xi32>
      %gather3A_342 = vector.shape_cast %reshape3A_341 : vector<16x1xi32> to vector<16xi32>
      %gather3A_343 = tpu.dynamic_gather %get3A_2[%gather3A_342] in [0] : vector<16xf32>, vector<16xi32> -> vector<16xf32>
      %swap3A_344 = arith.index_cast %scan3A_80 : i32 to index
      %swap3A_345 = arith.constant 224 : index
      %swap3A_346 = tpu.vector_load %arg7[%swap3A_344, %swap3A_345] {strides = array<i32>} : memref<200x256xf32, #tpu.memory_space<vmem>>, vector<1x16xf32>,
      %swap3A_347 = vector.shape_cast %swap3A_346 : vector<1x16xf32> to vector<16xf32>
      %swap3A_348 = vector.shape_cast %gather3A_343 : vector<16xf32> to vector<1x16xf32>
      tpu.vector_store %arg7[%swap3A_344, %swap3A_345], %swap3A_348 {strides = array<i32>} : memref<200x256xf32, #tpu.memory_space<vmem>>, vector<1x16xf32>,
      %get3A_349 = arith.index_cast %scan3A_80 : i32 to index
      %get3A_350 = arith.constant 240 : index
      %get3A_351 = tpu.vector_load %arg6[%get3A_349, %get3A_350] {strides = array<i32>} : memref<200x256xi32, #tpu.memory_space<vmem>>, vector<1x16xi32>,
      %get3A_352 = vector.shape_cast %get3A_351 : vector<1x16xi32> to vector<16xi32>
      %mul3A_353 = arith.constant 5 : i32
      %mul3A_354 = vector.broadcast %mul3A_353 : i32 to vector<16xi32>
      %mul3A_355 = arith.muli %get3A_352, %mul3A_354 : vector<16xi32>
      %add3A_356 = arith.constant 2 : i32
      %add3A_357 = vector.broadcast %add3A_356 : i32 to vector<16xi32>
      %add3A_358 = arith.addi %mul3A_355, %add3A_357 : vector<16xi32>
      %reshape3A_359 = vector.shape_cast %add3A_358 : vector<16xi32> to vector<16x1xi32>
      %gather3A_360 = vector.shape_cast %reshape3A_359 : vector<16x1xi32> to vector<16xi32>
      %gather3A_361 = tpu.dynamic_gather %get3A_2[%gather3A_360] in [0] : vector<16xf32>, vector<16xi32> -> vector<16xf32>
      %swap3A_362 = arith.index_cast %scan3A_80 : i32 to index
      %swap3A_363 = arith.constant 240 : index
      %swap3A_364 = tpu.vector_load %arg7[%swap3A_362, %swap3A_363] {strides = array<i32>} : memref<200x256xf32, #tpu.memory_space<vmem>>, vector<1x16xf32>,
      %swap3A_365 = vector.shape_cast %swap3A_364 : vector<1x16xf32> to vector<16xf32>
      %swap3A_366 = vector.shape_cast %gather3A_361 : vector<16xf32> to vector<1x16xf32>
      tpu.vector_store %arg7[%swap3A_362, %swap3A_363], %swap3A_366 {strides = array<i32>} : memref<200x256xf32, #tpu.memory_space<vmem>>, vector<1x16xf32>,
      %scan3A_367 = arith.constant 0 : i32
      scf.yield %scan3A_367 : i32
    }
    %scan3A_26 = arith.constant 200 : i32
    "tpu.region"() ({
      %run_scoped3A = tpu.sem_alloc : memref<!tpu.dma_semaphore, #tpu.memory_space<semaphore_mem>>
      %dma_start3A = arith.constant 400 : i32
      %dma_start3A_80 = tpu.memref_slice %arg4[%dma_start3A, %add3A_6] : memref<1000x16384xf32, #tpu.memory_space<hbm>> -> memref<200x256xf32, #tpu.memory_space<hbm>>
      %dma_start3A_81 = arith.constant 400 : i32
      %dma_start3A_82 = tpu.memref_slice %arg4[%dma_start3A_81, %add3A_6] : memref<1000x16384xf32, #tpu.memory_space<hbm>> -> memref<200x256xf32, #tpu.memory_space<hbm>>
      tpu.enqueue_dma source(%arg7 : memref<200x256xf32, #tpu.memory_space<vmem>>) target(%dma_start3A_82 : memref<200x256xf32, #tpu.memory_space<hbm>>) target_semaphore(%run_scoped3A : memref<!tpu.dma_semaphore, #tpu.memory_space<semaphore_mem>>)
      %dma_wait3A = arith.constant 400 : i32
      %dma_wait3A_83 = tpu.memref_slice %arg4[%dma_wait3A, %add3A_6] : memref<1000x16384xf32, #tpu.memory_space<hbm>> -> memref<200x256xf32, #tpu.memory_space<hbm>>
      %dma_wait3A_84 = arith.constant 400 : i32
      %dma_wait3A_85 = tpu.memref_slice %arg4[%dma_wait3A_84, %add3A_6] : memref<1000x16384xf32, #tpu.memory_space<hbm>> -> memref<200x256xf32, #tpu.memory_space<hbm>>
      tpu.wait_dma2 semaphore(%run_scoped3A : memref<!tpu.dma_semaphore, #tpu.memory_space<semaphore_mem>>) src(%arg7 : memref<200x256xf32, #tpu.memory_space<vmem>>) dst(%dma_wait3A_85 : memref<200x256xf32, #tpu.memory_space<hbm>>)
      tpu.yield
    }) : () -> ()
    %scan3A_27 = arith.constant 0 : i32
    %scan3A_28 = arith.constant 0 : i32
    %scan3A_29 = arith.constant 200 : i32
    %scan3A_30 = arith.addi %scan3A_28, %scan3A_29 : i32
    %scan3A_31 = arith.constant 1 : i32
    %scan3A_32 = scf.for %scan3A_80 = %scan3A_28 to %scan3A_30 step %scan3A_31 iter_args(%scan3A_81 = %scan3A_27) -> (i32)  : i32 {
      %get3A_82 = arith.index_cast %scan3A_80 : i32 to index
      %get3A_83 = arith.constant 0 : index
      %get3A_84 = tpu.vector_load %arg6[%get3A_82, %get3A_83] {strides = array<i32>} : memref<200x256xi32, #tpu.memory_space<vmem>>, vector<1x16xi32>,
      %get3A_85 = vector.shape_cast %get3A_84 : vector<1x16xi32> to vector<16xi32>
      %mul3A_86 = arith.constant 5 : i32
      %mul3A_87 = vector.broadcast %mul3A_86 : i32 to vector<16xi32>
      %mul3A_88 = arith.muli %get3A_85, %mul3A_87 : vector<16xi32>
      %add3A_89 = arith.constant 3 : i32
      %add3A_90 = vector.broadcast %add3A_89 : i32 to vector<16xi32>
      %add3A_91 = arith.addi %mul3A_88, %add3A_90 : vector<16xi32>
      %reshape3A = vector.shape_cast %add3A_91 : vector<16xi32> to vector<16x1xi32>
      %gather3A = vector.shape_cast %reshape3A : vector<16x1xi32> to vector<16xi32>
      %gather3A_92 = tpu.dynamic_gather %get3A_2[%gather3A] in [0] : vector<16xf32>, vector<16xi32> -> vector<16xf32>
      %swap3A = arith.index_cast %scan3A_80 : i32 to index
      %swap3A_93 = arith.constant 0 : index
      %swap3A_94 = tpu.vector_load %arg7[%swap3A, %swap3A_93] {strides = array<i32>} : memref<200x256xf32, #tpu.memory_space<vmem>>, vector<1x16xf32>,
      %swap3A_95 = vector.shape_cast %swap3A_94 : vector<1x16xf32> to vector<16xf32>
      %swap3A_96 = vector.shape_cast %gather3A_92 : vector<16xf32> to vector<1x16xf32>
      tpu.vector_store %arg7[%swap3A, %swap3A_93], %swap3A_96 {strides = array<i32>} : memref<200x256xf32, #tpu.memory_space<vmem>>, vector<1x16xf32>,
      %get3A_97 = arith.index_cast %scan3A_80 : i32 to index
      %get3A_98 = arith.constant 16 : index
      %get3A_99 = tpu.vector_load %arg6[%get3A_97, %get3A_98] {strides = array<i32>} : memref<200x256xi32, #tpu.memory_space<vmem>>, vector<1x16xi32>,
      %get3A_100 = vector.shape_cast %get3A_99 : vector<1x16xi32> to vector<16xi32>
      %mul3A_101 = arith.constant 5 : i32
      %mul3A_102 = vector.broadcast %mul3A_101 : i32 to vector<16xi32>
      %mul3A_103 = arith.muli %get3A_100, %mul3A_102 : vector<16xi32>
      %add3A_104 = arith.constant 3 : i32
      %add3A_105 = vector.broadcast %add3A_104 : i32 to vector<16xi32>
      %add3A_106 = arith.addi %mul3A_103, %add3A_105 : vector<16xi32>
      %reshape3A_107 = vector.shape_cast %add3A_106 : vector<16xi32> to vector<16x1xi32>
      %gather3A_108 = vector.shape_cast %reshape3A_107 : vector<16x1xi32> to vector<16xi32>
      %gather3A_109 = tpu.dynamic_gather %get3A_2[%gather3A_108] in [0] : vector<16xf32>, vector<16xi32> -> vector<16xf32>
      %swap3A_110 = arith.index_cast %scan3A_80 : i32 to index
      %swap3A_111 = arith.constant 16 : index
      %swap3A_112 = tpu.vector_load %arg7[%swap3A_110, %swap3A_111] {strides = array<i32>} : memref<200x256xf32, #tpu.memory_space<vmem>>, vector<1x16xf32>,
      %swap3A_113 = vector.shape_cast %swap3A_112 : vector<1x16xf32> to vector<16xf32>
      %swap3A_114 = vector.shape_cast %gather3A_109 : vector<16xf32> to vector<1x16xf32>
      tpu.vector_store %arg7[%swap3A_110, %swap3A_111], %swap3A_114 {strides = array<i32>} : memref<200x256xf32, #tpu.memory_space<vmem>>, vector<1x16xf32>,
      %get3A_115 = arith.index_cast %scan3A_80 : i32 to index
      %get3A_116 = arith.constant 32 : index
      %get3A_117 = tpu.vector_load %arg6[%get3A_115, %get3A_116] {strides = array<i32>} : memref<200x256xi32, #tpu.memory_space<vmem>>, vector<1x16xi32>,
      %get3A_118 = vector.shape_cast %get3A_117 : vector<1x16xi32> to vector<16xi32>
      %mul3A_119 = arith.constant 5 : i32
      %mul3A_120 = vector.broadcast %mul3A_119 : i32 to vector<16xi32>
      %mul3A_121 = arith.muli %get3A_118, %mul3A_120 : vector<16xi32>
      %add3A_122 = arith.constant 3 : i32
      %add3A_123 = vector.broadcast %add3A_122 : i32 to vector<16xi32>
      %add3A_124 = arith.addi %mul3A_121, %add3A_123 : vector<16xi32>
      %reshape3A_125 = vector.shape_cast %add3A_124 : vector<16xi32> to vector<16x1xi32>
      %gather3A_126 = vector.shape_cast %reshape3A_125 : vector<16x1xi32> to vector<16xi32>
      %gather3A_127 = tpu.dynamic_gather %get3A_2[%gather3A_126] in [0] : vector<16xf32>, vector<16xi32> -> vector<16xf32>
      %swap3A_128 = arith.index_cast %scan3A_80 : i32 to index
      %swap3A_129 = arith.constant 32 : index
      %swap3A_130 = tpu.vector_load %arg7[%swap3A_128, %swap3A_129] {strides = array<i32>} : memref<200x256xf32, #tpu.memory_space<vmem>>, vector<1x16xf32>,
      %swap3A_131 = vector.shape_cast %swap3A_130 : vector<1x16xf32> to vector<16xf32>
      %swap3A_132 = vector.shape_cast %gather3A_127 : vector<16xf32> to vector<1x16xf32>
      tpu.vector_store %arg7[%swap3A_128, %swap3A_129], %swap3A_132 {strides = array<i32>} : memref<200x256xf32, #tpu.memory_space<vmem>>, vector<1x16xf32>,
      %get3A_133 = arith.index_cast %scan3A_80 : i32 to index
      %get3A_134 = arith.constant 48 : index
      %get3A_135 = tpu.vector_load %arg6[%get3A_133, %get3A_134] {strides = array<i32>} : memref<200x256xi32, #tpu.memory_space<vmem>>, vector<1x16xi32>,
      %get3A_136 = vector.shape_cast %get3A_135 : vector<1x16xi32> to vector<16xi32>
      %mul3A_137 = arith.constant 5 : i32
      %mul3A_138 = vector.broadcast %mul3A_137 : i32 to vector<16xi32>
      %mul3A_139 = arith.muli %get3A_136, %mul3A_138 : vector<16xi32>
      %add3A_140 = arith.constant 3 : i32
      %add3A_141 = vector.broadcast %add3A_140 : i32 to vector<16xi32>
      %add3A_142 = arith.addi %mul3A_139, %add3A_141 : vector<16xi32>
      %reshape3A_143 = vector.shape_cast %add3A_142 : vector<16xi32> to vector<16x1xi32>
      %gather3A_144 = vector.shape_cast %reshape3A_143 : vector<16x1xi32> to vector<16xi32>
      %gather3A_145 = tpu.dynamic_gather %get3A_2[%gather3A_144] in [0] : vector<16xf32>, vector<16xi32> -> vector<16xf32>
      %swap3A_146 = arith.index_cast %scan3A_80 : i32 to index
      %swap3A_147 = arith.constant 48 : index
      %swap3A_148 = tpu.vector_load %arg7[%swap3A_146, %swap3A_147] {strides = array<i32>} : memref<200x256xf32, #tpu.memory_space<vmem>>, vector<1x16xf32>,
      %swap3A_149 = vector.shape_cast %swap3A_148 : vector<1x16xf32> to vector<16xf32>
      %swap3A_150 = vector.shape_cast %gather3A_145 : vector<16xf32> to vector<1x16xf32>
      tpu.vector_store %arg7[%swap3A_146, %swap3A_147], %swap3A_150 {strides = array<i32>} : memref<200x256xf32, #tpu.memory_space<vmem>>, vector<1x16xf32>,
      %get3A_151 = arith.index_cast %scan3A_80 : i32 to index
      %get3A_152 = arith.constant 64 : index
      %get3A_153 = tpu.vector_load %arg6[%get3A_151, %get3A_152] {strides = array<i32>} : memref<200x256xi32, #tpu.memory_space<vmem>>, vector<1x16xi32>,
      %get3A_154 = vector.shape_cast %get3A_153 : vector<1x16xi32> to vector<16xi32>
      %mul3A_155 = arith.constant 5 : i32
      %mul3A_156 = vector.broadcast %mul3A_155 : i32 to vector<16xi32>
      %mul3A_157 = arith.muli %get3A_154, %mul3A_156 : vector<16xi32>
      %add3A_158 = arith.constant 3 : i32
      %add3A_159 = vector.broadcast %add3A_158 : i32 to vector<16xi32>
      %add3A_160 = arith.addi %mul3A_157, %add3A_159 : vector<16xi32>
      %reshape3A_161 = vector.shape_cast %add3A_160 : vector<16xi32> to vector<16x1xi32>
      %gather3A_162 = vector.shape_cast %reshape3A_161 : vector<16x1xi32> to vector<16xi32>
      %gather3A_163 = tpu.dynamic_gather %get3A_2[%gather3A_162] in [0] : vector<16xf32>, vector<16xi32> -> vector<16xf32>
      %swap3A_164 = arith.index_cast %scan3A_80 : i32 to index
      %swap3A_165 = arith.constant 64 : index
      %swap3A_166 = tpu.vector_load %arg7[%swap3A_164, %swap3A_165] {strides = array<i32>} : memref<200x256xf32, #tpu.memory_space<vmem>>, vector<1x16xf32>,
      %swap3A_167 = vector.shape_cast %swap3A_166 : vector<1x16xf32> to vector<16xf32>
      %swap3A_168 = vector.shape_cast %gather3A_163 : vector<16xf32> to vector<1x16xf32>
      tpu.vector_store %arg7[%swap3A_164, %swap3A_165], %swap3A_168 {strides = array<i32>} : memref<200x256xf32, #tpu.memory_space<vmem>>, vector<1x16xf32>,
      %get3A_169 = arith.index_cast %scan3A_80 : i32 to index
      %get3A_170 = arith.constant 80 : index
      %get3A_171 = tpu.vector_load %arg6[%get3A_169, %get3A_170] {strides = array<i32>} : memref<200x256xi32, #tpu.memory_space<vmem>>, vector<1x16xi32>,
      %get3A_172 = vector.shape_cast %get3A_171 : vector<1x16xi32> to vector<16xi32>
      %mul3A_173 = arith.constant 5 : i32
      %mul3A_174 = vector.broadcast %mul3A_173 : i32 to vector<16xi32>
      %mul3A_175 = arith.muli %get3A_172, %mul3A_174 : vector<16xi32>
      %add3A_176 = arith.constant 3 : i32
      %add3A_177 = vector.broadcast %add3A_176 : i32 to vector<16xi32>
      %add3A_178 = arith.addi %mul3A_175, %add3A_177 : vector<16xi32>
      %reshape3A_179 = vector.shape_cast %add3A_178 : vector<16xi32> to vector<16x1xi32>
      %gather3A_180 = vector.shape_cast %reshape3A_179 : vector<16x1xi32> to vector<16xi32>
      %gather3A_181 = tpu.dynamic_gather %get3A_2[%gather3A_180] in [0] : vector<16xf32>, vector<16xi32> -> vector<16xf32>
      %swap3A_182 = arith.index_cast %scan3A_80 : i32 to index
      %swap3A_183 = arith.constant 80 : index
      %swap3A_184 = tpu.vector_load %arg7[%swap3A_182, %swap3A_183] {strides = array<i32>} : memref<200x256xf32, #tpu.memory_space<vmem>>, vector<1x16xf32>,
      %swap3A_185 = vector.shape_cast %swap3A_184 : vector<1x16xf32> to vector<16xf32>
      %swap3A_186 = vector.shape_cast %gather3A_181 : vector<16xf32> to vector<1x16xf32>
      tpu.vector_store %arg7[%swap3A_182, %swap3A_183], %swap3A_186 {strides = array<i32>} : memref<200x256xf32, #tpu.memory_space<vmem>>, vector<1x16xf32>,
      %get3A_187 = arith.index_cast %scan3A_80 : i32 to index
      %get3A_188 = arith.constant 96 : index
      %get3A_189 = tpu.vector_load %arg6[%get3A_187, %get3A_188] {strides = array<i32>} : memref<200x256xi32, #tpu.memory_space<vmem>>, vector<1x16xi32>,
      %get3A_190 = vector.shape_cast %get3A_189 : vector<1x16xi32> to vector<16xi32>
      %mul3A_191 = arith.constant 5 : i32
      %mul3A_192 = vector.broadcast %mul3A_191 : i32 to vector<16xi32>
      %mul3A_193 = arith.muli %get3A_190, %mul3A_192 : vector<16xi32>
      %add3A_194 = arith.constant 3 : i32
      %add3A_195 = vector.broadcast %add3A_194 : i32 to vector<16xi32>
      %add3A_196 = arith.addi %mul3A_193, %add3A_195 : vector<16xi32>
      %reshape3A_197 = vector.shape_cast %add3A_196 : vector<16xi32> to vector<16x1xi32>
      %gather3A_198 = vector.shape_cast %reshape3A_197 : vector<16x1xi32> to vector<16xi32>
      %gather3A_199 = tpu.dynamic_gather %get3A_2[%gather3A_198] in [0] : vector<16xf32>, vector<16xi32> -> vector<16xf32>
      %swap3A_200 = arith.index_cast %scan3A_80 : i32 to index
      %swap3A_201 = arith.constant 96 : index
      %swap3A_202 = tpu.vector_load %arg7[%swap3A_200, %swap3A_201] {strides = array<i32>} : memref<200x256xf32, #tpu.memory_space<vmem>>, vector<1x16xf32>,
      %swap3A_203 = vector.shape_cast %swap3A_202 : vector<1x16xf32> to vector<16xf32>
      %swap3A_204 = vector.shape_cast %gather3A_199 : vector<16xf32> to vector<1x16xf32>
      tpu.vector_store %arg7[%swap3A_200, %swap3A_201], %swap3A_204 {strides = array<i32>} : memref<200x256xf32, #tpu.memory_space<vmem>>, vector<1x16xf32>,
      %get3A_205 = arith.index_cast %scan3A_80 : i32 to index
      %get3A_206 = arith.constant 112 : index
      %get3A_207 = tpu.vector_load %arg6[%get3A_205, %get3A_206] {strides = array<i32>} : memref<200x256xi32, #tpu.memory_space<vmem>>, vector<1x16xi32>,
      %get3A_208 = vector.shape_cast %get3A_207 : vector<1x16xi32> to vector<16xi32>
      %mul3A_209 = arith.constant 5 : i32
      %mul3A_210 = vector.broadcast %mul3A_209 : i32 to vector<16xi32>
      %mul3A_211 = arith.muli %get3A_208, %mul3A_210 : vector<16xi32>
      %add3A_212 = arith.constant 3 : i32
      %add3A_213 = vector.broadcast %add3A_212 : i32 to vector<16xi32>
      %add3A_214 = arith.addi %mul3A_211, %add3A_213 : vector<16xi32>
      %reshape3A_215 = vector.shape_cast %add3A_214 : vector<16xi32> to vector<16x1xi32>
      %gather3A_216 = vector.shape_cast %reshape3A_215 : vector<16x1xi32> to vector<16xi32>
      %gather3A_217 = tpu.dynamic_gather %get3A_2[%gather3A_216] in [0] : vector<16xf32>, vector<16xi32> -> vector<16xf32>
      %swap3A_218 = arith.index_cast %scan3A_80 : i32 to index
      %swap3A_219 = arith.constant 112 : index
      %swap3A_220 = tpu.vector_load %arg7[%swap3A_218, %swap3A_219] {strides = array<i32>} : memref<200x256xf32, #tpu.memory_space<vmem>>, vector<1x16xf32>,
      %swap3A_221 = vector.shape_cast %swap3A_220 : vector<1x16xf32> to vector<16xf32>
      %swap3A_222 = vector.shape_cast %gather3A_217 : vector<16xf32> to vector<1x16xf32>
      tpu.vector_store %arg7[%swap3A_218, %swap3A_219], %swap3A_222 {strides = array<i32>} : memref<200x256xf32, #tpu.memory_space<vmem>>, vector<1x16xf32>,
      %get3A_223 = arith.index_cast %scan3A_80 : i32 to index
      %get3A_224 = arith.constant 128 : index
      %get3A_225 = tpu.vector_load %arg6[%get3A_223, %get3A_224] {strides = array<i32>} : memref<200x256xi32, #tpu.memory_space<vmem>>, vector<1x16xi32>,
      %get3A_226 = vector.shape_cast %get3A_225 : vector<1x16xi32> to vector<16xi32>
      %mul3A_227 = arith.constant 5 : i32
      %mul3A_228 = vector.broadcast %mul3A_227 : i32 to vector<16xi32>
      %mul3A_229 = arith.muli %get3A_226, %mul3A_228 : vector<16xi32>
      %add3A_230 = arith.constant 3 : i32
      %add3A_231 = vector.broadcast %add3A_230 : i32 to vector<16xi32>
      %add3A_232 = arith.addi %mul3A_229, %add3A_231 : vector<16xi32>
      %reshape3A_233 = vector.shape_cast %add3A_232 : vector<16xi32> to vector<16x1xi32>
      %gather3A_234 = vector.shape_cast %reshape3A_233 : vector<16x1xi32> to vector<16xi32>
      %gather3A_235 = tpu.dynamic_gather %get3A_2[%gather3A_234] in [0] : vector<16xf32>, vector<16xi32> -> vector<16xf32>
      %swap3A_236 = arith.index_cast %scan3A_80 : i32 to index
      %swap3A_237 = arith.constant 128 : index
      %swap3A_238 = tpu.vector_load %arg7[%swap3A_236, %swap3A_237] {strides = array<i32>} : memref<200x256xf32, #tpu.memory_space<vmem>>, vector<1x16xf32>,
      %swap3A_239 = vector.shape_cast %swap3A_238 : vector<1x16xf32> to vector<16xf32>
      %swap3A_240 = vector.shape_cast %gather3A_235 : vector<16xf32> to vector<1x16xf32>
      tpu.vector_store %arg7[%swap3A_236, %swap3A_237], %swap3A_240 {strides = array<i32>} : memref<200x256xf32, #tpu.memory_space<vmem>>, vector<1x16xf32>,
      %get3A_241 = arith.index_cast %scan3A_80 : i32 to index
      %get3A_242 = arith.constant 144 : index
      %get3A_243 = tpu.vector_load %arg6[%get3A_241, %get3A_242] {strides = array<i32>} : memref<200x256xi32, #tpu.memory_space<vmem>>, vector<1x16xi32>,
      %get3A_244 = vector.shape_cast %get3A_243 : vector<1x16xi32> to vector<16xi32>
      %mul3A_245 = arith.constant 5 : i32
      %mul3A_246 = vector.broadcast %mul3A_245 : i32 to vector<16xi32>
      %mul3A_247 = arith.muli %get3A_244, %mul3A_246 : vector<16xi32>
      %add3A_248 = arith.constant 3 : i32
      %add3A_249 = vector.broadcast %add3A_248 : i32 to vector<16xi32>
      %add3A_250 = arith.addi %mul3A_247, %add3A_249 : vector<16xi32>
      %reshape3A_251 = vector.shape_cast %add3A_250 : vector<16xi32> to vector<16x1xi32>
      %gather3A_252 = vector.shape_cast %reshape3A_251 : vector<16x1xi32> to vector<16xi32>
      %gather3A_253 = tpu.dynamic_gather %get3A_2[%gather3A_252] in [0] : vector<16xf32>, vector<16xi32> -> vector<16xf32>
      %swap3A_254 = arith.index_cast %scan3A_80 : i32 to index
      %swap3A_255 = arith.constant 144 : index
      %swap3A_256 = tpu.vector_load %arg7[%swap3A_254, %swap3A_255] {strides = array<i32>} : memref<200x256xf32, #tpu.memory_space<vmem>>, vector<1x16xf32>,
      %swap3A_257 = vector.shape_cast %swap3A_256 : vector<1x16xf32> to vector<16xf32>
      %swap3A_258 = vector.shape_cast %gather3A_253 : vector<16xf32> to vector<1x16xf32>
      tpu.vector_store %arg7[%swap3A_254, %swap3A_255], %swap3A_258 {strides = array<i32>} : memref<200x256xf32, #tpu.memory_space<vmem>>, vector<1x16xf32>,
      %get3A_259 = arith.index_cast %scan3A_80 : i32 to index
      %get3A_260 = arith.constant 160 : index
      %get3A_261 = tpu.vector_load %arg6[%get3A_259, %get3A_260] {strides = array<i32>} : memref<200x256xi32, #tpu.memory_space<vmem>>, vector<1x16xi32>,
      %get3A_262 = vector.shape_cast %get3A_261 : vector<1x16xi32> to vector<16xi32>
      %mul3A_263 = arith.constant 5 : i32
      %mul3A_264 = vector.broadcast %mul3A_263 : i32 to vector<16xi32>
      %mul3A_265 = arith.muli %get3A_262, %mul3A_264 : vector<16xi32>
      %add3A_266 = arith.constant 3 : i32
      %add3A_267 = vector.broadcast %add3A_266 : i32 to vector<16xi32>
      %add3A_268 = arith.addi %mul3A_265, %add3A_267 : vector<16xi32>
      %reshape3A_269 = vector.shape_cast %add3A_268 : vector<16xi32> to vector<16x1xi32>
      %gather3A_270 = vector.shape_cast %reshape3A_269 : vector<16x1xi32> to vector<16xi32>
      %gather3A_271 = tpu.dynamic_gather %get3A_2[%gather3A_270] in [0] : vector<16xf32>, vector<16xi32> -> vector<16xf32>
      %swap3A_272 = arith.index_cast %scan3A_80 : i32 to index
      %swap3A_273 = arith.constant 160 : index
      %swap3A_274 = tpu.vector_load %arg7[%swap3A_272, %swap3A_273] {strides = array<i32>} : memref<200x256xf32, #tpu.memory_space<vmem>>, vector<1x16xf32>,
      %swap3A_275 = vector.shape_cast %swap3A_274 : vector<1x16xf32> to vector<16xf32>
      %swap3A_276 = vector.shape_cast %gather3A_271 : vector<16xf32> to vector<1x16xf32>
      tpu.vector_store %arg7[%swap3A_272, %swap3A_273], %swap3A_276 {strides = array<i32>} : memref<200x256xf32, #tpu.memory_space<vmem>>, vector<1x16xf32>,
      %get3A_277 = arith.index_cast %scan3A_80 : i32 to index
      %get3A_278 = arith.constant 176 : index
      %get3A_279 = tpu.vector_load %arg6[%get3A_277, %get3A_278] {strides = array<i32>} : memref<200x256xi32, #tpu.memory_space<vmem>>, vector<1x16xi32>,
      %get3A_280 = vector.shape_cast %get3A_279 : vector<1x16xi32> to vector<16xi32>
      %mul3A_281 = arith.constant 5 : i32
      %mul3A_282 = vector.broadcast %mul3A_281 : i32 to vector<16xi32>
      %mul3A_283 = arith.muli %get3A_280, %mul3A_282 : vector<16xi32>
      %add3A_284 = arith.constant 3 : i32
      %add3A_285 = vector.broadcast %add3A_284 : i32 to vector<16xi32>
      %add3A_286 = arith.addi %mul3A_283, %add3A_285 : vector<16xi32>
      %reshape3A_287 = vector.shape_cast %add3A_286 : vector<16xi32> to vector<16x1xi32>
      %gather3A_288 = vector.shape_cast %reshape3A_287 : vector<16x1xi32> to vector<16xi32>
      %gather3A_289 = tpu.dynamic_gather %get3A_2[%gather3A_288] in [0] : vector<16xf32>, vector<16xi32> -> vector<16xf32>
      %swap3A_290 = arith.index_cast %scan3A_80 : i32 to index
      %swap3A_291 = arith.constant 176 : index
      %swap3A_292 = tpu.vector_load %arg7[%swap3A_290, %swap3A_291] {strides = array<i32>} : memref<200x256xf32, #tpu.memory_space<vmem>>, vector<1x16xf32>,
      %swap3A_293 = vector.shape_cast %swap3A_292 : vector<1x16xf32> to vector<16xf32>
      %swap3A_294 = vector.shape_cast %gather3A_289 : vector<16xf32> to vector<1x16xf32>
      tpu.vector_store %arg7[%swap3A_290, %swap3A_291], %swap3A_294 {strides = array<i32>} : memref<200x256xf32, #tpu.memory_space<vmem>>, vector<1x16xf32>,
      %get3A_295 = arith.index_cast %scan3A_80 : i32 to index
      %get3A_296 = arith.constant 192 : index
      %get3A_297 = tpu.vector_load %arg6[%get3A_295, %get3A_296] {strides = array<i32>} : memref<200x256xi32, #tpu.memory_space<vmem>>, vector<1x16xi32>,
      %get3A_298 = vector.shape_cast %get3A_297 : vector<1x16xi32> to vector<16xi32>
      %mul3A_299 = arith.constant 5 : i32
      %mul3A_300 = vector.broadcast %mul3A_299 : i32 to vector<16xi32>
      %mul3A_301 = arith.muli %get3A_298, %mul3A_300 : vector<16xi32>
      %add3A_302 = arith.constant 3 : i32
      %add3A_303 = vector.broadcast %add3A_302 : i32 to vector<16xi32>
      %add3A_304 = arith.addi %mul3A_301, %add3A_303 : vector<16xi32>
      %reshape3A_305 = vector.shape_cast %add3A_304 : vector<16xi32> to vector<16x1xi32>
      %gather3A_306 = vector.shape_cast %reshape3A_305 : vector<16x1xi32> to vector<16xi32>
      %gather3A_307 = tpu.dynamic_gather %get3A_2[%gather3A_306] in [0] : vector<16xf32>, vector<16xi32> -> vector<16xf32>
      %swap3A_308 = arith.index_cast %scan3A_80 : i32 to index
      %swap3A_309 = arith.constant 192 : index
      %swap3A_310 = tpu.vector_load %arg7[%swap3A_308, %swap3A_309] {strides = array<i32>} : memref<200x256xf32, #tpu.memory_space<vmem>>, vector<1x16xf32>,
      %swap3A_311 = vector.shape_cast %swap3A_310 : vector<1x16xf32> to vector<16xf32>
      %swap3A_312 = vector.shape_cast %gather3A_307 : vector<16xf32> to vector<1x16xf32>
      tpu.vector_store %arg7[%swap3A_308, %swap3A_309], %swap3A_312 {strides = array<i32>} : memref<200x256xf32, #tpu.memory_space<vmem>>, vector<1x16xf32>,
      %get3A_313 = arith.index_cast %scan3A_80 : i32 to index
      %get3A_314 = arith.constant 208 : index
      %get3A_315 = tpu.vector_load %arg6[%get3A_313, %get3A_314] {strides = array<i32>} : memref<200x256xi32, #tpu.memory_space<vmem>>, vector<1x16xi32>,
      %get3A_316 = vector.shape_cast %get3A_315 : vector<1x16xi32> to vector<16xi32>
      %mul3A_317 = arith.constant 5 : i32
      %mul3A_318 = vector.broadcast %mul3A_317 : i32 to vector<16xi32>
      %mul3A_319 = arith.muli %get3A_316, %mul3A_318 : vector<16xi32>
      %add3A_320 = arith.constant 3 : i32
      %add3A_321 = vector.broadcast %add3A_320 : i32 to vector<16xi32>
      %add3A_322 = arith.addi %mul3A_319, %add3A_321 : vector<16xi32>
      %reshape3A_323 = vector.shape_cast %add3A_322 : vector<16xi32> to vector<16x1xi32>
      %gather3A_324 = vector.shape_cast %reshape3A_323 : vector<16x1xi32> to vector<16xi32>
      %gather3A_325 = tpu.dynamic_gather %get3A_2[%gather3A_324] in [0] : vector<16xf32>, vector<16xi32> -> vector<16xf32>
      %swap3A_326 = arith.index_cast %scan3A_80 : i32 to index
      %swap3A_327 = arith.constant 208 : index
      %swap3A_328 = tpu.vector_load %arg7[%swap3A_326, %swap3A_327] {strides = array<i32>} : memref<200x256xf32, #tpu.memory_space<vmem>>, vector<1x16xf32>,
      %swap3A_329 = vector.shape_cast %swap3A_328 : vector<1x16xf32> to vector<16xf32>
      %swap3A_330 = vector.shape_cast %gather3A_325 : vector<16xf32> to vector<1x16xf32>
      tpu.vector_store %arg7[%swap3A_326, %swap3A_327], %swap3A_330 {strides = array<i32>} : memref<200x256xf32, #tpu.memory_space<vmem>>, vector<1x16xf32>,
      %get3A_331 = arith.index_cast %scan3A_80 : i32 to index
      %get3A_332 = arith.constant 224 : index
      %get3A_333 = tpu.vector_load %arg6[%get3A_331, %get3A_332] {strides = array<i32>} : memref<200x256xi32, #tpu.memory_space<vmem>>, vector<1x16xi32>,
      %get3A_334 = vector.shape_cast %get3A_333 : vector<1x16xi32> to vector<16xi32>
      %mul3A_335 = arith.constant 5 : i32
      %mul3A_336 = vector.broadcast %mul3A_335 : i32 to vector<16xi32>
      %mul3A_337 = arith.muli %get3A_334, %mul3A_336 : vector<16xi32>
      %add3A_338 = arith.constant 3 : i32
      %add3A_339 = vector.broadcast %add3A_338 : i32 to vector<16xi32>
      %add3A_340 = arith.addi %mul3A_337, %add3A_339 : vector<16xi32>
      %reshape3A_341 = vector.shape_cast %add3A_340 : vector<16xi32> to vector<16x1xi32>
      %gather3A_342 = vector.shape_cast %reshape3A_341 : vector<16x1xi32> to vector<16xi32>
      %gather3A_343 = tpu.dynamic_gather %get3A_2[%gather3A_342] in [0] : vector<16xf32>, vector<16xi32> -> vector<16xf32>
      %swap3A_344 = arith.index_cast %scan3A_80 : i32 to index
      %swap3A_345 = arith.constant 224 : index
      %swap3A_346 = tpu.vector_load %arg7[%swap3A_344, %swap3A_345] {strides = array<i32>} : memref<200x256xf32, #tpu.memory_space<vmem>>, vector<1x16xf32>,
      %swap3A_347 = vector.shape_cast %swap3A_346 : vector<1x16xf32> to vector<16xf32>
      %swap3A_348 = vector.shape_cast %gather3A_343 : vector<16xf32> to vector<1x16xf32>
      tpu.vector_store %arg7[%swap3A_344, %swap3A_345], %swap3A_348 {strides = array<i32>} : memref<200x256xf32, #tpu.memory_space<vmem>>, vector<1x16xf32>,
      %get3A_349 = arith.index_cast %scan3A_80 : i32 to index
      %get3A_350 = arith.constant 240 : index
      %get3A_351 = tpu.vector_load %arg6[%get3A_349, %get3A_350] {strides = array<i32>} : memref<200x256xi32, #tpu.memory_space<vmem>>, vector<1x16xi32>,
      %get3A_352 = vector.shape_cast %get3A_351 : vector<1x16xi32> to vector<16xi32>
      %mul3A_353 = arith.constant 5 : i32
      %mul3A_354 = vector.broadcast %mul3A_353 : i32 to vector<16xi32>
      %mul3A_355 = arith.muli %get3A_352, %mul3A_354 : vector<16xi32>
      %add3A_356 = arith.constant 3 : i32
      %add3A_357 = vector.broadcast %add3A_356 : i32 to vector<16xi32>
      %add3A_358 = arith.addi %mul3A_355, %add3A_357 : vector<16xi32>
      %reshape3A_359 = vector.shape_cast %add3A_358 : vector<16xi32> to vector<16x1xi32>
      %gather3A_360 = vector.shape_cast %reshape3A_359 : vector<16x1xi32> to vector<16xi32>
      %gather3A_361 = tpu.dynamic_gather %get3A_2[%gather3A_360] in [0] : vector<16xf32>, vector<16xi32> -> vector<16xf32>
      %swap3A_362 = arith.index_cast %scan3A_80 : i32 to index
      %swap3A_363 = arith.constant 240 : index
      %swap3A_364 = tpu.vector_load %arg7[%swap3A_362, %swap3A_363] {strides = array<i32>} : memref<200x256xf32, #tpu.memory_space<vmem>>, vector<1x16xf32>,
      %swap3A_365 = vector.shape_cast %swap3A_364 : vector<1x16xf32> to vector<16xf32>
      %swap3A_366 = vector.shape_cast %gather3A_361 : vector<16xf32> to vector<1x16xf32>
      tpu.vector_store %arg7[%swap3A_362, %swap3A_363], %swap3A_366 {strides = array<i32>} : memref<200x256xf32, #tpu.memory_space<vmem>>, vector<1x16xf32>,
      %scan3A_367 = arith.constant 0 : i32
      scf.yield %scan3A_367 : i32
    }
    %scan3A_33 = arith.constant 200 : i32
    "tpu.region"() ({
      %run_scoped3A = tpu.sem_alloc : memref<!tpu.dma_semaphore, #tpu.memory_space<semaphore_mem>>
      %dma_start3A = arith.constant 600 : i32
      %dma_start3A_80 = tpu.memref_slice %arg4[%dma_start3A, %add3A_6] : memref<1000x16384xf32, #tpu.memory_space<hbm>> -> memref<200x256xf32, #tpu.memory_space<hbm>>
      %dma_start3A_81 = arith.constant 600 : i32
      %dma_start3A_82 = tpu.memref_slice %arg4[%dma_start3A_81, %add3A_6] : memref<1000x16384xf32, #tpu.memory_space<hbm>> -> memref<200x256xf32, #tpu.memory_space<hbm>>
      tpu.enqueue_dma source(%arg7 : memref<200x256xf32, #tpu.memory_space<vmem>>) target(%dma_start3A_82 : memref<200x256xf32, #tpu.memory_space<hbm>>) target_semaphore(%run_scoped3A : memref<!tpu.dma_semaphore, #tpu.memory_space<semaphore_mem>>)
      %dma_wait3A = arith.constant 600 : i32
      %dma_wait3A_83 = tpu.memref_slice %arg4[%dma_wait3A, %add3A_6] : memref<1000x16384xf32, #tpu.memory_space<hbm>> -> memref<200x256xf32, #tpu.memory_space<hbm>>
      %dma_wait3A_84 = arith.constant 600 : i32
      %dma_wait3A_85 = tpu.memref_slice %arg4[%dma_wait3A_84, %add3A_6] : memref<1000x16384xf32, #tpu.memory_space<hbm>> -> memref<200x256xf32, #tpu.memory_space<hbm>>
      tpu.wait_dma2 semaphore(%run_scoped3A : memref<!tpu.dma_semaphore, #tpu.memory_space<semaphore_mem>>) src(%arg7 : memref<200x256xf32, #tpu.memory_space<vmem>>) dst(%dma_wait3A_85 : memref<200x256xf32, #tpu.memory_space<hbm>>)
      tpu.yield
    }) : () -> ()
    %scan3A_34 = arith.constant 0 : i32
    %scan3A_35 = arith.constant 0 : i32
    %scan3A_36 = arith.constant 200 : i32
    %scan3A_37 = arith.addi %scan3A_35, %scan3A_36 : i32
    %scan3A_38 = arith.constant 1 : i32
    %scan3A_39 = scf.for %scan3A_80 = %scan3A_35 to %scan3A_37 step %scan3A_38 iter_args(%scan3A_81 = %scan3A_34) -> (i32)  : i32 {
      %get3A_82 = arith.index_cast %scan3A_80 : i32 to index
      %get3A_83 = arith.constant 0 : index
      %get3A_84 = tpu.vector_load %arg6[%get3A_82, %get3A_83] {strides = array<i32>} : memref<200x256xi32, #tpu.memory_space<vmem>>, vector<1x16xi32>,
      %get3A_85 = vector.shape_cast %get3A_84 : vector<1x16xi32> to vector<16xi32>
      %mul3A_86 = arith.constant 5 : i32
      %mul3A_87 = vector.broadcast %mul3A_86 : i32 to vector<16xi32>
      %mul3A_88 = arith.muli %get3A_85, %mul3A_87 : vector<16xi32>
      %add3A_89 = arith.constant 4 : i32
      %add3A_90 = vector.broadcast %add3A_89 : i32 to vector<16xi32>
      %add3A_91 = arith.addi %mul3A_88, %add3A_90 : vector<16xi32>
      %reshape3A = vector.shape_cast %add3A_91 : vector<16xi32> to vector<16x1xi32>
      %gather3A = vector.shape_cast %reshape3A : vector<16x1xi32> to vector<16xi32>
      %gather3A_92 = tpu.dynamic_gather %get3A_2[%gather3A] in [0] : vector<16xf32>, vector<16xi32> -> vector<16xf32>
      %swap3A = arith.index_cast %scan3A_80 : i32 to index
      %swap3A_93 = arith.constant 0 : index
      %swap3A_94 = tpu.vector_load %arg7[%swap3A, %swap3A_93] {strides = array<i32>} : memref<200x256xf32, #tpu.memory_space<vmem>>, vector<1x16xf32>,
      %swap3A_95 = vector.shape_cast %swap3A_94 : vector<1x16xf32> to vector<16xf32>
      %swap3A_96 = vector.shape_cast %gather3A_92 : vector<16xf32> to vector<1x16xf32>
      tpu.vector_store %arg7[%swap3A, %swap3A_93], %swap3A_96 {strides = array<i32>} : memref<200x256xf32, #tpu.memory_space<vmem>>, vector<1x16xf32>,
      %get3A_97 = arith.index_cast %scan3A_80 : i32 to index
      %get3A_98 = arith.constant 16 : index
      %get3A_99 = tpu.vector_load %arg6[%get3A_97, %get3A_98] {strides = array<i32>} : memref<200x256xi32, #tpu.memory_space<vmem>>, vector<1x16xi32>,
      %get3A_100 = vector.shape_cast %get3A_99 : vector<1x16xi32> to vector<16xi32>
      %mul3A_101 = arith.constant 5 : i32
      %mul3A_102 = vector.broadcast %mul3A_101 : i32 to vector<16xi32>
      %mul3A_103 = arith.muli %get3A_100, %mul3A_102 : vector<16xi32>
      %add3A_104 = arith.constant 4 : i32
      %add3A_105 = vector.broadcast %add3A_104 : i32 to vector<16xi32>
      %add3A_106 = arith.addi %mul3A_103, %add3A_105 : vector<16xi32>
      %reshape3A_107 = vector.shape_cast %add3A_106 : vector<16xi32> to vector<16x1xi32>
      %gather3A_108 = vector.shape_cast %reshape3A_107 : vector<16x1xi32> to vector<16xi32>
      %gather3A_109 = tpu.dynamic_gather %get3A_2[%gather3A_108] in [0] : vector<16xf32>, vector<16xi32> -> vector<16xf32>
      %swap3A_110 = arith.index_cast %scan3A_80 : i32 to index
      %swap3A_111 = arith.constant 16 : index
      %swap3A_112 = tpu.vector_load %arg7[%swap3A_110, %swap3A_111] {strides = array<i32>} : memref<200x256xf32, #tpu.memory_space<vmem>>, vector<1x16xf32>,
      %swap3A_113 = vector.shape_cast %swap3A_112 : vector<1x16xf32> to vector<16xf32>
      %swap3A_114 = vector.shape_cast %gather3A_109 : vector<16xf32> to vector<1x16xf32>
      tpu.vector_store %arg7[%swap3A_110, %swap3A_111], %swap3A_114 {strides = array<i32>} : memref<200x256xf32, #tpu.memory_space<vmem>>, vector<1x16xf32>,
      %get3A_115 = arith.index_cast %scan3A_80 : i32 to index
      %get3A_116 = arith.constant 32 : index
      %get3A_117 = tpu.vector_load %arg6[%get3A_115, %get3A_116] {strides = array<i32>} : memref<200x256xi32, #tpu.memory_space<vmem>>, vector<1x16xi32>,
      %get3A_118 = vector.shape_cast %get3A_117 : vector<1x16xi32> to vector<16xi32>
      %mul3A_119 = arith.constant 5 : i32
      %mul3A_120 = vector.broadcast %mul3A_119 : i32 to vector<16xi32>
      %mul3A_121 = arith.muli %get3A_118, %mul3A_120 : vector<16xi32>
      %add3A_122 = arith.constant 4 : i32
      %add3A_123 = vector.broadcast %add3A_122 : i32 to vector<16xi32>
      %add3A_124 = arith.addi %mul3A_121, %add3A_123 : vector<16xi32>
      %reshape3A_125 = vector.shape_cast %add3A_124 : vector<16xi32> to vector<16x1xi32>
      %gather3A_126 = vector.shape_cast %reshape3A_125 : vector<16x1xi32> to vector<16xi32>
      %gather3A_127 = tpu.dynamic_gather %get3A_2[%gather3A_126] in [0] : vector<16xf32>, vector<16xi32> -> vector<16xf32>
      %swap3A_128 = arith.index_cast %scan3A_80 : i32 to index
      %swap3A_129 = arith.constant 32 : index
      %swap3A_130 = tpu.vector_load %arg7[%swap3A_128, %swap3A_129] {strides = array<i32>} : memref<200x256xf32, #tpu.memory_space<vmem>>, vector<1x16xf32>,
      %swap3A_131 = vector.shape_cast %swap3A_130 : vector<1x16xf32> to vector<16xf32>
      %swap3A_132 = vector.shape_cast %gather3A_127 : vector<16xf32> to vector<1x16xf32>
      tpu.vector_store %arg7[%swap3A_128, %swap3A_129], %swap3A_132 {strides = array<i32>} : memref<200x256xf32, #tpu.memory_space<vmem>>, vector<1x16xf32>,
      %get3A_133 = arith.index_cast %scan3A_80 : i32 to index
      %get3A_134 = arith.constant 48 : index
      %get3A_135 = tpu.vector_load %arg6[%get3A_133, %get3A_134] {strides = array<i32>} : memref<200x256xi32, #tpu.memory_space<vmem>>, vector<1x16xi32>,
      %get3A_136 = vector.shape_cast %get3A_135 : vector<1x16xi32> to vector<16xi32>
      %mul3A_137 = arith.constant 5 : i32
      %mul3A_138 = vector.broadcast %mul3A_137 : i32 to vector<16xi32>
      %mul3A_139 = arith.muli %get3A_136, %mul3A_138 : vector<16xi32>
      %add3A_140 = arith.constant 4 : i32
      %add3A_141 = vector.broadcast %add3A_140 : i32 to vector<16xi32>
      %add3A_142 = arith.addi %mul3A_139, %add3A_141 : vector<16xi32>
      %reshape3A_143 = vector.shape_cast %add3A_142 : vector<16xi32> to vector<16x1xi32>
      %gather3A_144 = vector.shape_cast %reshape3A_143 : vector<16x1xi32> to vector<16xi32>
      %gather3A_145 = tpu.dynamic_gather %get3A_2[%gather3A_144] in [0] : vector<16xf32>, vector<16xi32> -> vector<16xf32>
      %swap3A_146 = arith.index_cast %scan3A_80 : i32 to index
      %swap3A_147 = arith.constant 48 : index
      %swap3A_148 = tpu.vector_load %arg7[%swap3A_146, %swap3A_147] {strides = array<i32>} : memref<200x256xf32, #tpu.memory_space<vmem>>, vector<1x16xf32>,
      %swap3A_149 = vector.shape_cast %swap3A_148 : vector<1x16xf32> to vector<16xf32>
      %swap3A_150 = vector.shape_cast %gather3A_145 : vector<16xf32> to vector<1x16xf32>
      tpu.vector_store %arg7[%swap3A_146, %swap3A_147], %swap3A_150 {strides = array<i32>} : memref<200x256xf32, #tpu.memory_space<vmem>>, vector<1x16xf32>,
      %get3A_151 = arith.index_cast %scan3A_80 : i32 to index
      %get3A_152 = arith.constant 64 : index
      %get3A_153 = tpu.vector_load %arg6[%get3A_151, %get3A_152] {strides = array<i32>} : memref<200x256xi32, #tpu.memory_space<vmem>>, vector<1x16xi32>,
      %get3A_154 = vector.shape_cast %get3A_153 : vector<1x16xi32> to vector<16xi32>
      %mul3A_155 = arith.constant 5 : i32
      %mul3A_156 = vector.broadcast %mul3A_155 : i32 to vector<16xi32>
      %mul3A_157 = arith.muli %get3A_154, %mul3A_156 : vector<16xi32>
      %add3A_158 = arith.constant 4 : i32
      %add3A_159 = vector.broadcast %add3A_158 : i32 to vector<16xi32>
      %add3A_160 = arith.addi %mul3A_157, %add3A_159 : vector<16xi32>
      %reshape3A_161 = vector.shape_cast %add3A_160 : vector<16xi32> to vector<16x1xi32>
      %gather3A_162 = vector.shape_cast %reshape3A_161 : vector<16x1xi32> to vector<16xi32>
      %gather3A_163 = tpu.dynamic_gather %get3A_2[%gather3A_162] in [0] : vector<16xf32>, vector<16xi32> -> vector<16xf32>
      %swap3A_164 = arith.index_cast %scan3A_80 : i32 to index
      %swap3A_165 = arith.constant 64 : index
      %swap3A_166 = tpu.vector_load %arg7[%swap3A_164, %swap3A_165] {strides = array<i32>} : memref<200x256xf32, #tpu.memory_space<vmem>>, vector<1x16xf32>,
      %swap3A_167 = vector.shape_cast %swap3A_166 : vector<1x16xf32> to vector<16xf32>
      %swap3A_168 = vector.shape_cast %gather3A_163 : vector<16xf32> to vector<1x16xf32>
      tpu.vector_store %arg7[%swap3A_164, %swap3A_165], %swap3A_168 {strides = array<i32>} : memref<200x256xf32, #tpu.memory_space<vmem>>, vector<1x16xf32>,
      %get3A_169 = arith.index_cast %scan3A_80 : i32 to index
      %get3A_170 = arith.constant 80 : index
      %get3A_171 = tpu.vector_load %arg6[%get3A_169, %get3A_170] {strides = array<i32>} : memref<200x256xi32, #tpu.memory_space<vmem>>, vector<1x16xi32>,
      %get3A_172 = vector.shape_cast %get3A_171 : vector<1x16xi32> to vector<16xi32>
      %mul3A_173 = arith.constant 5 : i32
      %mul3A_174 = vector.broadcast %mul3A_173 : i32 to vector<16xi32>
      %mul3A_175 = arith.muli %get3A_172, %mul3A_174 : vector<16xi32>
      %add3A_176 = arith.constant 4 : i32
      %add3A_177 = vector.broadcast %add3A_176 : i32 to vector<16xi32>
      %add3A_178 = arith.addi %mul3A_175, %add3A_177 : vector<16xi32>
      %reshape3A_179 = vector.shape_cast %add3A_178 : vector<16xi32> to vector<16x1xi32>
      %gather3A_180 = vector.shape_cast %reshape3A_179 : vector<16x1xi32> to vector<16xi32>
      %gather3A_181 = tpu.dynamic_gather %get3A_2[%gather3A_180] in [0] : vector<16xf32>, vector<16xi32> -> vector<16xf32>
      %swap3A_182 = arith.index_cast %scan3A_80 : i32 to index
      %swap3A_183 = arith.constant 80 : index
      %swap3A_184 = tpu.vector_load %arg7[%swap3A_182, %swap3A_183] {strides = array<i32>} : memref<200x256xf32, #tpu.memory_space<vmem>>, vector<1x16xf32>,
      %swap3A_185 = vector.shape_cast %swap3A_184 : vector<1x16xf32> to vector<16xf32>
      %swap3A_186 = vector.shape_cast %gather3A_181 : vector<16xf32> to vector<1x16xf32>
      tpu.vector_store %arg7[%swap3A_182, %swap3A_183], %swap3A_186 {strides = array<i32>} : memref<200x256xf32, #tpu.memory_space<vmem>>, vector<1x16xf32>,
      %get3A_187 = arith.index_cast %scan3A_80 : i32 to index
      %get3A_188 = arith.constant 96 : index
      %get3A_189 = tpu.vector_load %arg6[%get3A_187, %get3A_188] {strides = array<i32>} : memref<200x256xi32, #tpu.memory_space<vmem>>, vector<1x16xi32>,
      %get3A_190 = vector.shape_cast %get3A_189 : vector<1x16xi32> to vector<16xi32>
      %mul3A_191 = arith.constant 5 : i32
      %mul3A_192 = vector.broadcast %mul3A_191 : i32 to vector<16xi32>
      %mul3A_193 = arith.muli %get3A_190, %mul3A_192 : vector<16xi32>
      %add3A_194 = arith.constant 4 : i32
      %add3A_195 = vector.broadcast %add3A_194 : i32 to vector<16xi32>
      %add3A_196 = arith.addi %mul3A_193, %add3A_195 : vector<16xi32>
      %reshape3A_197 = vector.shape_cast %add3A_196 : vector<16xi32> to vector<16x1xi32>
      %gather3A_198 = vector.shape_cast %reshape3A_197 : vector<16x1xi32> to vector<16xi32>
      %gather3A_199 = tpu.dynamic_gather %get3A_2[%gather3A_198] in [0] : vector<16xf32>, vector<16xi32> -> vector<16xf32>
      %swap3A_200 = arith.index_cast %scan3A_80 : i32 to index
      %swap3A_201 = arith.constant 96 : index
      %swap3A_202 = tpu.vector_load %arg7[%swap3A_200, %swap3A_201] {strides = array<i32>} : memref<200x256xf32, #tpu.memory_space<vmem>>, vector<1x16xf32>,
      %swap3A_203 = vector.shape_cast %swap3A_202 : vector<1x16xf32> to vector<16xf32>
      %swap3A_204 = vector.shape_cast %gather3A_199 : vector<16xf32> to vector<1x16xf32>
      tpu.vector_store %arg7[%swap3A_200, %swap3A_201], %swap3A_204 {strides = array<i32>} : memref<200x256xf32, #tpu.memory_space<vmem>>, vector<1x16xf32>,
      %get3A_205 = arith.index_cast %scan3A_80 : i32 to index
      %get3A_206 = arith.constant 112 : index
      %get3A_207 = tpu.vector_load %arg6[%get3A_205, %get3A_206] {strides = array<i32>} : memref<200x256xi32, #tpu.memory_space<vmem>>, vector<1x16xi32>,
      %get3A_208 = vector.shape_cast %get3A_207 : vector<1x16xi32> to vector<16xi32>
      %mul3A_209 = arith.constant 5 : i32
      %mul3A_210 = vector.broadcast %mul3A_209 : i32 to vector<16xi32>
      %mul3A_211 = arith.muli %get3A_208, %mul3A_210 : vector<16xi32>
      %add3A_212 = arith.constant 4 : i32
      %add3A_213 = vector.broadcast %add3A_212 : i32 to vector<16xi32>
      %add3A_214 = arith.addi %mul3A_211, %add3A_213 : vector<16xi32>
      %reshape3A_215 = vector.shape_cast %add3A_214 : vector<16xi32> to vector<16x1xi32>
      %gather3A_216 = vector.shape_cast %reshape3A_215 : vector<16x1xi32> to vector<16xi32>
      %gather3A_217 = tpu.dynamic_gather %get3A_2[%gather3A_216] in [0] : vector<16xf32>, vector<16xi32> -> vector<16xf32>
      %swap3A_218 = arith.index_cast %scan3A_80 : i32 to index
      %swap3A_219 = arith.constant 112 : index
      %swap3A_220 = tpu.vector_load %arg7[%swap3A_218, %swap3A_219] {strides = array<i32>} : memref<200x256xf32, #tpu.memory_space<vmem>>, vector<1x16xf32>,
      %swap3A_221 = vector.shape_cast %swap3A_220 : vector<1x16xf32> to vector<16xf32>
      %swap3A_222 = vector.shape_cast %gather3A_217 : vector<16xf32> to vector<1x16xf32>
      tpu.vector_store %arg7[%swap3A_218, %swap3A_219], %swap3A_222 {strides = array<i32>} : memref<200x256xf32, #tpu.memory_space<vmem>>, vector<1x16xf32>,
      %get3A_223 = arith.index_cast %scan3A_80 : i32 to index
      %get3A_224 = arith.constant 128 : index
      %get3A_225 = tpu.vector_load %arg6[%get3A_223, %get3A_224] {strides = array<i32>} : memref<200x256xi32, #tpu.memory_space<vmem>>, vector<1x16xi32>,
      %get3A_226 = vector.shape_cast %get3A_225 : vector<1x16xi32> to vector<16xi32>
      %mul3A_227 = arith.constant 5 : i32
      %mul3A_228 = vector.broadcast %mul3A_227 : i32 to vector<16xi32>
      %mul3A_229 = arith.muli %get3A_226, %mul3A_228 : vector<16xi32>
      %add3A_230 = arith.constant 4 : i32
      %add3A_231 = vector.broadcast %add3A_230 : i32 to vector<16xi32>
      %add3A_232 = arith.addi %mul3A_229, %add3A_231 : vector<16xi32>
      %reshape3A_233 = vector.shape_cast %add3A_232 : vector<16xi32> to vector<16x1xi32>
      %gather3A_234 = vector.shape_cast %reshape3A_233 : vector<16x1xi32> to vector<16xi32>
      %gather3A_235 = tpu.dynamic_gather %get3A_2[%gather3A_234] in [0] : vector<16xf32>, vector<16xi32> -> vector<16xf32>
      %swap3A_236 = arith.index_cast %scan3A_80 : i32 to index
      %swap3A_237 = arith.constant 128 : index
      %swap3A_238 = tpu.vector_load %arg7[%swap3A_236, %swap3A_237] {strides = array<i32>} : memref<200x256xf32, #tpu.memory_space<vmem>>, vector<1x16xf32>,
      %swap3A_239 = vector.shape_cast %swap3A_238 : vector<1x16xf32> to vector<16xf32>
      %swap3A_240 = vector.shape_cast %gather3A_235 : vector<16xf32> to vector<1x16xf32>
      tpu.vector_store %arg7[%swap3A_236, %swap3A_237], %swap3A_240 {strides = array<i32>} : memref<200x256xf32, #tpu.memory_space<vmem>>, vector<1x16xf32>,
      %get3A_241 = arith.index_cast %scan3A_80 : i32 to index
      %get3A_242 = arith.constant 144 : index
      %get3A_243 = tpu.vector_load %arg6[%get3A_241, %get3A_242] {strides = array<i32>} : memref<200x256xi32, #tpu.memory_space<vmem>>, vector<1x16xi32>,
      %get3A_244 = vector.shape_cast %get3A_243 : vector<1x16xi32> to vector<16xi32>
      %mul3A_245 = arith.constant 5 : i32
      %mul3A_246 = vector.broadcast %mul3A_245 : i32 to vector<16xi32>
      %mul3A_247 = arith.muli %get3A_244, %mul3A_246 : vector<16xi32>
      %add3A_248 = arith.constant 4 : i32
      %add3A_249 = vector.broadcast %add3A_248 : i32 to vector<16xi32>
      %add3A_250 = arith.addi %mul3A_247, %add3A_249 : vector<16xi32>
      %reshape3A_251 = vector.shape_cast %add3A_250 : vector<16xi32> to vector<16x1xi32>
      %gather3A_252 = vector.shape_cast %reshape3A_251 : vector<16x1xi32> to vector<16xi32>
      %gather3A_253 = tpu.dynamic_gather %get3A_2[%gather3A_252] in [0] : vector<16xf32>, vector<16xi32> -> vector<16xf32>
      %swap3A_254 = arith.index_cast %scan3A_80 : i32 to index
      %swap3A_255 = arith.constant 144 : index
      %swap3A_256 = tpu.vector_load %arg7[%swap3A_254, %swap3A_255] {strides = array<i32>} : memref<200x256xf32, #tpu.memory_space<vmem>>, vector<1x16xf32>,
      %swap3A_257 = vector.shape_cast %swap3A_256 : vector<1x16xf32> to vector<16xf32>
      %swap3A_258 = vector.shape_cast %gather3A_253 : vector<16xf32> to vector<1x16xf32>
      tpu.vector_store %arg7[%swap3A_254, %swap3A_255], %swap3A_258 {strides = array<i32>} : memref<200x256xf32, #tpu.memory_space<vmem>>, vector<1x16xf32>,
      %get3A_259 = arith.index_cast %scan3A_80 : i32 to index
      %get3A_260 = arith.constant 160 : index
      %get3A_261 = tpu.vector_load %arg6[%get3A_259, %get3A_260] {strides = array<i32>} : memref<200x256xi32, #tpu.memory_space<vmem>>, vector<1x16xi32>,
      %get3A_262 = vector.shape_cast %get3A_261 : vector<1x16xi32> to vector<16xi32>
      %mul3A_263 = arith.constant 5 : i32
      %mul3A_264 = vector.broadcast %mul3A_263 : i32 to vector<16xi32>
      %mul3A_265 = arith.muli %get3A_262, %mul3A_264 : vector<16xi32>
      %add3A_266 = arith.constant 4 : i32
      %add3A_267 = vector.broadcast %add3A_266 : i32 to vector<16xi32>
      %add3A_268 = arith.addi %mul3A_265, %add3A_267 : vector<16xi32>
      %reshape3A_269 = vector.shape_cast %add3A_268 : vector<16xi32> to vector<16x1xi32>
      %gather3A_270 = vector.shape_cast %reshape3A_269 : vector<16x1xi32> to vector<16xi32>
      %gather3A_271 = tpu.dynamic_gather %get3A_2[%gather3A_270] in [0] : vector<16xf32>, vector<16xi32> -> vector<16xf32>
      %swap3A_272 = arith.index_cast %scan3A_80 : i32 to index
      %swap3A_273 = arith.constant 160 : index
      %swap3A_274 = tpu.vector_load %arg7[%swap3A_272, %swap3A_273] {strides = array<i32>} : memref<200x256xf32, #tpu.memory_space<vmem>>, vector<1x16xf32>,
      %swap3A_275 = vector.shape_cast %swap3A_274 : vector<1x16xf32> to vector<16xf32>
      %swap3A_276 = vector.shape_cast %gather3A_271 : vector<16xf32> to vector<1x16xf32>
      tpu.vector_store %arg7[%swap3A_272, %swap3A_273], %swap3A_276 {strides = array<i32>} : memref<200x256xf32, #tpu.memory_space<vmem>>, vector<1x16xf32>,
      %get3A_277 = arith.index_cast %scan3A_80 : i32 to index
      %get3A_278 = arith.constant 176 : index
      %get3A_279 = tpu.vector_load %arg6[%get3A_277, %get3A_278] {strides = array<i32>} : memref<200x256xi32, #tpu.memory_space<vmem>>, vector<1x16xi32>,
      %get3A_280 = vector.shape_cast %get3A_279 : vector<1x16xi32> to vector<16xi32>
      %mul3A_281 = arith.constant 5 : i32
      %mul3A_282 = vector.broadcast %mul3A_281 : i32 to vector<16xi32>
      %mul3A_283 = arith.muli %get3A_280, %mul3A_282 : vector<16xi32>
      %add3A_284 = arith.constant 4 : i32
      %add3A_285 = vector.broadcast %add3A_284 : i32 to vector<16xi32>
      %add3A_286 = arith.addi %mul3A_283, %add3A_285 : vector<16xi32>
      %reshape3A_287 = vector.shape_cast %add3A_286 : vector<16xi32> to vector<16x1xi32>
      %gather3A_288 = vector.shape_cast %reshape3A_287 : vector<16x1xi32> to vector<16xi32>
      %gather3A_289 = tpu.dynamic_gather %get3A_2[%gather3A_288] in [0] : vector<16xf32>, vector<16xi32> -> vector<16xf32>
      %swap3A_290 = arith.index_cast %scan3A_80 : i32 to index
      %swap3A_291 = arith.constant 176 : index
      %swap3A_292 = tpu.vector_load %arg7[%swap3A_290, %swap3A_291] {strides = array<i32>} : memref<200x256xf32, #tpu.memory_space<vmem>>, vector<1x16xf32>,
      %swap3A_293 = vector.shape_cast %swap3A_292 : vector<1x16xf32> to vector<16xf32>
      %swap3A_294 = vector.shape_cast %gather3A_289 : vector<16xf32> to vector<1x16xf32>
      tpu.vector_store %arg7[%swap3A_290, %swap3A_291], %swap3A_294 {strides = array<i32>} : memref<200x256xf32, #tpu.memory_space<vmem>>, vector<1x16xf32>,
      %get3A_295 = arith.index_cast %scan3A_80 : i32 to index
      %get3A_296 = arith.constant 192 : index
      %get3A_297 = tpu.vector_load %arg6[%get3A_295, %get3A_296] {strides = array<i32>} : memref<200x256xi32, #tpu.memory_space<vmem>>, vector<1x16xi32>,
      %get3A_298 = vector.shape_cast %get3A_297 : vector<1x16xi32> to vector<16xi32>
      %mul3A_299 = arith.constant 5 : i32
      %mul3A_300 = vector.broadcast %mul3A_299 : i32 to vector<16xi32>
      %mul3A_301 = arith.muli %get3A_298, %mul3A_300 : vector<16xi32>
      %add3A_302 = arith.constant 4 : i32
      %add3A_303 = vector.broadcast %add3A_302 : i32 to vector<16xi32>
      %add3A_304 = arith.addi %mul3A_301, %add3A_303 : vector<16xi32>
      %reshape3A_305 = vector.shape_cast %add3A_304 : vector<16xi32> to vector<16x1xi32>
      %gather3A_306 = vector.shape_cast %reshape3A_305 : vector<16x1xi32> to vector<16xi32>
      %gather3A_307 = tpu.dynamic_gather %get3A_2[%gather3A_306] in [0] : vector<16xf32>, vector<16xi32> -> vector<16xf32>
      %swap3A_308 = arith.index_cast %scan3A_80 : i32 to index
      %swap3A_309 = arith.constant 192 : index
      %swap3A_310 = tpu.vector_load %arg7[%swap3A_308, %swap3A_309] {strides = array<i32>} : memref<200x256xf32, #tpu.memory_space<vmem>>, vector<1x16xf32>,
      %swap3A_311 = vector.shape_cast %swap3A_310 : vector<1x16xf32> to vector<16xf32>
      %swap3A_312 = vector.shape_cast %gather3A_307 : vector<16xf32> to vector<1x16xf32>
      tpu.vector_store %arg7[%swap3A_308, %swap3A_309], %swap3A_312 {strides = array<i32>} : memref<200x256xf32, #tpu.memory_space<vmem>>, vector<1x16xf32>,
      %get3A_313 = arith.index_cast %scan3A_80 : i32 to index
      %get3A_314 = arith.constant 208 : index
      %get3A_315 = tpu.vector_load %arg6[%get3A_313, %get3A_314] {strides = array<i32>} : memref<200x256xi32, #tpu.memory_space<vmem>>, vector<1x16xi32>,
      %get3A_316 = vector.shape_cast %get3A_315 : vector<1x16xi32> to vector<16xi32>
      %mul3A_317 = arith.constant 5 : i32
      %mul3A_318 = vector.broadcast %mul3A_317 : i32 to vector<16xi32>
      %mul3A_319 = arith.muli %get3A_316, %mul3A_318 : vector<16xi32>
      %add3A_320 = arith.constant 4 : i32
      %add3A_321 = vector.broadcast %add3A_320 : i32 to vector<16xi32>
      %add3A_322 = arith.addi %mul3A_319, %add3A_321 : vector<16xi32>
      %reshape3A_323 = vector.shape_cast %add3A_322 : vector<16xi32> to vector<16x1xi32>
      %gather3A_324 = vector.shape_cast %reshape3A_323 : vector<16x1xi32> to vector<16xi32>
      %gather3A_325 = tpu.dynamic_gather %get3A_2[%gather3A_324] in [0] : vector<16xf32>, vector<16xi32> -> vector<16xf32>
      %swap3A_326 = arith.index_cast %scan3A_80 : i32 to index
      %swap3A_327 = arith.constant 208 : index
      %swap3A_328 = tpu.vector_load %arg7[%swap3A_326, %swap3A_327] {strides = array<i32>} : memref<200x256xf32, #tpu.memory_space<vmem>>, vector<1x16xf32>,
      %swap3A_329 = vector.shape_cast %swap3A_328 : vector<1x16xf32> to vector<16xf32>
      %swap3A_330 = vector.shape_cast %gather3A_325 : vector<16xf32> to vector<1x16xf32>
      tpu.vector_store %arg7[%swap3A_326, %swap3A_327], %swap3A_330 {strides = array<i32>} : memref<200x256xf32, #tpu.memory_space<vmem>>, vector<1x16xf32>,
      %get3A_331 = arith.index_cast %scan3A_80 : i32 to index
      %get3A_332 = arith.constant 224 : index
      %get3A_333 = tpu.vector_load %arg6[%get3A_331, %get3A_332] {strides = array<i32>} : memref<200x256xi32, #tpu.memory_space<vmem>>, vector<1x16xi32>,
      %get3A_334 = vector.shape_cast %get3A_333 : vector<1x16xi32> to vector<16xi32>
      %mul3A_335 = arith.constant 5 : i32
      %mul3A_336 = vector.broadcast %mul3A_335 : i32 to vector<16xi32>
      %mul3A_337 = arith.muli %get3A_334, %mul3A_336 : vector<16xi32>
      %add3A_338 = arith.constant 4 : i32
      %add3A_339 = vector.broadcast %add3A_338 : i32 to vector<16xi32>
      %add3A_340 = arith.addi %mul3A_337, %add3A_339 : vector<16xi32>
      %reshape3A_341 = vector.shape_cast %add3A_340 : vector<16xi32> to vector<16x1xi32>
      %gather3A_342 = vector.shape_cast %reshape3A_341 : vector<16x1xi32> to vector<16xi32>
      %gather3A_343 = tpu.dynamic_gather %get3A_2[%gather3A_342] in [0] : vector<16xf32>, vector<16xi32> -> vector<16xf32>
      %swap3A_344 = arith.index_cast %scan3A_80 : i32 to index
      %swap3A_345 = arith.constant 224 : index
      %swap3A_346 = tpu.vector_load %arg7[%swap3A_344, %swap3A_345] {strides = array<i32>} : memref<200x256xf32, #tpu.memory_space<vmem>>, vector<1x16xf32>,
      %swap3A_347 = vector.shape_cast %swap3A_346 : vector<1x16xf32> to vector<16xf32>
      %swap3A_348 = vector.shape_cast %gather3A_343 : vector<16xf32> to vector<1x16xf32>
      tpu.vector_store %arg7[%swap3A_344, %swap3A_345], %swap3A_348 {strides = array<i32>} : memref<200x256xf32, #tpu.memory_space<vmem>>, vector<1x16xf32>,
      %get3A_349 = arith.index_cast %scan3A_80 : i32 to index
      %get3A_350 = arith.constant 240 : index
      %get3A_351 = tpu.vector_load %arg6[%get3A_349, %get3A_350] {strides = array<i32>} : memref<200x256xi32, #tpu.memory_space<vmem>>, vector<1x16xi32>,
      %get3A_352 = vector.shape_cast %get3A_351 : vector<1x16xi32> to vector<16xi32>
      %mul3A_353 = arith.constant 5 : i32
      %mul3A_354 = vector.broadcast %mul3A_353 : i32 to vector<16xi32>
      %mul3A_355 = arith.muli %get3A_352, %mul3A_354 : vector<16xi32>
      %add3A_356 = arith.constant 4 : i32
      %add3A_357 = vector.broadcast %add3A_356 : i32 to vector<16xi32>
      %add3A_358 = arith.addi %mul3A_355, %add3A_357 : vector<16xi32>
      %reshape3A_359 = vector.shape_cast %add3A_358 : vector<16xi32> to vector<16x1xi32>
      %gather3A_360 = vector.shape_cast %reshape3A_359 : vector<16x1xi32> to vector<16xi32>
      %gather3A_361 = tpu.dynamic_gather %get3A_2[%gather3A_360] in [0] : vector<16xf32>, vector<16xi32> -> vector<16xf32>
      %swap3A_362 = arith.index_cast %scan3A_80 : i32 to index
      %swap3A_363 = arith.constant 240 : index
      %swap3A_364 = tpu.vector_load %arg7[%swap3A_362, %swap3A_363] {strides = array<i32>} : memref<200x256xf32, #tpu.memory_space<vmem>>, vector<1x16xf32>,
      %swap3A_365 = vector.shape_cast %swap3A_364 : vector<1x16xf32> to vector<16xf32>
      %swap3A_366 = vector.shape_cast %gather3A_361 : vector<16xf32> to vector<1x16xf32>
      tpu.vector_store %arg7[%swap3A_362, %swap3A_363], %swap3A_366 {strides = array<i32>} : memref<200x256xf32, #tpu.memory_space<vmem>>, vector<1x16xf32>,
      %scan3A_367 = arith.constant 0 : i32
      scf.yield %scan3A_367 : i32
    }
    %scan3A_40 = arith.constant 200 : i32
    "tpu.region"() ({
      %run_scoped3A = tpu.sem_alloc : memref<!tpu.dma_semaphore, #tpu.memory_space<semaphore_mem>>
      %dma_start3A = arith.constant 800 : i32
      %dma_start3A_80 = tpu.memref_slice %arg4[%dma_start3A, %add3A_6] : memref<1000x16384xf32, #tpu.memory_space<hbm>> -> memref<200x256xf32, #tpu.memory_space<hbm>>
      %dma_start3A_81 = arith.constant 800 : i32
      %dma_start3A_82 = tpu.memref_slice %arg4[%dma_start3A_81, %add3A_6] : memref<1000x16384xf32, #tpu.memory_space<hbm>> -> memref<200x256xf32, #tpu.memory_space<hbm>>
      tpu.enqueue_dma source(%arg7 : memref<200x256xf32, #tpu.memory_space<vmem>>) target(%dma_start3A_82 : memref<200x256xf32, #tpu.memory_space<hbm>>) target_semaphore(%run_scoped3A : memref<!tpu.dma_semaphore, #tpu.memory_space<semaphore_mem>>)
      %dma_wait3A = arith.constant 800 : i32
      %dma_wait3A_83 = tpu.memref_slice %arg4[%dma_wait3A, %add3A_6] : memref<1000x16384xf32, #tpu.memory_space<hbm>> -> memref<200x256xf32, #tpu.memory_space<hbm>>
      %dma_wait3A_84 = arith.constant 800 : i32
      %dma_wait3A_85 = tpu.memref_slice %arg4[%dma_wait3A_84, %add3A_6] : memref<1000x16384xf32, #tpu.memory_space<hbm>> -> memref<200x256xf32, #tpu.memory_space<hbm>>
      tpu.wait_dma2 semaphore(%run_scoped3A : memref<!tpu.dma_semaphore, #tpu.memory_space<semaphore_mem>>) src(%arg7 : memref<200x256xf32, #tpu.memory_space<vmem>>) dst(%dma_wait3A_85 : memref<200x256xf32, #tpu.memory_space<hbm>>)
      tpu.yield
    }) : () -> ()
    %mul3A_41 = arith.constant 512 : i32
    %mul3A_42 = arith.muli %add3A, %mul3A_41 : i32
    %add3A_43 = arith.constant 256 : i32
    %add3A_44 = arith.addi %mul3A_42, %add3A_43 : i32
    "tpu.region"() ({
      %run_scoped3A = tpu.sem_alloc : memref<!tpu.dma_semaphore, #tpu.memory_space<semaphore_mem>>
      %dma_start3A = arith.constant 0 : i32
      %dma_start3A_80 = tpu.memref_slice %arg3[%dma_start3A, %add3A_44] : memref<200x16384xi32, #tpu.memory_space<hbm>> -> memref<200x256xi32, #tpu.memory_space<hbm>>
      %dma_start3A_81 = arith.constant 0 : i32
      %dma_start3A_82 = tpu.memref_slice %arg3[%dma_start3A_81, %add3A_44] : memref<200x16384xi32, #tpu.memory_space<hbm>> -> memref<200x256xi32, #tpu.memory_space<hbm>>
      tpu.enqueue_dma source(%dma_start3A_82 : memref<200x256xi32, #tpu.memory_space<hbm>>) target(%arg6 : memref<200x256xi32, #tpu.memory_space<vmem>>) target_semaphore(%run_scoped3A : memref<!tpu.dma_semaphore, #tpu.memory_space<semaphore_mem>>)
      %dma_wait3A = arith.constant 0 : i32
      %dma_wait3A_83 = tpu.memref_slice %arg3[%dma_wait3A, %add3A_44] : memref<200x16384xi32, #tpu.memory_space<hbm>> -> memref<200x256xi32, #tpu.memory_space<hbm>>
      %dma_wait3A_84 = arith.constant 0 : i32
      %dma_wait3A_85 = tpu.memref_slice %arg3[%dma_wait3A_84, %add3A_44] : memref<200x16384xi32, #tpu.memory_space<hbm>> -> memref<200x256xi32, #tpu.memory_space<hbm>>
      tpu.wait_dma2 semaphore(%run_scoped3A : memref<!tpu.dma_semaphore, #tpu.memory_space<semaphore_mem>>) src(%dma_wait3A_85 : memref<200x256xi32, #tpu.memory_space<hbm>>) dst(%arg6 : memref<200x256xi32, #tpu.memory_space<vmem>>)
      tpu.yield
    }) : () -> ()
    %scan3A_45 = arith.constant 0 : i32
    %scan3A_46 = arith.constant 0 : i32
    %scan3A_47 = arith.constant 200 : i32
    %scan3A_48 = arith.addi %scan3A_46, %scan3A_47 : i32
    %scan3A_49 = arith.constant 1 : i32
    %scan3A_50 = scf.for %scan3A_80 = %scan3A_46 to %scan3A_48 step %scan3A_49 iter_args(%scan3A_81 = %scan3A_45) -> (i32)  : i32 {
      %get3A_82 = arith.index_cast %scan3A_80 : i32 to index
      %get3A_83 = arith.constant 0 : index
      %get3A_84 = tpu.vector_load %arg6[%get3A_82, %get3A_83] {strides = array<i32>} : memref<200x256xi32, #tpu.memory_space<vmem>>, vector<1x16xi32>,
      %get3A_85 = vector.shape_cast %get3A_84 : vector<1x16xi32> to vector<16xi32>
      %mul3A_86 = arith.constant 5 : i32
      %mul3A_87 = vector.broadcast %mul3A_86 : i32 to vector<16xi32>
      %mul3A_88 = arith.muli %get3A_85, %mul3A_87 : vector<16xi32>
      %add3A_89 = arith.constant 0 : i32
      %add3A_90 = vector.broadcast %add3A_89 : i32 to vector<16xi32>
      %add3A_91 = arith.addi %mul3A_88, %add3A_90 : vector<16xi32>
      %reshape3A = vector.shape_cast %add3A_91 : vector<16xi32> to vector<16x1xi32>
      %gather3A = vector.shape_cast %reshape3A : vector<16x1xi32> to vector<16xi32>
      %gather3A_92 = tpu.dynamic_gather %get3A_2[%gather3A] in [0] : vector<16xf32>, vector<16xi32> -> vector<16xf32>
      %swap3A = arith.index_cast %scan3A_80 : i32 to index
      %swap3A_93 = arith.constant 0 : index
      %swap3A_94 = tpu.vector_load %arg7[%swap3A, %swap3A_93] {strides = array<i32>} : memref<200x256xf32, #tpu.memory_space<vmem>>, vector<1x16xf32>,
      %swap3A_95 = vector.shape_cast %swap3A_94 : vector<1x16xf32> to vector<16xf32>
      %swap3A_96 = vector.shape_cast %gather3A_92 : vector<16xf32> to vector<1x16xf32>
      tpu.vector_store %arg7[%swap3A, %swap3A_93], %swap3A_96 {strides = array<i32>} : memref<200x256xf32, #tpu.memory_space<vmem>>, vector<1x16xf32>,
      %get3A_97 = arith.index_cast %scan3A_80 : i32 to index
      %get3A_98 = arith.constant 16 : index
      %get3A_99 = tpu.vector_load %arg6[%get3A_97, %get3A_98] {strides = array<i32>} : memref<200x256xi32, #tpu.memory_space<vmem>>, vector<1x16xi32>,
      %get3A_100 = vector.shape_cast %get3A_99 : vector<1x16xi32> to vector<16xi32>
      %mul3A_101 = arith.constant 5 : i32
      %mul3A_102 = vector.broadcast %mul3A_101 : i32 to vector<16xi32>
      %mul3A_103 = arith.muli %get3A_100, %mul3A_102 : vector<16xi32>
      %add3A_104 = arith.constant 0 : i32
      %add3A_105 = vector.broadcast %add3A_104 : i32 to vector<16xi32>
      %add3A_106 = arith.addi %mul3A_103, %add3A_105 : vector<16xi32>
      %reshape3A_107 = vector.shape_cast %add3A_106 : vector<16xi32> to vector<16x1xi32>
      %gather3A_108 = vector.shape_cast %reshape3A_107 : vector<16x1xi32> to vector<16xi32>
      %gather3A_109 = tpu.dynamic_gather %get3A_2[%gather3A_108] in [0] : vector<16xf32>, vector<16xi32> -> vector<16xf32>
      %swap3A_110 = arith.index_cast %scan3A_80 : i32 to index
      %swap3A_111 = arith.constant 16 : index
      %swap3A_112 = tpu.vector_load %arg7[%swap3A_110, %swap3A_111] {strides = array<i32>} : memref<200x256xf32, #tpu.memory_space<vmem>>, vector<1x16xf32>,
      %swap3A_113 = vector.shape_cast %swap3A_112 : vector<1x16xf32> to vector<16xf32>
      %swap3A_114 = vector.shape_cast %gather3A_109 : vector<16xf32> to vector<1x16xf32>
      tpu.vector_store %arg7[%swap3A_110, %swap3A_111], %swap3A_114 {strides = array<i32>} : memref<200x256xf32, #tpu.memory_space<vmem>>, vector<1x16xf32>,
      %get3A_115 = arith.index_cast %scan3A_80 : i32 to index
      %get3A_116 = arith.constant 32 : index
      %get3A_117 = tpu.vector_load %arg6[%get3A_115, %get3A_116] {strides = array<i32>} : memref<200x256xi32, #tpu.memory_space<vmem>>, vector<1x16xi32>,
      %get3A_118 = vector.shape_cast %get3A_117 : vector<1x16xi32> to vector<16xi32>
      %mul3A_119 = arith.constant 5 : i32
      %mul3A_120 = vector.broadcast %mul3A_119 : i32 to vector<16xi32>
      %mul3A_121 = arith.muli %get3A_118, %mul3A_120 : vector<16xi32>
      %add3A_122 = arith.constant 0 : i32
      %add3A_123 = vector.broadcast %add3A_122 : i32 to vector<16xi32>
      %add3A_124 = arith.addi %mul3A_121, %add3A_123 : vector<16xi32>
      %reshape3A_125 = vector.shape_cast %add3A_124 : vector<16xi32> to vector<16x1xi32>
      %gather3A_126 = vector.shape_cast %reshape3A_125 : vector<16x1xi32> to vector<16xi32>
      %gather3A_127 = tpu.dynamic_gather %get3A_2[%gather3A_126] in [0] : vector<16xf32>, vector<16xi32> -> vector<16xf32>
      %swap3A_128 = arith.index_cast %scan3A_80 : i32 to index
      %swap3A_129 = arith.constant 32 : index
      %swap3A_130 = tpu.vector_load %arg7[%swap3A_128, %swap3A_129] {strides = array<i32>} : memref<200x256xf32, #tpu.memory_space<vmem>>, vector<1x16xf32>,
      %swap3A_131 = vector.shape_cast %swap3A_130 : vector<1x16xf32> to vector<16xf32>
      %swap3A_132 = vector.shape_cast %gather3A_127 : vector<16xf32> to vector<1x16xf32>
      tpu.vector_store %arg7[%swap3A_128, %swap3A_129], %swap3A_132 {strides = array<i32>} : memref<200x256xf32, #tpu.memory_space<vmem>>, vector<1x16xf32>,
      %get3A_133 = arith.index_cast %scan3A_80 : i32 to index
      %get3A_134 = arith.constant 48 : index
      %get3A_135 = tpu.vector_load %arg6[%get3A_133, %get3A_134] {strides = array<i32>} : memref<200x256xi32, #tpu.memory_space<vmem>>, vector<1x16xi32>,
      %get3A_136 = vector.shape_cast %get3A_135 : vector<1x16xi32> to vector<16xi32>
      %mul3A_137 = arith.constant 5 : i32
      %mul3A_138 = vector.broadcast %mul3A_137 : i32 to vector<16xi32>
      %mul3A_139 = arith.muli %get3A_136, %mul3A_138 : vector<16xi32>
      %add3A_140 = arith.constant 0 : i32
      %add3A_141 = vector.broadcast %add3A_140 : i32 to vector<16xi32>
      %add3A_142 = arith.addi %mul3A_139, %add3A_141 : vector<16xi32>
      %reshape3A_143 = vector.shape_cast %add3A_142 : vector<16xi32> to vector<16x1xi32>
      %gather3A_144 = vector.shape_cast %reshape3A_143 : vector<16x1xi32> to vector<16xi32>
      %gather3A_145 = tpu.dynamic_gather %get3A_2[%gather3A_144] in [0] : vector<16xf32>, vector<16xi32> -> vector<16xf32>
      %swap3A_146 = arith.index_cast %scan3A_80 : i32 to index
      %swap3A_147 = arith.constant 48 : index
      %swap3A_148 = tpu.vector_load %arg7[%swap3A_146, %swap3A_147] {strides = array<i32>} : memref<200x256xf32, #tpu.memory_space<vmem>>, vector<1x16xf32>,
      %swap3A_149 = vector.shape_cast %swap3A_148 : vector<1x16xf32> to vector<16xf32>
      %swap3A_150 = vector.shape_cast %gather3A_145 : vector<16xf32> to vector<1x16xf32>
      tpu.vector_store %arg7[%swap3A_146, %swap3A_147], %swap3A_150 {strides = array<i32>} : memref<200x256xf32, #tpu.memory_space<vmem>>, vector<1x16xf32>,
      %get3A_151 = arith.index_cast %scan3A_80 : i32 to index
      %get3A_152 = arith.constant 64 : index
      %get3A_153 = tpu.vector_load %arg6[%get3A_151, %get3A_152] {strides = array<i32>} : memref<200x256xi32, #tpu.memory_space<vmem>>, vector<1x16xi32>,
      %get3A_154 = vector.shape_cast %get3A_153 : vector<1x16xi32> to vector<16xi32>
      %mul3A_155 = arith.constant 5 : i32
      %mul3A_156 = vector.broadcast %mul3A_155 : i32 to vector<16xi32>
      %mul3A_157 = arith.muli %get3A_154, %mul3A_156 : vector<16xi32>
      %add3A_158 = arith.constant 0 : i32
      %add3A_159 = vector.broadcast %add3A_158 : i32 to vector<16xi32>
      %add3A_160 = arith.addi %mul3A_157, %add3A_159 : vector<16xi32>
      %reshape3A_161 = vector.shape_cast %add3A_160 : vector<16xi32> to vector<16x1xi32>
      %gather3A_162 = vector.shape_cast %reshape3A_161 : vector<16x1xi32> to vector<16xi32>
      %gather3A_163 = tpu.dynamic_gather %get3A_2[%gather3A_162] in [0] : vector<16xf32>, vector<16xi32> -> vector<16xf32>
      %swap3A_164 = arith.index_cast %scan3A_80 : i32 to index
      %swap3A_165 = arith.constant 64 : index
      %swap3A_166 = tpu.vector_load %arg7[%swap3A_164, %swap3A_165] {strides = array<i32>} : memref<200x256xf32, #tpu.memory_space<vmem>>, vector<1x16xf32>,
      %swap3A_167 = vector.shape_cast %swap3A_166 : vector<1x16xf32> to vector<16xf32>
      %swap3A_168 = vector.shape_cast %gather3A_163 : vector<16xf32> to vector<1x16xf32>
      tpu.vector_store %arg7[%swap3A_164, %swap3A_165], %swap3A_168 {strides = array<i32>} : memref<200x256xf32, #tpu.memory_space<vmem>>, vector<1x16xf32>,
      %get3A_169 = arith.index_cast %scan3A_80 : i32 to index
      %get3A_170 = arith.constant 80 : index
      %get3A_171 = tpu.vector_load %arg6[%get3A_169, %get3A_170] {strides = array<i32>} : memref<200x256xi32, #tpu.memory_space<vmem>>, vector<1x16xi32>,
      %get3A_172 = vector.shape_cast %get3A_171 : vector<1x16xi32> to vector<16xi32>
      %mul3A_173 = arith.constant 5 : i32
      %mul3A_174 = vector.broadcast %mul3A_173 : i32 to vector<16xi32>
      %mul3A_175 = arith.muli %get3A_172, %mul3A_174 : vector<16xi32>
      %add3A_176 = arith.constant 0 : i32
      %add3A_177 = vector.broadcast %add3A_176 : i32 to vector<16xi32>
      %add3A_178 = arith.addi %mul3A_175, %add3A_177 : vector<16xi32>
      %reshape3A_179 = vector.shape_cast %add3A_178 : vector<16xi32> to vector<16x1xi32>
      %gather3A_180 = vector.shape_cast %reshape3A_179 : vector<16x1xi32> to vector<16xi32>
      %gather3A_181 = tpu.dynamic_gather %get3A_2[%gather3A_180] in [0] : vector<16xf32>, vector<16xi32> -> vector<16xf32>
      %swap3A_182 = arith.index_cast %scan3A_80 : i32 to index
      %swap3A_183 = arith.constant 80 : index
      %swap3A_184 = tpu.vector_load %arg7[%swap3A_182, %swap3A_183] {strides = array<i32>} : memref<200x256xf32, #tpu.memory_space<vmem>>, vector<1x16xf32>,
      %swap3A_185 = vector.shape_cast %swap3A_184 : vector<1x16xf32> to vector<16xf32>
      %swap3A_186 = vector.shape_cast %gather3A_181 : vector<16xf32> to vector<1x16xf32>
      tpu.vector_store %arg7[%swap3A_182, %swap3A_183], %swap3A_186 {strides = array<i32>} : memref<200x256xf32, #tpu.memory_space<vmem>>, vector<1x16xf32>,
      %get3A_187 = arith.index_cast %scan3A_80 : i32 to index
      %get3A_188 = arith.constant 96 : index
      %get3A_189 = tpu.vector_load %arg6[%get3A_187, %get3A_188] {strides = array<i32>} : memref<200x256xi32, #tpu.memory_space<vmem>>, vector<1x16xi32>,
      %get3A_190 = vector.shape_cast %get3A_189 : vector<1x16xi32> to vector<16xi32>
      %mul3A_191 = arith.constant 5 : i32
      %mul3A_192 = vector.broadcast %mul3A_191 : i32 to vector<16xi32>
      %mul3A_193 = arith.muli %get3A_190, %mul3A_192 : vector<16xi32>
      %add3A_194 = arith.constant 0 : i32
      %add3A_195 = vector.broadcast %add3A_194 : i32 to vector<16xi32>
      %add3A_196 = arith.addi %mul3A_193, %add3A_195 : vector<16xi32>
      %reshape3A_197 = vector.shape_cast %add3A_196 : vector<16xi32> to vector<16x1xi32>
      %gather3A_198 = vector.shape_cast %reshape3A_197 : vector<16x1xi32> to vector<16xi32>
      %gather3A_199 = tpu.dynamic_gather %get3A_2[%gather3A_198] in [0] : vector<16xf32>, vector<16xi32> -> vector<16xf32>
      %swap3A_200 = arith.index_cast %scan3A_80 : i32 to index
      %swap3A_201 = arith.constant 96 : index
      %swap3A_202 = tpu.vector_load %arg7[%swap3A_200, %swap3A_201] {strides = array<i32>} : memref<200x256xf32, #tpu.memory_space<vmem>>, vector<1x16xf32>,
      %swap3A_203 = vector.shape_cast %swap3A_202 : vector<1x16xf32> to vector<16xf32>
      %swap3A_204 = vector.shape_cast %gather3A_199 : vector<16xf32> to vector<1x16xf32>
      tpu.vector_store %arg7[%swap3A_200, %swap3A_201], %swap3A_204 {strides = array<i32>} : memref<200x256xf32, #tpu.memory_space<vmem>>, vector<1x16xf32>,
      %get3A_205 = arith.index_cast %scan3A_80 : i32 to index
      %get3A_206 = arith.constant 112 : index
      %get3A_207 = tpu.vector_load %arg6[%get3A_205, %get3A_206] {strides = array<i32>} : memref<200x256xi32, #tpu.memory_space<vmem>>, vector<1x16xi32>,
      %get3A_208 = vector.shape_cast %get3A_207 : vector<1x16xi32> to vector<16xi32>
      %mul3A_209 = arith.constant 5 : i32
      %mul3A_210 = vector.broadcast %mul3A_209 : i32 to vector<16xi32>
      %mul3A_211 = arith.muli %get3A_208, %mul3A_210 : vector<16xi32>
      %add3A_212 = arith.constant 0 : i32
      %add3A_213 = vector.broadcast %add3A_212 : i32 to vector<16xi32>
      %add3A_214 = arith.addi %mul3A_211, %add3A_213 : vector<16xi32>
      %reshape3A_215 = vector.shape_cast %add3A_214 : vector<16xi32> to vector<16x1xi32>
      %gather3A_216 = vector.shape_cast %reshape3A_215 : vector<16x1xi32> to vector<16xi32>
      %gather3A_217 = tpu.dynamic_gather %get3A_2[%gather3A_216] in [0] : vector<16xf32>, vector<16xi32> -> vector<16xf32>
      %swap3A_218 = arith.index_cast %scan3A_80 : i32 to index
      %swap3A_219 = arith.constant 112 : index
      %swap3A_220 = tpu.vector_load %arg7[%swap3A_218, %swap3A_219] {strides = array<i32>} : memref<200x256xf32, #tpu.memory_space<vmem>>, vector<1x16xf32>,
      %swap3A_221 = vector.shape_cast %swap3A_220 : vector<1x16xf32> to vector<16xf32>
      %swap3A_222 = vector.shape_cast %gather3A_217 : vector<16xf32> to vector<1x16xf32>
      tpu.vector_store %arg7[%swap3A_218, %swap3A_219], %swap3A_222 {strides = array<i32>} : memref<200x256xf32, #tpu.memory_space<vmem>>, vector<1x16xf32>,
      %get3A_223 = arith.index_cast %scan3A_80 : i32 to index
      %get3A_224 = arith.constant 128 : index
      %get3A_225 = tpu.vector_load %arg6[%get3A_223, %get3A_224] {strides = array<i32>} : memref<200x256xi32, #tpu.memory_space<vmem>>, vector<1x16xi32>,
      %get3A_226 = vector.shape_cast %get3A_225 : vector<1x16xi32> to vector<16xi32>
      %mul3A_227 = arith.constant 5 : i32
      %mul3A_228 = vector.broadcast %mul3A_227 : i32 to vector<16xi32>
      %mul3A_229 = arith.muli %get3A_226, %mul3A_228 : vector<16xi32>
      %add3A_230 = arith.constant 0 : i32
      %add3A_231 = vector.broadcast %add3A_230 : i32 to vector<16xi32>
      %add3A_232 = arith.addi %mul3A_229, %add3A_231 : vector<16xi32>
      %reshape3A_233 = vector.shape_cast %add3A_232 : vector<16xi32> to vector<16x1xi32>
      %gather3A_234 = vector.shape_cast %reshape3A_233 : vector<16x1xi32> to vector<16xi32>
      %gather3A_235 = tpu.dynamic_gather %get3A_2[%gather3A_234] in [0] : vector<16xf32>, vector<16xi32> -> vector<16xf32>
      %swap3A_236 = arith.index_cast %scan3A_80 : i32 to index
      %swap3A_237 = arith.constant 128 : index
      %swap3A_238 = tpu.vector_load %arg7[%swap3A_236, %swap3A_237] {strides = array<i32>} : memref<200x256xf32, #tpu.memory_space<vmem>>, vector<1x16xf32>,
      %swap3A_239 = vector.shape_cast %swap3A_238 : vector<1x16xf32> to vector<16xf32>
      %swap3A_240 = vector.shape_cast %gather3A_235 : vector<16xf32> to vector<1x16xf32>
      tpu.vector_store %arg7[%swap3A_236, %swap3A_237], %swap3A_240 {strides = array<i32>} : memref<200x256xf32, #tpu.memory_space<vmem>>, vector<1x16xf32>,
      %get3A_241 = arith.index_cast %scan3A_80 : i32 to index
      %get3A_242 = arith.constant 144 : index
      %get3A_243 = tpu.vector_load %arg6[%get3A_241, %get3A_242] {strides = array<i32>} : memref<200x256xi32, #tpu.memory_space<vmem>>, vector<1x16xi32>,
      %get3A_244 = vector.shape_cast %get3A_243 : vector<1x16xi32> to vector<16xi32>
      %mul3A_245 = arith.constant 5 : i32
      %mul3A_246 = vector.broadcast %mul3A_245 : i32 to vector<16xi32>
      %mul3A_247 = arith.muli %get3A_244, %mul3A_246 : vector<16xi32>
      %add3A_248 = arith.constant 0 : i32
      %add3A_249 = vector.broadcast %add3A_248 : i32 to vector<16xi32>
      %add3A_250 = arith.addi %mul3A_247, %add3A_249 : vector<16xi32>
      %reshape3A_251 = vector.shape_cast %add3A_250 : vector<16xi32> to vector<16x1xi32>
      %gather3A_252 = vector.shape_cast %reshape3A_251 : vector<16x1xi32> to vector<16xi32>
      %gather3A_253 = tpu.dynamic_gather %get3A_2[%gather3A_252] in [0] : vector<16xf32>, vector<16xi32> -> vector<16xf32>
      %swap3A_254 = arith.index_cast %scan3A_80 : i32 to index
      %swap3A_255 = arith.constant 144 : index
      %swap3A_256 = tpu.vector_load %arg7[%swap3A_254, %swap3A_255] {strides = array<i32>} : memref<200x256xf32, #tpu.memory_space<vmem>>, vector<1x16xf32>,
      %swap3A_257 = vector.shape_cast %swap3A_256 : vector<1x16xf32> to vector<16xf32>
      %swap3A_258 = vector.shape_cast %gather3A_253 : vector<16xf32> to vector<1x16xf32>
      tpu.vector_store %arg7[%swap3A_254, %swap3A_255], %swap3A_258 {strides = array<i32>} : memref<200x256xf32, #tpu.memory_space<vmem>>, vector<1x16xf32>,
      %get3A_259 = arith.index_cast %scan3A_80 : i32 to index
      %get3A_260 = arith.constant 160 : index
      %get3A_261 = tpu.vector_load %arg6[%get3A_259, %get3A_260] {strides = array<i32>} : memref<200x256xi32, #tpu.memory_space<vmem>>, vector<1x16xi32>,
      %get3A_262 = vector.shape_cast %get3A_261 : vector<1x16xi32> to vector<16xi32>
      %mul3A_263 = arith.constant 5 : i32
      %mul3A_264 = vector.broadcast %mul3A_263 : i32 to vector<16xi32>
      %mul3A_265 = arith.muli %get3A_262, %mul3A_264 : vector<16xi32>
      %add3A_266 = arith.constant 0 : i32
      %add3A_267 = vector.broadcast %add3A_266 : i32 to vector<16xi32>
      %add3A_268 = arith.addi %mul3A_265, %add3A_267 : vector<16xi32>
      %reshape3A_269 = vector.shape_cast %add3A_268 : vector<16xi32> to vector<16x1xi32>
      %gather3A_270 = vector.shape_cast %reshape3A_269 : vector<16x1xi32> to vector<16xi32>
      %gather3A_271 = tpu.dynamic_gather %get3A_2[%gather3A_270] in [0] : vector<16xf32>, vector<16xi32> -> vector<16xf32>
      %swap3A_272 = arith.index_cast %scan3A_80 : i32 to index
      %swap3A_273 = arith.constant 160 : index
      %swap3A_274 = tpu.vector_load %arg7[%swap3A_272, %swap3A_273] {strides = array<i32>} : memref<200x256xf32, #tpu.memory_space<vmem>>, vector<1x16xf32>,
      %swap3A_275 = vector.shape_cast %swap3A_274 : vector<1x16xf32> to vector<16xf32>
      %swap3A_276 = vector.shape_cast %gather3A_271 : vector<16xf32> to vector<1x16xf32>
      tpu.vector_store %arg7[%swap3A_272, %swap3A_273], %swap3A_276 {strides = array<i32>} : memref<200x256xf32, #tpu.memory_space<vmem>>, vector<1x16xf32>,
      %get3A_277 = arith.index_cast %scan3A_80 : i32 to index
      %get3A_278 = arith.constant 176 : index
      %get3A_279 = tpu.vector_load %arg6[%get3A_277, %get3A_278] {strides = array<i32>} : memref<200x256xi32, #tpu.memory_space<vmem>>, vector<1x16xi32>,
      %get3A_280 = vector.shape_cast %get3A_279 : vector<1x16xi32> to vector<16xi32>
      %mul3A_281 = arith.constant 5 : i32
      %mul3A_282 = vector.broadcast %mul3A_281 : i32 to vector<16xi32>
      %mul3A_283 = arith.muli %get3A_280, %mul3A_282 : vector<16xi32>
      %add3A_284 = arith.constant 0 : i32
      %add3A_285 = vector.broadcast %add3A_284 : i32 to vector<16xi32>
      %add3A_286 = arith.addi %mul3A_283, %add3A_285 : vector<16xi32>
      %reshape3A_287 = vector.shape_cast %add3A_286 : vector<16xi32> to vector<16x1xi32>
      %gather3A_288 = vector.shape_cast %reshape3A_287 : vector<16x1xi32> to vector<16xi32>
      %gather3A_289 = tpu.dynamic_gather %get3A_2[%gather3A_288] in [0] : vector<16xf32>, vector<16xi32> -> vector<16xf32>
      %swap3A_290 = arith.index_cast %scan3A_80 : i32 to index
      %swap3A_291 = arith.constant 176 : index
      %swap3A_292 = tpu.vector_load %arg7[%swap3A_290, %swap3A_291] {strides = array<i32>} : memref<200x256xf32, #tpu.memory_space<vmem>>, vector<1x16xf32>,
      %swap3A_293 = vector.shape_cast %swap3A_292 : vector<1x16xf32> to vector<16xf32>
      %swap3A_294 = vector.shape_cast %gather3A_289 : vector<16xf32> to vector<1x16xf32>
      tpu.vector_store %arg7[%swap3A_290, %swap3A_291], %swap3A_294 {strides = array<i32>} : memref<200x256xf32, #tpu.memory_space<vmem>>, vector<1x16xf32>,
      %get3A_295 = arith.index_cast %scan3A_80 : i32 to index
      %get3A_296 = arith.constant 192 : index
      %get3A_297 = tpu.vector_load %arg6[%get3A_295, %get3A_296] {strides = array<i32>} : memref<200x256xi32, #tpu.memory_space<vmem>>, vector<1x16xi32>,
      %get3A_298 = vector.shape_cast %get3A_297 : vector<1x16xi32> to vector<16xi32>
      %mul3A_299 = arith.constant 5 : i32
      %mul3A_300 = vector.broadcast %mul3A_299 : i32 to vector<16xi32>
      %mul3A_301 = arith.muli %get3A_298, %mul3A_300 : vector<16xi32>
      %add3A_302 = arith.constant 0 : i32
      %add3A_303 = vector.broadcast %add3A_302 : i32 to vector<16xi32>
      %add3A_304 = arith.addi %mul3A_301, %add3A_303 : vector<16xi32>
      %reshape3A_305 = vector.shape_cast %add3A_304 : vector<16xi32> to vector<16x1xi32>
      %gather3A_306 = vector.shape_cast %reshape3A_305 : vector<16x1xi32> to vector<16xi32>
      %gather3A_307 = tpu.dynamic_gather %get3A_2[%gather3A_306] in [0] : vector<16xf32>, vector<16xi32> -> vector<16xf32>
      %swap3A_308 = arith.index_cast %scan3A_80 : i32 to index
      %swap3A_309 = arith.constant 192 : index
      %swap3A_310 = tpu.vector_load %arg7[%swap3A_308, %swap3A_309] {strides = array<i32>} : memref<200x256xf32, #tpu.memory_space<vmem>>, vector<1x16xf32>,
      %swap3A_311 = vector.shape_cast %swap3A_310 : vector<1x16xf32> to vector<16xf32>
      %swap3A_312 = vector.shape_cast %gather3A_307 : vector<16xf32> to vector<1x16xf32>
      tpu.vector_store %arg7[%swap3A_308, %swap3A_309], %swap3A_312 {strides = array<i32>} : memref<200x256xf32, #tpu.memory_space<vmem>>, vector<1x16xf32>,
      %get3A_313 = arith.index_cast %scan3A_80 : i32 to index
      %get3A_314 = arith.constant 208 : index
      %get3A_315 = tpu.vector_load %arg6[%get3A_313, %get3A_314] {strides = array<i32>} : memref<200x256xi32, #tpu.memory_space<vmem>>, vector<1x16xi32>,
      %get3A_316 = vector.shape_cast %get3A_315 : vector<1x16xi32> to vector<16xi32>
      %mul3A_317 = arith.constant 5 : i32
      %mul3A_318 = vector.broadcast %mul3A_317 : i32 to vector<16xi32>
      %mul3A_319 = arith.muli %get3A_316, %mul3A_318 : vector<16xi32>
      %add3A_320 = arith.constant 0 : i32
      %add3A_321 = vector.broadcast %add3A_320 : i32 to vector<16xi32>
      %add3A_322 = arith.addi %mul3A_319, %add3A_321 : vector<16xi32>
      %reshape3A_323 = vector.shape_cast %add3A_322 : vector<16xi32> to vector<16x1xi32>
      %gather3A_324 = vector.shape_cast %reshape3A_323 : vector<16x1xi32> to vector<16xi32>
      %gather3A_325 = tpu.dynamic_gather %get3A_2[%gather3A_324] in [0] : vector<16xf32>, vector<16xi32> -> vector<16xf32>
      %swap3A_326 = arith.index_cast %scan3A_80 : i32 to index
      %swap3A_327 = arith.constant 208 : index
      %swap3A_328 = tpu.vector_load %arg7[%swap3A_326, %swap3A_327] {strides = array<i32>} : memref<200x256xf32, #tpu.memory_space<vmem>>, vector<1x16xf32>,
      %swap3A_329 = vector.shape_cast %swap3A_328 : vector<1x16xf32> to vector<16xf32>
      %swap3A_330 = vector.shape_cast %gather3A_325 : vector<16xf32> to vector<1x16xf32>
      tpu.vector_store %arg7[%swap3A_326, %swap3A_327], %swap3A_330 {strides = array<i32>} : memref<200x256xf32, #tpu.memory_space<vmem>>, vector<1x16xf32>,
      %get3A_331 = arith.index_cast %scan3A_80 : i32 to index
      %get3A_332 = arith.constant 224 : index
      %get3A_333 = tpu.vector_load %arg6[%get3A_331, %get3A_332] {strides = array<i32>} : memref<200x256xi32, #tpu.memory_space<vmem>>, vector<1x16xi32>,
      %get3A_334 = vector.shape_cast %get3A_333 : vector<1x16xi32> to vector<16xi32>
      %mul3A_335 = arith.constant 5 : i32
      %mul3A_336 = vector.broadcast %mul3A_335 : i32 to vector<16xi32>
      %mul3A_337 = arith.muli %get3A_334, %mul3A_336 : vector<16xi32>
      %add3A_338 = arith.constant 0 : i32
      %add3A_339 = vector.broadcast %add3A_338 : i32 to vector<16xi32>
      %add3A_340 = arith.addi %mul3A_337, %add3A_339 : vector<16xi32>
      %reshape3A_341 = vector.shape_cast %add3A_340 : vector<16xi32> to vector<16x1xi32>
      %gather3A_342 = vector.shape_cast %reshape3A_341 : vector<16x1xi32> to vector<16xi32>
      %gather3A_343 = tpu.dynamic_gather %get3A_2[%gather3A_342] in [0] : vector<16xf32>, vector<16xi32> -> vector<16xf32>
      %swap3A_344 = arith.index_cast %scan3A_80 : i32 to index
      %swap3A_345 = arith.constant 224 : index
      %swap3A_346 = tpu.vector_load %arg7[%swap3A_344, %swap3A_345] {strides = array<i32>} : memref<200x256xf32, #tpu.memory_space<vmem>>, vector<1x16xf32>,
      %swap3A_347 = vector.shape_cast %swap3A_346 : vector<1x16xf32> to vector<16xf32>
      %swap3A_348 = vector.shape_cast %gather3A_343 : vector<16xf32> to vector<1x16xf32>
      tpu.vector_store %arg7[%swap3A_344, %swap3A_345], %swap3A_348 {strides = array<i32>} : memref<200x256xf32, #tpu.memory_space<vmem>>, vector<1x16xf32>,
      %get3A_349 = arith.index_cast %scan3A_80 : i32 to index
      %get3A_350 = arith.constant 240 : index
      %get3A_351 = tpu.vector_load %arg6[%get3A_349, %get3A_350] {strides = array<i32>} : memref<200x256xi32, #tpu.memory_space<vmem>>, vector<1x16xi32>,
      %get3A_352 = vector.shape_cast %get3A_351 : vector<1x16xi32> to vector<16xi32>
      %mul3A_353 = arith.constant 5 : i32
      %mul3A_354 = vector.broadcast %mul3A_353 : i32 to vector<16xi32>
      %mul3A_355 = arith.muli %get3A_352, %mul3A_354 : vector<16xi32>
      %add3A_356 = arith.constant 0 : i32
      %add3A_357 = vector.broadcast %add3A_356 : i32 to vector<16xi32>
      %add3A_358 = arith.addi %mul3A_355, %add3A_357 : vector<16xi32>
      %reshape3A_359 = vector.shape_cast %add3A_358 : vector<16xi32> to vector<16x1xi32>
      %gather3A_360 = vector.shape_cast %reshape3A_359 : vector<16x1xi32> to vector<16xi32>
      %gather3A_361 = tpu.dynamic_gather %get3A_2[%gather3A_360] in [0] : vector<16xf32>, vector<16xi32> -> vector<16xf32>
      %swap3A_362 = arith.index_cast %scan3A_80 : i32 to index
      %swap3A_363 = arith.constant 240 : index
      %swap3A_364 = tpu.vector_load %arg7[%swap3A_362, %swap3A_363] {strides = array<i32>} : memref<200x256xf32, #tpu.memory_space<vmem>>, vector<1x16xf32>,
      %swap3A_365 = vector.shape_cast %swap3A_364 : vector<1x16xf32> to vector<16xf32>
      %swap3A_366 = vector.shape_cast %gather3A_361 : vector<16xf32> to vector<1x16xf32>
      tpu.vector_store %arg7[%swap3A_362, %swap3A_363], %swap3A_366 {strides = array<i32>} : memref<200x256xf32, #tpu.memory_space<vmem>>, vector<1x16xf32>,
      %scan3A_367 = arith.constant 0 : i32
      scf.yield %scan3A_367 : i32
    }
    %scan3A_51 = arith.constant 200 : i32
    "tpu.region"() ({
      %run_scoped3A = tpu.sem_alloc : memref<!tpu.dma_semaphore, #tpu.memory_space<semaphore_mem>>
      %dma_start3A = arith.constant 0 : i32
      %dma_start3A_80 = tpu.memref_slice %arg4[%dma_start3A, %add3A_44] : memref<1000x16384xf32, #tpu.memory_space<hbm>> -> memref<200x256xf32, #tpu.memory_space<hbm>>
      %dma_start3A_81 = arith.constant 0 : i32
      %dma_start3A_82 = tpu.memref_slice %arg4[%dma_start3A_81, %add3A_44] : memref<1000x16384xf32, #tpu.memory_space<hbm>> -> memref<200x256xf32, #tpu.memory_space<hbm>>
      tpu.enqueue_dma source(%arg7 : memref<200x256xf32, #tpu.memory_space<vmem>>) target(%dma_start3A_82 : memref<200x256xf32, #tpu.memory_space<hbm>>) target_semaphore(%run_scoped3A : memref<!tpu.dma_semaphore, #tpu.memory_space<semaphore_mem>>)
      %dma_wait3A = arith.constant 0 : i32
      %dma_wait3A_83 = tpu.memref_slice %arg4[%dma_wait3A, %add3A_44] : memref<1000x16384xf32, #tpu.memory_space<hbm>> -> memref<200x256xf32, #tpu.memory_space<hbm>>
      %dma_wait3A_84 = arith.constant 0 : i32
      %dma_wait3A_85 = tpu.memref_slice %arg4[%dma_wait3A_84, %add3A_44] : memref<1000x16384xf32, #tpu.memory_space<hbm>> -> memref<200x256xf32, #tpu.memory_space<hbm>>
      tpu.wait_dma2 semaphore(%run_scoped3A : memref<!tpu.dma_semaphore, #tpu.memory_space<semaphore_mem>>) src(%arg7 : memref<200x256xf32, #tpu.memory_space<vmem>>) dst(%dma_wait3A_85 : memref<200x256xf32, #tpu.memory_space<hbm>>)
      tpu.yield
    }) : () -> ()
    %scan3A_52 = arith.constant 0 : i32
    %scan3A_53 = arith.constant 0 : i32
    %scan3A_54 = arith.constant 200 : i32
    %scan3A_55 = arith.addi %scan3A_53, %scan3A_54 : i32
    %scan3A_56 = arith.constant 1 : i32
    %scan3A_57 = scf.for %scan3A_80 = %scan3A_53 to %scan3A_55 step %scan3A_56 iter_args(%scan3A_81 = %scan3A_52) -> (i32)  : i32 {
      %get3A_82 = arith.index_cast %scan3A_80 : i32 to index
      %get3A_83 = arith.constant 0 : index
      %get3A_84 = tpu.vector_load %arg6[%get3A_82, %get3A_83] {strides = array<i32>} : memref<200x256xi32, #tpu.memory_space<vmem>>, vector<1x16xi32>,
      %get3A_85 = vector.shape_cast %get3A_84 : vector<1x16xi32> to vector<16xi32>
      %mul3A_86 = arith.constant 5 : i32
      %mul3A_87 = vector.broadcast %mul3A_86 : i32 to vector<16xi32>
      %mul3A_88 = arith.muli %get3A_85, %mul3A_87 : vector<16xi32>
      %add3A_89 = arith.constant 1 : i32
      %add3A_90 = vector.broadcast %add3A_89 : i32 to vector<16xi32>
      %add3A_91 = arith.addi %mul3A_88, %add3A_90 : vector<16xi32>
      %reshape3A = vector.shape_cast %add3A_91 : vector<16xi32> to vector<16x1xi32>
      %gather3A = vector.shape_cast %reshape3A : vector<16x1xi32> to vector<16xi32>
      %gather3A_92 = tpu.dynamic_gather %get3A_2[%gather3A] in [0] : vector<16xf32>, vector<16xi32> -> vector<16xf32>
      %swap3A = arith.index_cast %scan3A_80 : i32 to index
      %swap3A_93 = arith.constant 0 : index
      %swap3A_94 = tpu.vector_load %arg7[%swap3A, %swap3A_93] {strides = array<i32>} : memref<200x256xf32, #tpu.memory_space<vmem>>, vector<1x16xf32>,
      %swap3A_95 = vector.shape_cast %swap3A_94 : vector<1x16xf32> to vector<16xf32>
      %swap3A_96 = vector.shape_cast %gather3A_92 : vector<16xf32> to vector<1x16xf32>
      tpu.vector_store %arg7[%swap3A, %swap3A_93], %swap3A_96 {strides = array<i32>} : memref<200x256xf32, #tpu.memory_space<vmem>>, vector<1x16xf32>,
      %get3A_97 = arith.index_cast %scan3A_80 : i32 to index
      %get3A_98 = arith.constant 16 : index
      %get3A_99 = tpu.vector_load %arg6[%get3A_97, %get3A_98] {strides = array<i32>} : memref<200x256xi32, #tpu.memory_space<vmem>>, vector<1x16xi32>,
      %get3A_100 = vector.shape_cast %get3A_99 : vector<1x16xi32> to vector<16xi32>
      %mul3A_101 = arith.constant 5 : i32
      %mul3A_102 = vector.broadcast %mul3A_101 : i32 to vector<16xi32>
      %mul3A_103 = arith.muli %get3A_100, %mul3A_102 : vector<16xi32>
      %add3A_104 = arith.constant 1 : i32
      %add3A_105 = vector.broadcast %add3A_104 : i32 to vector<16xi32>
      %add3A_106 = arith.addi %mul3A_103, %add3A_105 : vector<16xi32>
      %reshape3A_107 = vector.shape_cast %add3A_106 : vector<16xi32> to vector<16x1xi32>
      %gather3A_108 = vector.shape_cast %reshape3A_107 : vector<16x1xi32> to vector<16xi32>
      %gather3A_109 = tpu.dynamic_gather %get3A_2[%gather3A_108] in [0] : vector<16xf32>, vector<16xi32> -> vector<16xf32>
      %swap3A_110 = arith.index_cast %scan3A_80 : i32 to index
      %swap3A_111 = arith.constant 16 : index
      %swap3A_112 = tpu.vector_load %arg7[%swap3A_110, %swap3A_111] {strides = array<i32>} : memref<200x256xf32, #tpu.memory_space<vmem>>, vector<1x16xf32>,
      %swap3A_113 = vector.shape_cast %swap3A_112 : vector<1x16xf32> to vector<16xf32>
      %swap3A_114 = vector.shape_cast %gather3A_109 : vector<16xf32> to vector<1x16xf32>
      tpu.vector_store %arg7[%swap3A_110, %swap3A_111], %swap3A_114 {strides = array<i32>} : memref<200x256xf32, #tpu.memory_space<vmem>>, vector<1x16xf32>,
      %get3A_115 = arith.index_cast %scan3A_80 : i32 to index
      %get3A_116 = arith.constant 32 : index
      %get3A_117 = tpu.vector_load %arg6[%get3A_115, %get3A_116] {strides = array<i32>} : memref<200x256xi32, #tpu.memory_space<vmem>>, vector<1x16xi32>,
      %get3A_118 = vector.shape_cast %get3A_117 : vector<1x16xi32> to vector<16xi32>
      %mul3A_119 = arith.constant 5 : i32
      %mul3A_120 = vector.broadcast %mul3A_119 : i32 to vector<16xi32>
      %mul3A_121 = arith.muli %get3A_118, %mul3A_120 : vector<16xi32>
      %add3A_122 = arith.constant 1 : i32
      %add3A_123 = vector.broadcast %add3A_122 : i32 to vector<16xi32>
      %add3A_124 = arith.addi %mul3A_121, %add3A_123 : vector<16xi32>
      %reshape3A_125 = vector.shape_cast %add3A_124 : vector<16xi32> to vector<16x1xi32>
      %gather3A_126 = vector.shape_cast %reshape3A_125 : vector<16x1xi32> to vector<16xi32>
      %gather3A_127 = tpu.dynamic_gather %get3A_2[%gather3A_126] in [0] : vector<16xf32>, vector<16xi32> -> vector<16xf32>
      %swap3A_128 = arith.index_cast %scan3A_80 : i32 to index
      %swap3A_129 = arith.constant 32 : index
      %swap3A_130 = tpu.vector_load %arg7[%swap3A_128, %swap3A_129] {strides = array<i32>} : memref<200x256xf32, #tpu.memory_space<vmem>>, vector<1x16xf32>,
      %swap3A_131 = vector.shape_cast %swap3A_130 : vector<1x16xf32> to vector<16xf32>
      %swap3A_132 = vector.shape_cast %gather3A_127 : vector<16xf32> to vector<1x16xf32>
      tpu.vector_store %arg7[%swap3A_128, %swap3A_129], %swap3A_132 {strides = array<i32>} : memref<200x256xf32, #tpu.memory_space<vmem>>, vector<1x16xf32>,
      %get3A_133 = arith.index_cast %scan3A_80 : i32 to index
      %get3A_134 = arith.constant 48 : index
      %get3A_135 = tpu.vector_load %arg6[%get3A_133, %get3A_134] {strides = array<i32>} : memref<200x256xi32, #tpu.memory_space<vmem>>, vector<1x16xi32>,
      %get3A_136 = vector.shape_cast %get3A_135 : vector<1x16xi32> to vector<16xi32>
      %mul3A_137 = arith.constant 5 : i32
      %mul3A_138 = vector.broadcast %mul3A_137 : i32 to vector<16xi32>
      %mul3A_139 = arith.muli %get3A_136, %mul3A_138 : vector<16xi32>
      %add3A_140 = arith.constant 1 : i32
      %add3A_141 = vector.broadcast %add3A_140 : i32 to vector<16xi32>
      %add3A_142 = arith.addi %mul3A_139, %add3A_141 : vector<16xi32>
      %reshape3A_143 = vector.shape_cast %add3A_142 : vector<16xi32> to vector<16x1xi32>
      %gather3A_144 = vector.shape_cast %reshape3A_143 : vector<16x1xi32> to vector<16xi32>
      %gather3A_145 = tpu.dynamic_gather %get3A_2[%gather3A_144] in [0] : vector<16xf32>, vector<16xi32> -> vector<16xf32>
      %swap3A_146 = arith.index_cast %scan3A_80 : i32 to index
      %swap3A_147 = arith.constant 48 : index
      %swap3A_148 = tpu.vector_load %arg7[%swap3A_146, %swap3A_147] {strides = array<i32>} : memref<200x256xf32, #tpu.memory_space<vmem>>, vector<1x16xf32>,
      %swap3A_149 = vector.shape_cast %swap3A_148 : vector<1x16xf32> to vector<16xf32>
      %swap3A_150 = vector.shape_cast %gather3A_145 : vector<16xf32> to vector<1x16xf32>
      tpu.vector_store %arg7[%swap3A_146, %swap3A_147], %swap3A_150 {strides = array<i32>} : memref<200x256xf32, #tpu.memory_space<vmem>>, vector<1x16xf32>,
      %get3A_151 = arith.index_cast %scan3A_80 : i32 to index
      %get3A_152 = arith.constant 64 : index
      %get3A_153 = tpu.vector_load %arg6[%get3A_151, %get3A_152] {strides = array<i32>} : memref<200x256xi32, #tpu.memory_space<vmem>>, vector<1x16xi32>,
      %get3A_154 = vector.shape_cast %get3A_153 : vector<1x16xi32> to vector<16xi32>
      %mul3A_155 = arith.constant 5 : i32
      %mul3A_156 = vector.broadcast %mul3A_155 : i32 to vector<16xi32>
      %mul3A_157 = arith.muli %get3A_154, %mul3A_156 : vector<16xi32>
      %add3A_158 = arith.constant 1 : i32
      %add3A_159 = vector.broadcast %add3A_158 : i32 to vector<16xi32>
      %add3A_160 = arith.addi %mul3A_157, %add3A_159 : vector<16xi32>
      %reshape3A_161 = vector.shape_cast %add3A_160 : vector<16xi32> to vector<16x1xi32>
      %gather3A_162 = vector.shape_cast %reshape3A_161 : vector<16x1xi32> to vector<16xi32>
      %gather3A_163 = tpu.dynamic_gather %get3A_2[%gather3A_162] in [0] : vector<16xf32>, vector<16xi32> -> vector<16xf32>
      %swap3A_164 = arith.index_cast %scan3A_80 : i32 to index
      %swap3A_165 = arith.constant 64 : index
      %swap3A_166 = tpu.vector_load %arg7[%swap3A_164, %swap3A_165] {strides = array<i32>} : memref<200x256xf32, #tpu.memory_space<vmem>>, vector<1x16xf32>,
      %swap3A_167 = vector.shape_cast %swap3A_166 : vector<1x16xf32> to vector<16xf32>
      %swap3A_168 = vector.shape_cast %gather3A_163 : vector<16xf32> to vector<1x16xf32>
      tpu.vector_store %arg7[%swap3A_164, %swap3A_165], %swap3A_168 {strides = array<i32>} : memref<200x256xf32, #tpu.memory_space<vmem>>, vector<1x16xf32>,
      %get3A_169 = arith.index_cast %scan3A_80 : i32 to index
      %get3A_170 = arith.constant 80 : index
      %get3A_171 = tpu.vector_load %arg6[%get3A_169, %get3A_170] {strides = array<i32>} : memref<200x256xi32, #tpu.memory_space<vmem>>, vector<1x16xi32>,
      %get3A_172 = vector.shape_cast %get3A_171 : vector<1x16xi32> to vector<16xi32>
      %mul3A_173 = arith.constant 5 : i32
      %mul3A_174 = vector.broadcast %mul3A_173 : i32 to vector<16xi32>
      %mul3A_175 = arith.muli %get3A_172, %mul3A_174 : vector<16xi32>
      %add3A_176 = arith.constant 1 : i32
      %add3A_177 = vector.broadcast %add3A_176 : i32 to vector<16xi32>
      %add3A_178 = arith.addi %mul3A_175, %add3A_177 : vector<16xi32>
      %reshape3A_179 = vector.shape_cast %add3A_178 : vector<16xi32> to vector<16x1xi32>
      %gather3A_180 = vector.shape_cast %reshape3A_179 : vector<16x1xi32> to vector<16xi32>
      %gather3A_181 = tpu.dynamic_gather %get3A_2[%gather3A_180] in [0] : vector<16xf32>, vector<16xi32> -> vector<16xf32>
      %swap3A_182 = arith.index_cast %scan3A_80 : i32 to index
      %swap3A_183 = arith.constant 80 : index
      %swap3A_184 = tpu.vector_load %arg7[%swap3A_182, %swap3A_183] {strides = array<i32>} : memref<200x256xf32, #tpu.memory_space<vmem>>, vector<1x16xf32>,
      %swap3A_185 = vector.shape_cast %swap3A_184 : vector<1x16xf32> to vector<16xf32>
      %swap3A_186 = vector.shape_cast %gather3A_181 : vector<16xf32> to vector<1x16xf32>
      tpu.vector_store %arg7[%swap3A_182, %swap3A_183], %swap3A_186 {strides = array<i32>} : memref<200x256xf32, #tpu.memory_space<vmem>>, vector<1x16xf32>,
      %get3A_187 = arith.index_cast %scan3A_80 : i32 to index
      %get3A_188 = arith.constant 96 : index
      %get3A_189 = tpu.vector_load %arg6[%get3A_187, %get3A_188] {strides = array<i32>} : memref<200x256xi32, #tpu.memory_space<vmem>>, vector<1x16xi32>,
      %get3A_190 = vector.shape_cast %get3A_189 : vector<1x16xi32> to vector<16xi32>
      %mul3A_191 = arith.constant 5 : i32
      %mul3A_192 = vector.broadcast %mul3A_191 : i32 to vector<16xi32>
      %mul3A_193 = arith.muli %get3A_190, %mul3A_192 : vector<16xi32>
      %add3A_194 = arith.constant 1 : i32
      %add3A_195 = vector.broadcast %add3A_194 : i32 to vector<16xi32>
      %add3A_196 = arith.addi %mul3A_193, %add3A_195 : vector<16xi32>
      %reshape3A_197 = vector.shape_cast %add3A_196 : vector<16xi32> to vector<16x1xi32>
      %gather3A_198 = vector.shape_cast %reshape3A_197 : vector<16x1xi32> to vector<16xi32>
      %gather3A_199 = tpu.dynamic_gather %get3A_2[%gather3A_198] in [0] : vector<16xf32>, vector<16xi32> -> vector<16xf32>
      %swap3A_200 = arith.index_cast %scan3A_80 : i32 to index
      %swap3A_201 = arith.constant 96 : index
      %swap3A_202 = tpu.vector_load %arg7[%swap3A_200, %swap3A_201] {strides = array<i32>} : memref<200x256xf32, #tpu.memory_space<vmem>>, vector<1x16xf32>,
      %swap3A_203 = vector.shape_cast %swap3A_202 : vector<1x16xf32> to vector<16xf32>
      %swap3A_204 = vector.shape_cast %gather3A_199 : vector<16xf32> to vector<1x16xf32>
      tpu.vector_store %arg7[%swap3A_200, %swap3A_201], %swap3A_204 {strides = array<i32>} : memref<200x256xf32, #tpu.memory_space<vmem>>, vector<1x16xf32>,
      %get3A_205 = arith.index_cast %scan3A_80 : i32 to index
      %get3A_206 = arith.constant 112 : index
      %get3A_207 = tpu.vector_load %arg6[%get3A_205, %get3A_206] {strides = array<i32>} : memref<200x256xi32, #tpu.memory_space<vmem>>, vector<1x16xi32>,
      %get3A_208 = vector.shape_cast %get3A_207 : vector<1x16xi32> to vector<16xi32>
      %mul3A_209 = arith.constant 5 : i32
      %mul3A_210 = vector.broadcast %mul3A_209 : i32 to vector<16xi32>
      %mul3A_211 = arith.muli %get3A_208, %mul3A_210 : vector<16xi32>
      %add3A_212 = arith.constant 1 : i32
      %add3A_213 = vector.broadcast %add3A_212 : i32 to vector<16xi32>
      %add3A_214 = arith.addi %mul3A_211, %add3A_213 : vector<16xi32>
      %reshape3A_215 = vector.shape_cast %add3A_214 : vector<16xi32> to vector<16x1xi32>
      %gather3A_216 = vector.shape_cast %reshape3A_215 : vector<16x1xi32> to vector<16xi32>
      %gather3A_217 = tpu.dynamic_gather %get3A_2[%gather3A_216] in [0] : vector<16xf32>, vector<16xi32> -> vector<16xf32>
      %swap3A_218 = arith.index_cast %scan3A_80 : i32 to index
      %swap3A_219 = arith.constant 112 : index
      %swap3A_220 = tpu.vector_load %arg7[%swap3A_218, %swap3A_219] {strides = array<i32>} : memref<200x256xf32, #tpu.memory_space<vmem>>, vector<1x16xf32>,
      %swap3A_221 = vector.shape_cast %swap3A_220 : vector<1x16xf32> to vector<16xf32>
      %swap3A_222 = vector.shape_cast %gather3A_217 : vector<16xf32> to vector<1x16xf32>
      tpu.vector_store %arg7[%swap3A_218, %swap3A_219], %swap3A_222 {strides = array<i32>} : memref<200x256xf32, #tpu.memory_space<vmem>>, vector<1x16xf32>,
      %get3A_223 = arith.index_cast %scan3A_80 : i32 to index
      %get3A_224 = arith.constant 128 : index
      %get3A_225 = tpu.vector_load %arg6[%get3A_223, %get3A_224] {strides = array<i32>} : memref<200x256xi32, #tpu.memory_space<vmem>>, vector<1x16xi32>,
      %get3A_226 = vector.shape_cast %get3A_225 : vector<1x16xi32> to vector<16xi32>
      %mul3A_227 = arith.constant 5 : i32
      %mul3A_228 = vector.broadcast %mul3A_227 : i32 to vector<16xi32>
      %mul3A_229 = arith.muli %get3A_226, %mul3A_228 : vector<16xi32>
      %add3A_230 = arith.constant 1 : i32
      %add3A_231 = vector.broadcast %add3A_230 : i32 to vector<16xi32>
      %add3A_232 = arith.addi %mul3A_229, %add3A_231 : vector<16xi32>
      %reshape3A_233 = vector.shape_cast %add3A_232 : vector<16xi32> to vector<16x1xi32>
      %gather3A_234 = vector.shape_cast %reshape3A_233 : vector<16x1xi32> to vector<16xi32>
      %gather3A_235 = tpu.dynamic_gather %get3A_2[%gather3A_234] in [0] : vector<16xf32>, vector<16xi32> -> vector<16xf32>
      %swap3A_236 = arith.index_cast %scan3A_80 : i32 to index
      %swap3A_237 = arith.constant 128 : index
      %swap3A_238 = tpu.vector_load %arg7[%swap3A_236, %swap3A_237] {strides = array<i32>} : memref<200x256xf32, #tpu.memory_space<vmem>>, vector<1x16xf32>,
      %swap3A_239 = vector.shape_cast %swap3A_238 : vector<1x16xf32> to vector<16xf32>
      %swap3A_240 = vector.shape_cast %gather3A_235 : vector<16xf32> to vector<1x16xf32>
      tpu.vector_store %arg7[%swap3A_236, %swap3A_237], %swap3A_240 {strides = array<i32>} : memref<200x256xf32, #tpu.memory_space<vmem>>, vector<1x16xf32>,
      %get3A_241 = arith.index_cast %scan3A_80 : i32 to index
      %get3A_242 = arith.constant 144 : index
      %get3A_243 = tpu.vector_load %arg6[%get3A_241, %get3A_242] {strides = array<i32>} : memref<200x256xi32, #tpu.memory_space<vmem>>, vector<1x16xi32>,
      %get3A_244 = vector.shape_cast %get3A_243 : vector<1x16xi32> to vector<16xi32>
      %mul3A_245 = arith.constant 5 : i32
      %mul3A_246 = vector.broadcast %mul3A_245 : i32 to vector<16xi32>
      %mul3A_247 = arith.muli %get3A_244, %mul3A_246 : vector<16xi32>
      %add3A_248 = arith.constant 1 : i32
      %add3A_249 = vector.broadcast %add3A_248 : i32 to vector<16xi32>
      %add3A_250 = arith.addi %mul3A_247, %add3A_249 : vector<16xi32>
      %reshape3A_251 = vector.shape_cast %add3A_250 : vector<16xi32> to vector<16x1xi32>
      %gather3A_252 = vector.shape_cast %reshape3A_251 : vector<16x1xi32> to vector<16xi32>
      %gather3A_253 = tpu.dynamic_gather %get3A_2[%gather3A_252] in [0] : vector<16xf32>, vector<16xi32> -> vector<16xf32>
      %swap3A_254 = arith.index_cast %scan3A_80 : i32 to index
      %swap3A_255 = arith.constant 144 : index
      %swap3A_256 = tpu.vector_load %arg7[%swap3A_254, %swap3A_255] {strides = array<i32>} : memref<200x256xf32, #tpu.memory_space<vmem>>, vector<1x16xf32>,
      %swap3A_257 = vector.shape_cast %swap3A_256 : vector<1x16xf32> to vector<16xf32>
      %swap3A_258 = vector.shape_cast %gather3A_253 : vector<16xf32> to vector<1x16xf32>
      tpu.vector_store %arg7[%swap3A_254, %swap3A_255], %swap3A_258 {strides = array<i32>} : memref<200x256xf32, #tpu.memory_space<vmem>>, vector<1x16xf32>,
      %get3A_259 = arith.index_cast %scan3A_80 : i32 to index
      %get3A_260 = arith.constant 160 : index
      %get3A_261 = tpu.vector_load %arg6[%get3A_259, %get3A_260] {strides = array<i32>} : memref<200x256xi32, #tpu.memory_space<vmem>>, vector<1x16xi32>,
      %get3A_262 = vector.shape_cast %get3A_261 : vector<1x16xi32> to vector<16xi32>
      %mul3A_263 = arith.constant 5 : i32
      %mul3A_264 = vector.broadcast %mul3A_263 : i32 to vector<16xi32>
      %mul3A_265 = arith.muli %get3A_262, %mul3A_264 : vector<16xi32>
      %add3A_266 = arith.constant 1 : i32
      %add3A_267 = vector.broadcast %add3A_266 : i32 to vector<16xi32>
      %add3A_268 = arith.addi %mul3A_265, %add3A_267 : vector<16xi32>
      %reshape3A_269 = vector.shape_cast %add3A_268 : vector<16xi32> to vector<16x1xi32>
      %gather3A_270 = vector.shape_cast %reshape3A_269 : vector<16x1xi32> to vector<16xi32>
      %gather3A_271 = tpu.dynamic_gather %get3A_2[%gather3A_270] in [0] : vector<16xf32>, vector<16xi32> -> vector<16xf32>
      %swap3A_272 = arith.index_cast %scan3A_80 : i32 to index
      %swap3A_273 = arith.constant 160 : index
      %swap3A_274 = tpu.vector_load %arg7[%swap3A_272, %swap3A_273] {strides = array<i32>} : memref<200x256xf32, #tpu.memory_space<vmem>>, vector<1x16xf32>,
      %swap3A_275 = vector.shape_cast %swap3A_274 : vector<1x16xf32> to vector<16xf32>
      %swap3A_276 = vector.shape_cast %gather3A_271 : vector<16xf32> to vector<1x16xf32>
      tpu.vector_store %arg7[%swap3A_272, %swap3A_273], %swap3A_276 {strides = array<i32>} : memref<200x256xf32, #tpu.memory_space<vmem>>, vector<1x16xf32>,
      %get3A_277 = arith.index_cast %scan3A_80 : i32 to index
      %get3A_278 = arith.constant 176 : index
      %get3A_279 = tpu.vector_load %arg6[%get3A_277, %get3A_278] {strides = array<i32>} : memref<200x256xi32, #tpu.memory_space<vmem>>, vector<1x16xi32>,
      %get3A_280 = vector.shape_cast %get3A_279 : vector<1x16xi32> to vector<16xi32>
      %mul3A_281 = arith.constant 5 : i32
      %mul3A_282 = vector.broadcast %mul3A_281 : i32 to vector<16xi32>
      %mul3A_283 = arith.muli %get3A_280, %mul3A_282 : vector<16xi32>
      %add3A_284 = arith.constant 1 : i32
      %add3A_285 = vector.broadcast %add3A_284 : i32 to vector<16xi32>
      %add3A_286 = arith.addi %mul3A_283, %add3A_285 : vector<16xi32>
      %reshape3A_287 = vector.shape_cast %add3A_286 : vector<16xi32> to vector<16x1xi32>
      %gather3A_288 = vector.shape_cast %reshape3A_287 : vector<16x1xi32> to vector<16xi32>
      %gather3A_289 = tpu.dynamic_gather %get3A_2[%gather3A_288] in [0] : vector<16xf32>, vector<16xi32> -> vector<16xf32>
      %swap3A_290 = arith.index_cast %scan3A_80 : i32 to index
      %swap3A_291 = arith.constant 176 : index
      %swap3A_292 = tpu.vector_load %arg7[%swap3A_290, %swap3A_291] {strides = array<i32>} : memref<200x256xf32, #tpu.memory_space<vmem>>, vector<1x16xf32>,
      %swap3A_293 = vector.shape_cast %swap3A_292 : vector<1x16xf32> to vector<16xf32>
      %swap3A_294 = vector.shape_cast %gather3A_289 : vector<16xf32> to vector<1x16xf32>
      tpu.vector_store %arg7[%swap3A_290, %swap3A_291], %swap3A_294 {strides = array<i32>} : memref<200x256xf32, #tpu.memory_space<vmem>>, vector<1x16xf32>,
      %get3A_295 = arith.index_cast %scan3A_80 : i32 to index
      %get3A_296 = arith.constant 192 : index
      %get3A_297 = tpu.vector_load %arg6[%get3A_295, %get3A_296] {strides = array<i32>} : memref<200x256xi32, #tpu.memory_space<vmem>>, vector<1x16xi32>,
      %get3A_298 = vector.shape_cast %get3A_297 : vector<1x16xi32> to vector<16xi32>
      %mul3A_299 = arith.constant 5 : i32
      %mul3A_300 = vector.broadcast %mul3A_299 : i32 to vector<16xi32>
      %mul3A_301 = arith.muli %get3A_298, %mul3A_300 : vector<16xi32>
      %add3A_302 = arith.constant 1 : i32
      %add3A_303 = vector.broadcast %add3A_302 : i32 to vector<16xi32>
      %add3A_304 = arith.addi %mul3A_301, %add3A_303 : vector<16xi32>
      %reshape3A_305 = vector.shape_cast %add3A_304 : vector<16xi32> to vector<16x1xi32>
      %gather3A_306 = vector.shape_cast %reshape3A_305 : vector<16x1xi32> to vector<16xi32>
      %gather3A_307 = tpu.dynamic_gather %get3A_2[%gather3A_306] in [0] : vector<16xf32>, vector<16xi32> -> vector<16xf32>
      %swap3A_308 = arith.index_cast %scan3A_80 : i32 to index
      %swap3A_309 = arith.constant 192 : index
      %swap3A_310 = tpu.vector_load %arg7[%swap3A_308, %swap3A_309] {strides = array<i32>} : memref<200x256xf32, #tpu.memory_space<vmem>>, vector<1x16xf32>,
      %swap3A_311 = vector.shape_cast %swap3A_310 : vector<1x16xf32> to vector<16xf32>
      %swap3A_312 = vector.shape_cast %gather3A_307 : vector<16xf32> to vector<1x16xf32>
      tpu.vector_store %arg7[%swap3A_308, %swap3A_309], %swap3A_312 {strides = array<i32>} : memref<200x256xf32, #tpu.memory_space<vmem>>, vector<1x16xf32>,
      %get3A_313 = arith.index_cast %scan3A_80 : i32 to index
      %get3A_314 = arith.constant 208 : index
      %get3A_315 = tpu.vector_load %arg6[%get3A_313, %get3A_314] {strides = array<i32>} : memref<200x256xi32, #tpu.memory_space<vmem>>, vector<1x16xi32>,
      %get3A_316 = vector.shape_cast %get3A_315 : vector<1x16xi32> to vector<16xi32>
      %mul3A_317 = arith.constant 5 : i32
      %mul3A_318 = vector.broadcast %mul3A_317 : i32 to vector<16xi32>
      %mul3A_319 = arith.muli %get3A_316, %mul3A_318 : vector<16xi32>
      %add3A_320 = arith.constant 1 : i32
      %add3A_321 = vector.broadcast %add3A_320 : i32 to vector<16xi32>
      %add3A_322 = arith.addi %mul3A_319, %add3A_321 : vector<16xi32>
      %reshape3A_323 = vector.shape_cast %add3A_322 : vector<16xi32> to vector<16x1xi32>
      %gather3A_324 = vector.shape_cast %reshape3A_323 : vector<16x1xi32> to vector<16xi32>
      %gather3A_325 = tpu.dynamic_gather %get3A_2[%gather3A_324] in [0] : vector<16xf32>, vector<16xi32> -> vector<16xf32>
      %swap3A_326 = arith.index_cast %scan3A_80 : i32 to index
      %swap3A_327 = arith.constant 208 : index
      %swap3A_328 = tpu.vector_load %arg7[%swap3A_326, %swap3A_327] {strides = array<i32>} : memref<200x256xf32, #tpu.memory_space<vmem>>, vector<1x16xf32>,
      %swap3A_329 = vector.shape_cast %swap3A_328 : vector<1x16xf32> to vector<16xf32>
      %swap3A_330 = vector.shape_cast %gather3A_325 : vector<16xf32> to vector<1x16xf32>
      tpu.vector_store %arg7[%swap3A_326, %swap3A_327], %swap3A_330 {strides = array<i32>} : memref<200x256xf32, #tpu.memory_space<vmem>>, vector<1x16xf32>,
      %get3A_331 = arith.index_cast %scan3A_80 : i32 to index
      %get3A_332 = arith.constant 224 : index
      %get3A_333 = tpu.vector_load %arg6[%get3A_331, %get3A_332] {strides = array<i32>} : memref<200x256xi32, #tpu.memory_space<vmem>>, vector<1x16xi32>,
      %get3A_334 = vector.shape_cast %get3A_333 : vector<1x16xi32> to vector<16xi32>
      %mul3A_335 = arith.constant 5 : i32
      %mul3A_336 = vector.broadcast %mul3A_335 : i32 to vector<16xi32>
      %mul3A_337 = arith.muli %get3A_334, %mul3A_336 : vector<16xi32>
      %add3A_338 = arith.constant 1 : i32
      %add3A_339 = vector.broadcast %add3A_338 : i32 to vector<16xi32>
      %add3A_340 = arith.addi %mul3A_337, %add3A_339 : vector<16xi32>
      %reshape3A_341 = vector.shape_cast %add3A_340 : vector<16xi32> to vector<16x1xi32>
      %gather3A_342 = vector.shape_cast %reshape3A_341 : vector<16x1xi32> to vector<16xi32>
      %gather3A_343 = tpu.dynamic_gather %get3A_2[%gather3A_342] in [0] : vector<16xf32>, vector<16xi32> -> vector<16xf32>
      %swap3A_344 = arith.index_cast %scan3A_80 : i32 to index
      %swap3A_345 = arith.constant 224 : index
      %swap3A_346 = tpu.vector_load %arg7[%swap3A_344, %swap3A_345] {strides = array<i32>} : memref<200x256xf32, #tpu.memory_space<vmem>>, vector<1x16xf32>,
      %swap3A_347 = vector.shape_cast %swap3A_346 : vector<1x16xf32> to vector<16xf32>
      %swap3A_348 = vector.shape_cast %gather3A_343 : vector<16xf32> to vector<1x16xf32>
      tpu.vector_store %arg7[%swap3A_344, %swap3A_345], %swap3A_348 {strides = array<i32>} : memref<200x256xf32, #tpu.memory_space<vmem>>, vector<1x16xf32>,
      %get3A_349 = arith.index_cast %scan3A_80 : i32 to index
      %get3A_350 = arith.constant 240 : index
      %get3A_351 = tpu.vector_load %arg6[%get3A_349, %get3A_350] {strides = array<i32>} : memref<200x256xi32, #tpu.memory_space<vmem>>, vector<1x16xi32>,
      %get3A_352 = vector.shape_cast %get3A_351 : vector<1x16xi32> to vector<16xi32>
      %mul3A_353 = arith.constant 5 : i32
      %mul3A_354 = vector.broadcast %mul3A_353 : i32 to vector<16xi32>
      %mul3A_355 = arith.muli %get3A_352, %mul3A_354 : vector<16xi32>
      %add3A_356 = arith.constant 1 : i32
      %add3A_357 = vector.broadcast %add3A_356 : i32 to vector<16xi32>
      %add3A_358 = arith.addi %mul3A_355, %add3A_357 : vector<16xi32>
      %reshape3A_359 = vector.shape_cast %add3A_358 : vector<16xi32> to vector<16x1xi32>
      %gather3A_360 = vector.shape_cast %reshape3A_359 : vector<16x1xi32> to vector<16xi32>
      %gather3A_361 = tpu.dynamic_gather %get3A_2[%gather3A_360] in [0] : vector<16xf32>, vector<16xi32> -> vector<16xf32>
      %swap3A_362 = arith.index_cast %scan3A_80 : i32 to index
      %swap3A_363 = arith.constant 240 : index
      %swap3A_364 = tpu.vector_load %arg7[%swap3A_362, %swap3A_363] {strides = array<i32>} : memref<200x256xf32, #tpu.memory_space<vmem>>, vector<1x16xf32>,
      %swap3A_365 = vector.shape_cast %swap3A_364 : vector<1x16xf32> to vector<16xf32>
      %swap3A_366 = vector.shape_cast %gather3A_361 : vector<16xf32> to vector<1x16xf32>
      tpu.vector_store %arg7[%swap3A_362, %swap3A_363], %swap3A_366 {strides = array<i32>} : memref<200x256xf32, #tpu.memory_space<vmem>>, vector<1x16xf32>,
      %scan3A_367 = arith.constant 0 : i32
      scf.yield %scan3A_367 : i32
    }
    %scan3A_58 = arith.constant 200 : i32
    "tpu.region"() ({
      %run_scoped3A = tpu.sem_alloc : memref<!tpu.dma_semaphore, #tpu.memory_space<semaphore_mem>>
      %dma_start3A = arith.constant 200 : i32
      %dma_start3A_80 = tpu.memref_slice %arg4[%dma_start3A, %add3A_44] : memref<1000x16384xf32, #tpu.memory_space<hbm>> -> memref<200x256xf32, #tpu.memory_space<hbm>>
      %dma_start3A_81 = arith.constant 200 : i32
      %dma_start3A_82 = tpu.memref_slice %arg4[%dma_start3A_81, %add3A_44] : memref<1000x16384xf32, #tpu.memory_space<hbm>> -> memref<200x256xf32, #tpu.memory_space<hbm>>
      tpu.enqueue_dma source(%arg7 : memref<200x256xf32, #tpu.memory_space<vmem>>) target(%dma_start3A_82 : memref<200x256xf32, #tpu.memory_space<hbm>>) target_semaphore(%run_scoped3A : memref<!tpu.dma_semaphore, #tpu.memory_space<semaphore_mem>>)
      %dma_wait3A = arith.constant 200 : i32
      %dma_wait3A_83 = tpu.memref_slice %arg4[%dma_wait3A, %add3A_44] : memref<1000x16384xf32, #tpu.memory_space<hbm>> -> memref<200x256xf32, #tpu.memory_space<hbm>>
      %dma_wait3A_84 = arith.constant 200 : i32
      %dma_wait3A_85 = tpu.memref_slice %arg4[%dma_wait3A_84, %add3A_44] : memref<1000x16384xf32, #tpu.memory_space<hbm>> -> memref<200x256xf32, #tpu.memory_space<hbm>>
      tpu.wait_dma2 semaphore(%run_scoped3A : memref<!tpu.dma_semaphore, #tpu.memory_space<semaphore_mem>>) src(%arg7 : memref<200x256xf32, #tpu.memory_space<vmem>>) dst(%dma_wait3A_85 : memref<200x256xf32, #tpu.memory_space<hbm>>)
      tpu.yield
    }) : () -> ()
    %scan3A_59 = arith.constant 0 : i32
    %scan3A_60 = arith.constant 0 : i32
    %scan3A_61 = arith.constant 200 : i32
    %scan3A_62 = arith.addi %scan3A_60, %scan3A_61 : i32
    %scan3A_63 = arith.constant 1 : i32
    %scan3A_64 = scf.for %scan3A_80 = %scan3A_60 to %scan3A_62 step %scan3A_63 iter_args(%scan3A_81 = %scan3A_59) -> (i32)  : i32 {
      %get3A_82 = arith.index_cast %scan3A_80 : i32 to index
      %get3A_83 = arith.constant 0 : index
      %get3A_84 = tpu.vector_load %arg6[%get3A_82, %get3A_83] {strides = array<i32>} : memref<200x256xi32, #tpu.memory_space<vmem>>, vector<1x16xi32>,
      %get3A_85 = vector.shape_cast %get3A_84 : vector<1x16xi32> to vector<16xi32>
      %mul3A_86 = arith.constant 5 : i32
      %mul3A_87 = vector.broadcast %mul3A_86 : i32 to vector<16xi32>
      %mul3A_88 = arith.muli %get3A_85, %mul3A_87 : vector<16xi32>
      %add3A_89 = arith.constant 2 : i32
      %add3A_90 = vector.broadcast %add3A_89 : i32 to vector<16xi32>
      %add3A_91 = arith.addi %mul3A_88, %add3A_90 : vector<16xi32>
      %reshape3A = vector.shape_cast %add3A_91 : vector<16xi32> to vector<16x1xi32>
      %gather3A = vector.shape_cast %reshape3A : vector<16x1xi32> to vector<16xi32>
      %gather3A_92 = tpu.dynamic_gather %get3A_2[%gather3A] in [0] : vector<16xf32>, vector<16xi32> -> vector<16xf32>
      %swap3A = arith.index_cast %scan3A_80 : i32 to index
      %swap3A_93 = arith.constant 0 : index
      %swap3A_94 = tpu.vector_load %arg7[%swap3A, %swap3A_93] {strides = array<i32>} : memref<200x256xf32, #tpu.memory_space<vmem>>, vector<1x16xf32>,
      %swap3A_95 = vector.shape_cast %swap3A_94 : vector<1x16xf32> to vector<16xf32>
      %swap3A_96 = vector.shape_cast %gather3A_92 : vector<16xf32> to vector<1x16xf32>
      tpu.vector_store %arg7[%swap3A, %swap3A_93], %swap3A_96 {strides = array<i32>} : memref<200x256xf32, #tpu.memory_space<vmem>>, vector<1x16xf32>,
      %get3A_97 = arith.index_cast %scan3A_80 : i32 to index
      %get3A_98 = arith.constant 16 : index
      %get3A_99 = tpu.vector_load %arg6[%get3A_97, %get3A_98] {strides = array<i32>} : memref<200x256xi32, #tpu.memory_space<vmem>>, vector<1x16xi32>,
      %get3A_100 = vector.shape_cast %get3A_99 : vector<1x16xi32> to vector<16xi32>
      %mul3A_101 = arith.constant 5 : i32
      %mul3A_102 = vector.broadcast %mul3A_101 : i32 to vector<16xi32>
      %mul3A_103 = arith.muli %get3A_100, %mul3A_102 : vector<16xi32>
      %add3A_104 = arith.constant 2 : i32
      %add3A_105 = vector.broadcast %add3A_104 : i32 to vector<16xi32>
      %add3A_106 = arith.addi %mul3A_103, %add3A_105 : vector<16xi32>
      %reshape3A_107 = vector.shape_cast %add3A_106 : vector<16xi32> to vector<16x1xi32>
      %gather3A_108 = vector.shape_cast %reshape3A_107 : vector<16x1xi32> to vector<16xi32>
      %gather3A_109 = tpu.dynamic_gather %get3A_2[%gather3A_108] in [0] : vector<16xf32>, vector<16xi32> -> vector<16xf32>
      %swap3A_110 = arith.index_cast %scan3A_80 : i32 to index
      %swap3A_111 = arith.constant 16 : index
      %swap3A_112 = tpu.vector_load %arg7[%swap3A_110, %swap3A_111] {strides = array<i32>} : memref<200x256xf32, #tpu.memory_space<vmem>>, vector<1x16xf32>,
      %swap3A_113 = vector.shape_cast %swap3A_112 : vector<1x16xf32> to vector<16xf32>
      %swap3A_114 = vector.shape_cast %gather3A_109 : vector<16xf32> to vector<1x16xf32>
      tpu.vector_store %arg7[%swap3A_110, %swap3A_111], %swap3A_114 {strides = array<i32>} : memref<200x256xf32, #tpu.memory_space<vmem>>, vector<1x16xf32>,
      %get3A_115 = arith.index_cast %scan3A_80 : i32 to index
      %get3A_116 = arith.constant 32 : index
      %get3A_117 = tpu.vector_load %arg6[%get3A_115, %get3A_116] {strides = array<i32>} : memref<200x256xi32, #tpu.memory_space<vmem>>, vector<1x16xi32>,
      %get3A_118 = vector.shape_cast %get3A_117 : vector<1x16xi32> to vector<16xi32>
      %mul3A_119 = arith.constant 5 : i32
      %mul3A_120 = vector.broadcast %mul3A_119 : i32 to vector<16xi32>
      %mul3A_121 = arith.muli %get3A_118, %mul3A_120 : vector<16xi32>
      %add3A_122 = arith.constant 2 : i32
      %add3A_123 = vector.broadcast %add3A_122 : i32 to vector<16xi32>
      %add3A_124 = arith.addi %mul3A_121, %add3A_123 : vector<16xi32>
      %reshape3A_125 = vector.shape_cast %add3A_124 : vector<16xi32> to vector<16x1xi32>
      %gather3A_126 = vector.shape_cast %reshape3A_125 : vector<16x1xi32> to vector<16xi32>
      %gather3A_127 = tpu.dynamic_gather %get3A_2[%gather3A_126] in [0] : vector<16xf32>, vector<16xi32> -> vector<16xf32>
      %swap3A_128 = arith.index_cast %scan3A_80 : i32 to index
      %swap3A_129 = arith.constant 32 : index
      %swap3A_130 = tpu.vector_load %arg7[%swap3A_128, %swap3A_129] {strides = array<i32>} : memref<200x256xf32, #tpu.memory_space<vmem>>, vector<1x16xf32>,
      %swap3A_131 = vector.shape_cast %swap3A_130 : vector<1x16xf32> to vector<16xf32>
      %swap3A_132 = vector.shape_cast %gather3A_127 : vector<16xf32> to vector<1x16xf32>
      tpu.vector_store %arg7[%swap3A_128, %swap3A_129], %swap3A_132 {strides = array<i32>} : memref<200x256xf32, #tpu.memory_space<vmem>>, vector<1x16xf32>,
      %get3A_133 = arith.index_cast %scan3A_80 : i32 to index
      %get3A_134 = arith.constant 48 : index
      %get3A_135 = tpu.vector_load %arg6[%get3A_133, %get3A_134] {strides = array<i32>} : memref<200x256xi32, #tpu.memory_space<vmem>>, vector<1x16xi32>,
      %get3A_136 = vector.shape_cast %get3A_135 : vector<1x16xi32> to vector<16xi32>
      %mul3A_137 = arith.constant 5 : i32
      %mul3A_138 = vector.broadcast %mul3A_137 : i32 to vector<16xi32>
      %mul3A_139 = arith.muli %get3A_136, %mul3A_138 : vector<16xi32>
      %add3A_140 = arith.constant 2 : i32
      %add3A_141 = vector.broadcast %add3A_140 : i32 to vector<16xi32>
      %add3A_142 = arith.addi %mul3A_139, %add3A_141 : vector<16xi32>
      %reshape3A_143 = vector.shape_cast %add3A_142 : vector<16xi32> to vector<16x1xi32>
      %gather3A_144 = vector.shape_cast %reshape3A_143 : vector<16x1xi32> to vector<16xi32>
      %gather3A_145 = tpu.dynamic_gather %get3A_2[%gather3A_144] in [0] : vector<16xf32>, vector<16xi32> -> vector<16xf32>
      %swap3A_146 = arith.index_cast %scan3A_80 : i32 to index
      %swap3A_147 = arith.constant 48 : index
      %swap3A_148 = tpu.vector_load %arg7[%swap3A_146, %swap3A_147] {strides = array<i32>} : memref<200x256xf32, #tpu.memory_space<vmem>>, vector<1x16xf32>,
      %swap3A_149 = vector.shape_cast %swap3A_148 : vector<1x16xf32> to vector<16xf32>
      %swap3A_150 = vector.shape_cast %gather3A_145 : vector<16xf32> to vector<1x16xf32>
      tpu.vector_store %arg7[%swap3A_146, %swap3A_147], %swap3A_150 {strides = array<i32>} : memref<200x256xf32, #tpu.memory_space<vmem>>, vector<1x16xf32>,
      %get3A_151 = arith.index_cast %scan3A_80 : i32 to index
      %get3A_152 = arith.constant 64 : index
      %get3A_153 = tpu.vector_load %arg6[%get3A_151, %get3A_152] {strides = array<i32>} : memref<200x256xi32, #tpu.memory_space<vmem>>, vector<1x16xi32>,
      %get3A_154 = vector.shape_cast %get3A_153 : vector<1x16xi32> to vector<16xi32>
      %mul3A_155 = arith.constant 5 : i32
      %mul3A_156 = vector.broadcast %mul3A_155 : i32 to vector<16xi32>
      %mul3A_157 = arith.muli %get3A_154, %mul3A_156 : vector<16xi32>
      %add3A_158 = arith.constant 2 : i32
      %add3A_159 = vector.broadcast %add3A_158 : i32 to vector<16xi32>
      %add3A_160 = arith.addi %mul3A_157, %add3A_159 : vector<16xi32>
      %reshape3A_161 = vector.shape_cast %add3A_160 : vector<16xi32> to vector<16x1xi32>
      %gather3A_162 = vector.shape_cast %reshape3A_161 : vector<16x1xi32> to vector<16xi32>
      %gather3A_163 = tpu.dynamic_gather %get3A_2[%gather3A_162] in [0] : vector<16xf32>, vector<16xi32> -> vector<16xf32>
      %swap3A_164 = arith.index_cast %scan3A_80 : i32 to index
      %swap3A_165 = arith.constant 64 : index
      %swap3A_166 = tpu.vector_load %arg7[%swap3A_164, %swap3A_165] {strides = array<i32>} : memref<200x256xf32, #tpu.memory_space<vmem>>, vector<1x16xf32>,
      %swap3A_167 = vector.shape_cast %swap3A_166 : vector<1x16xf32> to vector<16xf32>
      %swap3A_168 = vector.shape_cast %gather3A_163 : vector<16xf32> to vector<1x16xf32>
      tpu.vector_store %arg7[%swap3A_164, %swap3A_165], %swap3A_168 {strides = array<i32>} : memref<200x256xf32, #tpu.memory_space<vmem>>, vector<1x16xf32>,
      %get3A_169 = arith.index_cast %scan3A_80 : i32 to index
      %get3A_170 = arith.constant 80 : index
      %get3A_171 = tpu.vector_load %arg6[%get3A_169, %get3A_170] {strides = array<i32>} : memref<200x256xi32, #tpu.memory_space<vmem>>, vector<1x16xi32>,
      %get3A_172 = vector.shape_cast %get3A_171 : vector<1x16xi32> to vector<16xi32>
      %mul3A_173 = arith.constant 5 : i32
      %mul3A_174 = vector.broadcast %mul3A_173 : i32 to vector<16xi32>
      %mul3A_175 = arith.muli %get3A_172, %mul3A_174 : vector<16xi32>
      %add3A_176 = arith.constant 2 : i32
      %add3A_177 = vector.broadcast %add3A_176 : i32 to vector<16xi32>
      %add3A_178 = arith.addi %mul3A_175, %add3A_177 : vector<16xi32>
      %reshape3A_179 = vector.shape_cast %add3A_178 : vector<16xi32> to vector<16x1xi32>
      %gather3A_180 = vector.shape_cast %reshape3A_179 : vector<16x1xi32> to vector<16xi32>
      %gather3A_181 = tpu.dynamic_gather %get3A_2[%gather3A_180] in [0] : vector<16xf32>, vector<16xi32> -> vector<16xf32>
      %swap3A_182 = arith.index_cast %scan3A_80 : i32 to index
      %swap3A_183 = arith.constant 80 : index
      %swap3A_184 = tpu.vector_load %arg7[%swap3A_182, %swap3A_183] {strides = array<i32>} : memref<200x256xf32, #tpu.memory_space<vmem>>, vector<1x16xf32>,
      %swap3A_185 = vector.shape_cast %swap3A_184 : vector<1x16xf32> to vector<16xf32>
      %swap3A_186 = vector.shape_cast %gather3A_181 : vector<16xf32> to vector<1x16xf32>
      tpu.vector_store %arg7[%swap3A_182, %swap3A_183], %swap3A_186 {strides = array<i32>} : memref<200x256xf32, #tpu.memory_space<vmem>>, vector<1x16xf32>,
      %get3A_187 = arith.index_cast %scan3A_80 : i32 to index
      %get3A_188 = arith.constant 96 : index
      %get3A_189 = tpu.vector_load %arg6[%get3A_187, %get3A_188] {strides = array<i32>} : memref<200x256xi32, #tpu.memory_space<vmem>>, vector<1x16xi32>,
      %get3A_190 = vector.shape_cast %get3A_189 : vector<1x16xi32> to vector<16xi32>
      %mul3A_191 = arith.constant 5 : i32
      %mul3A_192 = vector.broadcast %mul3A_191 : i32 to vector<16xi32>
      %mul3A_193 = arith.muli %get3A_190, %mul3A_192 : vector<16xi32>
      %add3A_194 = arith.constant 2 : i32
      %add3A_195 = vector.broadcast %add3A_194 : i32 to vector<16xi32>
      %add3A_196 = arith.addi %mul3A_193, %add3A_195 : vector<16xi32>
      %reshape3A_197 = vector.shape_cast %add3A_196 : vector<16xi32> to vector<16x1xi32>
      %gather3A_198 = vector.shape_cast %reshape3A_197 : vector<16x1xi32> to vector<16xi32>
      %gather3A_199 = tpu.dynamic_gather %get3A_2[%gather3A_198] in [0] : vector<16xf32>, vector<16xi32> -> vector<16xf32>
      %swap3A_200 = arith.index_cast %scan3A_80 : i32 to index
      %swap3A_201 = arith.constant 96 : index
      %swap3A_202 = tpu.vector_load %arg7[%swap3A_200, %swap3A_201] {strides = array<i32>} : memref<200x256xf32, #tpu.memory_space<vmem>>, vector<1x16xf32>,
      %swap3A_203 = vector.shape_cast %swap3A_202 : vector<1x16xf32> to vector<16xf32>
      %swap3A_204 = vector.shape_cast %gather3A_199 : vector<16xf32> to vector<1x16xf32>
      tpu.vector_store %arg7[%swap3A_200, %swap3A_201], %swap3A_204 {strides = array<i32>} : memref<200x256xf32, #tpu.memory_space<vmem>>, vector<1x16xf32>,
      %get3A_205 = arith.index_cast %scan3A_80 : i32 to index
      %get3A_206 = arith.constant 112 : index
      %get3A_207 = tpu.vector_load %arg6[%get3A_205, %get3A_206] {strides = array<i32>} : memref<200x256xi32, #tpu.memory_space<vmem>>, vector<1x16xi32>,
      %get3A_208 = vector.shape_cast %get3A_207 : vector<1x16xi32> to vector<16xi32>
      %mul3A_209 = arith.constant 5 : i32
      %mul3A_210 = vector.broadcast %mul3A_209 : i32 to vector<16xi32>
      %mul3A_211 = arith.muli %get3A_208, %mul3A_210 : vector<16xi32>
      %add3A_212 = arith.constant 2 : i32
      %add3A_213 = vector.broadcast %add3A_212 : i32 to vector<16xi32>
      %add3A_214 = arith.addi %mul3A_211, %add3A_213 : vector<16xi32>
      %reshape3A_215 = vector.shape_cast %add3A_214 : vector<16xi32> to vector<16x1xi32>
      %gather3A_216 = vector.shape_cast %reshape3A_215 : vector<16x1xi32> to vector<16xi32>
      %gather3A_217 = tpu.dynamic_gather %get3A_2[%gather3A_216] in [0] : vector<16xf32>, vector<16xi32> -> vector<16xf32>
      %swap3A_218 = arith.index_cast %scan3A_80 : i32 to index
      %swap3A_219 = arith.constant 112 : index
      %swap3A_220 = tpu.vector_load %arg7[%swap3A_218, %swap3A_219] {strides = array<i32>} : memref<200x256xf32, #tpu.memory_space<vmem>>, vector<1x16xf32>,
      %swap3A_221 = vector.shape_cast %swap3A_220 : vector<1x16xf32> to vector<16xf32>
      %swap3A_222 = vector.shape_cast %gather3A_217 : vector<16xf32> to vector<1x16xf32>
      tpu.vector_store %arg7[%swap3A_218, %swap3A_219], %swap3A_222 {strides = array<i32>} : memref<200x256xf32, #tpu.memory_space<vmem>>, vector<1x16xf32>,
      %get3A_223 = arith.index_cast %scan3A_80 : i32 to index
      %get3A_224 = arith.constant 128 : index
      %get3A_225 = tpu.vector_load %arg6[%get3A_223, %get3A_224] {strides = array<i32>} : memref<200x256xi32, #tpu.memory_space<vmem>>, vector<1x16xi32>,
      %get3A_226 = vector.shape_cast %get3A_225 : vector<1x16xi32> to vector<16xi32>
      %mul3A_227 = arith.constant 5 : i32
      %mul3A_228 = vector.broadcast %mul3A_227 : i32 to vector<16xi32>
      %mul3A_229 = arith.muli %get3A_226, %mul3A_228 : vector<16xi32>
      %add3A_230 = arith.constant 2 : i32
      %add3A_231 = vector.broadcast %add3A_230 : i32 to vector<16xi32>
      %add3A_232 = arith.addi %mul3A_229, %add3A_231 : vector<16xi32>
      %reshape3A_233 = vector.shape_cast %add3A_232 : vector<16xi32> to vector<16x1xi32>
      %gather3A_234 = vector.shape_cast %reshape3A_233 : vector<16x1xi32> to vector<16xi32>
      %gather3A_235 = tpu.dynamic_gather %get3A_2[%gather3A_234] in [0] : vector<16xf32>, vector<16xi32> -> vector<16xf32>
      %swap3A_236 = arith.index_cast %scan3A_80 : i32 to index
      %swap3A_237 = arith.constant 128 : index
      %swap3A_238 = tpu.vector_load %arg7[%swap3A_236, %swap3A_237] {strides = array<i32>} : memref<200x256xf32, #tpu.memory_space<vmem>>, vector<1x16xf32>,
      %swap3A_239 = vector.shape_cast %swap3A_238 : vector<1x16xf32> to vector<16xf32>
      %swap3A_240 = vector.shape_cast %gather3A_235 : vector<16xf32> to vector<1x16xf32>
      tpu.vector_store %arg7[%swap3A_236, %swap3A_237], %swap3A_240 {strides = array<i32>} : memref<200x256xf32, #tpu.memory_space<vmem>>, vector<1x16xf32>,
      %get3A_241 = arith.index_cast %scan3A_80 : i32 to index
      %get3A_242 = arith.constant 144 : index
      %get3A_243 = tpu.vector_load %arg6[%get3A_241, %get3A_242] {strides = array<i32>} : memref<200x256xi32, #tpu.memory_space<vmem>>, vector<1x16xi32>,
      %get3A_244 = vector.shape_cast %get3A_243 : vector<1x16xi32> to vector<16xi32>
      %mul3A_245 = arith.constant 5 : i32
      %mul3A_246 = vector.broadcast %mul3A_245 : i32 to vector<16xi32>
      %mul3A_247 = arith.muli %get3A_244, %mul3A_246 : vector<16xi32>
      %add3A_248 = arith.constant 2 : i32
      %add3A_249 = vector.broadcast %add3A_248 : i32 to vector<16xi32>
      %add3A_250 = arith.addi %mul3A_247, %add3A_249 : vector<16xi32>
      %reshape3A_251 = vector.shape_cast %add3A_250 : vector<16xi32> to vector<16x1xi32>
      %gather3A_252 = vector.shape_cast %reshape3A_251 : vector<16x1xi32> to vector<16xi32>
      %gather3A_253 = tpu.dynamic_gather %get3A_2[%gather3A_252] in [0] : vector<16xf32>, vector<16xi32> -> vector<16xf32>
      %swap3A_254 = arith.index_cast %scan3A_80 : i32 to index
      %swap3A_255 = arith.constant 144 : index
      %swap3A_256 = tpu.vector_load %arg7[%swap3A_254, %swap3A_255] {strides = array<i32>} : memref<200x256xf32, #tpu.memory_space<vmem>>, vector<1x16xf32>,
      %swap3A_257 = vector.shape_cast %swap3A_256 : vector<1x16xf32> to vector<16xf32>
      %swap3A_258 = vector.shape_cast %gather3A_253 : vector<16xf32> to vector<1x16xf32>
      tpu.vector_store %arg7[%swap3A_254, %swap3A_255], %swap3A_258 {strides = array<i32>} : memref<200x256xf32, #tpu.memory_space<vmem>>, vector<1x16xf32>,
      %get3A_259 = arith.index_cast %scan3A_80 : i32 to index
      %get3A_260 = arith.constant 160 : index
      %get3A_261 = tpu.vector_load %arg6[%get3A_259, %get3A_260] {strides = array<i32>} : memref<200x256xi32, #tpu.memory_space<vmem>>, vector<1x16xi32>,
      %get3A_262 = vector.shape_cast %get3A_261 : vector<1x16xi32> to vector<16xi32>
      %mul3A_263 = arith.constant 5 : i32
      %mul3A_264 = vector.broadcast %mul3A_263 : i32 to vector<16xi32>
      %mul3A_265 = arith.muli %get3A_262, %mul3A_264 : vector<16xi32>
      %add3A_266 = arith.constant 2 : i32
      %add3A_267 = vector.broadcast %add3A_266 : i32 to vector<16xi32>
      %add3A_268 = arith.addi %mul3A_265, %add3A_267 : vector<16xi32>
      %reshape3A_269 = vector.shape_cast %add3A_268 : vector<16xi32> to vector<16x1xi32>
      %gather3A_270 = vector.shape_cast %reshape3A_269 : vector<16x1xi32> to vector<16xi32>
      %gather3A_271 = tpu.dynamic_gather %get3A_2[%gather3A_270] in [0] : vector<16xf32>, vector<16xi32> -> vector<16xf32>
      %swap3A_272 = arith.index_cast %scan3A_80 : i32 to index
      %swap3A_273 = arith.constant 160 : index
      %swap3A_274 = tpu.vector_load %arg7[%swap3A_272, %swap3A_273] {strides = array<i32>} : memref<200x256xf32, #tpu.memory_space<vmem>>, vector<1x16xf32>,
      %swap3A_275 = vector.shape_cast %swap3A_274 : vector<1x16xf32> to vector<16xf32>
      %swap3A_276 = vector.shape_cast %gather3A_271 : vector<16xf32> to vector<1x16xf32>
      tpu.vector_store %arg7[%swap3A_272, %swap3A_273], %swap3A_276 {strides = array<i32>} : memref<200x256xf32, #tpu.memory_space<vmem>>, vector<1x16xf32>,
      %get3A_277 = arith.index_cast %scan3A_80 : i32 to index
      %get3A_278 = arith.constant 176 : index
      %get3A_279 = tpu.vector_load %arg6[%get3A_277, %get3A_278] {strides = array<i32>} : memref<200x256xi32, #tpu.memory_space<vmem>>, vector<1x16xi32>,
      %get3A_280 = vector.shape_cast %get3A_279 : vector<1x16xi32> to vector<16xi32>
      %mul3A_281 = arith.constant 5 : i32
      %mul3A_282 = vector.broadcast %mul3A_281 : i32 to vector<16xi32>
      %mul3A_283 = arith.muli %get3A_280, %mul3A_282 : vector<16xi32>
      %add3A_284 = arith.constant 2 : i32
      %add3A_285 = vector.broadcast %add3A_284 : i32 to vector<16xi32>
      %add3A_286 = arith.addi %mul3A_283, %add3A_285 : vector<16xi32>
      %reshape3A_287 = vector.shape_cast %add3A_286 : vector<16xi32> to vector<16x1xi32>
      %gather3A_288 = vector.shape_cast %reshape3A_287 : vector<16x1xi32> to vector<16xi32>
      %gather3A_289 = tpu.dynamic_gather %get3A_2[%gather3A_288] in [0] : vector<16xf32>, vector<16xi32> -> vector<16xf32>
      %swap3A_290 = arith.index_cast %scan3A_80 : i32 to index
      %swap3A_291 = arith.constant 176 : index
      %swap3A_292 = tpu.vector_load %arg7[%swap3A_290, %swap3A_291] {strides = array<i32>} : memref<200x256xf32, #tpu.memory_space<vmem>>, vector<1x16xf32>,
      %swap3A_293 = vector.shape_cast %swap3A_292 : vector<1x16xf32> to vector<16xf32>
      %swap3A_294 = vector.shape_cast %gather3A_289 : vector<16xf32> to vector<1x16xf32>
      tpu.vector_store %arg7[%swap3A_290, %swap3A_291], %swap3A_294 {strides = array<i32>} : memref<200x256xf32, #tpu.memory_space<vmem>>, vector<1x16xf32>,
      %get3A_295 = arith.index_cast %scan3A_80 : i32 to index
      %get3A_296 = arith.constant 192 : index
      %get3A_297 = tpu.vector_load %arg6[%get3A_295, %get3A_296] {strides = array<i32>} : memref<200x256xi32, #tpu.memory_space<vmem>>, vector<1x16xi32>,
      %get3A_298 = vector.shape_cast %get3A_297 : vector<1x16xi32> to vector<16xi32>
      %mul3A_299 = arith.constant 5 : i32
      %mul3A_300 = vector.broadcast %mul3A_299 : i32 to vector<16xi32>
      %mul3A_301 = arith.muli %get3A_298, %mul3A_300 : vector<16xi32>
      %add3A_302 = arith.constant 2 : i32
      %add3A_303 = vector.broadcast %add3A_302 : i32 to vector<16xi32>
      %add3A_304 = arith.addi %mul3A_301, %add3A_303 : vector<16xi32>
      %reshape3A_305 = vector.shape_cast %add3A_304 : vector<16xi32> to vector<16x1xi32>
      %gather3A_306 = vector.shape_cast %reshape3A_305 : vector<16x1xi32> to vector<16xi32>
      %gather3A_307 = tpu.dynamic_gather %get3A_2[%gather3A_306] in [0] : vector<16xf32>, vector<16xi32> -> vector<16xf32>
      %swap3A_308 = arith.index_cast %scan3A_80 : i32 to index
      %swap3A_309 = arith.constant 192 : index
      %swap3A_310 = tpu.vector_load %arg7[%swap3A_308, %swap3A_309] {strides = array<i32>} : memref<200x256xf32, #tpu.memory_space<vmem>>, vector<1x16xf32>,
      %swap3A_311 = vector.shape_cast %swap3A_310 : vector<1x16xf32> to vector<16xf32>
      %swap3A_312 = vector.shape_cast %gather3A_307 : vector<16xf32> to vector<1x16xf32>
      tpu.vector_store %arg7[%swap3A_308, %swap3A_309], %swap3A_312 {strides = array<i32>} : memref<200x256xf32, #tpu.memory_space<vmem>>, vector<1x16xf32>,
      %get3A_313 = arith.index_cast %scan3A_80 : i32 to index
      %get3A_314 = arith.constant 208 : index
      %get3A_315 = tpu.vector_load %arg6[%get3A_313, %get3A_314] {strides = array<i32>} : memref<200x256xi32, #tpu.memory_space<vmem>>, vector<1x16xi32>,
      %get3A_316 = vector.shape_cast %get3A_315 : vector<1x16xi32> to vector<16xi32>
      %mul3A_317 = arith.constant 5 : i32
      %mul3A_318 = vector.broadcast %mul3A_317 : i32 to vector<16xi32>
      %mul3A_319 = arith.muli %get3A_316, %mul3A_318 : vector<16xi32>
      %add3A_320 = arith.constant 2 : i32
      %add3A_321 = vector.broadcast %add3A_320 : i32 to vector<16xi32>
      %add3A_322 = arith.addi %mul3A_319, %add3A_321 : vector<16xi32>
      %reshape3A_323 = vector.shape_cast %add3A_322 : vector<16xi32> to vector<16x1xi32>
      %gather3A_324 = vector.shape_cast %reshape3A_323 : vector<16x1xi32> to vector<16xi32>
      %gather3A_325 = tpu.dynamic_gather %get3A_2[%gather3A_324] in [0] : vector<16xf32>, vector<16xi32> -> vector<16xf32>
      %swap3A_326 = arith.index_cast %scan3A_80 : i32 to index
      %swap3A_327 = arith.constant 208 : index
      %swap3A_328 = tpu.vector_load %arg7[%swap3A_326, %swap3A_327] {strides = array<i32>} : memref<200x256xf32, #tpu.memory_space<vmem>>, vector<1x16xf32>,
      %swap3A_329 = vector.shape_cast %swap3A_328 : vector<1x16xf32> to vector<16xf32>
      %swap3A_330 = vector.shape_cast %gather3A_325 : vector<16xf32> to vector<1x16xf32>
      tpu.vector_store %arg7[%swap3A_326, %swap3A_327], %swap3A_330 {strides = array<i32>} : memref<200x256xf32, #tpu.memory_space<vmem>>, vector<1x16xf32>,
      %get3A_331 = arith.index_cast %scan3A_80 : i32 to index
      %get3A_332 = arith.constant 224 : index
      %get3A_333 = tpu.vector_load %arg6[%get3A_331, %get3A_332] {strides = array<i32>} : memref<200x256xi32, #tpu.memory_space<vmem>>, vector<1x16xi32>,
      %get3A_334 = vector.shape_cast %get3A_333 : vector<1x16xi32> to vector<16xi32>
      %mul3A_335 = arith.constant 5 : i32
      %mul3A_336 = vector.broadcast %mul3A_335 : i32 to vector<16xi32>
      %mul3A_337 = arith.muli %get3A_334, %mul3A_336 : vector<16xi32>
      %add3A_338 = arith.constant 2 : i32
      %add3A_339 = vector.broadcast %add3A_338 : i32 to vector<16xi32>
      %add3A_340 = arith.addi %mul3A_337, %add3A_339 : vector<16xi32>
      %reshape3A_341 = vector.shape_cast %add3A_340 : vector<16xi32> to vector<16x1xi32>
      %gather3A_342 = vector.shape_cast %reshape3A_341 : vector<16x1xi32> to vector<16xi32>
      %gather3A_343 = tpu.dynamic_gather %get3A_2[%gather3A_342] in [0] : vector<16xf32>, vector<16xi32> -> vector<16xf32>
      %swap3A_344 = arith.index_cast %scan3A_80 : i32 to index
      %swap3A_345 = arith.constant 224 : index
      %swap3A_346 = tpu.vector_load %arg7[%swap3A_344, %swap3A_345] {strides = array<i32>} : memref<200x256xf32, #tpu.memory_space<vmem>>, vector<1x16xf32>,
      %swap3A_347 = vector.shape_cast %swap3A_346 : vector<1x16xf32> to vector<16xf32>
      %swap3A_348 = vector.shape_cast %gather3A_343 : vector<16xf32> to vector<1x16xf32>
      tpu.vector_store %arg7[%swap3A_344, %swap3A_345], %swap3A_348 {strides = array<i32>} : memref<200x256xf32, #tpu.memory_space<vmem>>, vector<1x16xf32>,
      %get3A_349 = arith.index_cast %scan3A_80 : i32 to index
      %get3A_350 = arith.constant 240 : index
      %get3A_351 = tpu.vector_load %arg6[%get3A_349, %get3A_350] {strides = array<i32>} : memref<200x256xi32, #tpu.memory_space<vmem>>, vector<1x16xi32>,
      %get3A_352 = vector.shape_cast %get3A_351 : vector<1x16xi32> to vector<16xi32>
      %mul3A_353 = arith.constant 5 : i32
      %mul3A_354 = vector.broadcast %mul3A_353 : i32 to vector<16xi32>
      %mul3A_355 = arith.muli %get3A_352, %mul3A_354 : vector<16xi32>
      %add3A_356 = arith.constant 2 : i32
      %add3A_357 = vector.broadcast %add3A_356 : i32 to vector<16xi32>
      %add3A_358 = arith.addi %mul3A_355, %add3A_357 : vector<16xi32>
      %reshape3A_359 = vector.shape_cast %add3A_358 : vector<16xi32> to vector<16x1xi32>
      %gather3A_360 = vector.shape_cast %reshape3A_359 : vector<16x1xi32> to vector<16xi32>
      %gather3A_361 = tpu.dynamic_gather %get3A_2[%gather3A_360] in [0] : vector<16xf32>, vector<16xi32> -> vector<16xf32>
      %swap3A_362 = arith.index_cast %scan3A_80 : i32 to index
      %swap3A_363 = arith.constant 240 : index
      %swap3A_364 = tpu.vector_load %arg7[%swap3A_362, %swap3A_363] {strides = array<i32>} : memref<200x256xf32, #tpu.memory_space<vmem>>, vector<1x16xf32>,
      %swap3A_365 = vector.shape_cast %swap3A_364 : vector<1x16xf32> to vector<16xf32>
      %swap3A_366 = vector.shape_cast %gather3A_361 : vector<16xf32> to vector<1x16xf32>
      tpu.vector_store %arg7[%swap3A_362, %swap3A_363], %swap3A_366 {strides = array<i32>} : memref<200x256xf32, #tpu.memory_space<vmem>>, vector<1x16xf32>,
      %scan3A_367 = arith.constant 0 : i32
      scf.yield %scan3A_367 : i32
    }
    %scan3A_65 = arith.constant 200 : i32
    "tpu.region"() ({
      %run_scoped3A = tpu.sem_alloc : memref<!tpu.dma_semaphore, #tpu.memory_space<semaphore_mem>>
      %dma_start3A = arith.constant 400 : i32
      %dma_start3A_80 = tpu.memref_slice %arg4[%dma_start3A, %add3A_44] : memref<1000x16384xf32, #tpu.memory_space<hbm>> -> memref<200x256xf32, #tpu.memory_space<hbm>>
      %dma_start3A_81 = arith.constant 400 : i32
      %dma_start3A_82 = tpu.memref_slice %arg4[%dma_start3A_81, %add3A_44] : memref<1000x16384xf32, #tpu.memory_space<hbm>> -> memref<200x256xf32, #tpu.memory_space<hbm>>
      tpu.enqueue_dma source(%arg7 : memref<200x256xf32, #tpu.memory_space<vmem>>) target(%dma_start3A_82 : memref<200x256xf32, #tpu.memory_space<hbm>>) target_semaphore(%run_scoped3A : memref<!tpu.dma_semaphore, #tpu.memory_space<semaphore_mem>>)
      %dma_wait3A = arith.constant 400 : i32
      %dma_wait3A_83 = tpu.memref_slice %arg4[%dma_wait3A, %add3A_44] : memref<1000x16384xf32, #tpu.memory_space<hbm>> -> memref<200x256xf32, #tpu.memory_space<hbm>>
      %dma_wait3A_84 = arith.constant 400 : i32
      %dma_wait3A_85 = tpu.memref_slice %arg4[%dma_wait3A_84, %add3A_44] : memref<1000x16384xf32, #tpu.memory_space<hbm>> -> memref<200x256xf32, #tpu.memory_space<hbm>>
      tpu.wait_dma2 semaphore(%run_scoped3A : memref<!tpu.dma_semaphore, #tpu.memory_space<semaphore_mem>>) src(%arg7 : memref<200x256xf32, #tpu.memory_space<vmem>>) dst(%dma_wait3A_85 : memref<200x256xf32, #tpu.memory_space<hbm>>)
      tpu.yield
    }) : () -> ()
    %scan3A_66 = arith.constant 0 : i32
    %scan3A_67 = arith.constant 0 : i32
    %scan3A_68 = arith.constant 200 : i32
    %scan3A_69 = arith.addi %scan3A_67, %scan3A_68 : i32
    %scan3A_70 = arith.constant 1 : i32
    %scan3A_71 = scf.for %scan3A_80 = %scan3A_67 to %scan3A_69 step %scan3A_70 iter_args(%scan3A_81 = %scan3A_66) -> (i32)  : i32 {
      %get3A_82 = arith.index_cast %scan3A_80 : i32 to index
      %get3A_83 = arith.constant 0 : index
      %get3A_84 = tpu.vector_load %arg6[%get3A_82, %get3A_83] {strides = array<i32>} : memref<200x256xi32, #tpu.memory_space<vmem>>, vector<1x16xi32>,
      %get3A_85 = vector.shape_cast %get3A_84 : vector<1x16xi32> to vector<16xi32>
      %mul3A_86 = arith.constant 5 : i32
      %mul3A_87 = vector.broadcast %mul3A_86 : i32 to vector<16xi32>
      %mul3A_88 = arith.muli %get3A_85, %mul3A_87 : vector<16xi32>
      %add3A_89 = arith.constant 3 : i32
      %add3A_90 = vector.broadcast %add3A_89 : i32 to vector<16xi32>
      %add3A_91 = arith.addi %mul3A_88, %add3A_90 : vector<16xi32>
      %reshape3A = vector.shape_cast %add3A_91 : vector<16xi32> to vector<16x1xi32>
      %gather3A = vector.shape_cast %reshape3A : vector<16x1xi32> to vector<16xi32>
      %gather3A_92 = tpu.dynamic_gather %get3A_2[%gather3A] in [0] : vector<16xf32>, vector<16xi32> -> vector<16xf32>
      %swap3A = arith.index_cast %scan3A_80 : i32 to index
      %swap3A_93 = arith.constant 0 : index
      %swap3A_94 = tpu.vector_load %arg7[%swap3A, %swap3A_93] {strides = array<i32>} : memref<200x256xf32, #tpu.memory_space<vmem>>, vector<1x16xf32>,
      %swap3A_95 = vector.shape_cast %swap3A_94 : vector<1x16xf32> to vector<16xf32>
      %swap3A_96 = vector.shape_cast %gather3A_92 : vector<16xf32> to vector<1x16xf32>
      tpu.vector_store %arg7[%swap3A, %swap3A_93], %swap3A_96 {strides = array<i32>} : memref<200x256xf32, #tpu.memory_space<vmem>>, vector<1x16xf32>,
      %get3A_97 = arith.index_cast %scan3A_80 : i32 to index
      %get3A_98 = arith.constant 16 : index
      %get3A_99 = tpu.vector_load %arg6[%get3A_97, %get3A_98] {strides = array<i32>} : memref<200x256xi32, #tpu.memory_space<vmem>>, vector<1x16xi32>,
      %get3A_100 = vector.shape_cast %get3A_99 : vector<1x16xi32> to vector<16xi32>
      %mul3A_101 = arith.constant 5 : i32
      %mul3A_102 = vector.broadcast %mul3A_101 : i32 to vector<16xi32>
      %mul3A_103 = arith.muli %get3A_100, %mul3A_102 : vector<16xi32>
      %add3A_104 = arith.constant 3 : i32
      %add3A_105 = vector.broadcast %add3A_104 : i32 to vector<16xi32>
      %add3A_106 = arith.addi %mul3A_103, %add3A_105 : vector<16xi32>
      %reshape3A_107 = vector.shape_cast %add3A_106 : vector<16xi32> to vector<16x1xi32>
      %gather3A_108 = vector.shape_cast %reshape3A_107 : vector<16x1xi32> to vector<16xi32>
      %gather3A_109 = tpu.dynamic_gather %get3A_2[%gather3A_108] in [0] : vector<16xf32>, vector<16xi32> -> vector<16xf32>
      %swap3A_110 = arith.index_cast %scan3A_80 : i32 to index
      %swap3A_111 = arith.constant 16 : index
      %swap3A_112 = tpu.vector_load %arg7[%swap3A_110, %swap3A_111] {strides = array<i32>} : memref<200x256xf32, #tpu.memory_space<vmem>>, vector<1x16xf32>,
      %swap3A_113 = vector.shape_cast %swap3A_112 : vector<1x16xf32> to vector<16xf32>
      %swap3A_114 = vector.shape_cast %gather3A_109 : vector<16xf32> to vector<1x16xf32>
      tpu.vector_store %arg7[%swap3A_110, %swap3A_111], %swap3A_114 {strides = array<i32>} : memref<200x256xf32, #tpu.memory_space<vmem>>, vector<1x16xf32>,
      %get3A_115 = arith.index_cast %scan3A_80 : i32 to index
      %get3A_116 = arith.constant 32 : index
      %get3A_117 = tpu.vector_load %arg6[%get3A_115, %get3A_116] {strides = array<i32>} : memref<200x256xi32, #tpu.memory_space<vmem>>, vector<1x16xi32>,
      %get3A_118 = vector.shape_cast %get3A_117 : vector<1x16xi32> to vector<16xi32>
      %mul3A_119 = arith.constant 5 : i32
      %mul3A_120 = vector.broadcast %mul3A_119 : i32 to vector<16xi32>
      %mul3A_121 = arith.muli %get3A_118, %mul3A_120 : vector<16xi32>
      %add3A_122 = arith.constant 3 : i32
      %add3A_123 = vector.broadcast %add3A_122 : i32 to vector<16xi32>
      %add3A_124 = arith.addi %mul3A_121, %add3A_123 : vector<16xi32>
      %reshape3A_125 = vector.shape_cast %add3A_124 : vector<16xi32> to vector<16x1xi32>
      %gather3A_126 = vector.shape_cast %reshape3A_125 : vector<16x1xi32> to vector<16xi32>
      %gather3A_127 = tpu.dynamic_gather %get3A_2[%gather3A_126] in [0] : vector<16xf32>, vector<16xi32> -> vector<16xf32>
      %swap3A_128 = arith.index_cast %scan3A_80 : i32 to index
      %swap3A_129 = arith.constant 32 : index
      %swap3A_130 = tpu.vector_load %arg7[%swap3A_128, %swap3A_129] {strides = array<i32>} : memref<200x256xf32, #tpu.memory_space<vmem>>, vector<1x16xf32>,
      %swap3A_131 = vector.shape_cast %swap3A_130 : vector<1x16xf32> to vector<16xf32>
      %swap3A_132 = vector.shape_cast %gather3A_127 : vector<16xf32> to vector<1x16xf32>
      tpu.vector_store %arg7[%swap3A_128, %swap3A_129], %swap3A_132 {strides = array<i32>} : memref<200x256xf32, #tpu.memory_space<vmem>>, vector<1x16xf32>,
      %get3A_133 = arith.index_cast %scan3A_80 : i32 to index
      %get3A_134 = arith.constant 48 : index
      %get3A_135 = tpu.vector_load %arg6[%get3A_133, %get3A_134] {strides = array<i32>} : memref<200x256xi32, #tpu.memory_space<vmem>>, vector<1x16xi32>,
      %get3A_136 = vector.shape_cast %get3A_135 : vector<1x16xi32> to vector<16xi32>
      %mul3A_137 = arith.constant 5 : i32
      %mul3A_138 = vector.broadcast %mul3A_137 : i32 to vector<16xi32>
      %mul3A_139 = arith.muli %get3A_136, %mul3A_138 : vector<16xi32>
      %add3A_140 = arith.constant 3 : i32
      %add3A_141 = vector.broadcast %add3A_140 : i32 to vector<16xi32>
      %add3A_142 = arith.addi %mul3A_139, %add3A_141 : vector<16xi32>
      %reshape3A_143 = vector.shape_cast %add3A_142 : vector<16xi32> to vector<16x1xi32>
      %gather3A_144 = vector.shape_cast %reshape3A_143 : vector<16x1xi32> to vector<16xi32>
      %gather3A_145 = tpu.dynamic_gather %get3A_2[%gather3A_144] in [0] : vector<16xf32>, vector<16xi32> -> vector<16xf32>
      %swap3A_146 = arith.index_cast %scan3A_80 : i32 to index
      %swap3A_147 = arith.constant 48 : index
      %swap3A_148 = tpu.vector_load %arg7[%swap3A_146, %swap3A_147] {strides = array<i32>} : memref<200x256xf32, #tpu.memory_space<vmem>>, vector<1x16xf32>,
      %swap3A_149 = vector.shape_cast %swap3A_148 : vector<1x16xf32> to vector<16xf32>
      %swap3A_150 = vector.shape_cast %gather3A_145 : vector<16xf32> to vector<1x16xf32>
      tpu.vector_store %arg7[%swap3A_146, %swap3A_147], %swap3A_150 {strides = array<i32>} : memref<200x256xf32, #tpu.memory_space<vmem>>, vector<1x16xf32>,
      %get3A_151 = arith.index_cast %scan3A_80 : i32 to index
      %get3A_152 = arith.constant 64 : index
      %get3A_153 = tpu.vector_load %arg6[%get3A_151, %get3A_152] {strides = array<i32>} : memref<200x256xi32, #tpu.memory_space<vmem>>, vector<1x16xi32>,
      %get3A_154 = vector.shape_cast %get3A_153 : vector<1x16xi32> to vector<16xi32>
      %mul3A_155 = arith.constant 5 : i32
      %mul3A_156 = vector.broadcast %mul3A_155 : i32 to vector<16xi32>
      %mul3A_157 = arith.muli %get3A_154, %mul3A_156 : vector<16xi32>
      %add3A_158 = arith.constant 3 : i32
      %add3A_159 = vector.broadcast %add3A_158 : i32 to vector<16xi32>
      %add3A_160 = arith.addi %mul3A_157, %add3A_159 : vector<16xi32>
      %reshape3A_161 = vector.shape_cast %add3A_160 : vector<16xi32> to vector<16x1xi32>
      %gather3A_162 = vector.shape_cast %reshape3A_161 : vector<16x1xi32> to vector<16xi32>
      %gather3A_163 = tpu.dynamic_gather %get3A_2[%gather3A_162] in [0] : vector<16xf32>, vector<16xi32> -> vector<16xf32>
      %swap3A_164 = arith.index_cast %scan3A_80 : i32 to index
      %swap3A_165 = arith.constant 64 : index
      %swap3A_166 = tpu.vector_load %arg7[%swap3A_164, %swap3A_165] {strides = array<i32>} : memref<200x256xf32, #tpu.memory_space<vmem>>, vector<1x16xf32>,
      %swap3A_167 = vector.shape_cast %swap3A_166 : vector<1x16xf32> to vector<16xf32>
      %swap3A_168 = vector.shape_cast %gather3A_163 : vector<16xf32> to vector<1x16xf32>
      tpu.vector_store %arg7[%swap3A_164, %swap3A_165], %swap3A_168 {strides = array<i32>} : memref<200x256xf32, #tpu.memory_space<vmem>>, vector<1x16xf32>,
      %get3A_169 = arith.index_cast %scan3A_80 : i32 to index
      %get3A_170 = arith.constant 80 : index
      %get3A_171 = tpu.vector_load %arg6[%get3A_169, %get3A_170] {strides = array<i32>} : memref<200x256xi32, #tpu.memory_space<vmem>>, vector<1x16xi32>,
      %get3A_172 = vector.shape_cast %get3A_171 : vector<1x16xi32> to vector<16xi32>
      %mul3A_173 = arith.constant 5 : i32
      %mul3A_174 = vector.broadcast %mul3A_173 : i32 to vector<16xi32>
      %mul3A_175 = arith.muli %get3A_172, %mul3A_174 : vector<16xi32>
      %add3A_176 = arith.constant 3 : i32
      %add3A_177 = vector.broadcast %add3A_176 : i32 to vector<16xi32>
      %add3A_178 = arith.addi %mul3A_175, %add3A_177 : vector<16xi32>
      %reshape3A_179 = vector.shape_cast %add3A_178 : vector<16xi32> to vector<16x1xi32>
      %gather3A_180 = vector.shape_cast %reshape3A_179 : vector<16x1xi32> to vector<16xi32>
      %gather3A_181 = tpu.dynamic_gather %get3A_2[%gather3A_180] in [0] : vector<16xf32>, vector<16xi32> -> vector<16xf32>
      %swap3A_182 = arith.index_cast %scan3A_80 : i32 to index
      %swap3A_183 = arith.constant 80 : index
      %swap3A_184 = tpu.vector_load %arg7[%swap3A_182, %swap3A_183] {strides = array<i32>} : memref<200x256xf32, #tpu.memory_space<vmem>>, vector<1x16xf32>,
      %swap3A_185 = vector.shape_cast %swap3A_184 : vector<1x16xf32> to vector<16xf32>
      %swap3A_186 = vector.shape_cast %gather3A_181 : vector<16xf32> to vector<1x16xf32>
      tpu.vector_store %arg7[%swap3A_182, %swap3A_183], %swap3A_186 {strides = array<i32>} : memref<200x256xf32, #tpu.memory_space<vmem>>, vector<1x16xf32>,
      %get3A_187 = arith.index_cast %scan3A_80 : i32 to index
      %get3A_188 = arith.constant 96 : index
      %get3A_189 = tpu.vector_load %arg6[%get3A_187, %get3A_188] {strides = array<i32>} : memref<200x256xi32, #tpu.memory_space<vmem>>, vector<1x16xi32>,
      %get3A_190 = vector.shape_cast %get3A_189 : vector<1x16xi32> to vector<16xi32>
      %mul3A_191 = arith.constant 5 : i32
      %mul3A_192 = vector.broadcast %mul3A_191 : i32 to vector<16xi32>
      %mul3A_193 = arith.muli %get3A_190, %mul3A_192 : vector<16xi32>
      %add3A_194 = arith.constant 3 : i32
      %add3A_195 = vector.broadcast %add3A_194 : i32 to vector<16xi32>
      %add3A_196 = arith.addi %mul3A_193, %add3A_195 : vector<16xi32>
      %reshape3A_197 = vector.shape_cast %add3A_196 : vector<16xi32> to vector<16x1xi32>
      %gather3A_198 = vector.shape_cast %reshape3A_197 : vector<16x1xi32> to vector<16xi32>
      %gather3A_199 = tpu.dynamic_gather %get3A_2[%gather3A_198] in [0] : vector<16xf32>, vector<16xi32> -> vector<16xf32>
      %swap3A_200 = arith.index_cast %scan3A_80 : i32 to index
      %swap3A_201 = arith.constant 96 : index
      %swap3A_202 = tpu.vector_load %arg7[%swap3A_200, %swap3A_201] {strides = array<i32>} : memref<200x256xf32, #tpu.memory_space<vmem>>, vector<1x16xf32>,
      %swap3A_203 = vector.shape_cast %swap3A_202 : vector<1x16xf32> to vector<16xf32>
      %swap3A_204 = vector.shape_cast %gather3A_199 : vector<16xf32> to vector<1x16xf32>
      tpu.vector_store %arg7[%swap3A_200, %swap3A_201], %swap3A_204 {strides = array<i32>} : memref<200x256xf32, #tpu.memory_space<vmem>>, vector<1x16xf32>,
      %get3A_205 = arith.index_cast %scan3A_80 : i32 to index
      %get3A_206 = arith.constant 112 : index
      %get3A_207 = tpu.vector_load %arg6[%get3A_205, %get3A_206] {strides = array<i32>} : memref<200x256xi32, #tpu.memory_space<vmem>>, vector<1x16xi32>,
      %get3A_208 = vector.shape_cast %get3A_207 : vector<1x16xi32> to vector<16xi32>
      %mul3A_209 = arith.constant 5 : i32
      %mul3A_210 = vector.broadcast %mul3A_209 : i32 to vector<16xi32>
      %mul3A_211 = arith.muli %get3A_208, %mul3A_210 : vector<16xi32>
      %add3A_212 = arith.constant 3 : i32
      %add3A_213 = vector.broadcast %add3A_212 : i32 to vector<16xi32>
      %add3A_214 = arith.addi %mul3A_211, %add3A_213 : vector<16xi32>
      %reshape3A_215 = vector.shape_cast %add3A_214 : vector<16xi32> to vector<16x1xi32>
      %gather3A_216 = vector.shape_cast %reshape3A_215 : vector<16x1xi32> to vector<16xi32>
      %gather3A_217 = tpu.dynamic_gather %get3A_2[%gather3A_216] in [0] : vector<16xf32>, vector<16xi32> -> vector<16xf32>
      %swap3A_218 = arith.index_cast %scan3A_80 : i32 to index
      %swap3A_219 = arith.constant 112 : index
      %swap3A_220 = tpu.vector_load %arg7[%swap3A_218, %swap3A_219] {strides = array<i32>} : memref<200x256xf32, #tpu.memory_space<vmem>>, vector<1x16xf32>,
      %swap3A_221 = vector.shape_cast %swap3A_220 : vector<1x16xf32> to vector<16xf32>
      %swap3A_222 = vector.shape_cast %gather3A_217 : vector<16xf32> to vector<1x16xf32>
      tpu.vector_store %arg7[%swap3A_218, %swap3A_219], %swap3A_222 {strides = array<i32>} : memref<200x256xf32, #tpu.memory_space<vmem>>, vector<1x16xf32>,
      %get3A_223 = arith.index_cast %scan3A_80 : i32 to index
      %get3A_224 = arith.constant 128 : index
      %get3A_225 = tpu.vector_load %arg6[%get3A_223, %get3A_224] {strides = array<i32>} : memref<200x256xi32, #tpu.memory_space<vmem>>, vector<1x16xi32>,
      %get3A_226 = vector.shape_cast %get3A_225 : vector<1x16xi32> to vector<16xi32>
      %mul3A_227 = arith.constant 5 : i32
      %mul3A_228 = vector.broadcast %mul3A_227 : i32 to vector<16xi32>
      %mul3A_229 = arith.muli %get3A_226, %mul3A_228 : vector<16xi32>
      %add3A_230 = arith.constant 3 : i32
      %add3A_231 = vector.broadcast %add3A_230 : i32 to vector<16xi32>
      %add3A_232 = arith.addi %mul3A_229, %add3A_231 : vector<16xi32>
      %reshape3A_233 = vector.shape_cast %add3A_232 : vector<16xi32> to vector<16x1xi32>
      %gather3A_234 = vector.shape_cast %reshape3A_233 : vector<16x1xi32> to vector<16xi32>
      %gather3A_235 = tpu.dynamic_gather %get3A_2[%gather3A_234] in [0] : vector<16xf32>, vector<16xi32> -> vector<16xf32>
      %swap3A_236 = arith.index_cast %scan3A_80 : i32 to index
      %swap3A_237 = arith.constant 128 : index
      %swap3A_238 = tpu.vector_load %arg7[%swap3A_236, %swap3A_237] {strides = array<i32>} : memref<200x256xf32, #tpu.memory_space<vmem>>, vector<1x16xf32>,
      %swap3A_239 = vector.shape_cast %swap3A_238 : vector<1x16xf32> to vector<16xf32>
      %swap3A_240 = vector.shape_cast %gather3A_235 : vector<16xf32> to vector<1x16xf32>
      tpu.vector_store %arg7[%swap3A_236, %swap3A_237], %swap3A_240 {strides = array<i32>} : memref<200x256xf32, #tpu.memory_space<vmem>>, vector<1x16xf32>,
      %get3A_241 = arith.index_cast %scan3A_80 : i32 to index
      %get3A_242 = arith.constant 144 : index
      %get3A_243 = tpu.vector_load %arg6[%get3A_241, %get3A_242] {strides = array<i32>} : memref<200x256xi32, #tpu.memory_space<vmem>>, vector<1x16xi32>,
      %get3A_244 = vector.shape_cast %get3A_243 : vector<1x16xi32> to vector<16xi32>
      %mul3A_245 = arith.constant 5 : i32
      %mul3A_246 = vector.broadcast %mul3A_245 : i32 to vector<16xi32>
      %mul3A_247 = arith.muli %get3A_244, %mul3A_246 : vector<16xi32>
      %add3A_248 = arith.constant 3 : i32
      %add3A_249 = vector.broadcast %add3A_248 : i32 to vector<16xi32>
      %add3A_250 = arith.addi %mul3A_247, %add3A_249 : vector<16xi32>
      %reshape3A_251 = vector.shape_cast %add3A_250 : vector<16xi32> to vector<16x1xi32>
      %gather3A_252 = vector.shape_cast %reshape3A_251 : vector<16x1xi32> to vector<16xi32>
      %gather3A_253 = tpu.dynamic_gather %get3A_2[%gather3A_252] in [0] : vector<16xf32>, vector<16xi32> -> vector<16xf32>
      %swap3A_254 = arith.index_cast %scan3A_80 : i32 to index
      %swap3A_255 = arith.constant 144 : index
      %swap3A_256 = tpu.vector_load %arg7[%swap3A_254, %swap3A_255] {strides = array<i32>} : memref<200x256xf32, #tpu.memory_space<vmem>>, vector<1x16xf32>,
      %swap3A_257 = vector.shape_cast %swap3A_256 : vector<1x16xf32> to vector<16xf32>
      %swap3A_258 = vector.shape_cast %gather3A_253 : vector<16xf32> to vector<1x16xf32>
      tpu.vector_store %arg7[%swap3A_254, %swap3A_255], %swap3A_258 {strides = array<i32>} : memref<200x256xf32, #tpu.memory_space<vmem>>, vector<1x16xf32>,
      %get3A_259 = arith.index_cast %scan3A_80 : i32 to index
      %get3A_260 = arith.constant 160 : index
      %get3A_261 = tpu.vector_load %arg6[%get3A_259, %get3A_260] {strides = array<i32>} : memref<200x256xi32, #tpu.memory_space<vmem>>, vector<1x16xi32>,
      %get3A_262 = vector.shape_cast %get3A_261 : vector<1x16xi32> to vector<16xi32>
      %mul3A_263 = arith.constant 5 : i32
      %mul3A_264 = vector.broadcast %mul3A_263 : i32 to vector<16xi32>
      %mul3A_265 = arith.muli %get3A_262, %mul3A_264 : vector<16xi32>
      %add3A_266 = arith.constant 3 : i32
      %add3A_267 = vector.broadcast %add3A_266 : i32 to vector<16xi32>
      %add3A_268 = arith.addi %mul3A_265, %add3A_267 : vector<16xi32>
      %reshape3A_269 = vector.shape_cast %add3A_268 : vector<16xi32> to vector<16x1xi32>
      %gather3A_270 = vector.shape_cast %reshape3A_269 : vector<16x1xi32> to vector<16xi32>
      %gather3A_271 = tpu.dynamic_gather %get3A_2[%gather3A_270] in [0] : vector<16xf32>, vector<16xi32> -> vector<16xf32>
      %swap3A_272 = arith.index_cast %scan3A_80 : i32 to index
      %swap3A_273 = arith.constant 160 : index
      %swap3A_274 = tpu.vector_load %arg7[%swap3A_272, %swap3A_273] {strides = array<i32>} : memref<200x256xf32, #tpu.memory_space<vmem>>, vector<1x16xf32>,
      %swap3A_275 = vector.shape_cast %swap3A_274 : vector<1x16xf32> to vector<16xf32>
      %swap3A_276 = vector.shape_cast %gather3A_271 : vector<16xf32> to vector<1x16xf32>
      tpu.vector_store %arg7[%swap3A_272, %swap3A_273], %swap3A_276 {strides = array<i32>} : memref<200x256xf32, #tpu.memory_space<vmem>>, vector<1x16xf32>,
      %get3A_277 = arith.index_cast %scan3A_80 : i32 to index
      %get3A_278 = arith.constant 176 : index
      %get3A_279 = tpu.vector_load %arg6[%get3A_277, %get3A_278] {strides = array<i32>} : memref<200x256xi32, #tpu.memory_space<vmem>>, vector<1x16xi32>,
      %get3A_280 = vector.shape_cast %get3A_279 : vector<1x16xi32> to vector<16xi32>
      %mul3A_281 = arith.constant 5 : i32
      %mul3A_282 = vector.broadcast %mul3A_281 : i32 to vector<16xi32>
      %mul3A_283 = arith.muli %get3A_280, %mul3A_282 : vector<16xi32>
      %add3A_284 = arith.constant 3 : i32
      %add3A_285 = vector.broadcast %add3A_284 : i32 to vector<16xi32>
      %add3A_286 = arith.addi %mul3A_283, %add3A_285 : vector<16xi32>
      %reshape3A_287 = vector.shape_cast %add3A_286 : vector<16xi32> to vector<16x1xi32>
      %gather3A_288 = vector.shape_cast %reshape3A_287 : vector<16x1xi32> to vector<16xi32>
      %gather3A_289 = tpu.dynamic_gather %get3A_2[%gather3A_288] in [0] : vector<16xf32>, vector<16xi32> -> vector<16xf32>
      %swap3A_290 = arith.index_cast %scan3A_80 : i32 to index
      %swap3A_291 = arith.constant 176 : index
      %swap3A_292 = tpu.vector_load %arg7[%swap3A_290, %swap3A_291] {strides = array<i32>} : memref<200x256xf32, #tpu.memory_space<vmem>>, vector<1x16xf32>,
      %swap3A_293 = vector.shape_cast %swap3A_292 : vector<1x16xf32> to vector<16xf32>
      %swap3A_294 = vector.shape_cast %gather3A_289 : vector<16xf32> to vector<1x16xf32>
      tpu.vector_store %arg7[%swap3A_290, %swap3A_291], %swap3A_294 {strides = array<i32>} : memref<200x256xf32, #tpu.memory_space<vmem>>, vector<1x16xf32>,
      %get3A_295 = arith.index_cast %scan3A_80 : i32 to index
      %get3A_296 = arith.constant 192 : index
      %get3A_297 = tpu.vector_load %arg6[%get3A_295, %get3A_296] {strides = array<i32>} : memref<200x256xi32, #tpu.memory_space<vmem>>, vector<1x16xi32>,
      %get3A_298 = vector.shape_cast %get3A_297 : vector<1x16xi32> to vector<16xi32>
      %mul3A_299 = arith.constant 5 : i32
      %mul3A_300 = vector.broadcast %mul3A_299 : i32 to vector<16xi32>
      %mul3A_301 = arith.muli %get3A_298, %mul3A_300 : vector<16xi32>
      %add3A_302 = arith.constant 3 : i32
      %add3A_303 = vector.broadcast %add3A_302 : i32 to vector<16xi32>
      %add3A_304 = arith.addi %mul3A_301, %add3A_303 : vector<16xi32>
      %reshape3A_305 = vector.shape_cast %add3A_304 : vector<16xi32> to vector<16x1xi32>
      %gather3A_306 = vector.shape_cast %reshape3A_305 : vector<16x1xi32> to vector<16xi32>
      %gather3A_307 = tpu.dynamic_gather %get3A_2[%gather3A_306] in [0] : vector<16xf32>, vector<16xi32> -> vector<16xf32>
      %swap3A_308 = arith.index_cast %scan3A_80 : i32 to index
      %swap3A_309 = arith.constant 192 : index
      %swap3A_310 = tpu.vector_load %arg7[%swap3A_308, %swap3A_309] {strides = array<i32>} : memref<200x256xf32, #tpu.memory_space<vmem>>, vector<1x16xf32>,
      %swap3A_311 = vector.shape_cast %swap3A_310 : vector<1x16xf32> to vector<16xf32>
      %swap3A_312 = vector.shape_cast %gather3A_307 : vector<16xf32> to vector<1x16xf32>
      tpu.vector_store %arg7[%swap3A_308, %swap3A_309], %swap3A_312 {strides = array<i32>} : memref<200x256xf32, #tpu.memory_space<vmem>>, vector<1x16xf32>,
      %get3A_313 = arith.index_cast %scan3A_80 : i32 to index
      %get3A_314 = arith.constant 208 : index
      %get3A_315 = tpu.vector_load %arg6[%get3A_313, %get3A_314] {strides = array<i32>} : memref<200x256xi32, #tpu.memory_space<vmem>>, vector<1x16xi32>,
      %get3A_316 = vector.shape_cast %get3A_315 : vector<1x16xi32> to vector<16xi32>
      %mul3A_317 = arith.constant 5 : i32
      %mul3A_318 = vector.broadcast %mul3A_317 : i32 to vector<16xi32>
      %mul3A_319 = arith.muli %get3A_316, %mul3A_318 : vector<16xi32>
      %add3A_320 = arith.constant 3 : i32
      %add3A_321 = vector.broadcast %add3A_320 : i32 to vector<16xi32>
      %add3A_322 = arith.addi %mul3A_319, %add3A_321 : vector<16xi32>
      %reshape3A_323 = vector.shape_cast %add3A_322 : vector<16xi32> to vector<16x1xi32>
      %gather3A_324 = vector.shape_cast %reshape3A_323 : vector<16x1xi32> to vector<16xi32>
      %gather3A_325 = tpu.dynamic_gather %get3A_2[%gather3A_324] in [0] : vector<16xf32>, vector<16xi32> -> vector<16xf32>
      %swap3A_326 = arith.index_cast %scan3A_80 : i32 to index
      %swap3A_327 = arith.constant 208 : index
      %swap3A_328 = tpu.vector_load %arg7[%swap3A_326, %swap3A_327] {strides = array<i32>} : memref<200x256xf32, #tpu.memory_space<vmem>>, vector<1x16xf32>,
      %swap3A_329 = vector.shape_cast %swap3A_328 : vector<1x16xf32> to vector<16xf32>
      %swap3A_330 = vector.shape_cast %gather3A_325 : vector<16xf32> to vector<1x16xf32>
      tpu.vector_store %arg7[%swap3A_326, %swap3A_327], %swap3A_330 {strides = array<i32>} : memref<200x256xf32, #tpu.memory_space<vmem>>, vector<1x16xf32>,
      %get3A_331 = arith.index_cast %scan3A_80 : i32 to index
      %get3A_332 = arith.constant 224 : index
      %get3A_333 = tpu.vector_load %arg6[%get3A_331, %get3A_332] {strides = array<i32>} : memref<200x256xi32, #tpu.memory_space<vmem>>, vector<1x16xi32>,
      %get3A_334 = vector.shape_cast %get3A_333 : vector<1x16xi32> to vector<16xi32>
      %mul3A_335 = arith.constant 5 : i32
      %mul3A_336 = vector.broadcast %mul3A_335 : i32 to vector<16xi32>
      %mul3A_337 = arith.muli %get3A_334, %mul3A_336 : vector<16xi32>
      %add3A_338 = arith.constant 3 : i32
      %add3A_339 = vector.broadcast %add3A_338 : i32 to vector<16xi32>
      %add3A_340 = arith.addi %mul3A_337, %add3A_339 : vector<16xi32>
      %reshape3A_341 = vector.shape_cast %add3A_340 : vector<16xi32> to vector<16x1xi32>
      %gather3A_342 = vector.shape_cast %reshape3A_341 : vector<16x1xi32> to vector<16xi32>
      %gather3A_343 = tpu.dynamic_gather %get3A_2[%gather3A_342] in [0] : vector<16xf32>, vector<16xi32> -> vector<16xf32>
      %swap3A_344 = arith.index_cast %scan3A_80 : i32 to index
      %swap3A_345 = arith.constant 224 : index
      %swap3A_346 = tpu.vector_load %arg7[%swap3A_344, %swap3A_345] {strides = array<i32>} : memref<200x256xf32, #tpu.memory_space<vmem>>, vector<1x16xf32>,
      %swap3A_347 = vector.shape_cast %swap3A_346 : vector<1x16xf32> to vector<16xf32>
      %swap3A_348 = vector.shape_cast %gather3A_343 : vector<16xf32> to vector<1x16xf32>
      tpu.vector_store %arg7[%swap3A_344, %swap3A_345], %swap3A_348 {strides = array<i32>} : memref<200x256xf32, #tpu.memory_space<vmem>>, vector<1x16xf32>,
      %get3A_349 = arith.index_cast %scan3A_80 : i32 to index
      %get3A_350 = arith.constant 240 : index
      %get3A_351 = tpu.vector_load %arg6[%get3A_349, %get3A_350] {strides = array<i32>} : memref<200x256xi32, #tpu.memory_space<vmem>>, vector<1x16xi32>,
      %get3A_352 = vector.shape_cast %get3A_351 : vector<1x16xi32> to vector<16xi32>
      %mul3A_353 = arith.constant 5 : i32
      %mul3A_354 = vector.broadcast %mul3A_353 : i32 to vector<16xi32>
      %mul3A_355 = arith.muli %get3A_352, %mul3A_354 : vector<16xi32>
      %add3A_356 = arith.constant 3 : i32
      %add3A_357 = vector.broadcast %add3A_356 : i32 to vector<16xi32>
      %add3A_358 = arith.addi %mul3A_355, %add3A_357 : vector<16xi32>
      %reshape3A_359 = vector.shape_cast %add3A_358 : vector<16xi32> to vector<16x1xi32>
      %gather3A_360 = vector.shape_cast %reshape3A_359 : vector<16x1xi32> to vector<16xi32>
      %gather3A_361 = tpu.dynamic_gather %get3A_2[%gather3A_360] in [0] : vector<16xf32>, vector<16xi32> -> vector<16xf32>
      %swap3A_362 = arith.index_cast %scan3A_80 : i32 to index
      %swap3A_363 = arith.constant 240 : index
      %swap3A_364 = tpu.vector_load %arg7[%swap3A_362, %swap3A_363] {strides = array<i32>} : memref<200x256xf32, #tpu.memory_space<vmem>>, vector<1x16xf32>,
      %swap3A_365 = vector.shape_cast %swap3A_364 : vector<1x16xf32> to vector<16xf32>
      %swap3A_366 = vector.shape_cast %gather3A_361 : vector<16xf32> to vector<1x16xf32>
      tpu.vector_store %arg7[%swap3A_362, %swap3A_363], %swap3A_366 {strides = array<i32>} : memref<200x256xf32, #tpu.memory_space<vmem>>, vector<1x16xf32>,
      %scan3A_367 = arith.constant 0 : i32
      scf.yield %scan3A_367 : i32
    }
    %scan3A_72 = arith.constant 200 : i32
    "tpu.region"() ({
      %run_scoped3A = tpu.sem_alloc : memref<!tpu.dma_semaphore, #tpu.memory_space<semaphore_mem>>
      %dma_start3A = arith.constant 600 : i32
      %dma_start3A_80 = tpu.memref_slice %arg4[%dma_start3A, %add3A_44] : memref<1000x16384xf32, #tpu.memory_space<hbm>> -> memref<200x256xf32, #tpu.memory_space<hbm>>
      %dma_start3A_81 = arith.constant 600 : i32
      %dma_start3A_82 = tpu.memref_slice %arg4[%dma_start3A_81, %add3A_44] : memref<1000x16384xf32, #tpu.memory_space<hbm>> -> memref<200x256xf32, #tpu.memory_space<hbm>>
      tpu.enqueue_dma source(%arg7 : memref<200x256xf32, #tpu.memory_space<vmem>>) target(%dma_start3A_82 : memref<200x256xf32, #tpu.memory_space<hbm>>) target_semaphore(%run_scoped3A : memref<!tpu.dma_semaphore, #tpu.memory_space<semaphore_mem>>)
      %dma_wait3A = arith.constant 600 : i32
      %dma_wait3A_83 = tpu.memref_slice %arg4[%dma_wait3A, %add3A_44] : memref<1000x16384xf32, #tpu.memory_space<hbm>> -> memref<200x256xf32, #tpu.memory_space<hbm>>
      %dma_wait3A_84 = arith.constant 600 : i32
      %dma_wait3A_85 = tpu.memref_slice %arg4[%dma_wait3A_84, %add3A_44] : memref<1000x16384xf32, #tpu.memory_space<hbm>> -> memref<200x256xf32, #tpu.memory_space<hbm>>
      tpu.wait_dma2 semaphore(%run_scoped3A : memref<!tpu.dma_semaphore, #tpu.memory_space<semaphore_mem>>) src(%arg7 : memref<200x256xf32, #tpu.memory_space<vmem>>) dst(%dma_wait3A_85 : memref<200x256xf32, #tpu.memory_space<hbm>>)
      tpu.yield
    }) : () -> ()
    %scan3A_73 = arith.constant 0 : i32
    %scan3A_74 = arith.constant 0 : i32
    %scan3A_75 = arith.constant 200 : i32
    %scan3A_76 = arith.addi %scan3A_74, %scan3A_75 : i32
    %scan3A_77 = arith.constant 1 : i32
    %scan3A_78 = scf.for %scan3A_80 = %scan3A_74 to %scan3A_76 step %scan3A_77 iter_args(%scan3A_81 = %scan3A_73) -> (i32)  : i32 {
      %get3A_82 = arith.index_cast %scan3A_80 : i32 to index
      %get3A_83 = arith.constant 0 : index
      %get3A_84 = tpu.vector_load %arg6[%get3A_82, %get3A_83] {strides = array<i32>} : memref<200x256xi32, #tpu.memory_space<vmem>>, vector<1x16xi32>,
      %get3A_85 = vector.shape_cast %get3A_84 : vector<1x16xi32> to vector<16xi32>
      %mul3A_86 = arith.constant 5 : i32
      %mul3A_87 = vector.broadcast %mul3A_86 : i32 to vector<16xi32>
      %mul3A_88 = arith.muli %get3A_85, %mul3A_87 : vector<16xi32>
      %add3A_89 = arith.constant 4 : i32
      %add3A_90 = vector.broadcast %add3A_89 : i32 to vector<16xi32>
      %add3A_91 = arith.addi %mul3A_88, %add3A_90 : vector<16xi32>
      %reshape3A = vector.shape_cast %add3A_91 : vector<16xi32> to vector<16x1xi32>
      %gather3A = vector.shape_cast %reshape3A : vector<16x1xi32> to vector<16xi32>
      %gather3A_92 = tpu.dynamic_gather %get3A_2[%gather3A] in [0] : vector<16xf32>, vector<16xi32> -> vector<16xf32>
      %swap3A = arith.index_cast %scan3A_80 : i32 to index
      %swap3A_93 = arith.constant 0 : index
      %swap3A_94 = tpu.vector_load %arg7[%swap3A, %swap3A_93] {strides = array<i32>} : memref<200x256xf32, #tpu.memory_space<vmem>>, vector<1x16xf32>,
      %swap3A_95 = vector.shape_cast %swap3A_94 : vector<1x16xf32> to vector<16xf32>
      %swap3A_96 = vector.shape_cast %gather3A_92 : vector<16xf32> to vector<1x16xf32>
      tpu.vector_store %arg7[%swap3A, %swap3A_93], %swap3A_96 {strides = array<i32>} : memref<200x256xf32, #tpu.memory_space<vmem>>, vector<1x16xf32>,
      %get3A_97 = arith.index_cast %scan3A_80 : i32 to index
      %get3A_98 = arith.constant 16 : index
      %get3A_99 = tpu.vector_load %arg6[%get3A_97, %get3A_98] {strides = array<i32>} : memref<200x256xi32, #tpu.memory_space<vmem>>, vector<1x16xi32>,
      %get3A_100 = vector.shape_cast %get3A_99 : vector<1x16xi32> to vector<16xi32>
      %mul3A_101 = arith.constant 5 : i32
      %mul3A_102 = vector.broadcast %mul3A_101 : i32 to vector<16xi32>
      %mul3A_103 = arith.muli %get3A_100, %mul3A_102 : vector<16xi32>
      %add3A_104 = arith.constant 4 : i32
      %add3A_105 = vector.broadcast %add3A_104 : i32 to vector<16xi32>
      %add3A_106 = arith.addi %mul3A_103, %add3A_105 : vector<16xi32>
      %reshape3A_107 = vector.shape_cast %add3A_106 : vector<16xi32> to vector<16x1xi32>
      %gather3A_108 = vector.shape_cast %reshape3A_107 : vector<16x1xi32> to vector<16xi32>
      %gather3A_109 = tpu.dynamic_gather %get3A_2[%gather3A_108] in [0] : vector<16xf32>, vector<16xi32> -> vector<16xf32>
      %swap3A_110 = arith.index_cast %scan3A_80 : i32 to index
      %swap3A_111 = arith.constant 16 : index
      %swap3A_112 = tpu.vector_load %arg7[%swap3A_110, %swap3A_111] {strides = array<i32>} : memref<200x256xf32, #tpu.memory_space<vmem>>, vector<1x16xf32>,
      %swap3A_113 = vector.shape_cast %swap3A_112 : vector<1x16xf32> to vector<16xf32>
      %swap3A_114 = vector.shape_cast %gather3A_109 : vector<16xf32> to vector<1x16xf32>
      tpu.vector_store %arg7[%swap3A_110, %swap3A_111], %swap3A_114 {strides = array<i32>} : memref<200x256xf32, #tpu.memory_space<vmem>>, vector<1x16xf32>,
      %get3A_115 = arith.index_cast %scan3A_80 : i32 to index
      %get3A_116 = arith.constant 32 : index
      %get3A_117 = tpu.vector_load %arg6[%get3A_115, %get3A_116] {strides = array<i32>} : memref<200x256xi32, #tpu.memory_space<vmem>>, vector<1x16xi32>,
      %get3A_118 = vector.shape_cast %get3A_117 : vector<1x16xi32> to vector<16xi32>
      %mul3A_119 = arith.constant 5 : i32
      %mul3A_120 = vector.broadcast %mul3A_119 : i32 to vector<16xi32>
      %mul3A_121 = arith.muli %get3A_118, %mul3A_120 : vector<16xi32>
      %add3A_122 = arith.constant 4 : i32
      %add3A_123 = vector.broadcast %add3A_122 : i32 to vector<16xi32>
      %add3A_124 = arith.addi %mul3A_121, %add3A_123 : vector<16xi32>
      %reshape3A_125 = vector.shape_cast %add3A_124 : vector<16xi32> to vector<16x1xi32>
      %gather3A_126 = vector.shape_cast %reshape3A_125 : vector<16x1xi32> to vector<16xi32>
      %gather3A_127 = tpu.dynamic_gather %get3A_2[%gather3A_126] in [0] : vector<16xf32>, vector<16xi32> -> vector<16xf32>
      %swap3A_128 = arith.index_cast %scan3A_80 : i32 to index
      %swap3A_129 = arith.constant 32 : index
      %swap3A_130 = tpu.vector_load %arg7[%swap3A_128, %swap3A_129] {strides = array<i32>} : memref<200x256xf32, #tpu.memory_space<vmem>>, vector<1x16xf32>,
      %swap3A_131 = vector.shape_cast %swap3A_130 : vector<1x16xf32> to vector<16xf32>
      %swap3A_132 = vector.shape_cast %gather3A_127 : vector<16xf32> to vector<1x16xf32>
      tpu.vector_store %arg7[%swap3A_128, %swap3A_129], %swap3A_132 {strides = array<i32>} : memref<200x256xf32, #tpu.memory_space<vmem>>, vector<1x16xf32>,
      %get3A_133 = arith.index_cast %scan3A_80 : i32 to index
      %get3A_134 = arith.constant 48 : index
      %get3A_135 = tpu.vector_load %arg6[%get3A_133, %get3A_134] {strides = array<i32>} : memref<200x256xi32, #tpu.memory_space<vmem>>, vector<1x16xi32>,
      %get3A_136 = vector.shape_cast %get3A_135 : vector<1x16xi32> to vector<16xi32>
      %mul3A_137 = arith.constant 5 : i32
      %mul3A_138 = vector.broadcast %mul3A_137 : i32 to vector<16xi32>
      %mul3A_139 = arith.muli %get3A_136, %mul3A_138 : vector<16xi32>
      %add3A_140 = arith.constant 4 : i32
      %add3A_141 = vector.broadcast %add3A_140 : i32 to vector<16xi32>
      %add3A_142 = arith.addi %mul3A_139, %add3A_141 : vector<16xi32>
      %reshape3A_143 = vector.shape_cast %add3A_142 : vector<16xi32> to vector<16x1xi32>
      %gather3A_144 = vector.shape_cast %reshape3A_143 : vector<16x1xi32> to vector<16xi32>
      %gather3A_145 = tpu.dynamic_gather %get3A_2[%gather3A_144] in [0] : vector<16xf32>, vector<16xi32> -> vector<16xf32>
      %swap3A_146 = arith.index_cast %scan3A_80 : i32 to index
      %swap3A_147 = arith.constant 48 : index
      %swap3A_148 = tpu.vector_load %arg7[%swap3A_146, %swap3A_147] {strides = array<i32>} : memref<200x256xf32, #tpu.memory_space<vmem>>, vector<1x16xf32>,
      %swap3A_149 = vector.shape_cast %swap3A_148 : vector<1x16xf32> to vector<16xf32>
      %swap3A_150 = vector.shape_cast %gather3A_145 : vector<16xf32> to vector<1x16xf32>
      tpu.vector_store %arg7[%swap3A_146, %swap3A_147], %swap3A_150 {strides = array<i32>} : memref<200x256xf32, #tpu.memory_space<vmem>>, vector<1x16xf32>,
      %get3A_151 = arith.index_cast %scan3A_80 : i32 to index
      %get3A_152 = arith.constant 64 : index
      %get3A_153 = tpu.vector_load %arg6[%get3A_151, %get3A_152] {strides = array<i32>} : memref<200x256xi32, #tpu.memory_space<vmem>>, vector<1x16xi32>,
      %get3A_154 = vector.shape_cast %get3A_153 : vector<1x16xi32> to vector<16xi32>
      %mul3A_155 = arith.constant 5 : i32
      %mul3A_156 = vector.broadcast %mul3A_155 : i32 to vector<16xi32>
      %mul3A_157 = arith.muli %get3A_154, %mul3A_156 : vector<16xi32>
      %add3A_158 = arith.constant 4 : i32
      %add3A_159 = vector.broadcast %add3A_158 : i32 to vector<16xi32>
      %add3A_160 = arith.addi %mul3A_157, %add3A_159 : vector<16xi32>
      %reshape3A_161 = vector.shape_cast %add3A_160 : vector<16xi32> to vector<16x1xi32>
      %gather3A_162 = vector.shape_cast %reshape3A_161 : vector<16x1xi32> to vector<16xi32>
      %gather3A_163 = tpu.dynamic_gather %get3A_2[%gather3A_162] in [0] : vector<16xf32>, vector<16xi32> -> vector<16xf32>
      %swap3A_164 = arith.index_cast %scan3A_80 : i32 to index
      %swap3A_165 = arith.constant 64 : index
      %swap3A_166 = tpu.vector_load %arg7[%swap3A_164, %swap3A_165] {strides = array<i32>} : memref<200x256xf32, #tpu.memory_space<vmem>>, vector<1x16xf32>,
      %swap3A_167 = vector.shape_cast %swap3A_166 : vector<1x16xf32> to vector<16xf32>
      %swap3A_168 = vector.shape_cast %gather3A_163 : vector<16xf32> to vector<1x16xf32>
      tpu.vector_store %arg7[%swap3A_164, %swap3A_165], %swap3A_168 {strides = array<i32>} : memref<200x256xf32, #tpu.memory_space<vmem>>, vector<1x16xf32>,
      %get3A_169 = arith.index_cast %scan3A_80 : i32 to index
      %get3A_170 = arith.constant 80 : index
      %get3A_171 = tpu.vector_load %arg6[%get3A_169, %get3A_170] {strides = array<i32>} : memref<200x256xi32, #tpu.memory_space<vmem>>, vector<1x16xi32>,
      %get3A_172 = vector.shape_cast %get3A_171 : vector<1x16xi32> to vector<16xi32>
      %mul3A_173 = arith.constant 5 : i32
      %mul3A_174 = vector.broadcast %mul3A_173 : i32 to vector<16xi32>
      %mul3A_175 = arith.muli %get3A_172, %mul3A_174 : vector<16xi32>
      %add3A_176 = arith.constant 4 : i32
      %add3A_177 = vector.broadcast %add3A_176 : i32 to vector<16xi32>
      %add3A_178 = arith.addi %mul3A_175, %add3A_177 : vector<16xi32>
      %reshape3A_179 = vector.shape_cast %add3A_178 : vector<16xi32> to vector<16x1xi32>
      %gather3A_180 = vector.shape_cast %reshape3A_179 : vector<16x1xi32> to vector<16xi32>
      %gather3A_181 = tpu.dynamic_gather %get3A_2[%gather3A_180] in [0] : vector<16xf32>, vector<16xi32> -> vector<16xf32>
      %swap3A_182 = arith.index_cast %scan3A_80 : i32 to index
      %swap3A_183 = arith.constant 80 : index
      %swap3A_184 = tpu.vector_load %arg7[%swap3A_182, %swap3A_183] {strides = array<i32>} : memref<200x256xf32, #tpu.memory_space<vmem>>, vector<1x16xf32>,
      %swap3A_185 = vector.shape_cast %swap3A_184 : vector<1x16xf32> to vector<16xf32>
      %swap3A_186 = vector.shape_cast %gather3A_181 : vector<16xf32> to vector<1x16xf32>
      tpu.vector_store %arg7[%swap3A_182, %swap3A_183], %swap3A_186 {strides = array<i32>} : memref<200x256xf32, #tpu.memory_space<vmem>>, vector<1x16xf32>,
      %get3A_187 = arith.index_cast %scan3A_80 : i32 to index
      %get3A_188 = arith.constant 96 : index
      %get3A_189 = tpu.vector_load %arg6[%get3A_187, %get3A_188] {strides = array<i32>} : memref<200x256xi32, #tpu.memory_space<vmem>>, vector<1x16xi32>,
      %get3A_190 = vector.shape_cast %get3A_189 : vector<1x16xi32> to vector<16xi32>
      %mul3A_191 = arith.constant 5 : i32
      %mul3A_192 = vector.broadcast %mul3A_191 : i32 to vector<16xi32>
      %mul3A_193 = arith.muli %get3A_190, %mul3A_192 : vector<16xi32>
      %add3A_194 = arith.constant 4 : i32
      %add3A_195 = vector.broadcast %add3A_194 : i32 to vector<16xi32>
      %add3A_196 = arith.addi %mul3A_193, %add3A_195 : vector<16xi32>
      %reshape3A_197 = vector.shape_cast %add3A_196 : vector<16xi32> to vector<16x1xi32>
      %gather3A_198 = vector.shape_cast %reshape3A_197 : vector<16x1xi32> to vector<16xi32>
      %gather3A_199 = tpu.dynamic_gather %get3A_2[%gather3A_198] in [0] : vector<16xf32>, vector<16xi32> -> vector<16xf32>
      %swap3A_200 = arith.index_cast %scan3A_80 : i32 to index
      %swap3A_201 = arith.constant 96 : index
      %swap3A_202 = tpu.vector_load %arg7[%swap3A_200, %swap3A_201] {strides = array<i32>} : memref<200x256xf32, #tpu.memory_space<vmem>>, vector<1x16xf32>,
      %swap3A_203 = vector.shape_cast %swap3A_202 : vector<1x16xf32> to vector<16xf32>
      %swap3A_204 = vector.shape_cast %gather3A_199 : vector<16xf32> to vector<1x16xf32>
      tpu.vector_store %arg7[%swap3A_200, %swap3A_201], %swap3A_204 {strides = array<i32>} : memref<200x256xf32, #tpu.memory_space<vmem>>, vector<1x16xf32>,
      %get3A_205 = arith.index_cast %scan3A_80 : i32 to index
      %get3A_206 = arith.constant 112 : index
      %get3A_207 = tpu.vector_load %arg6[%get3A_205, %get3A_206] {strides = array<i32>} : memref<200x256xi32, #tpu.memory_space<vmem>>, vector<1x16xi32>,
      %get3A_208 = vector.shape_cast %get3A_207 : vector<1x16xi32> to vector<16xi32>
      %mul3A_209 = arith.constant 5 : i32
      %mul3A_210 = vector.broadcast %mul3A_209 : i32 to vector<16xi32>
      %mul3A_211 = arith.muli %get3A_208, %mul3A_210 : vector<16xi32>
      %add3A_212 = arith.constant 4 : i32
      %add3A_213 = vector.broadcast %add3A_212 : i32 to vector<16xi32>
      %add3A_214 = arith.addi %mul3A_211, %add3A_213 : vector<16xi32>
      %reshape3A_215 = vector.shape_cast %add3A_214 : vector<16xi32> to vector<16x1xi32>
      %gather3A_216 = vector.shape_cast %reshape3A_215 : vector<16x1xi32> to vector<16xi32>
      %gather3A_217 = tpu.dynamic_gather %get3A_2[%gather3A_216] in [0] : vector<16xf32>, vector<16xi32> -> vector<16xf32>
      %swap3A_218 = arith.index_cast %scan3A_80 : i32 to index
      %swap3A_219 = arith.constant 112 : index
      %swap3A_220 = tpu.vector_load %arg7[%swap3A_218, %swap3A_219] {strides = array<i32>} : memref<200x256xf32, #tpu.memory_space<vmem>>, vector<1x16xf32>,
      %swap3A_221 = vector.shape_cast %swap3A_220 : vector<1x16xf32> to vector<16xf32>
      %swap3A_222 = vector.shape_cast %gather3A_217 : vector<16xf32> to vector<1x16xf32>
      tpu.vector_store %arg7[%swap3A_218, %swap3A_219], %swap3A_222 {strides = array<i32>} : memref<200x256xf32, #tpu.memory_space<vmem>>, vector<1x16xf32>,
      %get3A_223 = arith.index_cast %scan3A_80 : i32 to index
      %get3A_224 = arith.constant 128 : index
      %get3A_225 = tpu.vector_load %arg6[%get3A_223, %get3A_224] {strides = array<i32>} : memref<200x256xi32, #tpu.memory_space<vmem>>, vector<1x16xi32>,
      %get3A_226 = vector.shape_cast %get3A_225 : vector<1x16xi32> to vector<16xi32>
      %mul3A_227 = arith.constant 5 : i32
      %mul3A_228 = vector.broadcast %mul3A_227 : i32 to vector<16xi32>
      %mul3A_229 = arith.muli %get3A_226, %mul3A_228 : vector<16xi32>
      %add3A_230 = arith.constant 4 : i32
      %add3A_231 = vector.broadcast %add3A_230 : i32 to vector<16xi32>
      %add3A_232 = arith.addi %mul3A_229, %add3A_231 : vector<16xi32>
      %reshape3A_233 = vector.shape_cast %add3A_232 : vector<16xi32> to vector<16x1xi32>
      %gather3A_234 = vector.shape_cast %reshape3A_233 : vector<16x1xi32> to vector<16xi32>
      %gather3A_235 = tpu.dynamic_gather %get3A_2[%gather3A_234] in [0] : vector<16xf32>, vector<16xi32> -> vector<16xf32>
      %swap3A_236 = arith.index_cast %scan3A_80 : i32 to index
      %swap3A_237 = arith.constant 128 : index
      %swap3A_238 = tpu.vector_load %arg7[%swap3A_236, %swap3A_237] {strides = array<i32>} : memref<200x256xf32, #tpu.memory_space<vmem>>, vector<1x16xf32>,
      %swap3A_239 = vector.shape_cast %swap3A_238 : vector<1x16xf32> to vector<16xf32>
      %swap3A_240 = vector.shape_cast %gather3A_235 : vector<16xf32> to vector<1x16xf32>
      tpu.vector_store %arg7[%swap3A_236, %swap3A_237], %swap3A_240 {strides = array<i32>} : memref<200x256xf32, #tpu.memory_space<vmem>>, vector<1x16xf32>,
      %get3A_241 = arith.index_cast %scan3A_80 : i32 to index
      %get3A_242 = arith.constant 144 : index
      %get3A_243 = tpu.vector_load %arg6[%get3A_241, %get3A_242] {strides = array<i32>} : memref<200x256xi32, #tpu.memory_space<vmem>>, vector<1x16xi32>,
      %get3A_244 = vector.shape_cast %get3A_243 : vector<1x16xi32> to vector<16xi32>
      %mul3A_245 = arith.constant 5 : i32
      %mul3A_246 = vector.broadcast %mul3A_245 : i32 to vector<16xi32>
      %mul3A_247 = arith.muli %get3A_244, %mul3A_246 : vector<16xi32>
      %add3A_248 = arith.constant 4 : i32
      %add3A_249 = vector.broadcast %add3A_248 : i32 to vector<16xi32>
      %add3A_250 = arith.addi %mul3A_247, %add3A_249 : vector<16xi32>
      %reshape3A_251 = vector.shape_cast %add3A_250 : vector<16xi32> to vector<16x1xi32>
      %gather3A_252 = vector.shape_cast %reshape3A_251 : vector<16x1xi32> to vector<16xi32>
      %gather3A_253 = tpu.dynamic_gather %get3A_2[%gather3A_252] in [0] : vector<16xf32>, vector<16xi32> -> vector<16xf32>
      %swap3A_254 = arith.index_cast %scan3A_80 : i32 to index
      %swap3A_255 = arith.constant 144 : index
      %swap3A_256 = tpu.vector_load %arg7[%swap3A_254, %swap3A_255] {strides = array<i32>} : memref<200x256xf32, #tpu.memory_space<vmem>>, vector<1x16xf32>,
      %swap3A_257 = vector.shape_cast %swap3A_256 : vector<1x16xf32> to vector<16xf32>
      %swap3A_258 = vector.shape_cast %gather3A_253 : vector<16xf32> to vector<1x16xf32>
      tpu.vector_store %arg7[%swap3A_254, %swap3A_255], %swap3A_258 {strides = array<i32>} : memref<200x256xf32, #tpu.memory_space<vmem>>, vector<1x16xf32>,
      %get3A_259 = arith.index_cast %scan3A_80 : i32 to index
      %get3A_260 = arith.constant 160 : index
      %get3A_261 = tpu.vector_load %arg6[%get3A_259, %get3A_260] {strides = array<i32>} : memref<200x256xi32, #tpu.memory_space<vmem>>, vector<1x16xi32>,
      %get3A_262 = vector.shape_cast %get3A_261 : vector<1x16xi32> to vector<16xi32>
      %mul3A_263 = arith.constant 5 : i32
      %mul3A_264 = vector.broadcast %mul3A_263 : i32 to vector<16xi32>
      %mul3A_265 = arith.muli %get3A_262, %mul3A_264 : vector<16xi32>
      %add3A_266 = arith.constant 4 : i32
      %add3A_267 = vector.broadcast %add3A_266 : i32 to vector<16xi32>
      %add3A_268 = arith.addi %mul3A_265, %add3A_267 : vector<16xi32>
      %reshape3A_269 = vector.shape_cast %add3A_268 : vector<16xi32> to vector<16x1xi32>
      %gather3A_270 = vector.shape_cast %reshape3A_269 : vector<16x1xi32> to vector<16xi32>
      %gather3A_271 = tpu.dynamic_gather %get3A_2[%gather3A_270] in [0] : vector<16xf32>, vector<16xi32> -> vector<16xf32>
      %swap3A_272 = arith.index_cast %scan3A_80 : i32 to index
      %swap3A_273 = arith.constant 160 : index
      %swap3A_274 = tpu.vector_load %arg7[%swap3A_272, %swap3A_273] {strides = array<i32>} : memref<200x256xf32, #tpu.memory_space<vmem>>, vector<1x16xf32>,
      %swap3A_275 = vector.shape_cast %swap3A_274 : vector<1x16xf32> to vector<16xf32>
      %swap3A_276 = vector.shape_cast %gather3A_271 : vector<16xf32> to vector<1x16xf32>
      tpu.vector_store %arg7[%swap3A_272, %swap3A_273], %swap3A_276 {strides = array<i32>} : memref<200x256xf32, #tpu.memory_space<vmem>>, vector<1x16xf32>,
      %get3A_277 = arith.index_cast %scan3A_80 : i32 to index
      %get3A_278 = arith.constant 176 : index
      %get3A_279 = tpu.vector_load %arg6[%get3A_277, %get3A_278] {strides = array<i32>} : memref<200x256xi32, #tpu.memory_space<vmem>>, vector<1x16xi32>,
      %get3A_280 = vector.shape_cast %get3A_279 : vector<1x16xi32> to vector<16xi32>
      %mul3A_281 = arith.constant 5 : i32
      %mul3A_282 = vector.broadcast %mul3A_281 : i32 to vector<16xi32>
      %mul3A_283 = arith.muli %get3A_280, %mul3A_282 : vector<16xi32>
      %add3A_284 = arith.constant 4 : i32
      %add3A_285 = vector.broadcast %add3A_284 : i32 to vector<16xi32>
      %add3A_286 = arith.addi %mul3A_283, %add3A_285 : vector<16xi32>
      %reshape3A_287 = vector.shape_cast %add3A_286 : vector<16xi32> to vector<16x1xi32>
      %gather3A_288 = vector.shape_cast %reshape3A_287 : vector<16x1xi32> to vector<16xi32>
      %gather3A_289 = tpu.dynamic_gather %get3A_2[%gather3A_288] in [0] : vector<16xf32>, vector<16xi32> -> vector<16xf32>
      %swap3A_290 = arith.index_cast %scan3A_80 : i32 to index
      %swap3A_291 = arith.constant 176 : index
      %swap3A_292 = tpu.vector_load %arg7[%swap3A_290, %swap3A_291] {strides = array<i32>} : memref<200x256xf32, #tpu.memory_space<vmem>>, vector<1x16xf32>,
      %swap3A_293 = vector.shape_cast %swap3A_292 : vector<1x16xf32> to vector<16xf32>
      %swap3A_294 = vector.shape_cast %gather3A_289 : vector<16xf32> to vector<1x16xf32>
      tpu.vector_store %arg7[%swap3A_290, %swap3A_291], %swap3A_294 {strides = array<i32>} : memref<200x256xf32, #tpu.memory_space<vmem>>, vector<1x16xf32>,
      %get3A_295 = arith.index_cast %scan3A_80 : i32 to index
      %get3A_296 = arith.constant 192 : index
      %get3A_297 = tpu.vector_load %arg6[%get3A_295, %get3A_296] {strides = array<i32>} : memref<200x256xi32, #tpu.memory_space<vmem>>, vector<1x16xi32>,
      %get3A_298 = vector.shape_cast %get3A_297 : vector<1x16xi32> to vector<16xi32>
      %mul3A_299 = arith.constant 5 : i32
      %mul3A_300 = vector.broadcast %mul3A_299 : i32 to vector<16xi32>
      %mul3A_301 = arith.muli %get3A_298, %mul3A_300 : vector<16xi32>
      %add3A_302 = arith.constant 4 : i32
      %add3A_303 = vector.broadcast %add3A_302 : i32 to vector<16xi32>
      %add3A_304 = arith.addi %mul3A_301, %add3A_303 : vector<16xi32>
      %reshape3A_305 = vector.shape_cast %add3A_304 : vector<16xi32> to vector<16x1xi32>
      %gather3A_306 = vector.shape_cast %reshape3A_305 : vector<16x1xi32> to vector<16xi32>
      %gather3A_307 = tpu.dynamic_gather %get3A_2[%gather3A_306] in [0] : vector<16xf32>, vector<16xi32> -> vector<16xf32>
      %swap3A_308 = arith.index_cast %scan3A_80 : i32 to index
      %swap3A_309 = arith.constant 192 : index
      %swap3A_310 = tpu.vector_load %arg7[%swap3A_308, %swap3A_309] {strides = array<i32>} : memref<200x256xf32, #tpu.memory_space<vmem>>, vector<1x16xf32>,
      %swap3A_311 = vector.shape_cast %swap3A_310 : vector<1x16xf32> to vector<16xf32>
      %swap3A_312 = vector.shape_cast %gather3A_307 : vector<16xf32> to vector<1x16xf32>
      tpu.vector_store %arg7[%swap3A_308, %swap3A_309], %swap3A_312 {strides = array<i32>} : memref<200x256xf32, #tpu.memory_space<vmem>>, vector<1x16xf32>,
      %get3A_313 = arith.index_cast %scan3A_80 : i32 to index
      %get3A_314 = arith.constant 208 : index
      %get3A_315 = tpu.vector_load %arg6[%get3A_313, %get3A_314] {strides = array<i32>} : memref<200x256xi32, #tpu.memory_space<vmem>>, vector<1x16xi32>,
      %get3A_316 = vector.shape_cast %get3A_315 : vector<1x16xi32> to vector<16xi32>
      %mul3A_317 = arith.constant 5 : i32
      %mul3A_318 = vector.broadcast %mul3A_317 : i32 to vector<16xi32>
      %mul3A_319 = arith.muli %get3A_316, %mul3A_318 : vector<16xi32>
      %add3A_320 = arith.constant 4 : i32
      %add3A_321 = vector.broadcast %add3A_320 : i32 to vector<16xi32>
      %add3A_322 = arith.addi %mul3A_319, %add3A_321 : vector<16xi32>
      %reshape3A_323 = vector.shape_cast %add3A_322 : vector<16xi32> to vector<16x1xi32>
      %gather3A_324 = vector.shape_cast %reshape3A_323 : vector<16x1xi32> to vector<16xi32>
      %gather3A_325 = tpu.dynamic_gather %get3A_2[%gather3A_324] in [0] : vector<16xf32>, vector<16xi32> -> vector<16xf32>
      %swap3A_326 = arith.index_cast %scan3A_80 : i32 to index
      %swap3A_327 = arith.constant 208 : index
      %swap3A_328 = tpu.vector_load %arg7[%swap3A_326, %swap3A_327] {strides = array<i32>} : memref<200x256xf32, #tpu.memory_space<vmem>>, vector<1x16xf32>,
      %swap3A_329 = vector.shape_cast %swap3A_328 : vector<1x16xf32> to vector<16xf32>
      %swap3A_330 = vector.shape_cast %gather3A_325 : vector<16xf32> to vector<1x16xf32>
      tpu.vector_store %arg7[%swap3A_326, %swap3A_327], %swap3A_330 {strides = array<i32>} : memref<200x256xf32, #tpu.memory_space<vmem>>, vector<1x16xf32>,
      %get3A_331 = arith.index_cast %scan3A_80 : i32 to index
      %get3A_332 = arith.constant 224 : index
      %get3A_333 = tpu.vector_load %arg6[%get3A_331, %get3A_332] {strides = array<i32>} : memref<200x256xi32, #tpu.memory_space<vmem>>, vector<1x16xi32>,
      %get3A_334 = vector.shape_cast %get3A_333 : vector<1x16xi32> to vector<16xi32>
      %mul3A_335 = arith.constant 5 : i32
      %mul3A_336 = vector.broadcast %mul3A_335 : i32 to vector<16xi32>
      %mul3A_337 = arith.muli %get3A_334, %mul3A_336 : vector<16xi32>
      %add3A_338 = arith.constant 4 : i32
      %add3A_339 = vector.broadcast %add3A_338 : i32 to vector<16xi32>
      %add3A_340 = arith.addi %mul3A_337, %add3A_339 : vector<16xi32>
      %reshape3A_341 = vector.shape_cast %add3A_340 : vector<16xi32> to vector<16x1xi32>
      %gather3A_342 = vector.shape_cast %reshape3A_341 : vector<16x1xi32> to vector<16xi32>
      %gather3A_343 = tpu.dynamic_gather %get3A_2[%gather3A_342] in [0] : vector<16xf32>, vector<16xi32> -> vector<16xf32>
      %swap3A_344 = arith.index_cast %scan3A_80 : i32 to index
      %swap3A_345 = arith.constant 224 : index
      %swap3A_346 = tpu.vector_load %arg7[%swap3A_344, %swap3A_345] {strides = array<i32>} : memref<200x256xf32, #tpu.memory_space<vmem>>, vector<1x16xf32>,
      %swap3A_347 = vector.shape_cast %swap3A_346 : vector<1x16xf32> to vector<16xf32>
      %swap3A_348 = vector.shape_cast %gather3A_343 : vector<16xf32> to vector<1x16xf32>
      tpu.vector_store %arg7[%swap3A_344, %swap3A_345], %swap3A_348 {strides = array<i32>} : memref<200x256xf32, #tpu.memory_space<vmem>>, vector<1x16xf32>,
      %get3A_349 = arith.index_cast %scan3A_80 : i32 to index
      %get3A_350 = arith.constant 240 : index
      %get3A_351 = tpu.vector_load %arg6[%get3A_349, %get3A_350] {strides = array<i32>} : memref<200x256xi32, #tpu.memory_space<vmem>>, vector<1x16xi32>,
      %get3A_352 = vector.shape_cast %get3A_351 : vector<1x16xi32> to vector<16xi32>
      %mul3A_353 = arith.constant 5 : i32
      %mul3A_354 = vector.broadcast %mul3A_353 : i32 to vector<16xi32>
      %mul3A_355 = arith.muli %get3A_352, %mul3A_354 : vector<16xi32>
      %add3A_356 = arith.constant 4 : i32
      %add3A_357 = vector.broadcast %add3A_356 : i32 to vector<16xi32>
      %add3A_358 = arith.addi %mul3A_355, %add3A_357 : vector<16xi32>
      %reshape3A_359 = vector.shape_cast %add3A_358 : vector<16xi32> to vector<16x1xi32>
      %gather3A_360 = vector.shape_cast %reshape3A_359 : vector<16x1xi32> to vector<16xi32>
      %gather3A_361 = tpu.dynamic_gather %get3A_2[%gather3A_360] in [0] : vector<16xf32>, vector<16xi32> -> vector<16xf32>
      %swap3A_362 = arith.index_cast %scan3A_80 : i32 to index
      %swap3A_363 = arith.constant 240 : index
      %swap3A_364 = tpu.vector_load %arg7[%swap3A_362, %swap3A_363] {strides = array<i32>} : memref<200x256xf32, #tpu.memory_space<vmem>>, vector<1x16xf32>,
      %swap3A_365 = vector.shape_cast %swap3A_364 : vector<1x16xf32> to vector<16xf32>
      %swap3A_366 = vector.shape_cast %gather3A_361 : vector<16xf32> to vector<1x16xf32>
      tpu.vector_store %arg7[%swap3A_362, %swap3A_363], %swap3A_366 {strides = array<i32>} : memref<200x256xf32, #tpu.memory_space<vmem>>, vector<1x16xf32>,
      %scan3A_367 = arith.constant 0 : i32
      scf.yield %scan3A_367 : i32
    }
    %scan3A_79 = arith.constant 200 : i32
    "tpu.region"() ({
      %run_scoped3A = tpu.sem_alloc : memref<!tpu.dma_semaphore, #tpu.memory_space<semaphore_mem>>
      %dma_start3A = arith.constant 800 : i32
      %dma_start3A_80 = tpu.memref_slice %arg4[%dma_start3A, %add3A_44] : memref<1000x16384xf32, #tpu.memory_space<hbm>> -> memref<200x256xf32, #tpu.memory_space<hbm>>
      %dma_start3A_81 = arith.constant 800 : i32
      %dma_start3A_82 = tpu.memref_slice %arg4[%dma_start3A_81, %add3A_44] : memref<1000x16384xf32, #tpu.memory_space<hbm>> -> memref<200x256xf32, #tpu.memory_space<hbm>>
      tpu.enqueue_dma source(%arg7 : memref<200x256xf32, #tpu.memory_space<vmem>>) target(%dma_start3A_82 : memref<200x256xf32, #tpu.memory_space<hbm>>) target_semaphore(%run_scoped3A : memref<!tpu.dma_semaphore, #tpu.memory_space<semaphore_mem>>)
      %dma_wait3A = arith.constant 800 : i32
      %dma_wait3A_83 = tpu.memref_slice %arg4[%dma_wait3A, %add3A_44] : memref<1000x16384xf32, #tpu.memory_space<hbm>> -> memref<200x256xf32, #tpu.memory_space<hbm>>
      %dma_wait3A_84 = arith.constant 800 : i32
      %dma_wait3A_85 = tpu.memref_slice %arg4[%dma_wait3A_84, %add3A_44] : memref<1000x16384xf32, #tpu.memory_space<hbm>> -> memref<200x256xf32, #tpu.memory_space<hbm>>
      tpu.wait_dma2 semaphore(%run_scoped3A : memref<!tpu.dma_semaphore, #tpu.memory_space<semaphore_mem>>) src(%arg7 : memref<200x256xf32, #tpu.memory_space<vmem>>) dst(%dma_wait3A_85 : memref<200x256xf32, #tpu.memory_space<hbm>>)
      tpu.yield
    }) : () -> ()
    return
  }
}

</mosaic_0001>

<sc_bundles>
// kernel: kernel.3.cloned.1.call-start
scs
__scs_entry_jumppad:
0x0: {  	(pc) =	sbr.rel $0x88, $3  }
0x1: {  	(tag) =	ssettag $0x0;
	lr =	simm.s32 $0x1  }
0x2: {  	[smem:$0x3F9F] =	sst lr;
	_ =	strace $0xD0000000  }
0x3: {  	_ = 	snop  }
0x4: {  	_ = 	snop  }
0x5: {  	_ = 	snop  }
0x6: {  	_ = 	snop  }
0x7: {  	_ = 	snop  }
__scs_overlays_trampoline_lowered:
0x8: {  	[smem:$0x3FAE] =	sst s0  }
0x9: {  	[smem:$0x3FAF] =	sst s1  }
0xa: {  	[smem:$0x3FB0] =	sst s2  }
0xb: {  	[smem:$0x3FB1] =	sst s3  }
0xc: {  	[smem:$0x3FB2] =	sst s4  }
0xd: {  	[smem:$0x3FB3] =	sst s5  }
0xe: {  	[smem:$0x3FB4] =	sst s6  }
0xf: {  	[smem:$0x3FB5] =	sst s7  }
0x10: {  	[smem:$0x3FB6] =	sst s8  }
0x11: {  	[smem:$0x3FB7] =	sst s9;
	s0 =	simm.s32 @!p0 $0x0  }
0x12: {  	s1 =	sld [smem:$0x3F9D];
	s0 =	simm.s32 @p0 $0x1  }
0x13: {  	[smem:$0x3FB8] =	sst s0;
	s0 =	simm.s32 @!p1 $0x0  }
0x14: {  	s2 =	sld [smem:$0x3F9C];
	s0 =	simm.s32 @p1 $0x1  }
0x15: {  	[smem:$0x3FB9] =	sst s0;
	s0 =	simm.s32 @!p2 $0x0  }
0x16: {  	s3 =	sld [smem:$0x3FDB];
	s0 =	simm.s32 @p2 $0x1  }
0x17: {  	s4 =	simm.s32 $0x1BF5;
	[smem:$0x3FBB] =	sst s0  }
0x18: {  	s0 =	sld [smem:$0x3F9E];
	_ =	swait.ge [sflag:s4], $0x0  }
0x19: {  	s7 =	sld [smem:$0x3F9F]  }
0x1a: {  	s8 =	sadd.s32 $0xFFFFE003, lr  }
0x1b: {  	s9 =	sadd.s32 $0xFFFFFEF7, lr;
	s5 =	simm.s32 $0xFFFFFFFF;
	p2 =	slt.u32 s8, $0xFFFFF086  }
0x1c: {  	p1 =	slt.u32 s9, $0xF7A;
	s5 =	simm.s32 @!p2 $0x0  }
0x1d: {  	s5 =	simm.s32 @p1 $0x1;
	p0 =	seq.s32 s7, s2  }
0x1e: {  	s7 =	smul.u32 @!p0 $0xF7A, s2;
	p2 =	seq.s32 @!p0 s5, $0x0  }
0x1f: {  	s9 =	smul.u32 $0xF7A, s1;
	s8 =	simm.s32 @!p0 $0x1BF5;
	p2 =	por !p2, p0  }
0x20: {  	[sflag:s8] =	ssyncset.s32 @!p0 $0xFFFFF086;
	s6 =	sadd.s32 @!p0 s3, s7;
	s7 =	simm.s32 @!p0 $0x108  }
0x21: {  	s3 =	sadd.s32 s3, s9;
	s6 =	sadd.s32 @!p0 $0x88, s6;
	s7 =	simm.s32 @p2 $0x1082  }
0x22: {  	[simem:s7], [sflag:s8] =	dma.local @!p0 [hbm:s6], $0xF7A  }
0x23: {  	s9 =	sor.u32 $0xD0000000, s2;
	s6 =	simm.s32 $0x108;
	_ =	swait.ge @!p0 [sflag:s8], $0x0  }
0x24: {  	s3 =	sadd.s32 $0x88, s3;
	s6 =	simm.s32 @!p1 $0x1082;
	[sflag:s4] =	ssyncset.s32 $0xFFFFF086  }
0x25: {  	[simem:s6], [sflag:s4] =	dma.local [hbm:s3], $0xF7A  }
0x26: {  	[smem:$0x3F9F] =	sst s1;
	(tag) =	ssettag s2;
	_ =	strace s9  }
0x27: {  	s1 =	sld [smem:$0x3FAF]  }
0x28: {  	s2 =	sld [smem:$0x3FB0]  }
0x29: {  	s4 =	sld [smem:$0x3FB2]  }
0x2a: {  	p0 =	seq.s32 s5, $0x0;
	s5 =	sld [smem:$0x3FB3]  }
0x2b: {  	s6 =	sld [smem:$0x3FB4]  }
0x2c: {  	s7 =	sld [smem:$0x3FB5]  }
0x2d: {  	s3 =	simm.s32 $0x108;
	s8 =	sld [smem:$0x3FB6]  }
0x2e: {  	s3 =	simm.s32 @!p0 $0x1082;
	s9 =	sld [smem:$0x3FB7]  }
0x2f: {  	lr =	sadd.s32 s0, s3;
	s0 =	sld [smem:$0x3FAE]  }
0x30: {  	s3 =	sld [smem:$0x3FB1]  }
0x31: {  	[smem:$0x3FBA] =	sst s10  }
0x32: {  	s10 =	sld [smem:$0x3FB8];
	_ =	sdelay $0x3  }
0x33: {  	p0 =	seq.s32 s10, $0x1;
	s10 =	sld [smem:$0x3FBA];
	_ =	sdelay $0x3  }
0x34: {  	[smem:$0x3FBA] =	sst s10  }
0x35: {  	s10 =	sld [smem:$0x3FB9];
	_ =	sdelay $0x3  }
0x36: {  	p1 =	seq.s32 s10, $0x1;
	s10 =	sld [smem:$0x3FBA];
	_ =	sdelay $0x3  }
0x37: {  	[smem:$0x3FBA] =	sst s10  }
0x38: {  	s10 =	sld [smem:$0x3FBB]  }
0x39: {  	_ = 	snop;
	(pc) =	sbr.ind lr, $3  }
0x3a: {  	_ = 	snop  }
0x3b: {  	_ = 	snop  }
0x3c: {  	p2 =	seq.s32 s10, $0x1;
	s10 =	sld [smem:$0x3FBA]  }
0x3d: {  	_ =	shalt  }
0x3e: {  	_ =	shalt  }
0x3f: {  	_ =	shalt  }
0x40: {  	_ =	shalt  }
0x41: {  	_ =	shalt  }
0x42: {  	_ =	shalt  }
0x43: {  	_ =	shalt  }
0x44: {  	_ =	shalt  }
0x45: {  	_ =	shalt  }
0x46: {  	_ =	shalt  }
0x47: {  	_ =	shalt  }
0x48: {  	_ =	shalt  }
0x49: {  	_ =	shalt  }
0x4a: {  	_ =	shalt  }
0x4b: {  	_ =	shalt  }
0x4c: {  	_ =	shalt  }
0x4d: {  	_ =	shalt  }
0x4e: {  	_ =	shalt  }
0x4f: {  	_ =	shalt  }
0x50: {  	_ =	shalt  }
0x51: {  	_ =	shalt  }
0x52: {  	_ =	shalt  }
0x53: {  	_ =	shalt  }
0x54: {  	_ =	shalt  }
0x55: {  	_ =	shalt  }
0x56: {  	_ =	shalt  }
0x57: {  	_ =	shalt  }
0x58: {  	_ =	shalt  }
0x59: {  	_ =	shalt  }
0x5a: {  	_ =	shalt  }
0x5b: {  	_ =	shalt  }
0x5c: {  	_ =	shalt  }
0x5d: {  	_ =	shalt  }
0x5e: {  	_ =	shalt  }
0x5f: {  	_ =	shalt  }
0x60: {  	_ =	shalt  }
0x61: {  	_ =	shalt  }
0x62: {  	_ =	shalt  }
0x63: {  	_ =	shalt  }
0x64: {  	_ =	shalt  }
0x65: {  	_ =	shalt  }
0x66: {  	_ =	shalt  }
0x67: {  	_ =	shalt  }
0x68: {  	_ =	shalt  }
0x69: {  	_ =	shalt  }
0x6a: {  	_ =	shalt  }
0x6b: {  	_ =	shalt  }
0x6c: {  	_ =	shalt  }
0x6d: {  	_ =	shalt  }
0x6e: {  	_ =	shalt  }
0x6f: {  	_ =	shalt  }
0x70: {  	_ =	shalt  }
0x71: {  	_ =	shalt  }
0x72: {  	_ =	shalt  }
0x73: {  	_ =	shalt  }
0x74: {  	_ =	shalt  }
0x75: {  	_ =	shalt  }
0x76: {  	_ =	shalt  }
0x77: {  	_ =	shalt  }
0x78: {  	_ =	shalt  }
0x79: {  	_ =	shalt  }
0x7a: {  	_ =	shalt  }
0x7b: {  	_ =	shalt  }
0x7c: {  	_ =	shalt  }
0x7d: {  	_ =	shalt  }
0x7e: {  	_ =	shalt  }
0x7f: {  	_ =	shalt  }
0x80: {  	_ =	shalt  }
0x81: {  	_ =	shalt  }
0x82: {  	_ =	shalt  }
0x83: {  	_ =	shalt  }
0x84: {  	_ =	shalt  }
0x85: {  	_ =	shalt  }
0x86: {  	_ =	shalt  }
0x87: {  	_ =	shalt  }
.Lfunc_end0:
.L_simem_size_0:
called_computation_lowered:
.L_overlay_start_0:
0x88: {  	s2 =	sld [smem:$0x3FD9]  }
0x89: {  	s3 =	sld [smem:$0x3FFE];
	_ =	sdelay $0x1  }
0x8a: {  	s1 =	srdreg.scid  }
0x8b: {  	s0 =	sand.u32 $0x1, s1  }
0x8c: {  	s17 =	sshll.u32 s0, $0xA;
	s2 =	sadd.s32 s3, s2  }
0x8d: {  	s2 =	sadd.s32 s2, s17  }
0x8e: {  	[smem:$0x3FC6] =	sst s2  }
0x8f: {  	_ = 	snop  }
0x90: {  	s2 =	sld [smem:$0x3FC9]  }
0x91: {  	s18 =	sld [smem:$0x3FD0];
	(tm) =	ssettm $0x1  }
0x92: {  	s4 =	sld [smem:$0x3FFB];
	_ =	sdelay $0x3  }
0x93: {  	_ =	strace s4  }
0x94: {  	s4 =	sld [smem:$0x3FFC];
	_ =	sdelay $0x3  }
0x95: {  	_ =	strace s4  }
0x96: {  	s4 =	sld [smem:$0x3FFD];
	_ =	sdelay $0x3  }
0x97: {  	_ =	strace s4  }
0x98: {  	_ =	strace $0x8FFFFFFF  }
0x99: {  	s19 =	sld [smem:$0x3FDB];
	_ =	sdelay $0x1  }
0x9a: {  	s5 =	simm.s32 $_scs_section_size  }
0x9b: {  	s6 =	simm.s32 $_size__tile_overlayer_lowered;
	s7 =	simm.s32 $_tile_overlayer_lowered  }
0x9c: {  	s22 =	simm.s32 $0x1BFF;
	s21 =	sshll.u32 s7, $0x1;
	s4 =	sadd.s32 s5, s19  }
0x9d: {  	s8 =	simm.s32 $0x0;
	s20 =	sshll.u32 s6, $0x1;
	s6 =	sadd.s32 s21, s4  }
0x9e: {  	[timem:s8], [sflag:s22] =	dma.local [hbm:s6], s20  }
0x9f: {  	_ =	swait.ge [sflag:s22], s20  }
0xa0: {  	s5 =	ssub.s32 $0x0, s20;
	[sflag:s22] =	ssyncset.done $0x0  }
0xa1: {  	[sflag:s22] =	ssyncadd.s32 s5;
	_ =	sdelay $0x1  }
0xa2: {  	s23 =	simm.s32 $0x1B8B  }
0xa3: {  	_ =	swait.ge [sflag:s23], $0x1  }
0xa4: {  	[sflag:s23] =	ssyncset.done $0x0  }
0xa5: {  	s25 =	simm.s32 $0x1B8E;
	s24 =	sld [smem:$0x3FFE];
	[sflag:s23] =	ssyncadd.s32 $0xFFFFFFFF  }
0xa6: {  	s26 =	simm.s32 $execute0_lowered;
	[smem:$0x3FD2] =	sst s25  }
0xa7: {  	s6 =	sshll.u32 s26, $0x1;
	_ =	strace $0x80000046;
	[dreg:$0x1] =	wrdreg $0xFFFFFFFF  }
0xa8: {  	s28 =	simm.s32 $_size_execute0_lowered;
	s4 =	sadd.s32 s4, s6;
	[dreg:$0x0] =	wrdreg $0x0  }
0xa9: {  	s6 =	sshll.u32 s28, $0x1;
	[dreg:$0x2] =	wrdreg s4  }
0xaa: {  	[dreg:$0x3] =	wrdreg s6  }
0xab: {  	[dreg:$0x4] =	wrdreg $0xC0  }
0xac: {  	_ =	task [dreg:s8], $0x5FFFF  }
0xad: {  	[dreg:$0x1] =	wrdreg $0xFFFFFFFF  }
0xae: {  	[dreg:$0x0] =	wrdreg $0x60  }
0xaf: {  	[dreg:$0x2] =	wrdreg s24  }
0xb0: {  	[dreg:$0x3] =	wrdreg s2  }
0xb1: {  	[dreg:$0x4] =	wrdreg s18  }
0xb2: {  	[dreg:$0x5] =	wrdreg $0x9  }
0xb3: {  	_ =	task.clear_ibuf [dreg:s8], $0x6FFFF;
	_ =	strace $0x90000046  }
0xb4: {  	s29 =	simm.s32 $0x9;
	_ =	strace $0x80000048  }
0xb5: {  	_ =	swait.ge [sflag:s29], $0x1  }
0xb6: {  	[sflag:s29] =	ssyncadd.s32 $0xFFFFFFFF  }
0xb7: {  	_ =	strace $0x90000048  }
0xb8: {  	_ =	sfence  }
0xb9: {  	s30 =	sld [smem:$0x0];
	_ =	sdelay $0x2  }
0xba: {  	s31 =	sshll.u32 s1, $0xD;
	s1 =	sshrl.u32 s1, $0x2  }
0xbb: {  	s3 =	sand.u32 $0x4000, s31;
	s1 =	sadd.s32 s1, s30  }
0xbc: {  	s0 =	sor.u32 s3, s0;
	s1 =	sshll.u32 s1, $0x11  }
0xbd: {  	s0 =	sor.u32 s1, s0  }
0xbe: {  	s0 =	sadd.s32 $0x8F2B, s0  }
0xbf: {  	[sflag:s0] =	ssyncadd.remote.s32 $0x1  }
0xc0: {  	_ =	sfence.sel $0xFFFF  }
0xc1: {  	[dreg:$0x0] =	wrdreg $0xFFFFFFFF;
	(pc) =	sbr.abs _section_cstart, $3  }
0xc2: {  	[dreg:$0x1] =	wrdreg $0xFFFFFFFF  }
0xc3: {  	_ =	task.clear_ibuf [dreg:s8], $0x2FFFF;
	_ =	strace $0x9FFFFFFF  }
0xc4: {  	(tm) =	ssettm $0x7FFFFFFF  }
0xc5: {  	_ =	shalt  }
tec
execute0_lowered:
.L_overlay_start_1:
0x0: {  	(tag) =	ssettag $0x1  }
0x1: {  	s3 =	rddreg [dreg:$0x0]  }
0x2: {  	s10 =	rddreg [dreg:$0x1]  }
0x3: {  	s11 =	rddreg [dreg:$0x2]  }
0x4: {  	s0 =	rddreg [dreg:$0x3]  }
0x5: {  	s2 =	simm.s32 $0x0;
	s4 =	srdreg.scid;
	s1 =	stileid.u32  }
0x6: {  	s17 =	simm.s32 $0x1;
	s18 =	simm.s32 $0x800;
	s19 =	simm.s32 $0x20000  }
0x7: {  	s20 =	simm.s32 $0x80;
	s21 =	simm.s32 $0xC880;
	s22 =	simm.s32 $0x0  }
0x8: {  	[smem:$0x7FF] =	sst s2;
	s4 =	sand.u32 $0x1, s4;
	s6 =	sshll.u32 s1, $0xA  }
0x9: {  	s3 =	sadd.s32 $0x400, s3;
	s5 =	ssub.s32 $0x2, s4;
	s4 =	sshll.u32 s4, $0x9  }
0xa: {  	_ =	strace $0x80000047;
	s7 =	sshrl.u32 s5, $0x1;
	s8 =	sor.u32 s4, s6  }
0xb: {  	s16 =	ssub.s32 s5, s7;
	s4 =	sadd.s32 s10, s8;
	s5 =	sadd.s32 s11, s8  }
0xc: {  	s12 =	sor.u32 $0x100, s8;
	s6 =	sadd.s32 $0x64000, s5;
	s7 =	sadd.s32 $0xC8000, s5  }
0xd: {  	s8 =	sadd.s32 $0x12C000, s5;
	s9 =	sadd.s32 $0x190000, s5;
	s10 =	sadd.s32 s10, s12  }
0xe: {  	s11 =	sadd.s32 s11, s12;
	s12 =	sadd.s32 $0x64100, s5;
	s13 =	sadd.s32 $0xC8100, s5  }
0xf: {  	s14 =	sadd.s32 $0x12C100, s5;
	s15 =	sadd.s32 $0x190100, s5;
	s16 =	smax.u32 s16, $0x1  }
.LBB2_1:
0x10: {  	[tilespmem:s2], [sflag:$0x1] =	stream.linear.gather [hbm4b:s3+s2], $0x80, $0x38;
	[tilespmem:$0x19080] =	vst v63  }
0x11: {  	_ =	swait.ge [sflag:s17], $0x80  }
0x12: {  	[sflag:s17] =	ssyncset.done $0x0  }
0x13: {  	[sflag:s17] =	ssyncadd.s32 $0xFFFFFF80  }
0x14: {  	v0 =	vld [tilespmem:$0x0];
	[tilespmem:s20], [sflag:$0x1] =	stream.strided.gather [hbm4b:s4+s18], $0xC800, s19, s18, $0x38  }
0x15: {  	_ =	swait.ge [sflag:s17], $0xC800  }
0x16: {  	s23 =	sand.u32 $0xF800, s2;
	s24 =	sand.u32 $0x380, s2;
	[sflag:s17] =	ssyncset.done $0x0  }
0x17: {  	s23 =	sor.u32 s24, s23;
	[sflag:s17] =	ssyncadd.s32 $0xFFFF3800  }
0x18: {  	v1 =	vld [tilespmem:s23+$0x4F0];
	_ =	sdelay $0x1  }
0x19: {  	v2 =	vld [tilespmem:s23+$0x80]  }
0x1a: {  	v3 =	vld [tilespmem:s23+$0x90]  }
0x1b: {  	v4 =	vld [tilespmem:s23+$0xA0]  }
0x1c: {  	v1 =	vmul.u32 $0x5, v1  }
0x1d: {  	v5 =	vld [tilespmem:s23+$0xB0]  }
0x1e: {  	v6 =	vld [tilespmem:s23+$0xC0];
	v2 =	vmul.u32 $0x5, v2;
	v1 =	vperm.xlane v0, v1  }
0x1f: {  	v7 =	vld [tilespmem:s23+$0xD0];
	v3 =	vmul.u32 $0x5, v3  }
0x20: {  	v8 =	vld [tilespmem:s23+$0xE0];
	v2 =	vperm.xlane v0, v2;
	[tilespmem:s23+$0xCCF0] =	vst v1;
	v1 =	vmul.u32 $0x5, v4  }
0x21: {  	v9 =	vld [tilespmem:s23+$0xF0];
	v4 =	vperm.xlane v0, v3  }
0x22: {  	v10 =	vld [tilespmem:s23+$0x480];
	[tilespmem:s23+$0xC880] =	vst v2;
	v2 =	vmul.u32 $0x5, v5;
	v5 =	vperm.xlane v0, v1  }
0x23: {  	v3 =	vld [tilespmem:s23+$0x490];
	[tilespmem:s23+$0xC890] =	vst v4;
	v4 =	vmul.u32 $0x5, v6  }
0x24: {  	v1 =	vld [tilespmem:s23+$0x4A0];
	v6 =	vperm.xlane v0, v2;
	[tilespmem:s23+$0xC8A0] =	vst v5;
	v5 =	vmul.u32 $0x5, v7  }
0x25: {  	v8 =	vmul.u32 $0x5, v8;
	v2 =	vld [tilespmem:s23+$0x4B0];
	v11 =	vperm.xlane v0, v4  }
0x26: {  	s25 =	simm.s32 $0x100;
	s24 =	simm.s32 $0x80;
	[tilespmem:s23+$0xC8B0] =	vst v6;
	v4 =	vld [tilespmem:s23+$0x4C0];
	v6 =	vmul.u32 $0x5, v9;
	v7 =	vperm.xlane v0, v5  }
0x27: {  	s26 =	sand.u32 $0xF800, s25;
	s25 =	simm.s32 $0x200;
	s28 =	sand.u32 $0x380, s24;
	v9 =	vperm.xlane v0, v8;
	v8 =	vmul.u32 $0x5, v10;
	[tilespmem:s23+$0xC8C0] =	vst v11;
	v5 =	vld [tilespmem:s23+$0x4D0]  }
.LBB2_2:
0x28: {  	p0 =	sne.s32 s25, $0xC700;
	s26 =	sor.u32 s28, s26;
	[tilespmem:s23+$0xC8D0] =	vst v7;
	v6 =	vperm.xlane v0, v6;
	v3 =	vmul.u32 $0x5, v3;
	v7 =	vld [tilespmem:s23+$0x4E0]  }
0x29: {  	v10 =	vld [tilespmem:s26+$0x4F0];
	[tilespmem:s23+$0xC8E0] =	vst v9;
	v8 =	vperm.xlane v0, v8;
	v1 =	vmul.u32 $0x5, v1  }
0x2a: {  	v9 =	vld [tilespmem:s26+$0x80];
	[tilespmem:s23+$0xC8F0] =	vst v6;
	v3 =	vperm.xlane v0, v3;
	v2 =	vmul.u32 $0x5, v2  }
0x2b: {  	v6 =	vld [tilespmem:s26+$0x90];
	[tilespmem:s23+$0xCC80] =	vst v8;
	v1 =	vperm.xlane v0, v1;
	v4 =	vmul.u32 $0x5, v4  }
0x2c: {  	v8 =	vld [tilespmem:s26+$0xA0];
	[tilespmem:s23+$0xCC90] =	vst v3;
	v2 =	vperm.xlane v0, v2;
	v3 =	vmul.u32 $0x5, v5  }
0x2d: {  	v5 =	vld [tilespmem:s26+$0xB0];
	[tilespmem:s23+$0xCCA0] =	vst v1;
	v1 =	vperm.xlane v0, v4;
	v4 =	vmul.u32 $0x5, v7  }
0x2e: {  	v7 =	vld [tilespmem:s26+$0xC0];
	v10 =	vmul.u32 $0x5, v10;
	[tilespmem:s23+$0xCCB0] =	vst v2;
	v2 =	vperm.xlane v0, v3  }
0x2f: {  	v3 =	vmul.u32 $0x5, v9;
	v9 =	vld [tilespmem:s26+$0xD0];
	[tilespmem:s23+$0xCCC0] =	vst v1;
	v1 =	vperm.xlane v0, v4  }
0x30: {  	v4 =	vmul.u32 $0x5, v6;
	v6 =	vld [tilespmem:s26+$0xE0];
	v10 =	vperm.xlane v0, v10;
	[tilespmem:s23+$0xCCD0] =	vst v2  }
0x31: {  	v2 =	vperm.xlane v0, v3;
	v3 =	vmul.u32 $0x5, v8;
	v8 =	vld [tilespmem:s26+$0xF0];
	[tilespmem:s23+$0xCCE0] =	vst v1;
	s23 =	smov.u32 s26  }
0x32: {  	v1 =	vperm.xlane v0, v4;
	v4 =	vmul.u32 $0x5, v5;
	v5 =	vld [tilespmem:s23+$0x480];
	[tilespmem:s23+$0xCCF0] =	vst v10  }
.Ltmp0:
0x33: {  	[tilespmem:s23+$0xC880] =	vst v2;
	v2 =	vperm.xlane v0, v3;
	v7 =	vmul.u32 $0x5, v7;
	v3 =	vld [tilespmem:s23+$0x490];
	(pc) =	sbr.rel @p0 .LBB2_2-.Ltmp0, $4  }
0x34: {  	[tilespmem:s23+$0xC890] =	vst v1;
	v4 =	vperm.xlane v0, v4;
	v9 =	vmul.u32 $0x5, v9;
	v1 =	vld [tilespmem:s23+$0x4A0]  }
0x35: {  	[tilespmem:s23+$0xC8A0] =	vst v2;
	v10 =	vperm.xlane v0, v7;
	v11 =	vmul.u32 $0x5, v6;
	v2 =	vld [tilespmem:s23+$0x4B0]  }
0x36: {  	s24 =	sadd.s32 $0x80, s24;
	[tilespmem:s23+$0xC8B0] =	vst v4;
	v7 =	vperm.xlane v0, v9;
	v6 =	vmul.u32 $0x5, v8;
	v4 =	vld [tilespmem:s23+$0x4C0]  }
0x37: {  	s28 =	sand.u32 $0x380, s24;
	s26 =	sand.u32 $0xF800, s25;
	s25 =	sadd.s32 $0x100, s25;
	[tilespmem:s23+$0xC8C0] =	vst v10;
	v9 =	vperm.xlane v0, v11;
	v8 =	vmul.u32 $0x5, v5;
	v5 =	vld [tilespmem:s23+$0x4D0]  }
0x38: {  	[tilespmem:s23+$0xC8D0] =	vst v7;
	s24 =	sor.u32 s28, s26;
	v7 =	vld [tilespmem:s23+$0x4E0];
	v6 =	vperm.xlane v0, v6;
	v3 =	vmul.u32 $0x5, v3  }
0x39: {  	v10 =	vld [tilespmem:s24+$0x4F0];
	[tilespmem:s23+$0xC8E0] =	vst v9;
	v8 =	vperm.xlane v0, v8;
	v1 =	vmul.u32 $0x5, v1  }
0x3a: {  	v9 =	vld [tilespmem:s24+$0x80];
	[tilespmem:s23+$0xC8F0] =	vst v6;
	v3 =	vperm.xlane v0, v3;
	v2 =	vmul.u32 $0x5, v2  }
0x3b: {  	v6 =	vld [tilespmem:s24+$0x90];
	[tilespmem:s23+$0xCC80] =	vst v8;
	v1 =	vperm.xlane v0, v1;
	v4 =	vmul.u32 $0x5, v4  }
0x3c: {  	v8 =	vld [tilespmem:s24+$0xA0];
	[tilespmem:s23+$0xCC90] =	vst v3;
	v2 =	vperm.xlane v0, v2  }
0x3d: {  	v5 =	vmul.u32 $0x5, v5;
	v3 =	vld [tilespmem:s24+$0xB0];
	[tilespmem:s23+$0xCCA0] =	vst v1;
	v4 =	vperm.xlane v0, v4  }
0x3e: {  	v7 =	vmul.u32 $0x5, v7;
	v1 =	vld [tilespmem:s24+$0xC0];
	[tilespmem:s23+$0xCCB0] =	vst v2  }
0x3f: {  	v5 =	vperm.xlane v0, v5;
	v2 =	vld [tilespmem:s24+$0xD0];
	[tilespmem:s23+$0xCCC0] =	vst v4;
	v4 =	vmul.u32 $0x5, v10  }
0x40: {  	v9 =	vmul.u32 $0x5, v9;
	v7 =	vperm.xlane v0, v7  }
0x41: {  	v10 =	vld [tilespmem:s24+$0xE0];
	[tilespmem:s23+$0xCCD0] =	vst v5;
	v5 =	vmul.u32 $0x5, v6;
	v4 =	vperm.xlane v0, v4  }
0x42: {  	v6 =	vld [tilespmem:s24+$0xF0];
	v9 =	vperm.xlane v0, v9;
	v8 =	vmul.u32 $0x5, v8;
	[tilespmem:s23+$0xCCE0] =	vst v7  }
0x43: {  	v5 =	vperm.xlane v0, v5;
	v3 =	vmul.u32 $0x5, v3;
	v7 =	vld [tilespmem:s24+$0x480];
	[tilespmem:s24+$0xCCF0] =	vst v4  }
0x44: {  	[tilespmem:s24+$0xC880] =	vst v9;
	v4 =	vperm.xlane v0, v8;
	v1 =	vmul.u32 $0x5, v1;
	v8 =	vld [tilespmem:s24+$0x490]  }
0x45: {  	[tilespmem:s24+$0xC890] =	vst v5;
	v3 =	vperm.xlane v0, v3;
	v2 =	vmul.u32 $0x5, v2;
	v5 =	vld [tilespmem:s24+$0x4A0]  }
0x46: {  	v9 =	vld [tilespmem:s24+$0x4B0];
	[tilespmem:s24+$0xC8A0] =	vst v4;
	v1 =	vperm.xlane v0, v1;
	v4 =	vmul.u32 $0x5, v10  }
0x47: {  	[tilespmem:s24+$0xC8B0] =	vst v3;
	v2 =	vperm.xlane v0, v2;
	v3 =	vmul.u32 $0x5, v6;
	v6 =	vld [tilespmem:s24+$0x4C0]  }
0x48: {  	[tilespmem:s24+$0xC8C0] =	vst v1;
	v1 =	vperm.xlane v0, v4;
	v4 =	vmul.u32 $0x5, v7;
	v7 =	vld [tilespmem:s24+$0x4D0]  }
0x49: {  	[tilespmem:s24+$0xC8D0] =	vst v2;
	v2 =	vperm.xlane v0, v3;
	v3 =	vmul.u32 $0x5, v8;
	v8 =	vld [tilespmem:s24+$0x4E0]  }
0x4a: {  	[tilespmem:s24+$0xC8E0] =	vst v1;
	v1 =	vperm.xlane v0, v4;
	v4 =	vmul.u32 $0x5, v5  }
0x4b: {  	[tilespmem:s24+$0xC8F0] =	vst v2;
	v2 =	vperm.xlane v0, v3;
	v3 =	vmul.u32 $0x5, v9  }
0x4c: {  	[tilespmem:s24+$0xCC80] =	vst v1;
	v1 =	vperm.xlane v0, v4;
	v4 =	vmul.u32 $0x5, v6  }
0x4d: {  	[tilespmem:s24+$0xCC90] =	vst v2;
	v2 =	vperm.xlane v0, v3;
	v3 =	vmul.u32 $0x5, v7  }
0x4e: {  	[tilespmem:s24+$0xCCA0] =	vst v1;
	v1 =	vperm.xlane v0, v4;
	v4 =	vmul.u32 $0x5, v8  }
0x4f: {  	[tilespmem:s24+$0xCCB0] =	vst v2;
	v2 =	vperm.xlane v0, v3  }
0x50: {  	[tilespmem:s24+$0xCCC0] =	vst v1;
	v1 =	vperm.xlane v0, v4  }
0x51: {  	[tilespmem:s24+$0xCCD0] =	vst v2  }
0x52: {  	[tilespmem:s24+$0xCCE0] =	vst v1  }
0x53: {  	[hbm4b:s5+s18] =	stream.strided.scatter [tilespmem:s21], [sflag:$0x1], $0xC800, s19, s18, $0x38;
	[tilespmem:$0x19080] =	vst v63  }
0x54: {  	s30 =	simm.s32 $0x0;
	_ =	swait.ge [sflag:s17], $0xC800  }
0x55: {  	s31 =	sand.u32 $0xF800, s30;
	s23 =	sand.u32 $0x380, s30;
	[sflag:s17] =	ssyncset.done $0x0  }
0x56: {  	s23 =	sor.u32 s23, s31;
	[sflag:s17] =	ssyncadd.s32 $0xFFFF3800  }
0x57: {  	v1 =	vld [tilespmem:s23+$0x4F0]  }
0x58: {  	v2 =	vld [tilespmem:s23+$0x80]  }
0x59: {  	v3 =	vld [tilespmem:s23+$0x90]  }
0x5a: {  	v4 =	vld [tilespmem:s23+$0xA0]  }
0x5b: {  	v5 =	vld [tilespmem:s23+$0xB0]  }
0x5c: {  	v6 =	vld [tilespmem:s23+$0xC0];
	v1 =	vmul.u32 $0x5, v1  }
0x5d: {  	v7 =	vld [tilespmem:s23+$0xD0];
	v2 =	vmul.u32 $0x5, v2  }
0x5e: {  	v8 =	vld [tilespmem:s23+$0xE0];
	v3 =	vmul.u32 $0x5, v3;
	v1 =	vadd.s32 $0x1, v1  }
0x5f: {  	v9 =	vld [tilespmem:s23+$0xF0];
	v4 =	vmul.u32 $0x5, v4;
	v2 =	vadd.s32 $0x1, v2;
	v10 =	vperm.xlane v0, v1  }
0x60: {  	v11 =	vld [tilespmem:s23+$0x480];
	v5 =	vmul.u32 $0x5, v5;
	v3 =	vadd.s32 $0x1, v3;
	v2 =	vperm.xlane v0, v2  }
0x61: {  	v6 =	vmul.u32 $0x5, v6;
	v4 =	vadd.s32 $0x1, v4;
	v1 =	vld [tilespmem:s23+$0x490];
	v3 =	vperm.xlane v0, v3;
	[tilespmem:s23+$0xCCF0] =	vst v10  }
0x62: {  	v5 =	vadd.s32 $0x1, v5;
	v4 =	vperm.xlane v0, v4;
	[tilespmem:s23+$0xC880] =	vst v2;
	v2 =	vld [tilespmem:s23+$0x4A0];
	v10 =	vmul.u32 $0x5, v7  }
0x63: {  	v8 =	vmul.u32 $0x5, v8;
	v6 =	vadd.s32 $0x1, v6;
	v5 =	vperm.xlane v0, v5;
	[tilespmem:s23+$0xC890] =	vst v3;
	v3 =	vld [tilespmem:s23+$0x4B0]  }
0x64: {  	s25 =	simm.s32 $0x100;
	s24 =	simm.s32 $0x80;
	[tilespmem:s23+$0xC8A0] =	vst v4;
	v4 =	vld [tilespmem:s23+$0x4C0];
	v7 =	vperm.xlane v0, v6;
	v6 =	vmul.u32 $0x5, v9;
	v10 =	vadd.s32 $0x1, v10  }
0x65: {  	s26 =	sand.u32 $0xF800, s25;
	s25 =	simm.s32 $0x200;
	s28 =	sand.u32 $0x380, s24;
	[tilespmem:s23+$0xC8B0] =	vst v5;
	v5 =	vld [tilespmem:s23+$0x4D0];
	v9 =	vperm.xlane v0, v10;
	v10 =	vadd.s32 $0x1, v8;
	v8 =	vmul.u32 $0x5, v11  }
.LBB2_4:
0x66: {  	p0 =	sne.s32 s25, $0xC700;
	s26 =	sor.u32 s28, s26;
	[tilespmem:s23+$0xC8C0] =	vst v7;
	v7 =	vperm.xlane v0, v10;
	v6 =	vadd.s32 $0x1, v6;
	v1 =	vmul.u32 $0x5, v1;
	v10 =	vld [tilespmem:s23+$0x4E0]  }
0x67: {  	v11 =	vld [tilespmem:s26+$0x4F0];
	[tilespmem:s23+$0xC8D0] =	vst v9;
	v6 =	vperm.xlane v0, v6;
	v8 =	vadd.s32 $0x1, v8;
	v2 =	vmul.u32 $0x5, v2  }
0x68: {  	v9 =	vld [tilespmem:s26+$0x80];
	[tilespmem:s23+$0xC8E0] =	vst v7;
	v7 =	vperm.xlane v0, v8;
	v1 =	vadd.s32 $0x1, v1;
	v3 =	vmul.u32 $0x5, v3  }
0x69: {  	v8 =	vld [tilespmem:s26+$0x90];
	[tilespmem:s23+$0xC8F0] =	vst v6;
	v1 =	vperm.xlane v0, v1;
	v2 =	vadd.s32 $0x1, v2;
	v4 =	vmul.u32 $0x5, v4  }
0x6a: {  	v6 =	vld [tilespmem:s26+$0xA0];
	[tilespmem:s23+$0xCC80] =	vst v7;
	v2 =	vperm.xlane v0, v2;
	v3 =	vadd.s32 $0x1, v3;
	v5 =	vmul.u32 $0x5, v5  }
0x6b: {  	v7 =	vld [tilespmem:s26+$0xB0];
	[tilespmem:s23+$0xCC90] =	vst v1;
	v1 =	vperm.xlane v0, v3;
	v3 =	vadd.s32 $0x1, v4;
	v4 =	vmul.u32 $0x5, v10  }
0x6c: {  	v10 =	vld [tilespmem:s26+$0xC0];
	v11 =	vmul.u32 $0x5, v11;
	[tilespmem:s23+$0xCCA0] =	vst v2;
	v2 =	vperm.xlane v0, v3;
	v3 =	vadd.s32 $0x1, v5  }
0x6d: {  	v5 =	vmul.u32 $0x5, v9;
	v9 =	vld [tilespmem:s26+$0xD0];
	[tilespmem:s23+$0xCCB0] =	vst v1;
	v1 =	vperm.xlane v0, v3;
	v3 =	vadd.s32 $0x1, v4  }
0x6e: {  	v4 =	vmul.u32 $0x5, v8;
	v8 =	vld [tilespmem:s26+$0xE0];
	v11 =	vadd.s32 $0x1, v11;
	[tilespmem:s23+$0xCCC0] =	vst v2;
	v2 =	vperm.xlane v0, v3  }
0x6f: {  	v3 =	vadd.s32 $0x1, v5;
	v5 =	vmul.u32 $0x5, v6;
	v6 =	vld [tilespmem:s26+$0xF0];
	v11 =	vperm.xlane v0, v11;
	[tilespmem:s23+$0xCCD0] =	vst v1  }
0x70: {  	v3 =	vperm.xlane v0, v3;
	v1 =	vadd.s32 $0x1, v4;
	v4 =	vmul.u32 $0x5, v7;
	v12 =	vld [tilespmem:s26+$0x480];
	[tilespmem:s23+$0xCCE0] =	vst v2;
	s23 =	smov.u32 s26  }
.Ltmp1:
0x71: {  	v7 =	vperm.xlane v0, v1;
	v2 =	vadd.s32 $0x1, v5;
	v5 =	vmul.u32 $0x5, v10;
	v1 =	vld [tilespmem:s23+$0x490];
	[tilespmem:s23+$0xCCF0] =	vst v11;
	(pc) =	sbr.rel @p0 .LBB2_4-.Ltmp1, $4  }
0x72: {  	[tilespmem:s23+$0xC880] =	vst v3;
	v10 =	vperm.xlane v0, v2;
	v3 =	vadd.s32 $0x1, v4;
	v4 =	vmul.u32 $0x5, v9;
	v2 =	vld [tilespmem:s23+$0x4A0]  }
0x73: {  	[tilespmem:s23+$0xC890] =	vst v7;
	v9 =	vperm.xlane v0, v3;
	v5 =	vadd.s32 $0x1, v5;
	v8 =	vmul.u32 $0x5, v8;
	v3 =	vld [tilespmem:s23+$0x4B0]  }
0x74: {  	s24 =	sadd.s32 $0x80, s24;
	[tilespmem:s23+$0xC8A0] =	vst v10;
	v7 =	vperm.xlane v0, v5;
	v5 =	vadd.s32 $0x1, v4;
	v6 =	vmul.u32 $0x5, v6;
	v4 =	vld [tilespmem:s23+$0x4C0]  }
0x75: {  	s28 =	sand.u32 $0x380, s24;
	s26 =	sand.u32 $0xF800, s25;
	s25 =	sadd.s32 $0x100, s25;
	[tilespmem:s23+$0xC8B0] =	vst v9;
	v9 =	vperm.xlane v0, v5;
	v10 =	vadd.s32 $0x1, v8;
	v8 =	vmul.u32 $0x5, v12;
	v5 =	vld [tilespmem:s23+$0x4D0]  }
0x76: {  	[tilespmem:s23+$0xC8C0] =	vst v7;
	s24 =	sor.u32 s28, s26;
	v7 =	vld [tilespmem:s23+$0x4E0];
	v10 =	vperm.xlane v0, v10;
	v6 =	vadd.s32 $0x1, v6;
	v1 =	vmul.u32 $0x5, v1  }
0x77: {  	v11 =	vld [tilespmem:s24+$0x4F0];
	[tilespmem:s23+$0xC8D0] =	vst v9;
	v6 =	vperm.xlane v0, v6;
	v8 =	vadd.s32 $0x1, v8  }
0x78: {  	v2 =	vmul.u32 $0x5, v2;
	v9 =	vld [tilespmem:s24+$0x80];
	[tilespmem:s23+$0xC8E0] =	vst v10;
	v8 =	vperm.xlane v0, v8;
	v1 =	vadd.s32 $0x1, v1  }
0x79: {  	v3 =	vmul.u32 $0x5, v3;
	v10 =	vld [tilespmem:s24+$0x90];
	[tilespmem:s23+$0xC8F0] =	vst v6;
	v1 =	vperm.xlane v0, v1  }
0x7a: {  	v2 =	vadd.s32 $0x1, v2;
	v6 =	vld [tilespmem:s24+$0xA0];
	[tilespmem:s23+$0xCC80] =	vst v8  }
0x7b: {  	v2 =	vperm.xlane v0, v2;
	v3 =	vadd.s32 $0x1, v3;
	v8 =	vld [tilespmem:s24+$0xB0];
	[tilespmem:s23+$0xCC90] =	vst v1;
	v1 =	vmul.u32 $0x5, v4  }
0x7c: {  	v3 =	vperm.xlane v0, v3  }
0x7d: {  	v4 =	vld [tilespmem:s24+$0xC0];
	[tilespmem:s23+$0xCCA0] =	vst v2;
	v2 =	vmul.u32 $0x5, v5;
	v1 =	vadd.s32 $0x1, v1  }
0x7e: {  	v5 =	vld [tilespmem:s24+$0xD0];
	[tilespmem:s23+$0xCCB0] =	vst v3;
	v3 =	vmul.u32 $0x5, v7;
	v1 =	vperm.xlane v0, v1  }
0x7f: {  	v11 =	vmul.u32 $0x5, v11;
	v2 =	vadd.s32 $0x1, v2  }
0x80: {  	v7 =	vld [tilespmem:s24+$0xE0];
	v2 =	vperm.xlane v0, v2;
	v3 =	vadd.s32 $0x1, v3;
	[tilespmem:s23+$0xCCC0] =	vst v1;
	v1 =	vmul.u32 $0x5, v9  }
0x81: {  	v10 =	vmul.u32 $0x5, v10;
	v11 =	vadd.s32 $0x1, v11;
	v3 =	vperm.xlane v0, v3  }
0x82: {  	v9 =	vld [tilespmem:s24+$0xF0];
	[tilespmem:s23+$0xCCD0] =	vst v2;
	v2 =	vmul.u32 $0x5, v6;
	v6 =	vperm.xlane v0, v11;
	v1 =	vadd.s32 $0x1, v1  }
0x83: {  	v10 =	vadd.s32 $0x1, v10;
	v8 =	vmul.u32 $0x5, v8;
	v11 =	vld [tilespmem:s24+$0x480];
	[tilespmem:s23+$0xCCE0] =	vst v3;
	v1 =	vperm.xlane v0, v1  }
0x84: {  	v4 =	vmul.u32 $0x5, v4;
	v3 =	vperm.xlane v0, v10;
	v2 =	vadd.s32 $0x1, v2;
	v10 =	vld [tilespmem:s24+$0x490];
	[tilespmem:s24+$0xCCF0] =	vst v6  }
0x85: {  	v5 =	vmul.u32 $0x5, v5;
	v6 =	vld [tilespmem:s24+$0x4A0];
	[tilespmem:s24+$0xC880] =	vst v1;
	v1 =	vperm.xlane v0, v2;
	v2 =	vadd.s32 $0x1, v8  }
0x86: {  	[tilespmem:s24+$0xC890] =	vst v3;
	v3 =	vadd.s32 $0x1, v4;
	v4 =	vmul.u32 $0x5, v7;
	v7 =	vld [tilespmem:s24+$0x4B0];
	v2 =	vperm.xlane v0, v2  }
0x87: {  	v8 =	vld [tilespmem:s24+$0x4C0];
	[tilespmem:s24+$0xC8A0] =	vst v1;
	v1 =	vperm.xlane v0, v3;
	v3 =	vadd.s32 $0x1, v5;
	v5 =	vmul.u32 $0x5, v9  }
0x88: {  	v9 =	vld [tilespmem:s24+$0x4D0];
	[tilespmem:s24+$0xC8B0] =	vst v2;
	v2 =	vperm.xlane v0, v3;
	v3 =	vadd.s32 $0x1, v4;
	v4 =	vmul.u32 $0x5, v11  }
0x89: {  	[tilespmem:s24+$0xC8C0] =	vst v1;
	v1 =	vperm.xlane v0, v3;
	v3 =	vadd.s32 $0x1, v5;
	v5 =	vmul.u32 $0x5, v10;
	v10 =	vld [tilespmem:s24+$0x4E0]  }
0x8a: {  	[tilespmem:s24+$0xC8D0] =	vst v2;
	v2 =	vperm.xlane v0, v3;
	v3 =	vadd.s32 $0x1, v4;
	v4 =	vmul.u32 $0x5, v6  }
0x8b: {  	[tilespmem:s24+$0xC8E0] =	vst v1;
	v1 =	vperm.xlane v0, v3;
	v3 =	vadd.s32 $0x1, v5;
	v5 =	vmul.u32 $0x5, v7  }
0x8c: {  	[tilespmem:s24+$0xC8F0] =	vst v2;
	v2 =	vperm.xlane v0, v3;
	v3 =	vadd.s32 $0x1, v4;
	v4 =	vmul.u32 $0x5, v8  }
0x8d: {  	[tilespmem:s24+$0xCC80] =	vst v1;
	v1 =	vperm.xlane v0, v3;
	v3 =	vadd.s32 $0x1, v5;
	v5 =	vmul.u32 $0x5, v9  }
0x8e: {  	[tilespmem:s24+$0xCC90] =	vst v2;
	v2 =	vperm.xlane v0, v3;
	v3 =	vadd.s32 $0x1, v4;
	v4 =	vmul.u32 $0x5, v10  }
0x8f: {  	[tilespmem:s24+$0xCCA0] =	vst v1;
	v1 =	vperm.xlane v0, v3;
	v3 =	vadd.s32 $0x1, v5  }
0x90: {  	[tilespmem:s24+$0xCCB0] =	vst v2;
	v2 =	vperm.xlane v0, v3;
	v3 =	vadd.s32 $0x1, v4  }
0x91: {  	[tilespmem:s24+$0xCCC0] =	vst v1;
	v1 =	vperm.xlane v0, v3  }
0x92: {  	[tilespmem:s24+$0xCCD0] =	vst v2  }
0x93: {  	[tilespmem:s24+$0xCCE0] =	vst v1  }
0x94: {  	[hbm4b:s6+s18] =	stream.strided.scatter [tilespmem:s21], [sflag:$0x1], $0xC800, s19, s18, $0x38;
	[tilespmem:$0x19080] =	vst v63  }
0x95: {  	s30 =	simm.s32 $0x0;
	_ =	swait.ge [sflag:s17], $0xC800  }
0x96: {  	s31 =	sand.u32 $0xF800, s30;
	s23 =	sand.u32 $0x380, s30;
	[sflag:s17] =	ssyncset.done $0x0  }
0x97: {  	s23 =	sor.u32 s23, s31;
	[sflag:s17] =	ssyncadd.s32 $0xFFFF3800  }
0x98: {  	v1 =	vld [tilespmem:s23+$0x4F0]  }
0x99: {  	v2 =	vld [tilespmem:s23+$0x80]  }
0x9a: {  	v3 =	vld [tilespmem:s23+$0x90]  }
0x9b: {  	v4 =	vld [tilespmem:s23+$0xA0]  }
0x9c: {  	v5 =	vld [tilespmem:s23+$0xB0]  }
0x9d: {  	v6 =	vld [tilespmem:s23+$0xC0];
	v1 =	vmul.u32 $0x5, v1  }
0x9e: {  	v7 =	vld [tilespmem:s23+$0xD0];
	v2 =	vmul.u32 $0x5, v2  }
0x9f: {  	v8 =	vld [tilespmem:s23+$0xE0];
	v3 =	vmul.u32 $0x5, v3;
	v1 =	vadd.s32 $0x2, v1  }
0xa0: {  	v9 =	vld [tilespmem:s23+$0xF0];
	v4 =	vmul.u32 $0x5, v4;
	v2 =	vadd.s32 $0x2, v2;
	v10 =	vperm.xlane v0, v1  }
0xa1: {  	v11 =	vld [tilespmem:s23+$0x480];
	v5 =	vmul.u32 $0x5, v5;
	v3 =	vadd.s32 $0x2, v3;
	v2 =	vperm.xlane v0, v2  }
0xa2: {  	v6 =	vmul.u32 $0x5, v6;
	v4 =	vadd.s32 $0x2, v4;
	v1 =	vld [tilespmem:s23+$0x490];
	v3 =	vperm.xlane v0, v3;
	[tilespmem:s23+$0xCCF0] =	vst v10  }
0xa3: {  	v5 =	vadd.s32 $0x2, v5;
	v4 =	vperm.xlane v0, v4;
	[tilespmem:s23+$0xC880] =	vst v2;
	v2 =	vld [tilespmem:s23+$0x4A0];
	v10 =	vmul.u32 $0x5, v7  }
0xa4: {  	v8 =	vmul.u32 $0x5, v8;
	v6 =	vadd.s32 $0x2, v6;
	v5 =	vperm.xlane v0, v5;
	[tilespmem:s23+$0xC890] =	vst v3;
	v3 =	vld [tilespmem:s23+$0x4B0]  }
0xa5: {  	s25 =	simm.s32 $0x100;
	s24 =	simm.s32 $0x80;
	[tilespmem:s23+$0xC8A0] =	vst v4;
	v4 =	vld [tilespmem:s23+$0x4C0];
	v7 =	vperm.xlane v0, v6;
	v6 =	vmul.u32 $0x5, v9;
	v10 =	vadd.s32 $0x2, v10  }
0xa6: {  	s26 =	sand.u32 $0xF800, s25;
	s25 =	simm.s32 $0x200;
	s28 =	sand.u32 $0x380, s24;
	[tilespmem:s23+$0xC8B0] =	vst v5;
	v5 =	vld [tilespmem:s23+$0x4D0];
	v9 =	vperm.xlane v0, v10;
	v10 =	vadd.s32 $0x2, v8;
	v8 =	vmul.u32 $0x5, v11  }
.LBB2_6:
0xa7: {  	p0 =	sne.s32 s25, $0xC700;
	s26 =	sor.u32 s28, s26;
	[tilespmem:s23+$0xC8C0] =	vst v7;
	v7 =	vperm.xlane v0, v10;
	v6 =	vadd.s32 $0x2, v6;
	v1 =	vmul.u32 $0x5, v1;
	v10 =	vld [tilespmem:s23+$0x4E0]  }
0xa8: {  	v11 =	vld [tilespmem:s26+$0x4F0];
	[tilespmem:s23+$0xC8D0] =	vst v9;
	v6 =	vperm.xlane v0, v6;
	v8 =	vadd.s32 $0x2, v8;
	v2 =	vmul.u32 $0x5, v2  }
0xa9: {  	v9 =	vld [tilespmem:s26+$0x80];
	[tilespmem:s23+$0xC8E0] =	vst v7;
	v7 =	vperm.xlane v0, v8;
	v1 =	vadd.s32 $0x2, v1;
	v3 =	vmul.u32 $0x5, v3  }
0xaa: {  	v8 =	vld [tilespmem:s26+$0x90];
	[tilespmem:s23+$0xC8F0] =	vst v6;
	v1 =	vperm.xlane v0, v1;
	v2 =	vadd.s32 $0x2, v2;
	v4 =	vmul.u32 $0x5, v4  }
0xab: {  	v6 =	vld [tilespmem:s26+$0xA0];
	[tilespmem:s23+$0xCC80] =	vst v7;
	v2 =	vperm.xlane v0, v2;
	v3 =	vadd.s32 $0x2, v3;
	v5 =	vmul.u32 $0x5, v5  }
0xac: {  	v7 =	vld [tilespmem:s26+$0xB0];
	[tilespmem:s23+$0xCC90] =	vst v1;
	v1 =	vperm.xlane v0, v3;
	v3 =	vadd.s32 $0x2, v4;
	v4 =	vmul.u32 $0x5, v10  }
0xad: {  	v10 =	vld [tilespmem:s26+$0xC0];
	v11 =	vmul.u32 $0x5, v11;
	[tilespmem:s23+$0xCCA0] =	vst v2;
	v2 =	vperm.xlane v0, v3;
	v3 =	vadd.s32 $0x2, v5  }
0xae: {  	v5 =	vmul.u32 $0x5, v9;
	v9 =	vld [tilespmem:s26+$0xD0];
	[tilespmem:s23+$0xCCB0] =	vst v1;
	v1 =	vperm.xlane v0, v3;
	v3 =	vadd.s32 $0x2, v4  }
0xaf: {  	v4 =	vmul.u32 $0x5, v8;
	v8 =	vld [tilespmem:s26+$0xE0];
	v11 =	vadd.s32 $0x2, v11;
	[tilespmem:s23+$0xCCC0] =	vst v2;
	v2 =	vperm.xlane v0, v3  }
0xb0: {  	v3 =	vadd.s32 $0x2, v5;
	v5 =	vmul.u32 $0x5, v6;
	v6 =	vld [tilespmem:s26+$0xF0];
	v11 =	vperm.xlane v0, v11;
	[tilespmem:s23+$0xCCD0] =	vst v1  }
0xb1: {  	v3 =	vperm.xlane v0, v3;
	v1 =	vadd.s32 $0x2, v4;
	v4 =	vmul.u32 $0x5, v7;
	v12 =	vld [tilespmem:s26+$0x480];
	[tilespmem:s23+$0xCCE0] =	vst v2;
	s23 =	smov.u32 s26  }
.Ltmp2:
0xb2: {  	v7 =	vperm.xlane v0, v1;
	v2 =	vadd.s32 $0x2, v5;
	v5 =	vmul.u32 $0x5, v10;
	v1 =	vld [tilespmem:s23+$0x490];
	[tilespmem:s23+$0xCCF0] =	vst v11;
	(pc) =	sbr.rel @p0 .LBB2_6-.Ltmp2, $4  }
0xb3: {  	[tilespmem:s23+$0xC880] =	vst v3;
	v10 =	vperm.xlane v0, v2;
	v3 =	vadd.s32 $0x2, v4;
	v4 =	vmul.u32 $0x5, v9;
	v2 =	vld [tilespmem:s23+$0x4A0]  }
0xb4: {  	[tilespmem:s23+$0xC890] =	vst v7;
	v9 =	vperm.xlane v0, v3;
	v5 =	vadd.s32 $0x2, v5;
	v8 =	vmul.u32 $0x5, v8;
	v3 =	vld [tilespmem:s23+$0x4B0]  }
0xb5: {  	s24 =	sadd.s32 $0x80, s24;
	[tilespmem:s23+$0xC8A0] =	vst v10;
	v7 =	vperm.xlane v0, v5;
	v5 =	vadd.s32 $0x2, v4;
	v6 =	vmul.u32 $0x5, v6;
	v4 =	vld [tilespmem:s23+$0x4C0]  }
0xb6: {  	s28 =	sand.u32 $0x380, s24;
	s26 =	sand.u32 $0xF800, s25;
	s25 =	sadd.s32 $0x100, s25;
	[tilespmem:s23+$0xC8B0] =	vst v9;
	v9 =	vperm.xlane v0, v5;
	v10 =	vadd.s32 $0x2, v8;
	v8 =	vmul.u32 $0x5, v12;
	v5 =	vld [tilespmem:s23+$0x4D0]  }
0xb7: {  	[tilespmem:s23+$0xC8C0] =	vst v7;
	s24 =	sor.u32 s28, s26;
	v7 =	vld [tilespmem:s23+$0x4E0];
	v10 =	vperm.xlane v0, v10;
	v6 =	vadd.s32 $0x2, v6;
	v1 =	vmul.u32 $0x5, v1  }
0xb8: {  	v11 =	vld [tilespmem:s24+$0x4F0];
	[tilespmem:s23+$0xC8D0] =	vst v9;
	v6 =	vperm.xlane v0, v6;
	v8 =	vadd.s32 $0x2, v8  }
0xb9: {  	v2 =	vmul.u32 $0x5, v2;
	v9 =	vld [tilespmem:s24+$0x80];
	[tilespmem:s23+$0xC8E0] =	vst v10;
	v8 =	vperm.xlane v0, v8;
	v1 =	vadd.s32 $0x2, v1  }
0xba: {  	v3 =	vmul.u32 $0x5, v3;
	v10 =	vld [tilespmem:s24+$0x90];
	[tilespmem:s23+$0xC8F0] =	vst v6;
	v1 =	vperm.xlane v0, v1  }
0xbb: {  	v2 =	vadd.s32 $0x2, v2;
	v6 =	vld [tilespmem:s24+$0xA0];
	[tilespmem:s23+$0xCC80] =	vst v8  }
0xbc: {  	v2 =	vperm.xlane v0, v2;
	v3 =	vadd.s32 $0x2, v3;
	v8 =	vld [tilespmem:s24+$0xB0];
	[tilespmem:s23+$0xCC90] =	vst v1;
	v1 =	vmul.u32 $0x5, v4  }
0xbd: {  	v3 =	vperm.xlane v0, v3  }
0xbe: {  	v4 =	vld [tilespmem:s24+$0xC0];
	[tilespmem:s23+$0xCCA0] =	vst v2;
	v2 =	vmul.u32 $0x5, v5;
	v1 =	vadd.s32 $0x2, v1  }
0xbf: {  	v5 =	vld [tilespmem:s24+$0xD0];
	[tilespmem:s23+$0xCCB0] =	vst v3;
	v3 =	vmul.u32 $0x5, v7;
	v1 =	vperm.xlane v0, v1  }
0xc0: {  	v11 =	vmul.u32 $0x5, v11;
	v2 =	vadd.s32 $0x2, v2  }
0xc1: {  	v7 =	vld [tilespmem:s24+$0xE0];
	v2 =	vperm.xlane v0, v2;
	v3 =	vadd.s32 $0x2, v3;
	[tilespmem:s23+$0xCCC0] =	vst v1;
	v1 =	vmul.u32 $0x5, v9  }
0xc2: {  	v10 =	vmul.u32 $0x5, v10;
	v11 =	vadd.s32 $0x2, v11;
	v3 =	vperm.xlane v0, v3  }
0xc3: {  	v9 =	vld [tilespmem:s24+$0xF0];
	[tilespmem:s23+$0xCCD0] =	vst v2;
	v2 =	vmul.u32 $0x5, v6;
	v6 =	vperm.xlane v0, v11;
	v1 =	vadd.s32 $0x2, v1  }
0xc4: {  	v10 =	vadd.s32 $0x2, v10;
	v8 =	vmul.u32 $0x5, v8;
	v11 =	vld [tilespmem:s24+$0x480];
	[tilespmem:s23+$0xCCE0] =	vst v3;
	v1 =	vperm.xlane v0, v1  }
0xc5: {  	v4 =	vmul.u32 $0x5, v4;
	v3 =	vperm.xlane v0, v10;
	v2 =	vadd.s32 $0x2, v2;
	v10 =	vld [tilespmem:s24+$0x490];
	[tilespmem:s24+$0xCCF0] =	vst v6  }
0xc6: {  	v5 =	vmul.u32 $0x5, v5;
	v6 =	vld [tilespmem:s24+$0x4A0];
	[tilespmem:s24+$0xC880] =	vst v1;
	v1 =	vperm.xlane v0, v2;
	v2 =	vadd.s32 $0x2, v8  }
0xc7: {  	[tilespmem:s24+$0xC890] =	vst v3;
	v3 =	vadd.s32 $0x2, v4;
	v4 =	vmul.u32 $0x5, v7;
	v7 =	vld [tilespmem:s24+$0x4B0];
	v2 =	vperm.xlane v0, v2  }
0xc8: {  	v8 =	vld [tilespmem:s24+$0x4C0];
	[tilespmem:s24+$0xC8A0] =	vst v1;
	v1 =	vperm.xlane v0, v3;
	v3 =	vadd.s32 $0x2, v5;
	v5 =	vmul.u32 $0x5, v9  }
0xc9: {  	v9 =	vld [tilespmem:s24+$0x4D0];
	[tilespmem:s24+$0xC8B0] =	vst v2;
	v2 =	vperm.xlane v0, v3;
	v3 =	vadd.s32 $0x2, v4;
	v4 =	vmul.u32 $0x5, v11  }
0xca: {  	[tilespmem:s24+$0xC8C0] =	vst v1;
	v1 =	vperm.xlane v0, v3;
	v3 =	vadd.s32 $0x2, v5;
	v5 =	vmul.u32 $0x5, v10;
	v10 =	vld [tilespmem:s24+$0x4E0]  }
0xcb: {  	[tilespmem:s24+$0xC8D0] =	vst v2;
	v2 =	vperm.xlane v0, v3;
	v3 =	vadd.s32 $0x2, v4;
	v4 =	vmul.u32 $0x5, v6  }
0xcc: {  	[tilespmem:s24+$0xC8E0] =	vst v1;
	v1 =	vperm.xlane v0, v3;
	v3 =	vadd.s32 $0x2, v5;
	v5 =	vmul.u32 $0x5, v7  }
0xcd: {  	[tilespmem:s24+$0xC8F0] =	vst v2;
	v2 =	vperm.xlane v0, v3;
	v3 =	vadd.s32 $0x2, v4;
	v4 =	vmul.u32 $0x5, v8  }
0xce: {  	[tilespmem:s24+$0xCC80] =	vst v1;
	v1 =	vperm.xlane v0, v3;
	v3 =	vadd.s32 $0x2, v5;
	v5 =	vmul.u32 $0x5, v9  }
0xcf: {  	[tilespmem:s24+$0xCC90] =	vst v2;
	v2 =	vperm.xlane v0, v3;
	v3 =	vadd.s32 $0x2, v4;
	v4 =	vmul.u32 $0x5, v10  }
0xd0: {  	[tilespmem:s24+$0xCCA0] =	vst v1;
	v1 =	vperm.xlane v0, v3;
	v3 =	vadd.s32 $0x2, v5  }
0xd1: {  	[tilespmem:s24+$0xCCB0] =	vst v2;
	v2 =	vperm.xlane v0, v3;
	v3 =	vadd.s32 $0x2, v4  }
0xd2: {  	[tilespmem:s24+$0xCCC0] =	vst v1;
	v1 =	vperm.xlane v0, v3  }
0xd3: {  	[tilespmem:s24+$0xCCD0] =	vst v2  }
0xd4: {  	[tilespmem:s24+$0xCCE0] =	vst v1  }
0xd5: {  	[hbm4b:s7+s18] =	stream.strided.scatter [tilespmem:s21], [sflag:$0x1], $0xC800, s19, s18, $0x38;
	[tilespmem:$0x19080] =	vst v63  }
0xd6: {  	s30 =	simm.s32 $0x0;
	_ =	swait.ge [sflag:s17], $0xC800  }
0xd7: {  	s31 =	sand.u32 $0xF800, s30;
	s23 =	sand.u32 $0x380, s30;
	[sflag:s17] =	ssyncset.done $0x0  }
0xd8: {  	s23 =	sor.u32 s23, s31;
	[sflag:s17] =	ssyncadd.s32 $0xFFFF3800  }
0xd9: {  	v1 =	vld [tilespmem:s23+$0x4F0]  }
0xda: {  	v2 =	vld [tilespmem:s23+$0x80]  }
0xdb: {  	v3 =	vld [tilespmem:s23+$0x90]  }
0xdc: {  	v4 =	vld [tilespmem:s23+$0xA0]  }
0xdd: {  	v5 =	vld [tilespmem:s23+$0xB0]  }
0xde: {  	v6 =	vld [tilespmem:s23+$0xC0];
	v1 =	vmul.u32 $0x5, v1  }
0xdf: {  	v7 =	vld [tilespmem:s23+$0xD0];
	v2 =	vmul.u32 $0x5, v2  }
0xe0: {  	v8 =	vld [tilespmem:s23+$0xE0];
	v3 =	vmul.u32 $0x5, v3;
	v1 =	vadd.s32 $0x3, v1  }
0xe1: {  	v9 =	vld [tilespmem:s23+$0xF0];
	v4 =	vmul.u32 $0x5, v4;
	v2 =	vadd.s32 $0x3, v2;
	v10 =	vperm.xlane v0, v1  }
0xe2: {  	v11 =	vld [tilespmem:s23+$0x480];
	v5 =	vmul.u32 $0x5, v5;
	v3 =	vadd.s32 $0x3, v3;
	v2 =	vperm.xlane v0, v2  }
0xe3: {  	v6 =	vmul.u32 $0x5, v6;
	v4 =	vadd.s32 $0x3, v4;
	v1 =	vld [tilespmem:s23+$0x490];
	v3 =	vperm.xlane v0, v3;
	[tilespmem:s23+$0xCCF0] =	vst v10  }
0xe4: {  	v5 =	vadd.s32 $0x3, v5;
	v4 =	vperm.xlane v0, v4;
	[tilespmem:s23+$0xC880] =	vst v2;
	v2 =	vld [tilespmem:s23+$0x4A0];
	v10 =	vmul.u32 $0x5, v7  }
0xe5: {  	v8 =	vmul.u32 $0x5, v8;
	v6 =	vadd.s32 $0x3, v6;
	v5 =	vperm.xlane v0, v5;
	[tilespmem:s23+$0xC890] =	vst v3;
	v3 =	vld [tilespmem:s23+$0x4B0]  }
0xe6: {  	s25 =	simm.s32 $0x100;
	s24 =	simm.s32 $0x80;
	[tilespmem:s23+$0xC8A0] =	vst v4;
	v4 =	vld [tilespmem:s23+$0x4C0];
	v7 =	vperm.xlane v0, v6;
	v6 =	vmul.u32 $0x5, v9;
	v10 =	vadd.s32 $0x3, v10  }
0xe7: {  	s26 =	sand.u32 $0xF800, s25;
	s25 =	simm.s32 $0x200;
	s28 =	sand.u32 $0x380, s24;
	[tilespmem:s23+$0xC8B0] =	vst v5;
	v5 =	vld [tilespmem:s23+$0x4D0];
	v9 =	vperm.xlane v0, v10;
	v10 =	vadd.s32 $0x3, v8;
	v8 =	vmul.u32 $0x5, v11  }
.LBB2_8:
0xe8: {  	p0 =	sne.s32 s25, $0xC700;
	s26 =	sor.u32 s28, s26;
	[tilespmem:s23+$0xC8C0] =	vst v7;
	v7 =	vperm.xlane v0, v10;
	v6 =	vadd.s32 $0x3, v6;
	v1 =	vmul.u32 $0x5, v1;
	v10 =	vld [tilespmem:s23+$0x4E0]  }
0xe9: {  	v11 =	vld [tilespmem:s26+$0x4F0];
	[tilespmem:s23+$0xC8D0] =	vst v9;
	v6 =	vperm.xlane v0, v6;
	v8 =	vadd.s32 $0x3, v8;
	v2 =	vmul.u32 $0x5, v2  }
0xea: {  	v9 =	vld [tilespmem:s26+$0x80];
	[tilespmem:s23+$0xC8E0] =	vst v7;
	v7 =	vperm.xlane v0, v8;
	v1 =	vadd.s32 $0x3, v1;
	v3 =	vmul.u32 $0x5, v3  }
0xeb: {  	v8 =	vld [tilespmem:s26+$0x90];
	[tilespmem:s23+$0xC8F0] =	vst v6;
	v1 =	vperm.xlane v0, v1;
	v2 =	vadd.s32 $0x3, v2;
	v4 =	vmul.u32 $0x5, v4  }
0xec: {  	v6 =	vld [tilespmem:s26+$0xA0];
	[tilespmem:s23+$0xCC80] =	vst v7;
	v2 =	vperm.xlane v0, v2;
	v3 =	vadd.s32 $0x3, v3;
	v5 =	vmul.u32 $0x5, v5  }
0xed: {  	v7 =	vld [tilespmem:s26+$0xB0];
	[tilespmem:s23+$0xCC90] =	vst v1;
	v1 =	vperm.xlane v0, v3;
	v3 =	vadd.s32 $0x3, v4;
	v4 =	vmul.u32 $0x5, v10  }
0xee: {  	v10 =	vld [tilespmem:s26+$0xC0];
	v11 =	vmul.u32 $0x5, v11;
	[tilespmem:s23+$0xCCA0] =	vst v2;
	v2 =	vperm.xlane v0, v3;
	v3 =	vadd.s32 $0x3, v5  }
0xef: {  	v5 =	vmul.u32 $0x5, v9;
	v9 =	vld [tilespmem:s26+$0xD0];
	[tilespmem:s23+$0xCCB0] =	vst v1;
	v1 =	vperm.xlane v0, v3;
	v3 =	vadd.s32 $0x3, v4  }
0xf0: {  	v4 =	vmul.u32 $0x5, v8;
	v8 =	vld [tilespmem:s26+$0xE0];
	v11 =	vadd.s32 $0x3, v11;
	[tilespmem:s23+$0xCCC0] =	vst v2;
	v2 =	vperm.xlane v0, v3  }
0xf1: {  	v3 =	vadd.s32 $0x3, v5;
	v5 =	vmul.u32 $0x5, v6;
	v6 =	vld [tilespmem:s26+$0xF0];
	v11 =	vperm.xlane v0, v11;
	[tilespmem:s23+$0xCCD0] =	vst v1  }
0xf2: {  	v3 =	vperm.xlane v0, v3;
	v1 =	vadd.s32 $0x3, v4;
	v4 =	vmul.u32 $0x5, v7;
	v12 =	vld [tilespmem:s26+$0x480];
	[tilespmem:s23+$0xCCE0] =	vst v2;
	s23 =	smov.u32 s26  }
.Ltmp3:
0xf3: {  	v7 =	vperm.xlane v0, v1;
	v2 =	vadd.s32 $0x3, v5;
	v5 =	vmul.u32 $0x5, v10;
	v1 =	vld [tilespmem:s23+$0x490];
	[tilespmem:s23+$0xCCF0] =	vst v11;
	(pc) =	sbr.rel @p0 .LBB2_8-.Ltmp3, $4  }
0xf4: {  	[tilespmem:s23+$0xC880] =	vst v3;
	v10 =	vperm.xlane v0, v2;
	v3 =	vadd.s32 $0x3, v4;
	v4 =	vmul.u32 $0x5, v9;
	v2 =	vld [tilespmem:s23+$0x4A0]  }
0xf5: {  	[tilespmem:s23+$0xC890] =	vst v7;
	v9 =	vperm.xlane v0, v3;
	v5 =	vadd.s32 $0x3, v5;
	v8 =	vmul.u32 $0x5, v8;
	v3 =	vld [tilespmem:s23+$0x4B0]  }
0xf6: {  	s24 =	sadd.s32 $0x80, s24;
	[tilespmem:s23+$0xC8A0] =	vst v10;
	v7 =	vperm.xlane v0, v5;
	v5 =	vadd.s32 $0x3, v4;
	v6 =	vmul.u32 $0x5, v6;
	v4 =	vld [tilespmem:s23+$0x4C0]  }
0xf7: {  	s28 =	sand.u32 $0x380, s24;
	s26 =	sand.u32 $0xF800, s25;
	s25 =	sadd.s32 $0x100, s25;
	[tilespmem:s23+$0xC8B0] =	vst v9;
	v9 =	vperm.xlane v0, v5;
	v10 =	vadd.s32 $0x3, v8;
	v8 =	vmul.u32 $0x5, v12;
	v5 =	vld [tilespmem:s23+$0x4D0]  }
0xf8: {  	[tilespmem:s23+$0xC8C0] =	vst v7;
	s24 =	sor.u32 s28, s26;
	v7 =	vld [tilespmem:s23+$0x4E0];
	v10 =	vperm.xlane v0, v10;
	v6 =	vadd.s32 $0x3, v6;
	v1 =	vmul.u32 $0x5, v1  }
0xf9: {  	v11 =	vld [tilespmem:s24+$0x4F0];
	[tilespmem:s23+$0xC8D0] =	vst v9;
	v6 =	vperm.xlane v0, v6;
	v8 =	vadd.s32 $0x3, v8  }
0xfa: {  	v2 =	vmul.u32 $0x5, v2;
	v9 =	vld [tilespmem:s24+$0x80];
	[tilespmem:s23+$0xC8E0] =	vst v10;
	v8 =	vperm.xlane v0, v8;
	v1 =	vadd.s32 $0x3, v1  }
0xfb: {  	v3 =	vmul.u32 $0x5, v3;
	v10 =	vld [tilespmem:s24+$0x90];
	[tilespmem:s23+$0xC8F0] =	vst v6;
	v1 =	vperm.xlane v0, v1  }
0xfc: {  	v2 =	vadd.s32 $0x3, v2;
	v6 =	vld [tilespmem:s24+$0xA0];
	[tilespmem:s23+$0xCC80] =	vst v8  }
0xfd: {  	v2 =	vperm.xlane v0, v2;
	v3 =	vadd.s32 $0x3, v3;
	v8 =	vld [tilespmem:s24+$0xB0];
	[tilespmem:s23+$0xCC90] =	vst v1;
	v1 =	vmul.u32 $0x5, v4  }
0xfe: {  	v3 =	vperm.xlane v0, v3  }
0xff: {  	v4 =	vld [tilespmem:s24+$0xC0];
	[tilespmem:s23+$0xCCA0] =	vst v2;
	v2 =	vmul.u32 $0x5, v5;
	v1 =	vadd.s32 $0x3, v1  }
0x100: {  	v5 =	vld [tilespmem:s24+$0xD0];
	[tilespmem:s23+$0xCCB0] =	vst v3;
	v3 =	vmul.u32 $0x5, v7;
	v1 =	vperm.xlane v0, v1  }
0x101: {  	v11 =	vmul.u32 $0x5, v11;
	v2 =	vadd.s32 $0x3, v2  }
0x102: {  	v7 =	vld [tilespmem:s24+$0xE0];
	v2 =	vperm.xlane v0, v2;
	v3 =	vadd.s32 $0x3, v3;
	[tilespmem:s23+$0xCCC0] =	vst v1;
	v1 =	vmul.u32 $0x5, v9  }
0x103: {  	v10 =	vmul.u32 $0x5, v10;
	v11 =	vadd.s32 $0x3, v11;
	v3 =	vperm.xlane v0, v3  }
0x104: {  	v9 =	vld [tilespmem:s24+$0xF0];
	[tilespmem:s23+$0xCCD0] =	vst v2;
	v2 =	vmul.u32 $0x5, v6;
	v6 =	vperm.xlane v0, v11;
	v1 =	vadd.s32 $0x3, v1  }
0x105: {  	v10 =	vadd.s32 $0x3, v10;
	v8 =	vmul.u32 $0x5, v8;
	v11 =	vld [tilespmem:s24+$0x480];
	[tilespmem:s23+$0xCCE0] =	vst v3;
	v1 =	vperm.xlane v0, v1  }
0x106: {  	v4 =	vmul.u32 $0x5, v4;
	v3 =	vperm.xlane v0, v10;
	v2 =	vadd.s32 $0x3, v2;
	v10 =	vld [tilespmem:s24+$0x490];
	[tilespmem:s24+$0xCCF0] =	vst v6  }
0x107: {  	v5 =	vmul.u32 $0x5, v5;
	v6 =	vld [tilespmem:s24+$0x4A0];
	[tilespmem:s24+$0xC880] =	vst v1;
	v1 =	vperm.xlane v0, v2;
	v2 =	vadd.s32 $0x3, v8  }
0x108: {  	[tilespmem:s24+$0xC890] =	vst v3;
	v3 =	vadd.s32 $0x3, v4;
	v4 =	vmul.u32 $0x5, v7;
	v7 =	vld [tilespmem:s24+$0x4B0];
	v2 =	vperm.xlane v0, v2  }
0x109: {  	v8 =	vld [tilespmem:s24+$0x4C0];
	[tilespmem:s24+$0xC8A0] =	vst v1;
	v1 =	vperm.xlane v0, v3;
	v3 =	vadd.s32 $0x3, v5;
	v5 =	vmul.u32 $0x5, v9  }
0x10a: {  	v9 =	vld [tilespmem:s24+$0x4D0];
	[tilespmem:s24+$0xC8B0] =	vst v2;
	v2 =	vperm.xlane v0, v3;
	v3 =	vadd.s32 $0x3, v4;
	v4 =	vmul.u32 $0x5, v11  }
0x10b: {  	[tilespmem:s24+$0xC8C0] =	vst v1;
	v1 =	vperm.xlane v0, v3;
	v3 =	vadd.s32 $0x3, v5;
	v5 =	vmul.u32 $0x5, v10;
	v10 =	vld [tilespmem:s24+$0x4E0]  }
0x10c: {  	[tilespmem:s24+$0xC8D0] =	vst v2;
	v2 =	vperm.xlane v0, v3;
	v3 =	vadd.s32 $0x3, v4;
	v4 =	vmul.u32 $0x5, v6  }
0x10d: {  	[tilespmem:s24+$0xC8E0] =	vst v1;
	v1 =	vperm.xlane v0, v3;
	v3 =	vadd.s32 $0x3, v5;
	v5 =	vmul.u32 $0x5, v7  }
0x10e: {  	[tilespmem:s24+$0xC8F0] =	vst v2;
	v2 =	vperm.xlane v0, v3;
	v3 =	vadd.s32 $0x3, v4;
	v4 =	vmul.u32 $0x5, v8  }
0x10f: {  	[tilespmem:s24+$0xCC80] =	vst v1;
	v1 =	vperm.xlane v0, v3;
	v3 =	vadd.s32 $0x3, v5;
	v5 =	vmul.u32 $0x5, v9  }
0x110: {  	[tilespmem:s24+$0xCC90] =	vst v2;
	v2 =	vperm.xlane v0, v3;
	v3 =	vadd.s32 $0x3, v4;
	v4 =	vmul.u32 $0x5, v10  }
0x111: {  	[tilespmem:s24+$0xCCA0] =	vst v1;
	v1 =	vperm.xlane v0, v3;
	v3 =	vadd.s32 $0x3, v5  }
0x112: {  	[tilespmem:s24+$0xCCB0] =	vst v2;
	v2 =	vperm.xlane v0, v3;
	v3 =	vadd.s32 $0x3, v4  }
0x113: {  	[tilespmem:s24+$0xCCC0] =	vst v1;
	v1 =	vperm.xlane v0, v3  }
0x114: {  	[tilespmem:s24+$0xCCD0] =	vst v2  }
0x115: {  	[tilespmem:s24+$0xCCE0] =	vst v1  }
0x116: {  	[hbm4b:s8+s18] =	stream.strided.scatter [tilespmem:s21], [sflag:$0x1], $0xC800, s19, s18, $0x38;
	[tilespmem:$0x19080] =	vst v63  }
0x117: {  	s30 =	simm.s32 $0x0;
	_ =	swait.ge [sflag:s17], $0xC800  }
0x118: {  	s31 =	sand.u32 $0xF800, s30;
	s23 =	sand.u32 $0x380, s30;
	[sflag:s17] =	ssyncset.done $0x0  }
0x119: {  	s23 =	sor.u32 s23, s31;
	[sflag:s17] =	ssyncadd.s32 $0xFFFF3800  }
0x11a: {  	v1 =	vld [tilespmem:s23+$0x4F0]  }
0x11b: {  	v2 =	vld [tilespmem:s23+$0x80]  }
0x11c: {  	v3 =	vld [tilespmem:s23+$0x90]  }
0x11d: {  	v4 =	vld [tilespmem:s23+$0xA0]  }
0x11e: {  	v5 =	vld [tilespmem:s23+$0xB0]  }
0x11f: {  	v6 =	vld [tilespmem:s23+$0xC0];
	v1 =	vmul.u32 $0x5, v1  }
0x120: {  	v7 =	vld [tilespmem:s23+$0xD0];
	v2 =	vmul.u32 $0x5, v2  }
0x121: {  	v8 =	vld [tilespmem:s23+$0xE0];
	v3 =	vmul.u32 $0x5, v3;
	v1 =	vadd.s32 $0x4, v1  }
0x122: {  	v9 =	vld [tilespmem:s23+$0xF0];
	v4 =	vmul.u32 $0x5, v4;
	v2 =	vadd.s32 $0x4, v2;
	v10 =	vperm.xlane v0, v1  }
0x123: {  	v11 =	vld [tilespmem:s23+$0x480];
	v5 =	vmul.u32 $0x5, v5;
	v3 =	vadd.s32 $0x4, v3;
	v2 =	vperm.xlane v0, v2  }
0x124: {  	v6 =	vmul.u32 $0x5, v6;
	v4 =	vadd.s32 $0x4, v4;
	v1 =	vld [tilespmem:s23+$0x490];
	v3 =	vperm.xlane v0, v3;
	[tilespmem:s23+$0xCCF0] =	vst v10  }
0x125: {  	v5 =	vadd.s32 $0x4, v5;
	v4 =	vperm.xlane v0, v4;
	[tilespmem:s23+$0xC880] =	vst v2;
	v2 =	vld [tilespmem:s23+$0x4A0];
	v10 =	vmul.u32 $0x5, v7  }
0x126: {  	v8 =	vmul.u32 $0x5, v8;
	v6 =	vadd.s32 $0x4, v6;
	v5 =	vperm.xlane v0, v5;
	[tilespmem:s23+$0xC890] =	vst v3;
	v3 =	vld [tilespmem:s23+$0x4B0]  }
0x127: {  	s25 =	simm.s32 $0x100;
	s24 =	simm.s32 $0x80;
	[tilespmem:s23+$0xC8A0] =	vst v4;
	v4 =	vld [tilespmem:s23+$0x4C0];
	v7 =	vperm.xlane v0, v6;
	v6 =	vmul.u32 $0x5, v9;
	v10 =	vadd.s32 $0x4, v10  }
0x128: {  	s26 =	sand.u32 $0xF800, s25;
	s25 =	simm.s32 $0x200;
	s28 =	sand.u32 $0x380, s24;
	[tilespmem:s23+$0xC8B0] =	vst v5;
	v5 =	vld [tilespmem:s23+$0x4D0];
	v9 =	vperm.xlane v0, v10;
	v10 =	vadd.s32 $0x4, v8;
	v8 =	vmul.u32 $0x5, v11  }
.LBB2_10:
0x129: {  	p0 =	sne.s32 s25, $0xC700;
	s26 =	sor.u32 s28, s26;
	[tilespmem:s23+$0xC8C0] =	vst v7;
	v7 =	vperm.xlane v0, v10;
	v6 =	vadd.s32 $0x4, v6;
	v1 =	vmul.u32 $0x5, v1;
	v10 =	vld [tilespmem:s23+$0x4E0]  }
0x12a: {  	v11 =	vld [tilespmem:s26+$0x4F0];
	[tilespmem:s23+$0xC8D0] =	vst v9;
	v6 =	vperm.xlane v0, v6;
	v8 =	vadd.s32 $0x4, v8;
	v2 =	vmul.u32 $0x5, v2  }
0x12b: {  	v9 =	vld [tilespmem:s26+$0x80];
	[tilespmem:s23+$0xC8E0] =	vst v7;
	v7 =	vperm.xlane v0, v8;
	v1 =	vadd.s32 $0x4, v1;
	v3 =	vmul.u32 $0x5, v3  }
0x12c: {  	v8 =	vld [tilespmem:s26+$0x90];
	[tilespmem:s23+$0xC8F0] =	vst v6;
	v1 =	vperm.xlane v0, v1;
	v2 =	vadd.s32 $0x4, v2;
	v4 =	vmul.u32 $0x5, v4  }
0x12d: {  	v6 =	vld [tilespmem:s26+$0xA0];
	[tilespmem:s23+$0xCC80] =	vst v7;
	v2 =	vperm.xlane v0, v2;
	v3 =	vadd.s32 $0x4, v3;
	v5 =	vmul.u32 $0x5, v5  }
0x12e: {  	v7 =	vld [tilespmem:s26+$0xB0];
	[tilespmem:s23+$0xCC90] =	vst v1;
	v1 =	vperm.xlane v0, v3;
	v3 =	vadd.s32 $0x4, v4;
	v4 =	vmul.u32 $0x5, v10  }
0x12f: {  	v10 =	vld [tilespmem:s26+$0xC0];
	v11 =	vmul.u32 $0x5, v11;
	[tilespmem:s23+$0xCCA0] =	vst v2;
	v2 =	vperm.xlane v0, v3;
	v3 =	vadd.s32 $0x4, v5  }
0x130: {  	v5 =	vmul.u32 $0x5, v9;
	v9 =	vld [tilespmem:s26+$0xD0];
	[tilespmem:s23+$0xCCB0] =	vst v1;
	v1 =	vperm.xlane v0, v3;
	v3 =	vadd.s32 $0x4, v4  }
0x131: {  	v4 =	vmul.u32 $0x5, v8;
	v8 =	vld [tilespmem:s26+$0xE0];
	v11 =	vadd.s32 $0x4, v11;
	[tilespmem:s23+$0xCCC0] =	vst v2;
	v2 =	vperm.xlane v0, v3  }
0x132: {  	v3 =	vadd.s32 $0x4, v5;
	v5 =	vmul.u32 $0x5, v6;
	v6 =	vld [tilespmem:s26+$0xF0];
	v11 =	vperm.xlane v0, v11;
	[tilespmem:s23+$0xCCD0] =	vst v1  }
0x133: {  	v3 =	vperm.xlane v0, v3;
	v1 =	vadd.s32 $0x4, v4;
	v4 =	vmul.u32 $0x5, v7;
	v12 =	vld [tilespmem:s26+$0x480];
	[tilespmem:s23+$0xCCE0] =	vst v2;
	s23 =	smov.u32 s26  }
.Ltmp4:
0x134: {  	v7 =	vperm.xlane v0, v1;
	v2 =	vadd.s32 $0x4, v5;
	v5 =	vmul.u32 $0x5, v10;
	v1 =	vld [tilespmem:s23+$0x490];
	[tilespmem:s23+$0xCCF0] =	vst v11;
	(pc) =	sbr.rel @p0 .LBB2_10-.Ltmp4, $4  }
0x135: {  	[tilespmem:s23+$0xC880] =	vst v3;
	v10 =	vperm.xlane v0, v2;
	v3 =	vadd.s32 $0x4, v4;
	v4 =	vmul.u32 $0x5, v9;
	v2 =	vld [tilespmem:s23+$0x4A0]  }
0x136: {  	[tilespmem:s23+$0xC890] =	vst v7;
	v9 =	vperm.xlane v0, v3;
	v5 =	vadd.s32 $0x4, v5;
	v8 =	vmul.u32 $0x5, v8;
	v3 =	vld [tilespmem:s23+$0x4B0]  }
0x137: {  	s24 =	sadd.s32 $0x80, s24;
	[tilespmem:s23+$0xC8A0] =	vst v10;
	v7 =	vperm.xlane v0, v5;
	v5 =	vadd.s32 $0x4, v4;
	v6 =	vmul.u32 $0x5, v6;
	v4 =	vld [tilespmem:s23+$0x4C0]  }
0x138: {  	s28 =	sand.u32 $0x380, s24;
	s26 =	sand.u32 $0xF800, s25;
	s25 =	sadd.s32 $0x100, s25;
	[tilespmem:s23+$0xC8B0] =	vst v9;
	v9 =	vperm.xlane v0, v5;
	v10 =	vadd.s32 $0x4, v8;
	v8 =	vmul.u32 $0x5, v12;
	v5 =	vld [tilespmem:s23+$0x4D0]  }
0x139: {  	[tilespmem:s23+$0xC8C0] =	vst v7;
	s24 =	sor.u32 s28, s26;
	v7 =	vld [tilespmem:s23+$0x4E0];
	v10 =	vperm.xlane v0, v10;
	v6 =	vadd.s32 $0x4, v6;
	v1 =	vmul.u32 $0x5, v1  }
0x13a: {  	v11 =	vld [tilespmem:s24+$0x4F0];
	[tilespmem:s23+$0xC8D0] =	vst v9;
	v6 =	vperm.xlane v0, v6;
	v8 =	vadd.s32 $0x4, v8  }
0x13b: {  	v2 =	vmul.u32 $0x5, v2;
	v9 =	vld [tilespmem:s24+$0x80];
	[tilespmem:s23+$0xC8E0] =	vst v10;
	v8 =	vperm.xlane v0, v8;
	v1 =	vadd.s32 $0x4, v1  }
0x13c: {  	v3 =	vmul.u32 $0x5, v3;
	v10 =	vld [tilespmem:s24+$0x90];
	[tilespmem:s23+$0xC8F0] =	vst v6;
	v1 =	vperm.xlane v0, v1  }
0x13d: {  	v2 =	vadd.s32 $0x4, v2;
	v6 =	vld [tilespmem:s24+$0xA0];
	[tilespmem:s23+$0xCC80] =	vst v8  }
0x13e: {  	v2 =	vperm.xlane v0, v2;
	v3 =	vadd.s32 $0x4, v3;
	v8 =	vld [tilespmem:s24+$0xB0];
	[tilespmem:s23+$0xCC90] =	vst v1;
	v1 =	vmul.u32 $0x5, v4  }
0x13f: {  	v3 =	vperm.xlane v0, v3  }
0x140: {  	v4 =	vld [tilespmem:s24+$0xC0];
	[tilespmem:s23+$0xCCA0] =	vst v2;
	v2 =	vmul.u32 $0x5, v5;
	v1 =	vadd.s32 $0x4, v1  }
0x141: {  	v5 =	vld [tilespmem:s24+$0xD0];
	[tilespmem:s23+$0xCCB0] =	vst v3;
	v3 =	vmul.u32 $0x5, v7;
	v1 =	vperm.xlane v0, v1  }
0x142: {  	v11 =	vmul.u32 $0x5, v11;
	v2 =	vadd.s32 $0x4, v2  }
0x143: {  	v7 =	vld [tilespmem:s24+$0xE0];
	v2 =	vperm.xlane v0, v2;
	v3 =	vadd.s32 $0x4, v3;
	[tilespmem:s23+$0xCCC0] =	vst v1;
	v1 =	vmul.u32 $0x5, v9  }
0x144: {  	v10 =	vmul.u32 $0x5, v10;
	v11 =	vadd.s32 $0x4, v11;
	v3 =	vperm.xlane v0, v3  }
0x145: {  	v9 =	vld [tilespmem:s24+$0xF0];
	[tilespmem:s23+$0xCCD0] =	vst v2;
	v2 =	vmul.u32 $0x5, v6;
	v6 =	vperm.xlane v0, v11;
	v1 =	vadd.s32 $0x4, v1  }
0x146: {  	v10 =	vadd.s32 $0x4, v10;
	v8 =	vmul.u32 $0x5, v8;
	v11 =	vld [tilespmem:s24+$0x480];
	[tilespmem:s23+$0xCCE0] =	vst v3;
	v1 =	vperm.xlane v0, v1  }
0x147: {  	v4 =	vmul.u32 $0x5, v4;
	v3 =	vperm.xlane v0, v10;
	v2 =	vadd.s32 $0x4, v2;
	v10 =	vld [tilespmem:s24+$0x490];
	[tilespmem:s24+$0xCCF0] =	vst v6  }
0x148: {  	v5 =	vmul.u32 $0x5, v5;
	v6 =	vld [tilespmem:s24+$0x4A0];
	[tilespmem:s24+$0xC880] =	vst v1;
	v1 =	vperm.xlane v0, v2;
	v2 =	vadd.s32 $0x4, v8  }
0x149: {  	[tilespmem:s24+$0xC890] =	vst v3;
	v3 =	vadd.s32 $0x4, v4;
	v4 =	vmul.u32 $0x5, v7;
	v7 =	vld [tilespmem:s24+$0x4B0];
	v2 =	vperm.xlane v0, v2  }
0x14a: {  	v8 =	vld [tilespmem:s24+$0x4C0];
	[tilespmem:s24+$0xC8A0] =	vst v1;
	v1 =	vperm.xlane v0, v3;
	v3 =	vadd.s32 $0x4, v5;
	v5 =	vmul.u32 $0x5, v9  }
0x14b: {  	v9 =	vld [tilespmem:s24+$0x4D0];
	[tilespmem:s24+$0xC8B0] =	vst v2;
	v2 =	vperm.xlane v0, v3;
	v3 =	vadd.s32 $0x4, v4;
	v4 =	vmul.u32 $0x5, v11  }
0x14c: {  	[tilespmem:s24+$0xC8C0] =	vst v1;
	v1 =	vperm.xlane v0, v3;
	v3 =	vadd.s32 $0x4, v5;
	v5 =	vmul.u32 $0x5, v10;
	v10 =	vld [tilespmem:s24+$0x4E0]  }
0x14d: {  	[tilespmem:s24+$0xC8D0] =	vst v2;
	v2 =	vperm.xlane v0, v3;
	v3 =	vadd.s32 $0x4, v4;
	v4 =	vmul.u32 $0x5, v6  }
0x14e: {  	[tilespmem:s24+$0xC8E0] =	vst v1;
	v1 =	vperm.xlane v0, v3;
	v3 =	vadd.s32 $0x4, v5;
	v5 =	vmul.u32 $0x5, v7  }
0x14f: {  	[tilespmem:s24+$0xC8F0] =	vst v2;
	v2 =	vperm.xlane v0, v3;
	v3 =	vadd.s32 $0x4, v4;
	v4 =	vmul.u32 $0x5, v8  }
0x150: {  	[tilespmem:s24+$0xCC80] =	vst v1;
	v1 =	vperm.xlane v0, v3;
	v3 =	vadd.s32 $0x4, v5;
	v5 =	vmul.u32 $0x5, v9  }
0x151: {  	[tilespmem:s24+$0xCC90] =	vst v2;
	v2 =	vperm.xlane v0, v3;
	v3 =	vadd.s32 $0x4, v4;
	v4 =	vmul.u32 $0x5, v10  }
0x152: {  	[tilespmem:s24+$0xCCA0] =	vst v1;
	v1 =	vperm.xlane v0, v3;
	v3 =	vadd.s32 $0x4, v5  }
0x153: {  	[tilespmem:s24+$0xCCB0] =	vst v2;
	v2 =	vperm.xlane v0, v3;
	v3 =	vadd.s32 $0x4, v4  }
0x154: {  	[tilespmem:s24+$0xCCC0] =	vst v1;
	v1 =	vperm.xlane v0, v3  }
0x155: {  	[tilespmem:s24+$0xCCD0] =	vst v2  }
0x156: {  	[tilespmem:s24+$0xCCE0] =	vst v1  }
0x157: {  	[hbm4b:s9+s18] =	stream.strided.scatter [tilespmem:s21], [sflag:$0x1], $0xC800, s19, s18, $0x38;
	[tilespmem:$0x19080] =	vst v63  }
0x158: {  	_ =	swait.ge [sflag:s17], $0xC800  }
0x159: {  	[sflag:s17] =	ssyncset.done $0x0  }
0x15a: {  	[sflag:s17] =	ssyncadd.s32 $0xFFFF3800  }
0x15b: {  	[tilespmem:s20], [sflag:$0x1] =	stream.strided.gather [hbm4b:s10+s18], $0xC800, s19, s18, $0x38;
	[tilespmem:$0x19080] =	vst v63  }
0x15c: {  	s30 =	simm.s32 $0x0;
	_ =	swait.ge [sflag:s17], $0xC800  }
0x15d: {  	s31 =	sand.u32 $0xF800, s30;
	s23 =	sand.u32 $0x380, s30;
	[sflag:s17] =	ssyncset.done $0x0  }
0x15e: {  	s23 =	sor.u32 s23, s31;
	[sflag:s17] =	ssyncadd.s32 $0xFFFF3800  }
0x15f: {  	v1 =	vld [tilespmem:s23+$0x4F0];
	_ =	sdelay $0x1  }
0x160: {  	v2 =	vld [tilespmem:s23+$0x80]  }
0x161: {  	v3 =	vld [tilespmem:s23+$0x90]  }
0x162: {  	v4 =	vld [tilespmem:s23+$0xA0]  }
0x163: {  	v1 =	vmul.u32 $0x5, v1  }
0x164: {  	v5 =	vld [tilespmem:s23+$0xB0]  }
0x165: {  	v6 =	vld [tilespmem:s23+$0xC0];
	v2 =	vmul.u32 $0x5, v2;
	v1 =	vperm.xlane v0, v1  }
0x166: {  	v7 =	vld [tilespmem:s23+$0xD0];
	v3 =	vmul.u32 $0x5, v3  }
0x167: {  	v8 =	vld [tilespmem:s23+$0xE0];
	v2 =	vperm.xlane v0, v2;
	[tilespmem:s23+$0xCCF0] =	vst v1;
	v1 =	vmul.u32 $0x5, v4  }
0x168: {  	v9 =	vld [tilespmem:s23+$0xF0];
	v4 =	vperm.xlane v0, v3  }
0x169: {  	v10 =	vld [tilespmem:s23+$0x480];
	[tilespmem:s23+$0xC880] =	vst v2;
	v2 =	vmul.u32 $0x5, v5;
	v5 =	vperm.xlane v0, v1  }
0x16a: {  	v3 =	vld [tilespmem:s23+$0x490];
	[tilespmem:s23+$0xC890] =	vst v4;
	v4 =	vmul.u32 $0x5, v6  }
0x16b: {  	v1 =	vld [tilespmem:s23+$0x4A0];
	v6 =	vperm.xlane v0, v2;
	[tilespmem:s23+$0xC8A0] =	vst v5;
	v5 =	vmul.u32 $0x5, v7  }
0x16c: {  	v8 =	vmul.u32 $0x5, v8;
	v2 =	vld [tilespmem:s23+$0x4B0];
	v11 =	vperm.xlane v0, v4  }
0x16d: {  	s25 =	simm.s32 $0x100;
	s24 =	simm.s32 $0x80;
	[tilespmem:s23+$0xC8B0] =	vst v6;
	v4 =	vld [tilespmem:s23+$0x4C0];
	v6 =	vmul.u32 $0x5, v9;
	v7 =	vperm.xlane v0, v5  }
0x16e: {  	s26 =	sand.u32 $0xF800, s25;
	s25 =	simm.s32 $0x200;
	s28 =	sand.u32 $0x380, s24;
	v9 =	vperm.xlane v0, v8;
	v8 =	vmul.u32 $0x5, v10;
	[tilespmem:s23+$0xC8C0] =	vst v11;
	v5 =	vld [tilespmem:s23+$0x4D0]  }
.LBB2_12:
0x16f: {  	p0 =	sne.s32 s25, $0xC700;
	s26 =	sor.u32 s28, s26;
	[tilespmem:s23+$0xC8D0] =	vst v7;
	v6 =	vperm.xlane v0, v6;
	v3 =	vmul.u32 $0x5, v3;
	v7 =	vld [tilespmem:s23+$0x4E0]  }
0x170: {  	v10 =	vld [tilespmem:s26+$0x4F0];
	[tilespmem:s23+$0xC8E0] =	vst v9;
	v8 =	vperm.xlane v0, v8;
	v1 =	vmul.u32 $0x5, v1  }
0x171: {  	v9 =	vld [tilespmem:s26+$0x80];
	[tilespmem:s23+$0xC8F0] =	vst v6;
	v3 =	vperm.xlane v0, v3;
	v2 =	vmul.u32 $0x5, v2  }
0x172: {  	v6 =	vld [tilespmem:s26+$0x90];
	[tilespmem:s23+$0xCC80] =	vst v8;
	v1 =	vperm.xlane v0, v1;
	v4 =	vmul.u32 $0x5, v4  }
0x173: {  	v8 =	vld [tilespmem:s26+$0xA0];
	[tilespmem:s23+$0xCC90] =	vst v3;
	v2 =	vperm.xlane v0, v2;
	v3 =	vmul.u32 $0x5, v5  }
0x174: {  	v5 =	vld [tilespmem:s26+$0xB0];
	[tilespmem:s23+$0xCCA0] =	vst v1;
	v1 =	vperm.xlane v0, v4;
	v4 =	vmul.u32 $0x5, v7  }
0x175: {  	v7 =	vld [tilespmem:s26+$0xC0];
	v10 =	vmul.u32 $0x5, v10;
	[tilespmem:s23+$0xCCB0] =	vst v2;
	v2 =	vperm.xlane v0, v3  }
0x176: {  	v3 =	vmul.u32 $0x5, v9;
	v9 =	vld [tilespmem:s26+$0xD0];
	[tilespmem:s23+$0xCCC0] =	vst v1;
	v1 =	vperm.xlane v0, v4  }
0x177: {  	v4 =	vmul.u32 $0x5, v6;
	v6 =	vld [tilespmem:s26+$0xE0];
	v10 =	vperm.xlane v0, v10;
	[tilespmem:s23+$0xCCD0] =	vst v2  }
0x178: {  	v2 =	vperm.xlane v0, v3;
	v3 =	vmul.u32 $0x5, v8;
	v8 =	vld [tilespmem:s26+$0xF0];
	[tilespmem:s23+$0xCCE0] =	vst v1;
	s23 =	smov.u32 s26  }
0x179: {  	v1 =	vperm.xlane v0, v4;
	v4 =	vmul.u32 $0x5, v5;
	v5 =	vld [tilespmem:s23+$0x480];
	[tilespmem:s23+$0xCCF0] =	vst v10  }
.Ltmp5:
0x17a: {  	[tilespmem:s23+$0xC880] =	vst v2;
	v2 =	vperm.xlane v0, v3;
	v7 =	vmul.u32 $0x5, v7;
	v3 =	vld [tilespmem:s23+$0x490];
	(pc) =	sbr.rel @p0 .LBB2_12-.Ltmp5, $4  }
0x17b: {  	[tilespmem:s23+$0xC890] =	vst v1;
	v4 =	vperm.xlane v0, v4;
	v9 =	vmul.u32 $0x5, v9;
	v1 =	vld [tilespmem:s23+$0x4A0]  }
0x17c: {  	[tilespmem:s23+$0xC8A0] =	vst v2;
	v10 =	vperm.xlane v0, v7;
	v11 =	vmul.u32 $0x5, v6;
	v2 =	vld [tilespmem:s23+$0x4B0]  }
0x17d: {  	s24 =	sadd.s32 $0x80, s24;
	[tilespmem:s23+$0xC8B0] =	vst v4;
	v7 =	vperm.xlane v0, v9;
	v6 =	vmul.u32 $0x5, v8;
	v4 =	vld [tilespmem:s23+$0x4C0]  }
0x17e: {  	s28 =	sand.u32 $0x380, s24;
	s26 =	sand.u32 $0xF800, s25;
	s25 =	sadd.s32 $0x100, s25;
	[tilespmem:s23+$0xC8C0] =	vst v10;
	v9 =	vperm.xlane v0, v11;
	v8 =	vmul.u32 $0x5, v5;
	v5 =	vld [tilespmem:s23+$0x4D0]  }
0x17f: {  	[tilespmem:s23+$0xC8D0] =	vst v7;
	s24 =	sor.u32 s28, s26;
	v7 =	vld [tilespmem:s23+$0x4E0];
	v6 =	vperm.xlane v0, v6;
	v3 =	vmul.u32 $0x5, v3  }
0x180: {  	v10 =	vld [tilespmem:s24+$0x4F0];
	[tilespmem:s23+$0xC8E0] =	vst v9;
	v8 =	vperm.xlane v0, v8;
	v1 =	vmul.u32 $0x5, v1  }
0x181: {  	v9 =	vld [tilespmem:s24+$0x80];
	[tilespmem:s23+$0xC8F0] =	vst v6;
	v3 =	vperm.xlane v0, v3;
	v2 =	vmul.u32 $0x5, v2  }
0x182: {  	v6 =	vld [tilespmem:s24+$0x90];
	[tilespmem:s23+$0xCC80] =	vst v8;
	v1 =	vperm.xlane v0, v1;
	v4 =	vmul.u32 $0x5, v4  }
0x183: {  	v8 =	vld [tilespmem:s24+$0xA0];
	[tilespmem:s23+$0xCC90] =	vst v3;
	v2 =	vperm.xlane v0, v2  }
0x184: {  	v5 =	vmul.u32 $0x5, v5;
	v3 =	vld [tilespmem:s24+$0xB0];
	[tilespmem:s23+$0xCCA0] =	vst v1;
	v4 =	vperm.xlane v0, v4  }
0x185: {  	v7 =	vmul.u32 $0x5, v7;
	v1 =	vld [tilespmem:s24+$0xC0];
	[tilespmem:s23+$0xCCB0] =	vst v2  }
0x186: {  	v5 =	vperm.xlane v0, v5;
	v2 =	vld [tilespmem:s24+$0xD0];
	[tilespmem:s23+$0xCCC0] =	vst v4;
	v4 =	vmul.u32 $0x5, v10  }
0x187: {  	v9 =	vmul.u32 $0x5, v9;
	v7 =	vperm.xlane v0, v7  }
0x188: {  	v10 =	vld [tilespmem:s24+$0xE0];
	[tilespmem:s23+$0xCCD0] =	vst v5;
	v5 =	vmul.u32 $0x5, v6;
	v4 =	vperm.xlane v0, v4  }
0x189: {  	v6 =	vld [tilespmem:s24+$0xF0];
	v9 =	vperm.xlane v0, v9;
	v8 =	vmul.u32 $0x5, v8;
	[tilespmem:s23+$0xCCE0] =	vst v7  }
0x18a: {  	v5 =	vperm.xlane v0, v5;
	v3 =	vmul.u32 $0x5, v3;
	v7 =	vld [tilespmem:s24+$0x480];
	[tilespmem:s24+$0xCCF0] =	vst v4  }
0x18b: {  	[tilespmem:s24+$0xC880] =	vst v9;
	v4 =	vperm.xlane v0, v8;
	v1 =	vmul.u32 $0x5, v1;
	v8 =	vld [tilespmem:s24+$0x490]  }
0x18c: {  	[tilespmem:s24+$0xC890] =	vst v5;
	v3 =	vperm.xlane v0, v3;
	v2 =	vmul.u32 $0x5, v2;
	v5 =	vld [tilespmem:s24+$0x4A0]  }
0x18d: {  	v9 =	vld [tilespmem:s24+$0x4B0];
	[tilespmem:s24+$0xC8A0] =	vst v4;
	v1 =	vperm.xlane v0, v1;
	v4 =	vmul.u32 $0x5, v10  }
0x18e: {  	[tilespmem:s24+$0xC8B0] =	vst v3;
	v2 =	vperm.xlane v0, v2;
	v3 =	vmul.u32 $0x5, v6;
	v6 =	vld [tilespmem:s24+$0x4C0]  }
0x18f: {  	[tilespmem:s24+$0xC8C0] =	vst v1;
	v1 =	vperm.xlane v0, v4;
	v4 =	vmul.u32 $0x5, v7;
	v7 =	vld [tilespmem:s24+$0x4D0]  }
0x190: {  	[tilespmem:s24+$0xC8D0] =	vst v2;
	v2 =	vperm.xlane v0, v3;
	v3 =	vmul.u32 $0x5, v8;
	v8 =	vld [tilespmem:s24+$0x4E0]  }
0x191: {  	[tilespmem:s24+$0xC8E0] =	vst v1;
	v1 =	vperm.xlane v0, v4;
	v4 =	vmul.u32 $0x5, v5  }
0x192: {  	[tilespmem:s24+$0xC8F0] =	vst v2;
	v2 =	vperm.xlane v0, v3;
	v3 =	vmul.u32 $0x5, v9  }
0x193: {  	[tilespmem:s24+$0xCC80] =	vst v1;
	v1 =	vperm.xlane v0, v4;
	v4 =	vmul.u32 $0x5, v6  }
0x194: {  	[tilespmem:s24+$0xCC90] =	vst v2;
	v2 =	vperm.xlane v0, v3;
	v3 =	vmul.u32 $0x5, v7  }
0x195: {  	[tilespmem:s24+$0xCCA0] =	vst v1;
	v1 =	vperm.xlane v0, v4;
	v4 =	vmul.u32 $0x5, v8  }
0x196: {  	[tilespmem:s24+$0xCCB0] =	vst v2;
	v2 =	vperm.xlane v0, v3  }
0x197: {  	[tilespmem:s24+$0xCCC0] =	vst v1;
	v1 =	vperm.xlane v0, v4  }
0x198: {  	[tilespmem:s24+$0xCCD0] =	vst v2  }
0x199: {  	[tilespmem:s24+$0xCCE0] =	vst v1  }
0x19a: {  	[hbm4b:s11+s18] =	stream.strided.scatter [tilespmem:s21], [sflag:$0x1], $0xC800, s19, s18, $0x38;
	[tilespmem:$0x19080] =	vst v63  }
0x19b: {  	s30 =	simm.s32 $0x0;
	_ =	swait.ge [sflag:s17], $0xC800  }
0x19c: {  	s31 =	sand.u32 $0xF800, s30;
	s23 =	sand.u32 $0x380, s30;
	[sflag:s17] =	ssyncset.done $0x0  }
0x19d: {  	s23 =	sor.u32 s23, s31;
	[sflag:s17] =	ssyncadd.s32 $0xFFFF3800  }
0x19e: {  	v1 =	vld [tilespmem:s23+$0x4F0]  }
0x19f: {  	v2 =	vld [tilespmem:s23+$0x80]  }
0x1a0: {  	v3 =	vld [tilespmem:s23+$0x90]  }
0x1a1: {  	v4 =	vld [tilespmem:s23+$0xA0]  }
0x1a2: {  	v5 =	vld [tilespmem:s23+$0xB0]  }
0x1a3: {  	v6 =	vld [tilespmem:s23+$0xC0];
	v1 =	vmul.u32 $0x5, v1  }
0x1a4: {  	v7 =	vld [tilespmem:s23+$0xD0];
	v2 =	vmul.u32 $0x5, v2  }
0x1a5: {  	v8 =	vld [tilespmem:s23+$0xE0];
	v3 =	vmul.u32 $0x5, v3;
	v1 =	vadd.s32 $0x1, v1  }
0x1a6: {  	v9 =	vld [tilespmem:s23+$0xF0];
	v4 =	vmul.u32 $0x5, v4;
	v2 =	vadd.s32 $0x1, v2;
	v10 =	vperm.xlane v0, v1  }
0x1a7: {  	v11 =	vld [tilespmem:s23+$0x480];
	v5 =	vmul.u32 $0x5, v5;
	v3 =	vadd.s32 $0x1, v3;
	v2 =	vperm.xlane v0, v2  }
0x1a8: {  	v6 =	vmul.u32 $0x5, v6;
	v4 =	vadd.s32 $0x1, v4;
	v1 =	vld [tilespmem:s23+$0x490];
	v3 =	vperm.xlane v0, v3;
	[tilespmem:s23+$0xCCF0] =	vst v10  }
0x1a9: {  	v5 =	vadd.s32 $0x1, v5;
	v4 =	vperm.xlane v0, v4;
	[tilespmem:s23+$0xC880] =	vst v2;
	v2 =	vld [tilespmem:s23+$0x4A0];
	v10 =	vmul.u32 $0x5, v7  }
0x1aa: {  	v8 =	vmul.u32 $0x5, v8;
	v6 =	vadd.s32 $0x1, v6;
	v5 =	vperm.xlane v0, v5;
	[tilespmem:s23+$0xC890] =	vst v3;
	v3 =	vld [tilespmem:s23+$0x4B0]  }
0x1ab: {  	s25 =	simm.s32 $0x100;
	s24 =	simm.s32 $0x80;
	[tilespmem:s23+$0xC8A0] =	vst v4;
	v4 =	vld [tilespmem:s23+$0x4C0];
	v7 =	vperm.xlane v0, v6;
	v6 =	vmul.u32 $0x5, v9;
	v10 =	vadd.s32 $0x1, v10  }
0x1ac: {  	s26 =	sand.u32 $0xF800, s25;
	s25 =	simm.s32 $0x200;
	s28 =	sand.u32 $0x380, s24;
	[tilespmem:s23+$0xC8B0] =	vst v5;
	v5 =	vld [tilespmem:s23+$0x4D0];
	v9 =	vperm.xlane v0, v10;
	v10 =	vadd.s32 $0x1, v8;
	v8 =	vmul.u32 $0x5, v11  }
.LBB2_14:
0x1ad: {  	p0 =	sne.s32 s25, $0xC700;
	s26 =	sor.u32 s28, s26;
	[tilespmem:s23+$0xC8C0] =	vst v7;
	v7 =	vperm.xlane v0, v10;
	v6 =	vadd.s32 $0x1, v6;
	v1 =	vmul.u32 $0x5, v1;
	v10 =	vld [tilespmem:s23+$0x4E0]  }
0x1ae: {  	v11 =	vld [tilespmem:s26+$0x4F0];
	[tilespmem:s23+$0xC8D0] =	vst v9;
	v6 =	vperm.xlane v0, v6;
	v8 =	vadd.s32 $0x1, v8;
	v2 =	vmul.u32 $0x5, v2  }
0x1af: {  	v9 =	vld [tilespmem:s26+$0x80];
	[tilespmem:s23+$0xC8E0] =	vst v7;
	v7 =	vperm.xlane v0, v8;
	v1 =	vadd.s32 $0x1, v1;
	v3 =	vmul.u32 $0x5, v3  }
0x1b0: {  	v8 =	vld [tilespmem:s26+$0x90];
	[tilespmem:s23+$0xC8F0] =	vst v6;
	v1 =	vperm.xlane v0, v1;
	v2 =	vadd.s32 $0x1, v2;
	v4 =	vmul.u32 $0x5, v4  }
0x1b1: {  	v6 =	vld [tilespmem:s26+$0xA0];
	[tilespmem:s23+$0xCC80] =	vst v7;
	v2 =	vperm.xlane v0, v2;
	v3 =	vadd.s32 $0x1, v3;
	v5 =	vmul.u32 $0x5, v5  }
0x1b2: {  	v7 =	vld [tilespmem:s26+$0xB0];
	[tilespmem:s23+$0xCC90] =	vst v1;
	v1 =	vperm.xlane v0, v3;
	v3 =	vadd.s32 $0x1, v4;
	v4 =	vmul.u32 $0x5, v10  }
0x1b3: {  	v10 =	vld [tilespmem:s26+$0xC0];
	v11 =	vmul.u32 $0x5, v11;
	[tilespmem:s23+$0xCCA0] =	vst v2;
	v2 =	vperm.xlane v0, v3;
	v3 =	vadd.s32 $0x1, v5  }
0x1b4: {  	v5 =	vmul.u32 $0x5, v9;
	v9 =	vld [tilespmem:s26+$0xD0];
	[tilespmem:s23+$0xCCB0] =	vst v1;
	v1 =	vperm.xlane v0, v3;
	v3 =	vadd.s32 $0x1, v4  }
0x1b5: {  	v4 =	vmul.u32 $0x5, v8;
	v8 =	vld [tilespmem:s26+$0xE0];
	v11 =	vadd.s32 $0x1, v11;
	[tilespmem:s23+$0xCCC0] =	vst v2;
	v2 =	vperm.xlane v0, v3  }
0x1b6: {  	v3 =	vadd.s32 $0x1, v5;
	v5 =	vmul.u32 $0x5, v6;
	v6 =	vld [tilespmem:s26+$0xF0];
	v11 =	vperm.xlane v0, v11;
	[tilespmem:s23+$0xCCD0] =	vst v1  }
0x1b7: {  	v3 =	vperm.xlane v0, v3;
	v1 =	vadd.s32 $0x1, v4;
	v4 =	vmul.u32 $0x5, v7;
	v12 =	vld [tilespmem:s26+$0x480];
	[tilespmem:s23+$0xCCE0] =	vst v2;
	s23 =	smov.u32 s26  }
.Ltmp6:
0x1b8: {  	v7 =	vperm.xlane v0, v1;
	v2 =	vadd.s32 $0x1, v5;
	v5 =	vmul.u32 $0x5, v10;
	v1 =	vld [tilespmem:s23+$0x490];
	[tilespmem:s23+$0xCCF0] =	vst v11;
	(pc) =	sbr.rel @p0 .LBB2_14-.Ltmp6, $4  }
0x1b9: {  	[tilespmem:s23+$0xC880] =	vst v3;
	v10 =	vperm.xlane v0, v2;
	v3 =	vadd.s32 $0x1, v4;
	v4 =	vmul.u32 $0x5, v9;
	v2 =	vld [tilespmem:s23+$0x4A0]  }
0x1ba: {  	[tilespmem:s23+$0xC890] =	vst v7;
	v9 =	vperm.xlane v0, v3;
	v5 =	vadd.s32 $0x1, v5;
	v8 =	vmul.u32 $0x5, v8;
	v3 =	vld [tilespmem:s23+$0x4B0]  }
0x1bb: {  	s24 =	sadd.s32 $0x80, s24;
	[tilespmem:s23+$0xC8A0] =	vst v10;
	v7 =	vperm.xlane v0, v5;
	v5 =	vadd.s32 $0x1, v4;
	v6 =	vmul.u32 $0x5, v6;
	v4 =	vld [tilespmem:s23+$0x4C0]  }
0x1bc: {  	s28 =	sand.u32 $0x380, s24;
	s26 =	sand.u32 $0xF800, s25;
	s25 =	sadd.s32 $0x100, s25;
	[tilespmem:s23+$0xC8B0] =	vst v9;
	v9 =	vperm.xlane v0, v5;
	v10 =	vadd.s32 $0x1, v8;
	v8 =	vmul.u32 $0x5, v12;
	v5 =	vld [tilespmem:s23+$0x4D0]  }
0x1bd: {  	[tilespmem:s23+$0xC8C0] =	vst v7;
	s24 =	sor.u32 s28, s26;
	v7 =	vld [tilespmem:s23+$0x4E0];
	v10 =	vperm.xlane v0, v10;
	v6 =	vadd.s32 $0x1, v6;
	v1 =	vmul.u32 $0x5, v1  }
0x1be: {  	v11 =	vld [tilespmem:s24+$0x4F0];
	[tilespmem:s23+$0xC8D0] =	vst v9;
	v6 =	vperm.xlane v0, v6;
	v8 =	vadd.s32 $0x1, v8  }
0x1bf: {  	v2 =	vmul.u32 $0x5, v2;
	v9 =	vld [tilespmem:s24+$0x80];
	[tilespmem:s23+$0xC8E0] =	vst v10;
	v8 =	vperm.xlane v0, v8;
	v1 =	vadd.s32 $0x1, v1  }
0x1c0: {  	v3 =	vmul.u32 $0x5, v3;
	v10 =	vld [tilespmem:s24+$0x90];
	[tilespmem:s23+$0xC8F0] =	vst v6;
	v1 =	vperm.xlane v0, v1  }
0x1c1: {  	v2 =	vadd.s32 $0x1, v2;
	v6 =	vld [tilespmem:s24+$0xA0];
	[tilespmem:s23+$0xCC80] =	vst v8  }
0x1c2: {  	v2 =	vperm.xlane v0, v2;
	v3 =	vadd.s32 $0x1, v3;
	v8 =	vld [tilespmem:s24+$0xB0];
	[tilespmem:s23+$0xCC90] =	vst v1;
	v1 =	vmul.u32 $0x5, v4  }
0x1c3: {  	v3 =	vperm.xlane v0, v3  }
0x1c4: {  	v4 =	vld [tilespmem:s24+$0xC0];
	[tilespmem:s23+$0xCCA0] =	vst v2;
	v2 =	vmul.u32 $0x5, v5;
	v1 =	vadd.s32 $0x1, v1  }
0x1c5: {  	v5 =	vld [tilespmem:s24+$0xD0];
	[tilespmem:s23+$0xCCB0] =	vst v3;
	v3 =	vmul.u32 $0x5, v7;
	v1 =	vperm.xlane v0, v1  }
0x1c6: {  	v11 =	vmul.u32 $0x5, v11;
	v2 =	vadd.s32 $0x1, v2  }
0x1c7: {  	v7 =	vld [tilespmem:s24+$0xE0];
	v2 =	vperm.xlane v0, v2;
	v3 =	vadd.s32 $0x1, v3;
	[tilespmem:s23+$0xCCC0] =	vst v1;
	v1 =	vmul.u32 $0x5, v9  }
0x1c8: {  	v10 =	vmul.u32 $0x5, v10;
	v11 =	vadd.s32 $0x1, v11;
	v3 =	vperm.xlane v0, v3  }
0x1c9: {  	v9 =	vld [tilespmem:s24+$0xF0];
	[tilespmem:s23+$0xCCD0] =	vst v2;
	v2 =	vmul.u32 $0x5, v6;
	v6 =	vperm.xlane v0, v11;
	v1 =	vadd.s32 $0x1, v1  }
0x1ca: {  	v10 =	vadd.s32 $0x1, v10;
	v8 =	vmul.u32 $0x5, v8;
	v11 =	vld [tilespmem:s24+$0x480];
	[tilespmem:s23+$0xCCE0] =	vst v3;
	v1 =	vperm.xlane v0, v1  }
0x1cb: {  	v4 =	vmul.u32 $0x5, v4;
	v3 =	vperm.xlane v0, v10;
	v2 =	vadd.s32 $0x1, v2;
	v10 =	vld [tilespmem:s24+$0x490];
	[tilespmem:s24+$0xCCF0] =	vst v6  }
0x1cc: {  	v5 =	vmul.u32 $0x5, v5;
	v6 =	vld [tilespmem:s24+$0x4A0];
	[tilespmem:s24+$0xC880] =	vst v1;
	v1 =	vperm.xlane v0, v2;
	v2 =	vadd.s32 $0x1, v8  }
0x1cd: {  	[tilespmem:s24+$0xC890] =	vst v3;
	v3 =	vadd.s32 $0x1, v4;
	v4 =	vmul.u32 $0x5, v7;
	v7 =	vld [tilespmem:s24+$0x4B0];
	v2 =	vperm.xlane v0, v2  }
0x1ce: {  	v8 =	vld [tilespmem:s24+$0x4C0];
	[tilespmem:s24+$0xC8A0] =	vst v1;
	v1 =	vperm.xlane v0, v3;
	v3 =	vadd.s32 $0x1, v5;
	v5 =	vmul.u32 $0x5, v9  }
0x1cf: {  	v9 =	vld [tilespmem:s24+$0x4D0];
	[tilespmem:s24+$0xC8B0] =	vst v2;
	v2 =	vperm.xlane v0, v3;
	v3 =	vadd.s32 $0x1, v4;
	v4 =	vmul.u32 $0x5, v11  }
0x1d0: {  	[tilespmem:s24+$0xC8C0] =	vst v1;
	v1 =	vperm.xlane v0, v3;
	v3 =	vadd.s32 $0x1, v5;
	v5 =	vmul.u32 $0x5, v10;
	v10 =	vld [tilespmem:s24+$0x4E0]  }
0x1d1: {  	[tilespmem:s24+$0xC8D0] =	vst v2;
	v2 =	vperm.xlane v0, v3;
	v3 =	vadd.s32 $0x1, v4;
	v4 =	vmul.u32 $0x5, v6  }
0x1d2: {  	[tilespmem:s24+$0xC8E0] =	vst v1;
	v1 =	vperm.xlane v0, v3;
	v3 =	vadd.s32 $0x1, v5;
	v5 =	vmul.u32 $0x5, v7  }
0x1d3: {  	[tilespmem:s24+$0xC8F0] =	vst v2;
	v2 =	vperm.xlane v0, v3;
	v3 =	vadd.s32 $0x1, v4;
	v4 =	vmul.u32 $0x5, v8  }
0x1d4: {  	[tilespmem:s24+$0xCC80] =	vst v1;
	v1 =	vperm.xlane v0, v3;
	v3 =	vadd.s32 $0x1, v5;
	v5 =	vmul.u32 $0x5, v9  }
0x1d5: {  	[tilespmem:s24+$0xCC90] =	vst v2;
	v2 =	vperm.xlane v0, v3;
	v3 =	vadd.s32 $0x1, v4;
	v4 =	vmul.u32 $0x5, v10  }
0x1d6: {  	[tilespmem:s24+$0xCCA0] =	vst v1;
	v1 =	vperm.xlane v0, v3;
	v3 =	vadd.s32 $0x1, v5  }
0x1d7: {  	[tilespmem:s24+$0xCCB0] =	vst v2;
	v2 =	vperm.xlane v0, v3;
	v3 =	vadd.s32 $0x1, v4  }
0x1d8: {  	[tilespmem:s24+$0xCCC0] =	vst v1;
	v1 =	vperm.xlane v0, v3  }
0x1d9: {  	[tilespmem:s24+$0xCCD0] =	vst v2  }
0x1da: {  	[tilespmem:s24+$0xCCE0] =	vst v1  }
0x1db: {  	[hbm4b:s12+s18] =	stream.strided.scatter [tilespmem:s21], [sflag:$0x1], $0xC800, s19, s18, $0x38;
	[tilespmem:$0x19080] =	vst v63  }
0x1dc: {  	s30 =	simm.s32 $0x0;
	_ =	swait.ge [sflag:s17], $0xC800  }
0x1dd: {  	s31 =	sand.u32 $0xF800, s30;
	s23 =	sand.u32 $0x380, s30;
	[sflag:s17] =	ssyncset.done $0x0  }
0x1de: {  	s23 =	sor.u32 s23, s31;
	[sflag:s17] =	ssyncadd.s32 $0xFFFF3800  }
0x1df: {  	v1 =	vld [tilespmem:s23+$0x4F0]  }
0x1e0: {  	v2 =	vld [tilespmem:s23+$0x80]  }
0x1e1: {  	v3 =	vld [tilespmem:s23+$0x90]  }
0x1e2: {  	v4 =	vld [tilespmem:s23+$0xA0]  }
0x1e3: {  	v5 =	vld [tilespmem:s23+$0xB0]  }
0x1e4: {  	v6 =	vld [tilespmem:s23+$0xC0];
	v1 =	vmul.u32 $0x5, v1  }
0x1e5: {  	v7 =	vld [tilespmem:s23+$0xD0];
	v2 =	vmul.u32 $0x5, v2  }
0x1e6: {  	v8 =	vld [tilespmem:s23+$0xE0];
	v3 =	vmul.u32 $0x5, v3;
	v1 =	vadd.s32 $0x2, v1  }
0x1e7: {  	v9 =	vld [tilespmem:s23+$0xF0];
	v4 =	vmul.u32 $0x5, v4;
	v2 =	vadd.s32 $0x2, v2;
	v10 =	vperm.xlane v0, v1  }
0x1e8: {  	v11 =	vld [tilespmem:s23+$0x480];
	v5 =	vmul.u32 $0x5, v5;
	v3 =	vadd.s32 $0x2, v3;
	v2 =	vperm.xlane v0, v2  }
0x1e9: {  	v6 =	vmul.u32 $0x5, v6;
	v4 =	vadd.s32 $0x2, v4;
	v1 =	vld [tilespmem:s23+$0x490];
	v3 =	vperm.xlane v0, v3;
	[tilespmem:s23+$0xCCF0] =	vst v10  }
0x1ea: {  	v5 =	vadd.s32 $0x2, v5;
	v4 =	vperm.xlane v0, v4;
	[tilespmem:s23+$0xC880] =	vst v2;
	v2 =	vld [tilespmem:s23+$0x4A0];
	v10 =	vmul.u32 $0x5, v7  }
0x1eb: {  	v8 =	vmul.u32 $0x5, v8;
	v6 =	vadd.s32 $0x2, v6;
	v5 =	vperm.xlane v0, v5;
	[tilespmem:s23+$0xC890] =	vst v3;
	v3 =	vld [tilespmem:s23+$0x4B0]  }
0x1ec: {  	s25 =	simm.s32 $0x100;
	s24 =	simm.s32 $0x80;
	[tilespmem:s23+$0xC8A0] =	vst v4;
	v4 =	vld [tilespmem:s23+$0x4C0];
	v7 =	vperm.xlane v0, v6;
	v6 =	vmul.u32 $0x5, v9;
	v10 =	vadd.s32 $0x2, v10  }
0x1ed: {  	s26 =	sand.u32 $0xF800, s25;
	s25 =	simm.s32 $0x200;
	s28 =	sand.u32 $0x380, s24;
	[tilespmem:s23+$0xC8B0] =	vst v5;
	v5 =	vld [tilespmem:s23+$0x4D0];
	v9 =	vperm.xlane v0, v10;
	v10 =	vadd.s32 $0x2, v8;
	v8 =	vmul.u32 $0x5, v11  }
.LBB2_16:
0x1ee: {  	p0 =	sne.s32 s25, $0xC700;
	s26 =	sor.u32 s28, s26;
	[tilespmem:s23+$0xC8C0] =	vst v7;
	v7 =	vperm.xlane v0, v10;
	v6 =	vadd.s32 $0x2, v6;
	v1 =	vmul.u32 $0x5, v1;
	v10 =	vld [tilespmem:s23+$0x4E0]  }
0x1ef: {  	v11 =	vld [tilespmem:s26+$0x4F0];
	[tilespmem:s23+$0xC8D0] =	vst v9;
	v6 =	vperm.xlane v0, v6;
	v8 =	vadd.s32 $0x2, v8;
	v2 =	vmul.u32 $0x5, v2  }
0x1f0: {  	v9 =	vld [tilespmem:s26+$0x80];
	[tilespmem:s23+$0xC8E0] =	vst v7;
	v7 =	vperm.xlane v0, v8;
	v1 =	vadd.s32 $0x2, v1;
	v3 =	vmul.u32 $0x5, v3  }
0x1f1: {  	v8 =	vld [tilespmem:s26+$0x90];
	[tilespmem:s23+$0xC8F0] =	vst v6;
	v1 =	vperm.xlane v0, v1;
	v2 =	vadd.s32 $0x2, v2;
	v4 =	vmul.u32 $0x5, v4  }
0x1f2: {  	v6 =	vld [tilespmem:s26+$0xA0];
	[tilespmem:s23+$0xCC80] =	vst v7;
	v2 =	vperm.xlane v0, v2;
	v3 =	vadd.s32 $0x2, v3;
	v5 =	vmul.u32 $0x5, v5  }
0x1f3: {  	v7 =	vld [tilespmem:s26+$0xB0];
	[tilespmem:s23+$0xCC90] =	vst v1;
	v1 =	vperm.xlane v0, v3;
	v3 =	vadd.s32 $0x2, v4;
	v4 =	vmul.u32 $0x5, v10  }
0x1f4: {  	v10 =	vld [tilespmem:s26+$0xC0];
	v11 =	vmul.u32 $0x5, v11;
	[tilespmem:s23+$0xCCA0] =	vst v2;
	v2 =	vperm.xlane v0, v3;
	v3 =	vadd.s32 $0x2, v5  }
0x1f5: {  	v5 =	vmul.u32 $0x5, v9;
	v9 =	vld [tilespmem:s26+$0xD0];
	[tilespmem:s23+$0xCCB0] =	vst v1;
	v1 =	vperm.xlane v0, v3;
	v3 =	vadd.s32 $0x2, v4  }
0x1f6: {  	v4 =	vmul.u32 $0x5, v8;
	v8 =	vld [tilespmem:s26+$0xE0];
	v11 =	vadd.s32 $0x2, v11;
	[tilespmem:s23+$0xCCC0] =	vst v2;
	v2 =	vperm.xlane v0, v3  }
0x1f7: {  	v3 =	vadd.s32 $0x2, v5;
	v5 =	vmul.u32 $0x5, v6;
	v6 =	vld [tilespmem:s26+$0xF0];
	v11 =	vperm.xlane v0, v11;
	[tilespmem:s23+$0xCCD0] =	vst v1  }
0x1f8: {  	v3 =	vperm.xlane v0, v3;
	v1 =	vadd.s32 $0x2, v4;
	v4 =	vmul.u32 $0x5, v7;
	v12 =	vld [tilespmem:s26+$0x480];
	[tilespmem:s23+$0xCCE0] =	vst v2;
	s23 =	smov.u32 s26  }
.Ltmp7:
0x1f9: {  	v7 =	vperm.xlane v0, v1;
	v2 =	vadd.s32 $0x2, v5;
	v5 =	vmul.u32 $0x5, v10;
	v1 =	vld [tilespmem:s23+$0x490];
	[tilespmem:s23+$0xCCF0] =	vst v11;
	(pc) =	sbr.rel @p0 .LBB2_16-.Ltmp7, $4  }
0x1fa: {  	[tilespmem:s23+$0xC880] =	vst v3;
	v10 =	vperm.xlane v0, v2;
	v3 =	vadd.s32 $0x2, v4;
	v4 =	vmul.u32 $0x5, v9;
	v2 =	vld [tilespmem:s23+$0x4A0]  }
0x1fb: {  	[tilespmem:s23+$0xC890] =	vst v7;
	v9 =	vperm.xlane v0, v3;
	v5 =	vadd.s32 $0x2, v5;
	v8 =	vmul.u32 $0x5, v8;
	v3 =	vld [tilespmem:s23+$0x4B0]  }
0x1fc: {  	s24 =	sadd.s32 $0x80, s24;
	[tilespmem:s23+$0xC8A0] =	vst v10;
	v7 =	vperm.xlane v0, v5;
	v5 =	vadd.s32 $0x2, v4;
	v6 =	vmul.u32 $0x5, v6;
	v4 =	vld [tilespmem:s23+$0x4C0]  }
0x1fd: {  	s28 =	sand.u32 $0x380, s24;
	s26 =	sand.u32 $0xF800, s25;
	s25 =	sadd.s32 $0x100, s25;
	[tilespmem:s23+$0xC8B0] =	vst v9;
	v9 =	vperm.xlane v0, v5;
	v10 =	vadd.s32 $0x2, v8;
	v8 =	vmul.u32 $0x5, v12;
	v5 =	vld [tilespmem:s23+$0x4D0]  }
0x1fe: {  	[tilespmem:s23+$0xC8C0] =	vst v7;
	s24 =	sor.u32 s28, s26;
	v7 =	vld [tilespmem:s23+$0x4E0];
	v10 =	vperm.xlane v0, v10;
	v6 =	vadd.s32 $0x2, v6;
	v1 =	vmul.u32 $0x5, v1  }
0x1ff: {  	v11 =	vld [tilespmem:s24+$0x4F0];
	[tilespmem:s23+$0xC8D0] =	vst v9;
	v6 =	vperm.xlane v0, v6;
	v8 =	vadd.s32 $0x2, v8  }
0x200: {  	v2 =	vmul.u32 $0x5, v2;
	v9 =	vld [tilespmem:s24+$0x80];
	[tilespmem:s23+$0xC8E0] =	vst v10;
	v8 =	vperm.xlane v0, v8;
	v1 =	vadd.s32 $0x2, v1  }
0x201: {  	v3 =	vmul.u32 $0x5, v3;
	v10 =	vld [tilespmem:s24+$0x90];
	[tilespmem:s23+$0xC8F0] =	vst v6;
	v1 =	vperm.xlane v0, v1  }
0x202: {  	v2 =	vadd.s32 $0x2, v2;
	v6 =	vld [tilespmem:s24+$0xA0];
	[tilespmem:s23+$0xCC80] =	vst v8  }
0x203: {  	v2 =	vperm.xlane v0, v2;
	v3 =	vadd.s32 $0x2, v3;
	v8 =	vld [tilespmem:s24+$0xB0];
	[tilespmem:s23+$0xCC90] =	vst v1;
	v1 =	vmul.u32 $0x5, v4  }
0x204: {  	v3 =	vperm.xlane v0, v3  }
0x205: {  	v4 =	vld [tilespmem:s24+$0xC0];
	[tilespmem:s23+$0xCCA0] =	vst v2;
	v2 =	vmul.u32 $0x5, v5;
	v1 =	vadd.s32 $0x2, v1  }
0x206: {  	v5 =	vld [tilespmem:s24+$0xD0];
	[tilespmem:s23+$0xCCB0] =	vst v3;
	v3 =	vmul.u32 $0x5, v7;
	v1 =	vperm.xlane v0, v1  }
0x207: {  	v11 =	vmul.u32 $0x5, v11;
	v2 =	vadd.s32 $0x2, v2  }
0x208: {  	v7 =	vld [tilespmem:s24+$0xE0];
	v2 =	vperm.xlane v0, v2;
	v3 =	vadd.s32 $0x2, v3;
	[tilespmem:s23+$0xCCC0] =	vst v1;
	v1 =	vmul.u32 $0x5, v9  }
0x209: {  	v10 =	vmul.u32 $0x5, v10;
	v11 =	vadd.s32 $0x2, v11;
	v3 =	vperm.xlane v0, v3  }
0x20a: {  	v9 =	vld [tilespmem:s24+$0xF0];
	[tilespmem:s23+$0xCCD0] =	vst v2;
	v2 =	vmul.u32 $0x5, v6;
	v6 =	vperm.xlane v0, v11;
	v1 =	vadd.s32 $0x2, v1  }
0x20b: {  	v10 =	vadd.s32 $0x2, v10;
	v8 =	vmul.u32 $0x5, v8;
	v11 =	vld [tilespmem:s24+$0x480];
	[tilespmem:s23+$0xCCE0] =	vst v3;
	v1 =	vperm.xlane v0, v1  }
0x20c: {  	v4 =	vmul.u32 $0x5, v4;
	v3 =	vperm.xlane v0, v10;
	v2 =	vadd.s32 $0x2, v2;
	v10 =	vld [tilespmem:s24+$0x490];
	[tilespmem:s24+$0xCCF0] =	vst v6  }
0x20d: {  	v5 =	vmul.u32 $0x5, v5;
	v6 =	vld [tilespmem:s24+$0x4A0];
	[tilespmem:s24+$0xC880] =	vst v1;
	v1 =	vperm.xlane v0, v2;
	v2 =	vadd.s32 $0x2, v8  }
0x20e: {  	[tilespmem:s24+$0xC890] =	vst v3;
	v3 =	vadd.s32 $0x2, v4;
	v4 =	vmul.u32 $0x5, v7;
	v7 =	vld [tilespmem:s24+$0x4B0];
	v2 =	vperm.xlane v0, v2  }
0x20f: {  	v8 =	vld [tilespmem:s24+$0x4C0];
	[tilespmem:s24+$0xC8A0] =	vst v1;
	v1 =	vperm.xlane v0, v3;
	v3 =	vadd.s32 $0x2, v5;
	v5 =	vmul.u32 $0x5, v9  }
0x210: {  	v9 =	vld [tilespmem:s24+$0x4D0];
	[tilespmem:s24+$0xC8B0] =	vst v2;
	v2 =	vperm.xlane v0, v3;
	v3 =	vadd.s32 $0x2, v4;
	v4 =	vmul.u32 $0x5, v11  }
0x211: {  	[tilespmem:s24+$0xC8C0] =	vst v1;
	v1 =	vperm.xlane v0, v3;
	v3 =	vadd.s32 $0x2, v5;
	v5 =	vmul.u32 $0x5, v10;
	v10 =	vld [tilespmem:s24+$0x4E0]  }
0x212: {  	[tilespmem:s24+$0xC8D0] =	vst v2;
	v2 =	vperm.xlane v0, v3;
	v3 =	vadd.s32 $0x2, v4;
	v4 =	vmul.u32 $0x5, v6  }
0x213: {  	[tilespmem:s24+$0xC8E0] =	vst v1;
	v1 =	vperm.xlane v0, v3;
	v3 =	vadd.s32 $0x2, v5;
	v5 =	vmul.u32 $0x5, v7  }
0x214: {  	[tilespmem:s24+$0xC8F0] =	vst v2;
	v2 =	vperm.xlane v0, v3;
	v3 =	vadd.s32 $0x2, v4;
	v4 =	vmul.u32 $0x5, v8  }
0x215: {  	[tilespmem:s24+$0xCC80] =	vst v1;
	v1 =	vperm.xlane v0, v3;
	v3 =	vadd.s32 $0x2, v5;
	v5 =	vmul.u32 $0x5, v9  }
0x216: {  	[tilespmem:s24+$0xCC90] =	vst v2;
	v2 =	vperm.xlane v0, v3;
	v3 =	vadd.s32 $0x2, v4;
	v4 =	vmul.u32 $0x5, v10  }
0x217: {  	[tilespmem:s24+$0xCCA0] =	vst v1;
	v1 =	vperm.xlane v0, v3;
	v3 =	vadd.s32 $0x2, v5  }
0x218: {  	[tilespmem:s24+$0xCCB0] =	vst v2;
	v2 =	vperm.xlane v0, v3;
	v3 =	vadd.s32 $0x2, v4  }
0x219: {  	[tilespmem:s24+$0xCCC0] =	vst v1;
	v1 =	vperm.xlane v0, v3  }
0x21a: {  	[tilespmem:s24+$0xCCD0] =	vst v2  }
0x21b: {  	[tilespmem:s24+$0xCCE0] =	vst v1  }
0x21c: {  	[hbm4b:s13+s18] =	stream.strided.scatter [tilespmem:s21], [sflag:$0x1], $0xC800, s19, s18, $0x38;
	[tilespmem:$0x19080] =	vst v63  }
0x21d: {  	s30 =	simm.s32 $0x0;
	_ =	swait.ge [sflag:s17], $0xC800  }
0x21e: {  	s31 =	sand.u32 $0xF800, s30;
	s23 =	sand.u32 $0x380, s30;
	[sflag:s17] =	ssyncset.done $0x0  }
0x21f: {  	s23 =	sor.u32 s23, s31;
	[sflag:s17] =	ssyncadd.s32 $0xFFFF3800  }
0x220: {  	v1 =	vld [tilespmem:s23+$0x4F0]  }
0x221: {  	v2 =	vld [tilespmem:s23+$0x80]  }
0x222: {  	v3 =	vld [tilespmem:s23+$0x90]  }
0x223: {  	v4 =	vld [tilespmem:s23+$0xA0]  }
0x224: {  	v5 =	vld [tilespmem:s23+$0xB0]  }
0x225: {  	v6 =	vld [tilespmem:s23+$0xC0];
	v1 =	vmul.u32 $0x5, v1  }
0x226: {  	v7 =	vld [tilespmem:s23+$0xD0];
	v2 =	vmul.u32 $0x5, v2  }
0x227: {  	v8 =	vld [tilespmem:s23+$0xE0];
	v3 =	vmul.u32 $0x5, v3;
	v1 =	vadd.s32 $0x3, v1  }
0x228: {  	v9 =	vld [tilespmem:s23+$0xF0];
	v4 =	vmul.u32 $0x5, v4;
	v2 =	vadd.s32 $0x3, v2;
	v10 =	vperm.xlane v0, v1  }
0x229: {  	v11 =	vld [tilespmem:s23+$0x480];
	v5 =	vmul.u32 $0x5, v5;
	v3 =	vadd.s32 $0x3, v3;
	v2 =	vperm.xlane v0, v2  }
0x22a: {  	v6 =	vmul.u32 $0x5, v6;
	v4 =	vadd.s32 $0x3, v4;
	v1 =	vld [tilespmem:s23+$0x490];
	v3 =	vperm.xlane v0, v3;
	[tilespmem:s23+$0xCCF0] =	vst v10  }
0x22b: {  	v5 =	vadd.s32 $0x3, v5;
	v4 =	vperm.xlane v0, v4;
	[tilespmem:s23+$0xC880] =	vst v2;
	v2 =	vld [tilespmem:s23+$0x4A0];
	v10 =	vmul.u32 $0x5, v7  }
0x22c: {  	v8 =	vmul.u32 $0x5, v8;
	v6 =	vadd.s32 $0x3, v6;
	v5 =	vperm.xlane v0, v5;
	[tilespmem:s23+$0xC890] =	vst v3;
	v3 =	vld [tilespmem:s23+$0x4B0]  }
0x22d: {  	s25 =	simm.s32 $0x100;
	s24 =	simm.s32 $0x80;
	[tilespmem:s23+$0xC8A0] =	vst v4;
	v4 =	vld [tilespmem:s23+$0x4C0];
	v7 =	vperm.xlane v0, v6;
	v6 =	vmul.u32 $0x5, v9;
	v10 =	vadd.s32 $0x3, v10  }
0x22e: {  	s26 =	sand.u32 $0xF800, s25;
	s25 =	simm.s32 $0x200;
	s28 =	sand.u32 $0x380, s24;
	[tilespmem:s23+$0xC8B0] =	vst v5;
	v5 =	vld [tilespmem:s23+$0x4D0];
	v9 =	vperm.xlane v0, v10;
	v10 =	vadd.s32 $0x3, v8;
	v8 =	vmul.u32 $0x5, v11  }
.LBB2_18:
0x22f: {  	p0 =	sne.s32 s25, $0xC700;
	s26 =	sor.u32 s28, s26;
	[tilespmem:s23+$0xC8C0] =	vst v7;
	v7 =	vperm.xlane v0, v10;
	v6 =	vadd.s32 $0x3, v6;
	v1 =	vmul.u32 $0x5, v1;
	v10 =	vld [tilespmem:s23+$0x4E0]  }
0x230: {  	v11 =	vld [tilespmem:s26+$0x4F0];
	[tilespmem:s23+$0xC8D0] =	vst v9;
	v6 =	vperm.xlane v0, v6;
	v8 =	vadd.s32 $0x3, v8;
	v2 =	vmul.u32 $0x5, v2  }
0x231: {  	v9 =	vld [tilespmem:s26+$0x80];
	[tilespmem:s23+$0xC8E0] =	vst v7;
	v7 =	vperm.xlane v0, v8;
	v1 =	vadd.s32 $0x3, v1;
	v3 =	vmul.u32 $0x5, v3  }
0x232: {  	v8 =	vld [tilespmem:s26+$0x90];
	[tilespmem:s23+$0xC8F0] =	vst v6;
	v1 =	vperm.xlane v0, v1;
	v2 =	vadd.s32 $0x3, v2;
	v4 =	vmul.u32 $0x5, v4  }
0x233: {  	v6 =	vld [tilespmem:s26+$0xA0];
	[tilespmem:s23+$0xCC80] =	vst v7;
	v2 =	vperm.xlane v0, v2;
	v3 =	vadd.s32 $0x3, v3;
	v5 =	vmul.u32 $0x5, v5  }
0x234: {  	v7 =	vld [tilespmem:s26+$0xB0];
	[tilespmem:s23+$0xCC90] =	vst v1;
	v1 =	vperm.xlane v0, v3;
	v3 =	vadd.s32 $0x3, v4;
	v4 =	vmul.u32 $0x5, v10  }
0x235: {  	v10 =	vld [tilespmem:s26+$0xC0];
	v11 =	vmul.u32 $0x5, v11;
	[tilespmem:s23+$0xCCA0] =	vst v2;
	v2 =	vperm.xlane v0, v3;
	v3 =	vadd.s32 $0x3, v5  }
0x236: {  	v5 =	vmul.u32 $0x5, v9;
	v9 =	vld [tilespmem:s26+$0xD0];
	[tilespmem:s23+$0xCCB0] =	vst v1;
	v1 =	vperm.xlane v0, v3;
	v3 =	vadd.s32 $0x3, v4  }
0x237: {  	v4 =	vmul.u32 $0x5, v8;
	v8 =	vld [tilespmem:s26+$0xE0];
	v11 =	vadd.s32 $0x3, v11;
	[tilespmem:s23+$0xCCC0] =	vst v2;
	v2 =	vperm.xlane v0, v3  }
0x238: {  	v3 =	vadd.s32 $0x3, v5;
	v5 =	vmul.u32 $0x5, v6;
	v6 =	vld [tilespmem:s26+$0xF0];
	v11 =	vperm.xlane v0, v11;
	[tilespmem:s23+$0xCCD0] =	vst v1  }
0x239: {  	v3 =	vperm.xlane v0, v3;
	v1 =	vadd.s32 $0x3, v4;
	v4 =	vmul.u32 $0x5, v7;
	v12 =	vld [tilespmem:s26+$0x480];
	[tilespmem:s23+$0xCCE0] =	vst v2;
	s23 =	smov.u32 s26  }
.Ltmp8:
0x23a: {  	v7 =	vperm.xlane v0, v1;
	v2 =	vadd.s32 $0x3, v5;
	v5 =	vmul.u32 $0x5, v10;
	v1 =	vld [tilespmem:s23+$0x490];
	[tilespmem:s23+$0xCCF0] =	vst v11;
	(pc) =	sbr.rel @p0 .LBB2_18-.Ltmp8, $4  }
0x23b: {  	[tilespmem:s23+$0xC880] =	vst v3;
	v10 =	vperm.xlane v0, v2;
	v3 =	vadd.s32 $0x3, v4;
	v4 =	vmul.u32 $0x5, v9;
	v2 =	vld [tilespmem:s23+$0x4A0]  }
0x23c: {  	[tilespmem:s23+$0xC890] =	vst v7;
	v9 =	vperm.xlane v0, v3;
	v5 =	vadd.s32 $0x3, v5;
	v8 =	vmul.u32 $0x5, v8;
	v3 =	vld [tilespmem:s23+$0x4B0]  }
0x23d: {  	s24 =	sadd.s32 $0x80, s24;
	[tilespmem:s23+$0xC8A0] =	vst v10;
	v7 =	vperm.xlane v0, v5;
	v5 =	vadd.s32 $0x3, v4;
	v6 =	vmul.u32 $0x5, v6;
	v4 =	vld [tilespmem:s23+$0x4C0]  }
0x23e: {  	s28 =	sand.u32 $0x380, s24;
	s26 =	sand.u32 $0xF800, s25;
	s25 =	sadd.s32 $0x100, s25;
	[tilespmem:s23+$0xC8B0] =	vst v9;
	v9 =	vperm.xlane v0, v5;
	v10 =	vadd.s32 $0x3, v8;
	v8 =	vmul.u32 $0x5, v12;
	v5 =	vld [tilespmem:s23+$0x4D0]  }
0x23f: {  	[tilespmem:s23+$0xC8C0] =	vst v7;
	s24 =	sor.u32 s28, s26;
	v7 =	vld [tilespmem:s23+$0x4E0];
	v10 =	vperm.xlane v0, v10;
	v6 =	vadd.s32 $0x3, v6;
	v1 =	vmul.u32 $0x5, v1  }
0x240: {  	v11 =	vld [tilespmem:s24+$0x4F0];
	[tilespmem:s23+$0xC8D0] =	vst v9;
	v6 =	vperm.xlane v0, v6;
	v8 =	vadd.s32 $0x3, v8  }
0x241: {  	v2 =	vmul.u32 $0x5, v2;
	v9 =	vld [tilespmem:s24+$0x80];
	[tilespmem:s23+$0xC8E0] =	vst v10;
	v8 =	vperm.xlane v0, v8;
	v1 =	vadd.s32 $0x3, v1  }
0x242: {  	v3 =	vmul.u32 $0x5, v3;
	v10 =	vld [tilespmem:s24+$0x90];
	[tilespmem:s23+$0xC8F0] =	vst v6;
	v1 =	vperm.xlane v0, v1  }
0x243: {  	v2 =	vadd.s32 $0x3, v2;
	v6 =	vld [tilespmem:s24+$0xA0];
	[tilespmem:s23+$0xCC80] =	vst v8  }
0x244: {  	v2 =	vperm.xlane v0, v2;
	v3 =	vadd.s32 $0x3, v3;
	v8 =	vld [tilespmem:s24+$0xB0];
	[tilespmem:s23+$0xCC90] =	vst v1;
	v1 =	vmul.u32 $0x5, v4  }
0x245: {  	v3 =	vperm.xlane v0, v3  }
0x246: {  	v4 =	vld [tilespmem:s24+$0xC0];
	[tilespmem:s23+$0xCCA0] =	vst v2;
	v2 =	vmul.u32 $0x5, v5;
	v1 =	vadd.s32 $0x3, v1  }
0x247: {  	v5 =	vld [tilespmem:s24+$0xD0];
	[tilespmem:s23+$0xCCB0] =	vst v3;
	v3 =	vmul.u32 $0x5, v7;
	v1 =	vperm.xlane v0, v1  }
0x248: {  	v11 =	vmul.u32 $0x5, v11;
	v2 =	vadd.s32 $0x3, v2  }
0x249: {  	v7 =	vld [tilespmem:s24+$0xE0];
	v2 =	vperm.xlane v0, v2;
	v3 =	vadd.s32 $0x3, v3;
	[tilespmem:s23+$0xCCC0] =	vst v1;
	v1 =	vmul.u32 $0x5, v9  }
0x24a: {  	v10 =	vmul.u32 $0x5, v10;
	v11 =	vadd.s32 $0x3, v11;
	v3 =	vperm.xlane v0, v3  }
0x24b: {  	v9 =	vld [tilespmem:s24+$0xF0];
	[tilespmem:s23+$0xCCD0] =	vst v2;
	v2 =	vmul.u32 $0x5, v6;
	v6 =	vperm.xlane v0, v11;
	v1 =	vadd.s32 $0x3, v1  }
0x24c: {  	v10 =	vadd.s32 $0x3, v10;
	v8 =	vmul.u32 $0x5, v8;
	v11 =	vld [tilespmem:s24+$0x480];
	[tilespmem:s23+$0xCCE0] =	vst v3;
	v1 =	vperm.xlane v0, v1  }
0x24d: {  	v4 =	vmul.u32 $0x5, v4;
	v3 =	vperm.xlane v0, v10;
	v2 =	vadd.s32 $0x3, v2;
	v10 =	vld [tilespmem:s24+$0x490];
	[tilespmem:s24+$0xCCF0] =	vst v6  }
0x24e: {  	v5 =	vmul.u32 $0x5, v5;
	v6 =	vld [tilespmem:s24+$0x4A0];
	[tilespmem:s24+$0xC880] =	vst v1;
	v1 =	vperm.xlane v0, v2;
	v2 =	vadd.s32 $0x3, v8  }
0x24f: {  	[tilespmem:s24+$0xC890] =	vst v3;
	v3 =	vadd.s32 $0x3, v4;
	v4 =	vmul.u32 $0x5, v7;
	v7 =	vld [tilespmem:s24+$0x4B0];
	v2 =	vperm.xlane v0, v2  }
0x250: {  	v8 =	vld [tilespmem:s24+$0x4C0];
	[tilespmem:s24+$0xC8A0] =	vst v1;
	v1 =	vperm.xlane v0, v3;
	v3 =	vadd.s32 $0x3, v5;
	v5 =	vmul.u32 $0x5, v9  }
0x251: {  	v9 =	vld [tilespmem:s24+$0x4D0];
	[tilespmem:s24+$0xC8B0] =	vst v2;
	v2 =	vperm.xlane v0, v3;
	v3 =	vadd.s32 $0x3, v4;
	v4 =	vmul.u32 $0x5, v11  }
0x252: {  	[tilespmem:s24+$0xC8C0] =	vst v1;
	v1 =	vperm.xlane v0, v3;
	v3 =	vadd.s32 $0x3, v5;
	v5 =	vmul.u32 $0x5, v10;
	v10 =	vld [tilespmem:s24+$0x4E0]  }
0x253: {  	[tilespmem:s24+$0xC8D0] =	vst v2;
	v2 =	vperm.xlane v0, v3;
	v3 =	vadd.s32 $0x3, v4;
	v4 =	vmul.u32 $0x5, v6  }
0x254: {  	[tilespmem:s24+$0xC8E0] =	vst v1;
	v1 =	vperm.xlane v0, v3;
	v3 =	vadd.s32 $0x3, v5;
	v5 =	vmul.u32 $0x5, v7  }
0x255: {  	[tilespmem:s24+$0xC8F0] =	vst v2;
	v2 =	vperm.xlane v0, v3;
	v3 =	vadd.s32 $0x3, v4;
	v4 =	vmul.u32 $0x5, v8  }
0x256: {  	[tilespmem:s24+$0xCC80] =	vst v1;
	v1 =	vperm.xlane v0, v3;
	v3 =	vadd.s32 $0x3, v5;
	v5 =	vmul.u32 $0x5, v9  }
0x257: {  	[tilespmem:s24+$0xCC90] =	vst v2;
	v2 =	vperm.xlane v0, v3;
	v3 =	vadd.s32 $0x3, v4;
	v4 =	vmul.u32 $0x5, v10  }
0x258: {  	[tilespmem:s24+$0xCCA0] =	vst v1;
	v1 =	vperm.xlane v0, v3;
	v3 =	vadd.s32 $0x3, v5  }
0x259: {  	[tilespmem:s24+$0xCCB0] =	vst v2;
	v2 =	vperm.xlane v0, v3;
	v3 =	vadd.s32 $0x3, v4  }
0x25a: {  	[tilespmem:s24+$0xCCC0] =	vst v1;
	v1 =	vperm.xlane v0, v3  }
0x25b: {  	[tilespmem:s24+$0xCCD0] =	vst v2  }
0x25c: {  	[tilespmem:s24+$0xCCE0] =	vst v1  }
0x25d: {  	[hbm4b:s14+s18] =	stream.strided.scatter [tilespmem:s21], [sflag:$0x1], $0xC800, s19, s18, $0x38;
	[tilespmem:$0x19080] =	vst v63  }
0x25e: {  	s30 =	simm.s32 $0x0;
	_ =	swait.ge [sflag:s17], $0xC800  }
0x25f: {  	s31 =	sand.u32 $0xF800, s30;
	s23 =	sand.u32 $0x380, s30;
	[sflag:s17] =	ssyncset.done $0x0  }
0x260: {  	s23 =	sor.u32 s23, s31;
	[sflag:s17] =	ssyncadd.s32 $0xFFFF3800  }
0x261: {  	v1 =	vld [tilespmem:s23+$0x4F0]  }
0x262: {  	v2 =	vld [tilespmem:s23+$0x80]  }
0x263: {  	v3 =	vld [tilespmem:s23+$0x90]  }
0x264: {  	v4 =	vld [tilespmem:s23+$0xA0]  }
0x265: {  	v5 =	vld [tilespmem:s23+$0xB0]  }
0x266: {  	v6 =	vld [tilespmem:s23+$0xC0];
	v1 =	vmul.u32 $0x5, v1  }
0x267: {  	v7 =	vld [tilespmem:s23+$0xD0];
	v2 =	vmul.u32 $0x5, v2  }
0x268: {  	v8 =	vld [tilespmem:s23+$0xE0];
	v3 =	vmul.u32 $0x5, v3;
	v1 =	vadd.s32 $0x4, v1  }
0x269: {  	v9 =	vld [tilespmem:s23+$0xF0];
	v4 =	vmul.u32 $0x5, v4;
	v2 =	vadd.s32 $0x4, v2;
	v10 =	vperm.xlane v0, v1  }
0x26a: {  	v11 =	vld [tilespmem:s23+$0x480];
	v5 =	vmul.u32 $0x5, v5;
	v3 =	vadd.s32 $0x4, v3;
	v2 =	vperm.xlane v0, v2  }
0x26b: {  	v6 =	vmul.u32 $0x5, v6;
	v4 =	vadd.s32 $0x4, v4;
	v1 =	vld [tilespmem:s23+$0x490];
	v3 =	vperm.xlane v0, v3;
	[tilespmem:s23+$0xCCF0] =	vst v10  }
0x26c: {  	v5 =	vadd.s32 $0x4, v5;
	v4 =	vperm.xlane v0, v4;
	[tilespmem:s23+$0xC880] =	vst v2;
	v2 =	vld [tilespmem:s23+$0x4A0];
	v10 =	vmul.u32 $0x5, v7  }
0x26d: {  	v8 =	vmul.u32 $0x5, v8;
	v6 =	vadd.s32 $0x4, v6;
	v5 =	vperm.xlane v0, v5;
	[tilespmem:s23+$0xC890] =	vst v3;
	v3 =	vld [tilespmem:s23+$0x4B0]  }
0x26e: {  	s25 =	simm.s32 $0x100;
	s24 =	simm.s32 $0x80;
	[tilespmem:s23+$0xC8A0] =	vst v4;
	v4 =	vld [tilespmem:s23+$0x4C0];
	v7 =	vperm.xlane v0, v6;
	v6 =	vmul.u32 $0x5, v9;
	v10 =	vadd.s32 $0x4, v10  }
0x26f: {  	s26 =	sand.u32 $0xF800, s25;
	s25 =	simm.s32 $0x200;
	s28 =	sand.u32 $0x380, s24;
	[tilespmem:s23+$0xC8B0] =	vst v5;
	v5 =	vld [tilespmem:s23+$0x4D0];
	v9 =	vperm.xlane v0, v10;
	v10 =	vadd.s32 $0x4, v8;
	v8 =	vmul.u32 $0x5, v11  }
.LBB2_20:
0x270: {  	p0 =	sne.s32 s25, $0xC700;
	s26 =	sor.u32 s28, s26;
	[tilespmem:s23+$0xC8C0] =	vst v7;
	v7 =	vperm.xlane v0, v10;
	v6 =	vadd.s32 $0x4, v6;
	v1 =	vmul.u32 $0x5, v1;
	v10 =	vld [tilespmem:s23+$0x4E0]  }
0x271: {  	v11 =	vld [tilespmem:s26+$0x4F0];
	[tilespmem:s23+$0xC8D0] =	vst v9;
	v6 =	vperm.xlane v0, v6;
	v8 =	vadd.s32 $0x4, v8;
	v2 =	vmul.u32 $0x5, v2  }
0x272: {  	v9 =	vld [tilespmem:s26+$0x80];
	[tilespmem:s23+$0xC8E0] =	vst v7;
	v7 =	vperm.xlane v0, v8;
	v1 =	vadd.s32 $0x4, v1;
	v3 =	vmul.u32 $0x5, v3  }
0x273: {  	v8 =	vld [tilespmem:s26+$0x90];
	[tilespmem:s23+$0xC8F0] =	vst v6;
	v1 =	vperm.xlane v0, v1;
	v2 =	vadd.s32 $0x4, v2;
	v4 =	vmul.u32 $0x5, v4  }
0x274: {  	v6 =	vld [tilespmem:s26+$0xA0];
	[tilespmem:s23+$0xCC80] =	vst v7;
	v2 =	vperm.xlane v0, v2;
	v3 =	vadd.s32 $0x4, v3;
	v5 =	vmul.u32 $0x5, v5  }
0x275: {  	v7 =	vld [tilespmem:s26+$0xB0];
	[tilespmem:s23+$0xCC90] =	vst v1;
	v1 =	vperm.xlane v0, v3;
	v3 =	vadd.s32 $0x4, v4;
	v4 =	vmul.u32 $0x5, v10  }
0x276: {  	v10 =	vld [tilespmem:s26+$0xC0];
	v11 =	vmul.u32 $0x5, v11;
	[tilespmem:s23+$0xCCA0] =	vst v2;
	v2 =	vperm.xlane v0, v3;
	v3 =	vadd.s32 $0x4, v5  }
0x277: {  	v5 =	vmul.u32 $0x5, v9;
	v9 =	vld [tilespmem:s26+$0xD0];
	[tilespmem:s23+$0xCCB0] =	vst v1;
	v1 =	vperm.xlane v0, v3;
	v3 =	vadd.s32 $0x4, v4  }
0x278: {  	v4 =	vmul.u32 $0x5, v8;
	v8 =	vld [tilespmem:s26+$0xE0];
	v11 =	vadd.s32 $0x4, v11;
	[tilespmem:s23+$0xCCC0] =	vst v2;
	v2 =	vperm.xlane v0, v3  }
0x279: {  	v3 =	vadd.s32 $0x4, v5;
	v5 =	vmul.u32 $0x5, v6;
	v6 =	vld [tilespmem:s26+$0xF0];
	v11 =	vperm.xlane v0, v11;
	[tilespmem:s23+$0xCCD0] =	vst v1  }
0x27a: {  	v3 =	vperm.xlane v0, v3;
	v1 =	vadd.s32 $0x4, v4;
	v4 =	vmul.u32 $0x5, v7;
	v12 =	vld [tilespmem:s26+$0x480];
	[tilespmem:s23+$0xCCE0] =	vst v2;
	s23 =	smov.u32 s26  }
.Ltmp9:
0x27b: {  	v7 =	vperm.xlane v0, v1;
	v2 =	vadd.s32 $0x4, v5;
	v5 =	vmul.u32 $0x5, v10;
	v1 =	vld [tilespmem:s23+$0x490];
	[tilespmem:s23+$0xCCF0] =	vst v11;
	(pc) =	sbr.rel @p0 .LBB2_20-.Ltmp9, $4  }
0x27c: {  	[tilespmem:s23+$0xC880] =	vst v3;
	v10 =	vperm.xlane v0, v2;
	v3 =	vadd.s32 $0x4, v4;
	v4 =	vmul.u32 $0x5, v9;
	v2 =	vld [tilespmem:s23+$0x4A0]  }
0x27d: {  	[tilespmem:s23+$0xC890] =	vst v7;
	v9 =	vperm.xlane v0, v3;
	v5 =	vadd.s32 $0x4, v5;
	v8 =	vmul.u32 $0x5, v8;
	v3 =	vld [tilespmem:s23+$0x4B0]  }
0x27e: {  	s24 =	sadd.s32 $0x80, s24;
	[tilespmem:s23+$0xC8A0] =	vst v10;
	v7 =	vperm.xlane v0, v5;
	v5 =	vadd.s32 $0x4, v4;
	v6 =	vmul.u32 $0x5, v6;
	v4 =	vld [tilespmem:s23+$0x4C0]  }
0x27f: {  	s28 =	sand.u32 $0x380, s24;
	s26 =	sand.u32 $0xF800, s25;
	s25 =	sadd.s32 $0x100, s25;
	[tilespmem:s23+$0xC8B0] =	vst v9;
	v9 =	vperm.xlane v0, v5;
	v10 =	vadd.s32 $0x4, v8;
	v8 =	vmul.u32 $0x5, v12;
	v5 =	vld [tilespmem:s23+$0x4D0]  }
0x280: {  	[tilespmem:s23+$0xC8C0] =	vst v7;
	s24 =	sor.u32 s28, s26;
	v12 =	vld [tilespmem:s23+$0x4E0];
	v10 =	vperm.xlane v0, v10;
	v6 =	vadd.s32 $0x4, v6;
	v1 =	vmul.u32 $0x5, v1  }
0x281: {  	v11 =	vld [tilespmem:s24+$0x4F0];
	[tilespmem:s23+$0xC8D0] =	vst v9;
	v6 =	vperm.xlane v0, v6;
	v8 =	vadd.s32 $0x4, v8;
	v2 =	vmul.u32 $0x5, v2  }
0x282: {  	v9 =	vld [tilespmem:s24+$0x80];
	[tilespmem:s23+$0xC8E0] =	vst v10;
	v8 =	vperm.xlane v0, v8;
	v1 =	vadd.s32 $0x4, v1;
	v3 =	vmul.u32 $0x5, v3  }
0x283: {  	v10 =	vld [tilespmem:s24+$0x90];
	[tilespmem:s23+$0xC8F0] =	vst v6;
	v1 =	vperm.xlane v0, v1;
	v2 =	vadd.s32 $0x4, v2;
	v13 =	vmul.u32 $0x5, v4  }
0x284: {  	v6 =	vld [tilespmem:s24+$0xA0];
	[tilespmem:s23+$0xCC80] =	vst v8;
	v2 =	vperm.xlane v0, v2;
	v3 =	vadd.s32 $0x4, v3;
	v15 =	vmul.u32 $0x5, v5  }
0x285: {  	v8 =	vld [tilespmem:s24+$0xB0];
	[tilespmem:s23+$0xCC90] =	vst v1;
	v3 =	vperm.xlane v0, v3;
	v1 =	vadd.s32 $0x4, v13;
	v17 =	vmul.u32 $0x5, v12  }
0x286: {  	v14 =	vld [tilespmem:s24+$0xC0];
	[tilespmem:s23+$0xCCA0] =	vst v2;
	v1 =	vperm.xlane v0, v1;
	v2 =	vadd.s32 $0x4, v15;
	v11 =	vmul.u32 $0x5, v11  }
0x287: {  	v16 =	vld [tilespmem:s24+$0xD0];
	[tilespmem:s23+$0xCCB0] =	vst v3;
	v2 =	vperm.xlane v0, v2;
	v19 =	vmul.u32 $0x5, v9;
	v3 =	vadd.s32 $0x4, v17  }
0x288: {  	v18 =	vld [tilespmem:s24+$0xE0];
	[tilespmem:s23+$0xCCC0] =	vst v1;
	v10 =	vmul.u32 $0x5, v10;
	v11 =	vadd.s32 $0x4, v11;
	v3 =	vperm.xlane v0, v3  }
0x289: {  	v20 =	vld [tilespmem:s24+$0xF0];
	[tilespmem:s23+$0xCCD0] =	vst v2;
	v1 =	vadd.s32 $0x4, v19;
	v21 =	vmul.u32 $0x5, v6;
	v22 =	vperm.xlane v0, v11  }
0x28a: {  	v23 =	vld [tilespmem:s24+$0x480];
	v1 =	vperm.xlane v0, v1;
	v10 =	vadd.s32 $0x4, v10;
	v8 =	vmul.u32 $0x5, v8;
	[tilespmem:s23+$0xCCE0] =	vst v3  }
0x28b: {  	v24 =	vperm.xlane v0, v10;
	v2 =	vadd.s32 $0x4, v21;
	v4 =	vmul.u32 $0x5, v14;
	v25 =	vld [tilespmem:s24+$0x490];
	[tilespmem:s24+$0xCCF0] =	vst v22  }
0x28c: {  	v28 =	vld [tilespmem:s24+$0x4A0];
	[tilespmem:s24+$0xC880] =	vst v1;
	v26 =	vperm.xlane v0, v2;
	v27 =	vadd.s32 $0x4, v8;
	v5 =	vmul.u32 $0x5, v16  }
0x28d: {  	v31 =	vld [tilespmem:s24+$0x4B0];
	[tilespmem:s24+$0xC890] =	vst v24;
	v2 =	vperm.xlane v0, v27;
	v29 =	vadd.s32 $0x4, v4;
	v30 =	vmul.u32 $0x5, v18  }
0x28e: {  	v35 =	vld [tilespmem:s24+$0x4C0];
	[tilespmem:s24+$0xC8A0] =	vst v26;
	v32 =	vperm.xlane v0, v29;
	v33 =	vadd.s32 $0x4, v5;
	v34 =	vmul.u32 $0x5, v20  }
0x28f: {  	v39 =	vld [tilespmem:s24+$0x4D0];
	[tilespmem:s24+$0xC8B0] =	vst v2;
	v36 =	vperm.xlane v0, v33;
	v37 =	vadd.s32 $0x4, v30;
	v38 =	vmul.u32 $0x5, v23  }
0x290: {  	v43 =	vld [tilespmem:s24+$0x4E0];
	[tilespmem:s24+$0xC8C0] =	vst v32;
	v40 =	vperm.xlane v0, v37;
	v41 =	vadd.s32 $0x4, v34;
	v42 =	vmul.u32 $0x5, v25  }
0x291: {  	v46 =	vmul.u32 $0x5, v28;
	[tilespmem:s24+$0xC8D0] =	vst v36;
	v44 =	vperm.xlane v0, v41;
	v45 =	vadd.s32 $0x4, v38  }
0x292: {  	v49 =	vmul.u32 $0x5, v31;
	[tilespmem:s24+$0xC8E0] =	vst v40;
	v47 =	vperm.xlane v0, v45;
	v48 =	vadd.s32 $0x4, v42  }
0x293: {  	v52 =	vmul.u32 $0x5, v35;
	v51 =	vadd.s32 $0x4, v46;
	[tilespmem:s24+$0xC8F0] =	vst v44;
	v50 =	vperm.xlane v0, v48  }
0x294: {  	v55 =	vmul.u32 $0x5, v39;
	v54 =	vadd.s32 $0x4, v49;
	v53 =	vperm.xlane v0, v51;
	[tilespmem:s24+$0xCC80] =	vst v47  }
0x295: {  	v58 =	vmul.u32 $0x5, v43;
	v57 =	vadd.s32 $0x4, v52;
	v56 =	vperm.xlane v0, v54;
	[tilespmem:s24+$0xCC90] =	vst v50  }
0x296: {  	v60 =	vadd.s32 $0x4, v55;
	v59 =	vperm.xlane v0, v57;
	[tilespmem:s24+$0xCCA0] =	vst v53  }
0x297: {  	v62 =	vadd.s32 $0x4, v58;
	v61 =	vperm.xlane v0, v60;
	[tilespmem:s24+$0xCCB0] =	vst v56  }
0x298: {  	s22 =	sadd.s32 $0x1, s22;
	v63 =	vperm.xlane v0, v62;
	[tilespmem:s24+$0xCCC0] =	vst v59  }
0x299: {  	p0 =	sne.s32 s22, s16;
	[tilespmem:s24+$0xCCD0] =	vst v61  }
.Ltmp10:
0x29a: {  	[tilespmem:s24+$0xCCE0] =	vst v63;
	(pc) =	sbr.rel @p0 .LBB2_1-.Ltmp10, $4  }
0x29b: {  	[hbm4b:s15+s18] =	stream.strided.scatter [tilespmem:s21], [sflag:$0x1], $0xC800, s19, s18, $0x38;
	[tilespmem:$0x19080] =	vst v63  }
0x29c: {  	_ =	swait.ge [sflag:s17], $0xC800  }
0x29d: {  	[sflag:s17] =	ssyncset.done $0x0  }
0x29e: {  	[sflag:s17] =	ssyncadd.s32 $0xFFFF3800  }
0x29f: {  	_ =	sfence.sel $0x180000  }
0x2a0: {  	[bflag:$0x0] =	sbarrier.arrive $0xFFFF  }
0x2a1: {  	p0 =	sne.s32 s1, $0x0;
	_ =	strace $0x90000047  }
0x2a2: {  	s0 =	sadd.s32 @!p0 $0x100000, s0;
	[bflag:$0x2] =	sbarrier.arrive $0xFFFF  }
0x2a3: {  	[sflag:s0] =	ssyncadd.tile.s32 @!p0 $0x1;
	_ =	shalt  }
.Lfunc_end2:
_tile_overlayer_lowered:
.L_overlay_start_2:
0x2a4: {  	(tag) =	ssettag $0x2  }
0x2a5: {  	s0 =	rddreg [dreg:$0x0];
	s2 =	stileid.u32  }
0x2a6: {  	s1 =	rddreg [dreg:$0x1];
	p0 =	sne.s32 s2, $0x0  }
0x2a7: {  	s3 =	rddreg [dreg:$0x2];
	[bflag:$0x3] =	sbarrier.arrive $0xFFFF;
	s2 =	simm.s32 @!p0 $0x1C01  }
0x2a8: {  	[timem:s3], [sflag:s2] =	dma.local @!p0 [hbm:s0], s1  }
0x2a9: {  	s0 =	simm.s32 @!p0 $0x1  }
0x2aa: {  	_ =	swait.ge @!p0 [sflag:s0], s1  }
0x2ab: {  	s1 =	ssub.s32 @!p0 $0x0, s1;
	[sflag:s0] =	ssyncset.done @!p0 $0x0  }
0x2ac: {  	[sflag:s0] =	ssyncadd.s32 @!p0 s1  }
0x2ad: {  	[bflag:$0x3] =	sbarrier.arrive $0xFFFF  }
0x2ae: {  	_ =	shalt  }

</sc_bundles>
